<compile_context>
chip_gen: v7x
topology: tpu7x:2x2x1
jax: 0.10.2.dev20260603
libtpu: 0.0.44.dev20260713+nightly
codegen_flags: <defaults>
</compile_context>

<pallas_src>
import functools

import jax
import jax.numpy as jnp
from jax import lax
from jax.experimental import pallas as pl
from jax.experimental.pallas import tpu as pltpu
from jax.experimental.pallas import tpu_sc as plsc

N = 10000
E = 320000
D = 128
C = 7

NP = 10112
NW = 32
EPW = 10240
EP = NW * EPW
CHUNK = 512
CPW = EPW // CHUNK
RPT = NP // 16
FLAT = NP * 8 // 128

_f32 = jnp.float32

_mesh = plsc.VectorSubcoreMesh(
    core_axis_name="c", subcore_axis_name="s", num_cores=2, num_subcores=16
)
_sc_params = pltpu.CompilerParams(use_tc_tiling_on_sc=False)


@functools.partial(
    pl.kernel,
    out_type=(
        jax.ShapeDtypeStruct((2, NP, 8), _f32),
        jax.ShapeDtypeStruct((2, NP, 8), _f32),
    ),
    mesh=_mesh,
    scratch_types=[
        pltpu.VMEM((CPW, CHUNK), jnp.int32),
        pltpu.VMEM((CPW, CHUNK), jnp.int32),
        pltpu.VMEM((CHUNK, 8), _f32),
        pltpu.VMEM_SHARED((NP, 8), _f32),
        pltpu.VMEM_SHARED((NP, 8), _f32),
    ],
    compiler_params=_sc_params,
)
def _deg_kernel(src3, dst3, ones8, zeros8, outs, outd, ixs, ixd, ones_v, accs, accd):
    cid = lax.axis_index("c")
    sid = lax.axis_index("s")
    wid = cid * 16 + sid
    sl = pl.ds(sid * RPT, RPT)
    pltpu.sync_copy(ones8, ones_v)
    pltpu.sync_copy(zeros8.at[sl], accs.at[sl])
    pltpu.sync_copy(zeros8.at[sl], accd.at[sl])
    pltpu.sync_copy(src3.at[wid], ixs)
    pltpu.sync_copy(dst3.at[wid], ixd)
    plsc.subcore_barrier()

    def body(c, carry):
        pltpu.sync_copy(ones_v, accs.at[ixs.at[c]], add=True)
        pltpu.sync_copy(ones_v, accd.at[ixd.at[c]], add=True)
        return carry

    lax.fori_loop(0, CPW, body, 0)
    plsc.subcore_barrier()
    pltpu.sync_copy(accs.at[sl], outs.at[cid, sl])
    pltpu.sync_copy(accd.at[sl], outd.at[cid, sl])


@functools.partial(
    pl.kernel,
    out_type=jax.ShapeDtypeStruct((2, NP, 8), _f32),
    mesh=_mesh,
    scratch_types=[
        pltpu.VMEM((CPW, CHUNK), jnp.int32),
        pltpu.VMEM((CPW, CHUNK), jnp.int32),
        pltpu.VMEM((CHUNK, 8), _f32),
        pltpu.VMEM((CHUNK, 8), _f32),
        pltpu.VMEM_SHARED((NP, 8), _f32),
        pltpu.SemaphoreType.DMA,
        pltpu.SemaphoreType.DMA,
    ],
    compiler_params=_sc_params,
)
def _agg_kernel(x, src3, dst3, zeros8, out, ixs, ixd, r0, r1, acc, s0, s1):
    cid = lax.axis_index("c")
    sid = lax.axis_index("s")
    wid = cid * 16 + sid
    sl = pl.ds(sid * RPT, RPT)
    pltpu.sync_copy(zeros8.at[sl], acc.at[sl])
    pltpu.sync_copy(src3.at[wid], ixs)
    pltpu.sync_copy(dst3.at[wid], ixd)
    plsc.subcore_barrier()

    pltpu.async_copy(x.at[ixs.at[0]], r0, s0)
    pltpu.async_copy(x.at[ixs.at[1]], r1, s1)

    def body(t, carry):
        c = 2 * t
        pltpu.make_async_copy(x.at[ixs.at[c]], r0, s0).wait()
        pltpu.sync_copy(r0, acc.at[ixd.at[c]], add=True)
        pltpu.async_copy(x.at[ixs.at[c + 2]], r0, s0)
        pltpu.make_async_copy(x.at[ixs.at[c + 1]], r1, s1).wait()
        pltpu.sync_copy(r1, acc.at[ixd.at[c + 1]], add=True)
        pltpu.async_copy(x.at[ixs.at[c + 3]], r1, s1)
        return carry

    lax.fori_loop(0, CPW // 2 - 1, body, 0)
    c = CPW - 2
    pltpu.make_async_copy(x.at[ixs.at[c]], r0, s0).wait()
    pltpu.sync_copy(r0, acc.at[ixd.at[c]], add=True)
    pltpu.make_async_copy(x.at[ixs.at[c + 1]], r1, s1).wait()
    pltpu.sync_copy(r1, acc.at[ixd.at[c + 1]], add=True)

    plsc.subcore_barrier()
    pltpu.sync_copy(acc.at[sl], out.at[cid, sl])


def _proj_body(h_ref, w_ref, o_ref):
    o_ref[...] = jnp.dot(h_ref[...], w_ref[...], preferred_element_type=_f32)


def _prep_body(p_ref, ds0, ds1, dd0, dd1, x0, nsr, ndr):
    ns = lax.rsqrt(jnp.maximum(ds0[...] + ds1[...], 1.0))
    nd = lax.rsqrt(jnp.maximum(dd0[...] + dd1[...], 1.0))
    x0[...] = p_ref[...] * ns
    nsr[...] = ns
    ndr[...] = nd


def _mid1_body(a0, a1, ns, nd, br, x1):
    h1 = (a0[...] + a1[...]) * nd[...] + br[0:1, :]
    x1[...] = h1 * ns[...]


def _mid2_body(a0, a1, m_ref, ns, nd, br, x2):
    t = jnp.dot(a0[...] + a1[...], m_ref[...], preferred_element_type=_f32)
    x2[...] = (t * nd[...] + br[0:1, :]) * ns[...]


def _fin_body(a0, a1, m_ref, nd, br, o_ref):
    t = jnp.dot(a0[...] + a1[...], m_ref[...], preferred_element_type=_f32)
    o_ref[...] = t * nd[...] + br[0:1, :]


def _flat_sds(n=1):
    s = jax.ShapeDtypeStruct((FLAT, 128), _f32)
    return s if n == 1 else (s,) * n


def kernel(h, edge_index, W0, b0, W1, b1, W2, b2):
    src = edge_index[0]
    dst = edge_index[1]
    padi = N + (jnp.arange(EP - E, dtype=jnp.int32) % (NP - N))
    src3 = jnp.concatenate([src, padi]).reshape(NW, CPW, CHUNK)
    dst3 = jnp.concatenate([dst, padi]).reshape(NW, CPW, CHUNK)

    hp = jnp.pad(h, ((0, NP - N), (0, 0)))
    W0p = jnp.pad(W0, ((0, 0), (0, 1)))
    W1p = jnp.pad(W1, ((0, 1), (0, 1)))
    W2p = jnp.pad(W2, ((0, 1), (0, 1)))
    eye16 = jnp.eye(16, dtype=_f32)
    M1 = jnp.kron(eye16, W1p)
    M2 = jnp.kron(eye16, W2p)
    b0r = jnp.broadcast_to(jnp.tile(jnp.pad(b0, (0, 1)), 16), (8, 128))
    b1r = jnp.broadcast_to(jnp.tile(jnp.pad(b1, (0, 1)), 16), (8, 128))
    b2r = jnp.broadcast_to(jnp.tile(jnp.pad(b2, (0, 1)), 16), (8, 128))
    zeros8 = jnp.zeros((NP, 8), _f32)
    ones8 = jnp.ones((CHUNK, 8), _f32)

    degs, degd = _deg_kernel(src3, dst3, ones8, zeros8)
    p = pl.pallas_call(
        _proj_body, out_shape=jax.ShapeDtypeStruct((NP, 8), _f32)
    )(hp, W0p)

    pf = p.reshape(FLAT, 128)
    dsf = degs.reshape(2, FLAT, 128)
    ddf = degd.reshape(2, FLAT, 128)
    x0f, nsf, ndf = pl.pallas_call(_prep_body, out_shape=_flat_sds(3))(
        pf, dsf[0], dsf[1], ddf[0], ddf[1]
    )

    a1 = _agg_kernel(x0f.reshape(NP, 8), src3, dst3, zeros8).reshape(2, FLAT, 128)
    x1f = pl.pallas_call(_mid1_body, out_shape=_flat_sds())(
        a1[0], a1[1], nsf, ndf, b0r
    )

    a2 = _agg_kernel(x1f.reshape(NP, 8), src3, dst3, zeros8).reshape(2, FLAT, 128)
    x2f = pl.pallas_call(_mid2_body, out_shape=_flat_sds())(
        a2[0], a2[1], M1, nsf, ndf, b1r
    )

    a3 = _agg_kernel(x2f.reshape(NP, 8), src3, dst3, zeros8).reshape(2, FLAT, 128)
    of = pl.pallas_call(_fin_body, out_shape=_flat_sds())(
        a3[0], a3[1], M2, ndf, b2r
    )
    return of.reshape(NP, 8)[:N, :C]

# --- scband reference (transcript-rebuilt; emitter-appended) ---
"""Pipeline reference for scband-gcn-90331752169730 (READ-ONLY COPY).

The authoritative reference and input builder live on the scoring server;
editing this copy changes nothing except your own understanding.
"""

import jax, jax.numpy as jnp
import numpy as np

N = 10000
E = 320000
D = 128
C = 7


def setup_inputs(seed: int = 0) -> dict:
    key = jax.random.key(seed)
    ks = jax.random.split(key, 8)
    h = jax.random.normal(ks[0], (N, D), dtype=jnp.float32)
    edge_index = jax.random.randint(ks[1], (2, E), 0, N, dtype=jnp.int32)
    # GraphConv weights (glorot-style scale), biases zero-init like DGL
    W0 = jax.random.normal(ks[2], (D, C), dtype=jnp.float32) * (1.0 / np.sqrt(D))
    b0 = jnp.zeros((C,), dtype=jnp.float32)
    W1 = jax.random.normal(ks[3], (C, C), dtype=jnp.float32) * (1.0 / np.sqrt(C))
    b1 = jnp.zeros((C,), dtype=jnp.float32)
    W2 = jax.random.normal(ks[4], (C, C), dtype=jnp.float32) * (1.0 / np.sqrt(C))
    b2 = jnp.zeros((C,), dtype=jnp.float32)
    return {"h": h, "edge_index": edge_index, "W0": W0, "b0": b0,
            "W1": W1, "b1": b1, "W2": W2, "b2": b2}


def _graph_conv(h, W, b, src, dst, norm_src, norm_dst):
    # DGL GraphConv with norm='both', allow_zero_in_degree=True
    in_f = h.shape[1]
    out_f = W.shape[1]
    h = h * norm_src
    if in_f > out_f:
        # project first to reduce message width (matches DGL's mult_first path)
        h = h @ W
        m = jnp.take(h, src, axis=0)
        agg = jax.ops.segment_sum(m, dst, num_segments=N)
    else:
        m = jnp.take(h, src, axis=0)
        agg = jax.ops.segment_sum(m, dst, num_segments=N)
        agg = agg @ W
    agg = agg * norm_dst
    return agg + b


def reference(h, edge_index, W0, b0, W1, b1, W2, b2):
    src = edge_index[0]
    dst = edge_index[1]
    ones = jnp.ones((E,), dtype=jnp.float32)
    out_deg = jax.ops.segment_sum(ones, src, num_segments=N)
    in_deg = jax.ops.segment_sum(ones, dst, num_segments=N)
    norm_src = jnp.clip(out_deg, 1.0, None) ** (-0.5)
    norm_dst = jnp.clip(in_deg, 1.0, None) ** (-0.5)
    norm_src = norm_src[:, None]
    norm_dst = norm_dst[:, None]
    # 3 stacked GraphConv layers, no activation between (matches original forward)
    h = _graph_conv(h, W0, b0, src, dst, norm_src, norm_dst)
    h = _graph_conv(h, W1, b1, src, dst, norm_src, norm_dst)
    h = _graph_conv(h, W2, b2, src, dst, norm_src, norm_dst)
    return h

if __name__ == "__main__":
    import jax
    _d = setup_inputs()
    print(jax.jit(kernel)(*tuple(_d.values())))

</pallas_src>

<mosaic_0001>
#map = affine_map<(d0, d1) -> (0, 0, 0)>
#map1 = affine_map<(d0, d1) -> (0, 0)>
module attributes {stable_mosaic.version = 14 : i64} {
  func.func @_deg_kernel(%arg0: i32, %arg1: i32, %arg2: memref<32x20x512xi32, #tpu.memory_space<hbm>>, %arg3: memref<32x20x512xi32, #tpu.memory_space<hbm>>, %arg4: memref<512x8xf32, #tpu.memory_space<hbm>>, %arg5: memref<10112x8xf32, #tpu.memory_space<hbm>>, %arg6: memref<2x10112x8xf32, #tpu.memory_space<hbm>>, %arg7: memref<2x10112x8xf32, #tpu.memory_space<hbm>>, %arg8: memref<20x512xi32, #tpu.memory_space<vmem>>, %arg9: memref<20x512xi32, #tpu.memory_space<vmem>>, %arg10: memref<512x8xf32, #tpu.memory_space<vmem>>, %arg11: memref<10112x8xf32, #tpu.memory_space<vmem_shared>>, %arg12: memref<10112x8xf32, #tpu.memory_space<vmem_shared>>) attributes {dimension_semantics = [#tpu.dimension_semantics<core_parallel>, #tpu.dimension_semantics<subcore_parallel>], iteration_bounds = array<i64: 2, 16>, scalar_prefetch = 0 : i64, scratch_operands = 5 : i64, tpu.core_type = #tpu.core_type<sc_vector_subcore>, window_params = [{transform_indices = #map}, {transform_indices = #map}, {transform_indices = #map1}, {transform_indices = #map1}, {transform_indices = #map}, {transform_indices = #map}]} {
    %mul3A = arith.constant 16 : i32
    %mul3A_0 = arith.muli %arg0, %mul3A : i32
    %add3A = arith.addi %mul3A_0, %arg1 : i32
    %mul3A_1 = arith.constant 632 : i32
    %mul3A_2 = arith.muli %arg1, %mul3A_1 : i32
    "tpu.region"() ({
      %run_scoped3A = tpu.sem_alloc : memref<!tpu.dma_semaphore, #tpu.memory_space<semaphore_mem>>
      tpu.enqueue_dma source(%arg4 : memref<512x8xf32, #tpu.memory_space<hbm>>) target(%arg10 : memref<512x8xf32, #tpu.memory_space<vmem>>) target_semaphore(%run_scoped3A : memref<!tpu.dma_semaphore, #tpu.memory_space<semaphore_mem>>)
      tpu.wait_dma2 semaphore(%run_scoped3A : memref<!tpu.dma_semaphore, #tpu.memory_space<semaphore_mem>>) src(%arg4 : memref<512x8xf32, #tpu.memory_space<hbm>>) dst(%arg10 : memref<512x8xf32, #tpu.memory_space<vmem>>)
      tpu.yield
    }) : () -> ()
    "tpu.region"() ({
      %run_scoped3A = tpu.sem_alloc : memref<!tpu.dma_semaphore, #tpu.memory_space<semaphore_mem>>
      %dma_start3A = arith.constant 0 : i32
      %dma_start3A_9 = tpu.memref_slice %arg11[%mul3A_2, %dma_start3A] : memref<10112x8xf32, #tpu.memory_space<vmem_shared>> -> memref<632x8xf32, #tpu.memory_space<vmem_shared>>
      %dma_start3A_10 = arith.constant 0 : i32
      %dma_start3A_11 = tpu.memref_slice %arg5[%mul3A_2, %dma_start3A_10] : memref<10112x8xf32, #tpu.memory_space<hbm>> -> memref<632x8xf32, #tpu.memory_space<hbm>>
      tpu.enqueue_dma source(%dma_start3A_11 : memref<632x8xf32, #tpu.memory_space<hbm>>) target(%dma_start3A_9 : memref<632x8xf32, #tpu.memory_space<vmem_shared>>) target_semaphore(%run_scoped3A : memref<!tpu.dma_semaphore, #tpu.memory_space<semaphore_mem>>)
      %dma_wait3A = arith.constant 0 : i32
      %dma_wait3A_12 = tpu.memref_slice %arg11[%mul3A_2, %dma_wait3A] : memref<10112x8xf32, #tpu.memory_space<vmem_shared>> -> memref<632x8xf32, #tpu.memory_space<vmem_shared>>
      %dma_wait3A_13 = arith.constant 0 : i32
      %dma_wait3A_14 = tpu.memref_slice %arg5[%mul3A_2, %dma_wait3A_13] : memref<10112x8xf32, #tpu.memory_space<hbm>> -> memref<632x8xf32, #tpu.memory_space<hbm>>
      tpu.wait_dma2 semaphore(%run_scoped3A : memref<!tpu.dma_semaphore, #tpu.memory_space<semaphore_mem>>) src(%dma_wait3A_14 : memref<632x8xf32, #tpu.memory_space<hbm>>) dst(%dma_wait3A_12 : memref<632x8xf32, #tpu.memory_space<vmem_shared>>)
      tpu.yield
    }) : () -> ()
    "tpu.region"() ({
      %run_scoped3A = tpu.sem_alloc : memref<!tpu.dma_semaphore, #tpu.memory_space<semaphore_mem>>
      %dma_start3A = arith.constant 0 : i32
      %dma_start3A_9 = tpu.memref_slice %arg12[%mul3A_2, %dma_start3A] : memref<10112x8xf32, #tpu.memory_space<vmem_shared>> -> memref<632x8xf32, #tpu.memory_space<vmem_shared>>
      %dma_start3A_10 = arith.constant 0 : i32
      %dma_start3A_11 = tpu.memref_slice %arg5[%mul3A_2, %dma_start3A_10] : memref<10112x8xf32, #tpu.memory_space<hbm>> -> memref<632x8xf32, #tpu.memory_space<hbm>>
      tpu.enqueue_dma source(%dma_start3A_11 : memref<632x8xf32, #tpu.memory_space<hbm>>) target(%dma_start3A_9 : memref<632x8xf32, #tpu.memory_space<vmem_shared>>) target_semaphore(%run_scoped3A : memref<!tpu.dma_semaphore, #tpu.memory_space<semaphore_mem>>)
      %dma_wait3A = arith.constant 0 : i32
      %dma_wait3A_12 = tpu.memref_slice %arg12[%mul3A_2, %dma_wait3A] : memref<10112x8xf32, #tpu.memory_space<vmem_shared>> -> memref<632x8xf32, #tpu.memory_space<vmem_shared>>
      %dma_wait3A_13 = arith.constant 0 : i32
      %dma_wait3A_14 = tpu.memref_slice %arg5[%mul3A_2, %dma_wait3A_13] : memref<10112x8xf32, #tpu.memory_space<hbm>> -> memref<632x8xf32, #tpu.memory_space<hbm>>
      tpu.wait_dma2 semaphore(%run_scoped3A : memref<!tpu.dma_semaphore, #tpu.memory_space<semaphore_mem>>) src(%dma_wait3A_14 : memref<632x8xf32, #tpu.memory_space<hbm>>) dst(%dma_wait3A_12 : memref<632x8xf32, #tpu.memory_space<vmem_shared>>)
      tpu.yield
    }) : () -> ()
    "tpu.region"() ({
      %run_scoped3A = tpu.sem_alloc : memref<!tpu.dma_semaphore, #tpu.memory_space<semaphore_mem>>
      %dma_start3A = arith.constant 0 : i32
      %dma_start3A_9 = arith.constant 0 : i32
      %dma_start3A_10 = tpu.memref_slice %arg2[%add3A, %dma_start3A, %dma_start3A_9] : memref<32x20x512xi32, #tpu.memory_space<hbm>> -> memref<1x20x512xi32, #tpu.memory_space<hbm>>
      %dma_start3A_11 = tpu.memref_squeeze %dma_start3A_10 : memref<1x20x512xi32, #tpu.memory_space<hbm>> -> memref<20x512xi32, #tpu.memory_space<hbm>>
      %dma_start3A_12 = arith.constant 0 : i32
      %dma_start3A_13 = arith.constant 0 : i32
      %dma_start3A_14 = tpu.memref_slice %arg2[%add3A, %dma_start3A_12, %dma_start3A_13] : memref<32x20x512xi32, #tpu.memory_space<hbm>> -> memref<1x20x512xi32, #tpu.memory_space<hbm>>
      %dma_start3A_15 = tpu.memref_squeeze %dma_start3A_14 : memref<1x20x512xi32, #tpu.memory_space<hbm>> -> memref<20x512xi32, #tpu.memory_space<hbm>>
      tpu.enqueue_dma source(%dma_start3A_15 : memref<20x512xi32, #tpu.memory_space<hbm>>) target(%arg8 : memref<20x512xi32, #tpu.memory_space<vmem>>) target_semaphore(%run_scoped3A : memref<!tpu.dma_semaphore, #tpu.memory_space<semaphore_mem>>)
      %dma_wait3A = arith.constant 0 : i32
      %dma_wait3A_16 = arith.constant 0 : i32
      %dma_wait3A_17 = tpu.memref_slice %arg2[%add3A, %dma_wait3A, %dma_wait3A_16] : memref<32x20x512xi32, #tpu.memory_space<hbm>> -> memref<1x20x512xi32, #tpu.memory_space<hbm>>
      %dma_wait3A_18 = tpu.memref_squeeze %dma_wait3A_17 : memref<1x20x512xi32, #tpu.memory_space<hbm>> -> memref<20x512xi32, #tpu.memory_space<hbm>>
      %dma_wait3A_19 = arith.constant 0 : i32
      %dma_wait3A_20 = arith.constant 0 : i32
      %dma_wait3A_21 = tpu.memref_slice %arg2[%add3A, %dma_wait3A_19, %dma_wait3A_20] : memref<32x20x512xi32, #tpu.memory_space<hbm>> -> memref<1x20x512xi32, #tpu.memory_space<hbm>>
      %dma_wait3A_22 = tpu.memref_squeeze %dma_wait3A_21 : memref<1x20x512xi32, #tpu.memory_space<hbm>> -> memref<20x512xi32, #tpu.memory_space<hbm>>
      tpu.wait_dma2 semaphore(%run_scoped3A : memref<!tpu.dma_semaphore, #tpu.memory_space<semaphore_mem>>) src(%dma_wait3A_22 : memref<20x512xi32, #tpu.memory_space<hbm>>) dst(%arg8 : memref<20x512xi32, #tpu.memory_space<vmem>>)
      tpu.yield
    }) : () -> ()
    "tpu.region"() ({
      %run_scoped3A = tpu.sem_alloc : memref<!tpu.dma_semaphore, #tpu.memory_space<semaphore_mem>>
      %dma_start3A = arith.constant 0 : i32
      %dma_start3A_9 = arith.constant 0 : i32
      %dma_start3A_10 = tpu.memref_slice %arg3[%add3A, %dma_start3A, %dma_start3A_9] : memref<32x20x512xi32, #tpu.memory_space<hbm>> -> memref<1x20x512xi32, #tpu.memory_space<hbm>>
      %dma_start3A_11 = tpu.memref_squeeze %dma_start3A_10 : memref<1x20x512xi32, #tpu.memory_space<hbm>> -> memref<20x512xi32, #tpu.memory_space<hbm>>
      %dma_start3A_12 = arith.constant 0 : i32
      %dma_start3A_13 = arith.constant 0 : i32
      %dma_start3A_14 = tpu.memref_slice %arg3[%add3A, %dma_start3A_12, %dma_start3A_13] : memref<32x20x512xi32, #tpu.memory_space<hbm>> -> memref<1x20x512xi32, #tpu.memory_space<hbm>>
      %dma_start3A_15 = tpu.memref_squeeze %dma_start3A_14 : memref<1x20x512xi32, #tpu.memory_space<hbm>> -> memref<20x512xi32, #tpu.memory_space<hbm>>
      tpu.enqueue_dma source(%dma_start3A_15 : memref<20x512xi32, #tpu.memory_space<hbm>>) target(%arg9 : memref<20x512xi32, #tpu.memory_space<vmem>>) target_semaphore(%run_scoped3A : memref<!tpu.dma_semaphore, #tpu.memory_space<semaphore_mem>>)
      %dma_wait3A = arith.constant 0 : i32
      %dma_wait3A_16 = arith.constant 0 : i32
      %dma_wait3A_17 = tpu.memref_slice %arg3[%add3A, %dma_wait3A, %dma_wait3A_16] : memref<32x20x512xi32, #tpu.memory_space<hbm>> -> memref<1x20x512xi32, #tpu.memory_space<hbm>>
      %dma_wait3A_18 = tpu.memref_squeeze %dma_wait3A_17 : memref<1x20x512xi32, #tpu.memory_space<hbm>> -> memref<20x512xi32, #tpu.memory_space<hbm>>
      %dma_wait3A_19 = arith.constant 0 : i32
      %dma_wait3A_20 = arith.constant 0 : i32
      %dma_wait3A_21 = tpu.memref_slice %arg3[%add3A, %dma_wait3A_19, %dma_wait3A_20] : memref<32x20x512xi32, #tpu.memory_space<hbm>> -> memref<1x20x512xi32, #tpu.memory_space<hbm>>
      %dma_wait3A_22 = tpu.memref_squeeze %dma_wait3A_21 : memref<1x20x512xi32, #tpu.memory_space<hbm>> -> memref<20x512xi32, #tpu.memory_space<hbm>>
      tpu.wait_dma2 semaphore(%run_scoped3A : memref<!tpu.dma_semaphore, #tpu.memory_space<semaphore_mem>>) src(%dma_wait3A_22 : memref<20x512xi32, #tpu.memory_space<hbm>>) dst(%arg9 : memref<20x512xi32, #tpu.memory_space<vmem>>)
      tpu.yield
    }) : () -> ()
    %barrier3A = arith.constant 0 : index
    tpu.barrier barrier_id(%barrier3A)
    %scan3A = arith.constant 0 : i32
    %scan3A_3 = arith.constant 0 : i32
    %scan3A_4 = arith.constant 20 : i32
    %scan3A_5 = arith.addi %scan3A_3, %scan3A_4 : i32
    %scan3A_6 = arith.constant 1 : i32
    scf.for %scan3A_9 = %scan3A_3 to %scan3A_5 step %scan3A_6  : i32 {
      "tpu.region"() ({
        %run_scoped3A = tpu.sem_alloc : memref<!tpu.dma_semaphore, #tpu.memory_space<semaphore_mem>>
        %dma_start3A = arith.constant 0 : i32
        %dma_start3A_10 = tpu.memref_slice %arg8[%scan3A_9, %dma_start3A] : memref<20x512xi32, #tpu.memory_space<vmem>> -> memref<1x512xi32, #tpu.memory_space<vmem>>
        %dma_start3A_11 = tpu.memref_squeeze %dma_start3A_10 : memref<1x512xi32, #tpu.memory_space<vmem>> -> memref<512xi32, #tpu.memory_space<vmem>>
        %dma_start3A_12 = arith.constant 0 : i32
        %dma_start3A_13 = arith.constant 0 : i32
        %dma_start3A_14 = tpu.memref_slice %arg11[%dma_start3A_12, %dma_start3A_13] : memref<10112x8xf32, #tpu.memory_space<vmem_shared>> -> memref<10112x8xf32, #tpu.memory_space<vmem_shared>>
        tpu.enqueue_indirect_dma source(%arg10 : memref<512x8xf32, #tpu.memory_space<vmem>>) target(%dma_start3A_14 : memref<10112x8xf32, #tpu.memory_space<vmem_shared>>) offsets(%dma_start3A_11 : memref<512xi32, #tpu.memory_space<vmem>>) semaphore(%run_scoped3A : memref<!tpu.dma_semaphore, #tpu.memory_space<semaphore_mem>>) {add = true}
        %dma_wait3A = arith.constant 0 : i32
        %dma_wait3A_15 = tpu.memref_slice %arg8[%scan3A_9, %dma_wait3A] : memref<20x512xi32, #tpu.memory_space<vmem>> -> memref<1x512xi32, #tpu.memory_space<vmem>>
        %dma_wait3A_16 = tpu.memref_squeeze %dma_wait3A_15 : memref<1x512xi32, #tpu.memory_space<vmem>> -> memref<512xi32, #tpu.memory_space<vmem>>
        %dma_wait3A_17 = arith.constant 0 : i32
        %dma_wait3A_18 = arith.constant 0 : i32
        %dma_wait3A_19 = tpu.memref_slice %arg11[%dma_wait3A_17, %dma_wait3A_18] : memref<10112x8xf32, #tpu.memory_space<vmem_shared>> -> memref<10112x8xf32, #tpu.memory_space<vmem_shared>>
        tpu.wait_indirect_dma semaphore(%run_scoped3A : memref<!tpu.dma_semaphore, #tpu.memory_space<semaphore_mem>>) src(%arg10 : memref<512x8xf32, #tpu.memory_space<vmem>>) dst(%dma_wait3A_19 : memref<10112x8xf32, #tpu.memory_space<vmem_shared>>)
        tpu.yield
      }) : () -> ()
      "tpu.region"() ({
        %run_scoped3A = tpu.sem_alloc : memref<!tpu.dma_semaphore, #tpu.memory_space<semaphore_mem>>
        %dma_start3A = arith.constant 0 : i32
        %dma_start3A_10 = tpu.memref_slice %arg9[%scan3A_9, %dma_start3A] : memref<20x512xi32, #tpu.memory_space<vmem>> -> memref<1x512xi32, #tpu.memory_space<vmem>>
        %dma_start3A_11 = tpu.memref_squeeze %dma_start3A_10 : memref<1x512xi32, #tpu.memory_space<vmem>> -> memref<512xi32, #tpu.memory_space<vmem>>
        %dma_start3A_12 = arith.constant 0 : i32
        %dma_start3A_13 = arith.constant 0 : i32
        %dma_start3A_14 = tpu.memref_slice %arg12[%dma_start3A_12, %dma_start3A_13] : memref<10112x8xf32, #tpu.memory_space<vmem_shared>> -> memref<10112x8xf32, #tpu.memory_space<vmem_shared>>
        tpu.enqueue_indirect_dma source(%arg10 : memref<512x8xf32, #tpu.memory_space<vmem>>) target(%dma_start3A_14 : memref<10112x8xf32, #tpu.memory_space<vmem_shared>>) offsets(%dma_start3A_11 : memref<512xi32, #tpu.memory_space<vmem>>) semaphore(%run_scoped3A : memref<!tpu.dma_semaphore, #tpu.memory_space<semaphore_mem>>) {add = true}
        %dma_wait3A = arith.constant 0 : i32
        %dma_wait3A_15 = tpu.memref_slice %arg9[%scan3A_9, %dma_wait3A] : memref<20x512xi32, #tpu.memory_space<vmem>> -> memref<1x512xi32, #tpu.memory_space<vmem>>
        %dma_wait3A_16 = tpu.memref_squeeze %dma_wait3A_15 : memref<1x512xi32, #tpu.memory_space<vmem>> -> memref<512xi32, #tpu.memory_space<vmem>>
        %dma_wait3A_17 = arith.constant 0 : i32
        %dma_wait3A_18 = arith.constant 0 : i32
        %dma_wait3A_19 = tpu.memref_slice %arg12[%dma_wait3A_17, %dma_wait3A_18] : memref<10112x8xf32, #tpu.memory_space<vmem_shared>> -> memref<10112x8xf32, #tpu.memory_space<vmem_shared>>
        tpu.wait_indirect_dma semaphore(%run_scoped3A : memref<!tpu.dma_semaphore, #tpu.memory_space<semaphore_mem>>) src(%arg10 : memref<512x8xf32, #tpu.memory_space<vmem>>) dst(%dma_wait3A_19 : memref<10112x8xf32, #tpu.memory_space<vmem_shared>>)
        tpu.yield
      }) : () -> ()
    }
    %scan3A_7 = arith.constant 20 : i32
    %barrier3A_8 = arith.constant 0 : index
    tpu.barrier barrier_id(%barrier3A_8)
    "tpu.region"() ({
      %run_scoped3A = tpu.sem_alloc : memref<!tpu.dma_semaphore, #tpu.memory_space<semaphore_mem>>
      %dma_start3A = arith.constant 0 : i32
      %dma_start3A_9 = tpu.memref_slice %arg6[%arg0, %mul3A_2, %dma_start3A] : memref<2x10112x8xf32, #tpu.memory_space<hbm>> -> memref<1x632x8xf32, #tpu.memory_space<hbm>>
      %dma_start3A_10 = tpu.memref_squeeze %dma_start3A_9 : memref<1x632x8xf32, #tpu.memory_space<hbm>> -> memref<632x8xf32, #tpu.memory_space<hbm>>
      %dma_start3A_11 = arith.constant 0 : i32
      %dma_start3A_12 = tpu.memref_slice %arg11[%mul3A_2, %dma_start3A_11] : memref<10112x8xf32, #tpu.memory_space<vmem_shared>> -> memref<632x8xf32, #tpu.memory_space<vmem_shared>>
      tpu.enqueue_dma source(%dma_start3A_12 : memref<632x8xf32, #tpu.memory_space<vmem_shared>>) target(%dma_start3A_10 : memref<632x8xf32, #tpu.memory_space<hbm>>) target_semaphore(%run_scoped3A : memref<!tpu.dma_semaphore, #tpu.memory_space<semaphore_mem>>)
      %dma_wait3A = arith.constant 0 : i32
      %dma_wait3A_13 = tpu.memref_slice %arg6[%arg0, %mul3A_2, %dma_wait3A] : memref<2x10112x8xf32, #tpu.memory_space<hbm>> -> memref<1x632x8xf32, #tpu.memory_space<hbm>>
      %dma_wait3A_14 = tpu.memref_squeeze %dma_wait3A_13 : memref<1x632x8xf32, #tpu.memory_space<hbm>> -> memref<632x8xf32, #tpu.memory_space<hbm>>
      %dma_wait3A_15 = arith.constant 0 : i32
      %dma_wait3A_16 = tpu.memref_slice %arg11[%mul3A_2, %dma_wait3A_15] : memref<10112x8xf32, #tpu.memory_space<vmem_shared>> -> memref<632x8xf32, #tpu.memory_space<vmem_shared>>
      tpu.wait_dma2 semaphore(%run_scoped3A : memref<!tpu.dma_semaphore, #tpu.memory_space<semaphore_mem>>) src(%dma_wait3A_16 : memref<632x8xf32, #tpu.memory_space<vmem_shared>>) dst(%dma_wait3A_14 : memref<632x8xf32, #tpu.memory_space<hbm>>)
      tpu.yield
    }) : () -> ()
    "tpu.region"() ({
      %run_scoped3A = tpu.sem_alloc : memref<!tpu.dma_semaphore, #tpu.memory_space<semaphore_mem>>
      %dma_start3A = arith.constant 0 : i32
      %dma_start3A_9 = tpu.memref_slice %arg7[%arg0, %mul3A_2, %dma_start3A] : memref<2x10112x8xf32, #tpu.memory_space<hbm>> -> memref<1x632x8xf32, #tpu.memory_space<hbm>>
      %dma_start3A_10 = tpu.memref_squeeze %dma_start3A_9 : memref<1x632x8xf32, #tpu.memory_space<hbm>> -> memref<632x8xf32, #tpu.memory_space<hbm>>
      %dma_start3A_11 = arith.constant 0 : i32
      %dma_start3A_12 = tpu.memref_slice %arg12[%mul3A_2, %dma_start3A_11] : memref<10112x8xf32, #tpu.memory_space<vmem_shared>> -> memref<632x8xf32, #tpu.memory_space<vmem_shared>>
      tpu.enqueue_dma source(%dma_start3A_12 : memref<632x8xf32, #tpu.memory_space<vmem_shared>>) target(%dma_start3A_10 : memref<632x8xf32, #tpu.memory_space<hbm>>) target_semaphore(%run_scoped3A : memref<!tpu.dma_semaphore, #tpu.memory_space<semaphore_mem>>)
      %dma_wait3A = arith.constant 0 : i32
      %dma_wait3A_13 = tpu.memref_slice %arg7[%arg0, %mul3A_2, %dma_wait3A] : memref<2x10112x8xf32, #tpu.memory_space<hbm>> -> memref<1x632x8xf32, #tpu.memory_space<hbm>>
      %dma_wait3A_14 = tpu.memref_squeeze %dma_wait3A_13 : memref<1x632x8xf32, #tpu.memory_space<hbm>> -> memref<632x8xf32, #tpu.memory_space<hbm>>
      %dma_wait3A_15 = arith.constant 0 : i32
      %dma_wait3A_16 = tpu.memref_slice %arg12[%mul3A_2, %dma_wait3A_15] : memref<10112x8xf32, #tpu.memory_space<vmem_shared>> -> memref<632x8xf32, #tpu.memory_space<vmem_shared>>
      tpu.wait_dma2 semaphore(%run_scoped3A : memref<!tpu.dma_semaphore, #tpu.memory_space<semaphore_mem>>) src(%dma_wait3A_16 : memref<632x8xf32, #tpu.memory_space<vmem_shared>>) dst(%dma_wait3A_14 : memref<632x8xf32, #tpu.memory_space<hbm>>)
      tpu.yield
    }) : () -> ()
    return
  }
}

#map = affine_map<(d0, d1) -> (0, 0)>
#map1 = affine_map<(d0, d1) -> (0, 0, 0)>
module attributes {stable_mosaic.version = 14 : i64} {
  func.func @_agg_kernel(%arg0: i32, %arg1: i32, %arg2: memref<10112x8xf32, #tpu.memory_space<hbm>>, %arg3: memref<32x20x512xi32, #tpu.memory_space<hbm>>, %arg4: memref<32x20x512xi32, #tpu.memory_space<hbm>>, %arg5: memref<10112x8xf32, #tpu.memory_space<hbm>>, %arg6: memref<2x10112x8xf32, #tpu.memory_space<hbm>>, %arg7: memref<20x512xi32, #tpu.memory_space<vmem>>, %arg8: memref<20x512xi32, #tpu.memory_space<vmem>>, %arg9: memref<512x8xf32, #tpu.memory_space<vmem>>, %arg10: memref<512x8xf32, #tpu.memory_space<vmem>>, %arg11: memref<10112x8xf32, #tpu.memory_space<vmem_shared>>, %arg12: memref<!tpu.dma_semaphore, #tpu.memory_space<semaphore_mem>>, %arg13: memref<!tpu.dma_semaphore, #tpu.memory_space<semaphore_mem>>) attributes {dimension_semantics = [#tpu.dimension_semantics<core_parallel>, #tpu.dimension_semantics<subcore_parallel>], iteration_bounds = array<i64: 2, 16>, scalar_prefetch = 0 : i64, scratch_operands = 7 : i64, tpu.core_type = #tpu.core_type<sc_vector_subcore>, window_params = [{transform_indices = #map}, {transform_indices = #map1}, {transform_indices = #map1}, {transform_indices = #map}, {transform_indices = #map1}]} {
    %mul3A = arith.constant 16 : i32
    %mul3A_0 = arith.muli %arg0, %mul3A : i32
    %add3A = arith.addi %mul3A_0, %arg1 : i32
    %mul3A_1 = arith.constant 632 : i32
    %mul3A_2 = arith.muli %arg1, %mul3A_1 : i32
    "tpu.region"() ({
      %run_scoped3A_36 = tpu.sem_alloc : memref<!tpu.dma_semaphore, #tpu.memory_space<semaphore_mem>>
      %dma_start3A_37 = arith.constant 0 : i32
      %dma_start3A_38 = tpu.memref_slice %arg11[%mul3A_2, %dma_start3A_37] : memref<10112x8xf32, #tpu.memory_space<vmem_shared>> -> memref<632x8xf32, #tpu.memory_space<vmem_shared>>
      %dma_start3A_39 = arith.constant 0 : i32
      %dma_start3A_40 = tpu.memref_slice %arg5[%mul3A_2, %dma_start3A_39] : memref<10112x8xf32, #tpu.memory_space<hbm>> -> memref<632x8xf32, #tpu.memory_space<hbm>>
      tpu.enqueue_dma source(%dma_start3A_40 : memref<632x8xf32, #tpu.memory_space<hbm>>) target(%dma_start3A_38 : memref<632x8xf32, #tpu.memory_space<vmem_shared>>) target_semaphore(%run_scoped3A_36 : memref<!tpu.dma_semaphore, #tpu.memory_space<semaphore_mem>>)
      %dma_wait3A_41 = arith.constant 0 : i32
      %dma_wait3A_42 = tpu.memref_slice %arg11[%mul3A_2, %dma_wait3A_41] : memref<10112x8xf32, #tpu.memory_space<vmem_shared>> -> memref<632x8xf32, #tpu.memory_space<vmem_shared>>
      %dma_wait3A_43 = arith.constant 0 : i32
      %dma_wait3A_44 = tpu.memref_slice %arg5[%mul3A_2, %dma_wait3A_43] : memref<10112x8xf32, #tpu.memory_space<hbm>> -> memref<632x8xf32, #tpu.memory_space<hbm>>
      tpu.wait_dma2 semaphore(%run_scoped3A_36 : memref<!tpu.dma_semaphore, #tpu.memory_space<semaphore_mem>>) src(%dma_wait3A_44 : memref<632x8xf32, #tpu.memory_space<hbm>>) dst(%dma_wait3A_42 : memref<632x8xf32, #tpu.memory_space<vmem_shared>>)
      tpu.yield
    }) : () -> ()
    "tpu.region"() ({
      %run_scoped3A_36 = tpu.sem_alloc : memref<!tpu.dma_semaphore, #tpu.memory_space<semaphore_mem>>
      %dma_start3A_37 = arith.constant 0 : i32
      %dma_start3A_38 = arith.constant 0 : i32
      %dma_start3A_39 = tpu.memref_slice %arg3[%add3A, %dma_start3A_37, %dma_start3A_38] : memref<32x20x512xi32, #tpu.memory_space<hbm>> -> memref<1x20x512xi32, #tpu.memory_space<hbm>>
      %dma_start3A_40 = tpu.memref_squeeze %dma_start3A_39 : memref<1x20x512xi32, #tpu.memory_space<hbm>> -> memref<20x512xi32, #tpu.memory_space<hbm>>
      %dma_start3A_41 = arith.constant 0 : i32
      %dma_start3A_42 = arith.constant 0 : i32
      %dma_start3A_43 = tpu.memref_slice %arg3[%add3A, %dma_start3A_41, %dma_start3A_42] : memref<32x20x512xi32, #tpu.memory_space<hbm>> -> memref<1x20x512xi32, #tpu.memory_space<hbm>>
      %dma_start3A_44 = tpu.memref_squeeze %dma_start3A_43 : memref<1x20x512xi32, #tpu.memory_space<hbm>> -> memref<20x512xi32, #tpu.memory_space<hbm>>
      tpu.enqueue_dma source(%dma_start3A_44 : memref<20x512xi32, #tpu.memory_space<hbm>>) target(%arg7 : memref<20x512xi32, #tpu.memory_space<vmem>>) target_semaphore(%run_scoped3A_36 : memref<!tpu.dma_semaphore, #tpu.memory_space<semaphore_mem>>)
      %dma_wait3A_45 = arith.constant 0 : i32
      %dma_wait3A_46 = arith.constant 0 : i32
      %dma_wait3A_47 = tpu.memref_slice %arg3[%add3A, %dma_wait3A_45, %dma_wait3A_46] : memref<32x20x512xi32, #tpu.memory_space<hbm>> -> memref<1x20x512xi32, #tpu.memory_space<hbm>>
      %dma_wait3A_48 = tpu.memref_squeeze %dma_wait3A_47 : memref<1x20x512xi32, #tpu.memory_space<hbm>> -> memref<20x512xi32, #tpu.memory_space<hbm>>
      %dma_wait3A_49 = arith.constant 0 : i32
      %dma_wait3A_50 = arith.constant 0 : i32
      %dma_wait3A_51 = tpu.memref_slice %arg3[%add3A, %dma_wait3A_49, %dma_wait3A_50] : memref<32x20x512xi32, #tpu.memory_space<hbm>> -> memref<1x20x512xi32, #tpu.memory_space<hbm>>
      %dma_wait3A_52 = tpu.memref_squeeze %dma_wait3A_51 : memref<1x20x512xi32, #tpu.memory_space<hbm>> -> memref<20x512xi32, #tpu.memory_space<hbm>>
      tpu.wait_dma2 semaphore(%run_scoped3A_36 : memref<!tpu.dma_semaphore, #tpu.memory_space<semaphore_mem>>) src(%dma_wait3A_52 : memref<20x512xi32, #tpu.memory_space<hbm>>) dst(%arg7 : memref<20x512xi32, #tpu.memory_space<vmem>>)
      tpu.yield
    }) : () -> ()
    "tpu.region"() ({
      %run_scoped3A_36 = tpu.sem_alloc : memref<!tpu.dma_semaphore, #tpu.memory_space<semaphore_mem>>
      %dma_start3A_37 = arith.constant 0 : i32
      %dma_start3A_38 = arith.constant 0 : i32
      %dma_start3A_39 = tpu.memref_slice %arg4[%add3A, %dma_start3A_37, %dma_start3A_38] : memref<32x20x512xi32, #tpu.memory_space<hbm>> -> memref<1x20x512xi32, #tpu.memory_space<hbm>>
      %dma_start3A_40 = tpu.memref_squeeze %dma_start3A_39 : memref<1x20x512xi32, #tpu.memory_space<hbm>> -> memref<20x512xi32, #tpu.memory_space<hbm>>
      %dma_start3A_41 = arith.constant 0 : i32
      %dma_start3A_42 = arith.constant 0 : i32
      %dma_start3A_43 = tpu.memref_slice %arg4[%add3A, %dma_start3A_41, %dma_start3A_42] : memref<32x20x512xi32, #tpu.memory_space<hbm>> -> memref<1x20x512xi32, #tpu.memory_space<hbm>>
      %dma_start3A_44 = tpu.memref_squeeze %dma_start3A_43 : memref<1x20x512xi32, #tpu.memory_space<hbm>> -> memref<20x512xi32, #tpu.memory_space<hbm>>
      tpu.enqueue_dma source(%dma_start3A_44 : memref<20x512xi32, #tpu.memory_space<hbm>>) target(%arg8 : memref<20x512xi32, #tpu.memory_space<vmem>>) target_semaphore(%run_scoped3A_36 : memref<!tpu.dma_semaphore, #tpu.memory_space<semaphore_mem>>)
      %dma_wait3A_45 = arith.constant 0 : i32
      %dma_wait3A_46 = arith.constant 0 : i32
      %dma_wait3A_47 = tpu.memref_slice %arg4[%add3A, %dma_wait3A_45, %dma_wait3A_46] : memref<32x20x512xi32, #tpu.memory_space<hbm>> -> memref<1x20x512xi32, #tpu.memory_space<hbm>>
      %dma_wait3A_48 = tpu.memref_squeeze %dma_wait3A_47 : memref<1x20x512xi32, #tpu.memory_space<hbm>> -> memref<20x512xi32, #tpu.memory_space<hbm>>
      %dma_wait3A_49 = arith.constant 0 : i32
      %dma_wait3A_50 = arith.constant 0 : i32
      %dma_wait3A_51 = tpu.memref_slice %arg4[%add3A, %dma_wait3A_49, %dma_wait3A_50] : memref<32x20x512xi32, #tpu.memory_space<hbm>> -> memref<1x20x512xi32, #tpu.memory_space<hbm>>
      %dma_wait3A_52 = tpu.memref_squeeze %dma_wait3A_51 : memref<1x20x512xi32, #tpu.memory_space<hbm>> -> memref<20x512xi32, #tpu.memory_space<hbm>>
      tpu.wait_dma2 semaphore(%run_scoped3A_36 : memref<!tpu.dma_semaphore, #tpu.memory_space<semaphore_mem>>) src(%dma_wait3A_52 : memref<20x512xi32, #tpu.memory_space<hbm>>) dst(%arg8 : memref<20x512xi32, #tpu.memory_space<vmem>>)
      tpu.yield
    }) : () -> ()
    %barrier3A = arith.constant 0 : index
    tpu.barrier barrier_id(%barrier3A)
    %dma_start3A = arith.constant 0 : i32
    %dma_start3A_3 = arith.constant 0 : i32
    %dma_start3A_4 = tpu.memref_slice %arg7[%dma_start3A, %dma_start3A_3] : memref<20x512xi32, #tpu.memory_space<vmem>> -> memref<1x512xi32, #tpu.memory_space<vmem>>
    %dma_start3A_5 = tpu.memref_squeeze %dma_start3A_4 : memref<1x512xi32, #tpu.memory_space<vmem>> -> memref<512xi32, #tpu.memory_space<vmem>>
    %dma_start3A_6 = arith.constant 0 : i32
    %dma_start3A_7 = arith.constant 0 : i32
    %dma_start3A_8 = tpu.memref_slice %arg2[%dma_start3A_6, %dma_start3A_7] : memref<10112x8xf32, #tpu.memory_space<hbm>> -> memref<10112x8xf32, #tpu.memory_space<hbm>>
    tpu.enqueue_indirect_dma source(%dma_start3A_8 : memref<10112x8xf32, #tpu.memory_space<hbm>>) target(%arg9 : memref<512x8xf32, #tpu.memory_space<vmem>>) offsets(%dma_start3A_5 : memref<512xi32, #tpu.memory_space<vmem>>) semaphore(%arg12 : memref<!tpu.dma_semaphore, #tpu.memory_space<semaphore_mem>>)
    %dma_start3A_9 = arith.constant 1 : i32
    %dma_start3A_10 = arith.constant 0 : i32
    %dma_start3A_11 = tpu.memref_slice %arg7[%dma_start3A_9, %dma_start3A_10] : memref<20x512xi32, #tpu.memory_space<vmem>> -> memref<1x512xi32, #tpu.memory_space<vmem>>
    %dma_start3A_12 = tpu.memref_squeeze %dma_start3A_11 : memref<1x512xi32, #tpu.memory_space<vmem>> -> memref<512xi32, #tpu.memory_space<vmem>>
    %dma_start3A_13 = arith.constant 0 : i32
    %dma_start3A_14 = arith.constant 0 : i32
    %dma_start3A_15 = tpu.memref_slice %arg2[%dma_start3A_13, %dma_start3A_14] : memref<10112x8xf32, #tpu.memory_space<hbm>> -> memref<10112x8xf32, #tpu.memory_space<hbm>>
    tpu.enqueue_indirect_dma source(%dma_start3A_15 : memref<10112x8xf32, #tpu.memory_space<hbm>>) target(%arg10 : memref<512x8xf32, #tpu.memory_space<vmem>>) offsets(%dma_start3A_12 : memref<512xi32, #tpu.memory_space<vmem>>) semaphore(%arg13 : memref<!tpu.dma_semaphore, #tpu.memory_space<semaphore_mem>>)
    %scan3A = arith.constant 0 : i32
    %scan3A_16 = arith.constant 0 : i32
    %scan3A_17 = arith.constant 9 : i32
    %scan3A_18 = arith.addi %scan3A_16, %scan3A_17 : i32
    %scan3A_19 = arith.constant 1 : i32
    scf.for %scan3A_36 = %scan3A_16 to %scan3A_18 step %scan3A_19  : i32 {
      %mul3A_37 = arith.constant 2 : i32
      %mul3A_38 = arith.muli %mul3A_37, %scan3A_36 : i32
      %dma_wait3A_39 = arith.constant 0 : i32
      %dma_wait3A_40 = tpu.memref_slice %arg7[%mul3A_38, %dma_wait3A_39] : memref<20x512xi32, #tpu.memory_space<vmem>> -> memref<1x512xi32, #tpu.memory_space<vmem>>
      %dma_wait3A_41 = tpu.memref_squeeze %dma_wait3A_40 : memref<1x512xi32, #tpu.memory_space<vmem>> -> memref<512xi32, #tpu.memory_space<vmem>>
      %dma_wait3A_42 = arith.constant 0 : i32
      %dma_wait3A_43 = arith.constant 0 : i32
      %dma_wait3A_44 = tpu.memref_slice %arg2[%dma_wait3A_42, %dma_wait3A_43] : memref<10112x8xf32, #tpu.memory_space<hbm>> -> memref<10112x8xf32, #tpu.memory_space<hbm>>
      tpu.wait_indirect_dma semaphore(%arg12 : memref<!tpu.dma_semaphore, #tpu.memory_space<semaphore_mem>>) src(%dma_wait3A_44 : memref<10112x8xf32, #tpu.memory_space<hbm>>) dst(%arg9 : memref<512x8xf32, #tpu.memory_space<vmem>>)
      "tpu.region"() ({
        %run_scoped3A_71 = tpu.sem_alloc : memref<!tpu.dma_semaphore, #tpu.memory_space<semaphore_mem>>
        %dma_start3A_72 = arith.constant 0 : i32
        %dma_start3A_73 = tpu.memref_slice %arg8[%mul3A_38, %dma_start3A_72] : memref<20x512xi32, #tpu.memory_space<vmem>> -> memref<1x512xi32, #tpu.memory_space<vmem>>
        %dma_start3A_74 = tpu.memref_squeeze %dma_start3A_73 : memref<1x512xi32, #tpu.memory_space<vmem>> -> memref<512xi32, #tpu.memory_space<vmem>>
        %dma_start3A_75 = arith.constant 0 : i32
        %dma_start3A_76 = arith.constant 0 : i32
        %dma_start3A_77 = tpu.memref_slice %arg11[%dma_start3A_75, %dma_start3A_76] : memref<10112x8xf32, #tpu.memory_space<vmem_shared>> -> memref<10112x8xf32, #tpu.memory_space<vmem_shared>>
        tpu.enqueue_indirect_dma source(%arg9 : memref<512x8xf32, #tpu.memory_space<vmem>>) target(%dma_start3A_77 : memref<10112x8xf32, #tpu.memory_space<vmem_shared>>) offsets(%dma_start3A_74 : memref<512xi32, #tpu.memory_space<vmem>>) semaphore(%run_scoped3A_71 : memref<!tpu.dma_semaphore, #tpu.memory_space<semaphore_mem>>) {add = true}
        %dma_wait3A_78 = arith.constant 0 : i32
        %dma_wait3A_79 = tpu.memref_slice %arg8[%mul3A_38, %dma_wait3A_78] : memref<20x512xi32, #tpu.memory_space<vmem>> -> memref<1x512xi32, #tpu.memory_space<vmem>>
        %dma_wait3A_80 = tpu.memref_squeeze %dma_wait3A_79 : memref<1x512xi32, #tpu.memory_space<vmem>> -> memref<512xi32, #tpu.memory_space<vmem>>
        %dma_wait3A_81 = arith.constant 0 : i32
        %dma_wait3A_82 = arith.constant 0 : i32
        %dma_wait3A_83 = tpu.memref_slice %arg11[%dma_wait3A_81, %dma_wait3A_82] : memref<10112x8xf32, #tpu.memory_space<vmem_shared>> -> memref<10112x8xf32, #tpu.memory_space<vmem_shared>>
        tpu.wait_indirect_dma semaphore(%run_scoped3A_71 : memref<!tpu.dma_semaphore, #tpu.memory_space<semaphore_mem>>) src(%arg9 : memref<512x8xf32, #tpu.memory_space<vmem>>) dst(%dma_wait3A_83 : memref<10112x8xf32, #tpu.memory_space<vmem_shared>>)
        tpu.yield
      }) : () -> ()
      %add3A_45 = arith.constant 2 : i32
      %add3A_46 = arith.addi %mul3A_38, %add3A_45 : i32
      %dma_start3A_47 = arith.constant 0 : i32
      %dma_start3A_48 = tpu.memref_slice %arg7[%add3A_46, %dma_start3A_47] : memref<20x512xi32, #tpu.memory_space<vmem>> -> memref<1x512xi32, #tpu.memory_space<vmem>>
      %dma_start3A_49 = tpu.memref_squeeze %dma_start3A_48 : memref<1x512xi32, #tpu.memory_space<vmem>> -> memref<512xi32, #tpu.memory_space<vmem>>
      %dma_start3A_50 = arith.constant 0 : i32
      %dma_start3A_51 = arith.constant 0 : i32
      %dma_start3A_52 = tpu.memref_slice %arg2[%dma_start3A_50, %dma_start3A_51] : memref<10112x8xf32, #tpu.memory_space<hbm>> -> memref<10112x8xf32, #tpu.memory_space<hbm>>
      tpu.enqueue_indirect_dma source(%dma_start3A_52 : memref<10112x8xf32, #tpu.memory_space<hbm>>) target(%arg9 : memref<512x8xf32, #tpu.memory_space<vmem>>) offsets(%dma_start3A_49 : memref<512xi32, #tpu.memory_space<vmem>>) semaphore(%arg12 : memref<!tpu.dma_semaphore, #tpu.memory_space<semaphore_mem>>)
      %add3A_53 = arith.constant 1 : i32
      %add3A_54 = arith.addi %mul3A_38, %add3A_53 : i32
      %dma_wait3A_55 = arith.constant 0 : i32
      %dma_wait3A_56 = tpu.memref_slice %arg7[%add3A_54, %dma_wait3A_55] : memref<20x512xi32, #tpu.memory_space<vmem>> -> memref<1x512xi32, #tpu.memory_space<vmem>>
      %dma_wait3A_57 = tpu.memref_squeeze %dma_wait3A_56 : memref<1x512xi32, #tpu.memory_space<vmem>> -> memref<512xi32, #tpu.memory_space<vmem>>
      %dma_wait3A_58 = arith.constant 0 : i32
      %dma_wait3A_59 = arith.constant 0 : i32
      %dma_wait3A_60 = tpu.memref_slice %arg2[%dma_wait3A_58, %dma_wait3A_59] : memref<10112x8xf32, #tpu.memory_space<hbm>> -> memref<10112x8xf32, #tpu.memory_space<hbm>>
      tpu.wait_indirect_dma semaphore(%arg13 : memref<!tpu.dma_semaphore, #tpu.memory_space<semaphore_mem>>) src(%dma_wait3A_60 : memref<10112x8xf32, #tpu.memory_space<hbm>>) dst(%arg10 : memref<512x8xf32, #tpu.memory_space<vmem>>)
      %add3A_61 = arith.constant 1 : i32
      %add3A_62 = arith.addi %mul3A_38, %add3A_61 : i32
      "tpu.region"() ({
        %run_scoped3A_71 = tpu.sem_alloc : memref<!tpu.dma_semaphore, #tpu.memory_space<semaphore_mem>>
        %dma_start3A_72 = arith.constant 0 : i32
        %dma_start3A_73 = tpu.memref_slice %arg8[%add3A_62, %dma_start3A_72] : memref<20x512xi32, #tpu.memory_space<vmem>> -> memref<1x512xi32, #tpu.memory_space<vmem>>
        %dma_start3A_74 = tpu.memref_squeeze %dma_start3A_73 : memref<1x512xi32, #tpu.memory_space<vmem>> -> memref<512xi32, #tpu.memory_space<vmem>>
        %dma_start3A_75 = arith.constant 0 : i32
        %dma_start3A_76 = arith.constant 0 : i32
        %dma_start3A_77 = tpu.memref_slice %arg11[%dma_start3A_75, %dma_start3A_76] : memref<10112x8xf32, #tpu.memory_space<vmem_shared>> -> memref<10112x8xf32, #tpu.memory_space<vmem_shared>>
        tpu.enqueue_indirect_dma source(%arg10 : memref<512x8xf32, #tpu.memory_space<vmem>>) target(%dma_start3A_77 : memref<10112x8xf32, #tpu.memory_space<vmem_shared>>) offsets(%dma_start3A_74 : memref<512xi32, #tpu.memory_space<vmem>>) semaphore(%run_scoped3A_71 : memref<!tpu.dma_semaphore, #tpu.memory_space<semaphore_mem>>) {add = true}
        %dma_wait3A_78 = arith.constant 0 : i32
        %dma_wait3A_79 = tpu.memref_slice %arg8[%add3A_62, %dma_wait3A_78] : memref<20x512xi32, #tpu.memory_space<vmem>> -> memref<1x512xi32, #tpu.memory_space<vmem>>
        %dma_wait3A_80 = tpu.memref_squeeze %dma_wait3A_79 : memref<1x512xi32, #tpu.memory_space<vmem>> -> memref<512xi32, #tpu.memory_space<vmem>>
        %dma_wait3A_81 = arith.constant 0 : i32
        %dma_wait3A_82 = arith.constant 0 : i32
        %dma_wait3A_83 = tpu.memref_slice %arg11[%dma_wait3A_81, %dma_wait3A_82] : memref<10112x8xf32, #tpu.memory_space<vmem_shared>> -> memref<10112x8xf32, #tpu.memory_space<vmem_shared>>
        tpu.wait_indirect_dma semaphore(%run_scoped3A_71 : memref<!tpu.dma_semaphore, #tpu.memory_space<semaphore_mem>>) src(%arg10 : memref<512x8xf32, #tpu.memory_space<vmem>>) dst(%dma_wait3A_83 : memref<10112x8xf32, #tpu.memory_space<vmem_shared>>)
        tpu.yield
      }) : () -> ()
      %add3A_63 = arith.constant 3 : i32
      %add3A_64 = arith.addi %mul3A_38, %add3A_63 : i32
      %dma_start3A_65 = arith.constant 0 : i32
      %dma_start3A_66 = tpu.memref_slice %arg7[%add3A_64, %dma_start3A_65] : memref<20x512xi32, #tpu.memory_space<vmem>> -> memref<1x512xi32, #tpu.memory_space<vmem>>
      %dma_start3A_67 = tpu.memref_squeeze %dma_start3A_66 : memref<1x512xi32, #tpu.memory_space<vmem>> -> memref<512xi32, #tpu.memory_space<vmem>>
      %dma_start3A_68 = arith.constant 0 : i32
      %dma_start3A_69 = arith.constant 0 : i32
      %dma_start3A_70 = tpu.memref_slice %arg2[%dma_start3A_68, %dma_start3A_69] : memref<10112x8xf32, #tpu.memory_space<hbm>> -> memref<10112x8xf32, #tpu.memory_space<hbm>>
      tpu.enqueue_indirect_dma source(%dma_start3A_70 : memref<10112x8xf32, #tpu.memory_space<hbm>>) target(%arg10 : memref<512x8xf32, #tpu.memory_space<vmem>>) offsets(%dma_start3A_67 : memref<512xi32, #tpu.memory_space<vmem>>) semaphore(%arg13 : memref<!tpu.dma_semaphore, #tpu.memory_space<semaphore_mem>>)
    }
    %scan3A_20 = arith.constant 9 : i32
    %dma_wait3A = arith.constant 18 : i32
    %dma_wait3A_21 = arith.constant 0 : i32
    %dma_wait3A_22 = tpu.memref_slice %arg7[%dma_wait3A, %dma_wait3A_21] : memref<20x512xi32, #tpu.memory_space<vmem>> -> memref<1x512xi32, #tpu.memory_space<vmem>>
    %dma_wait3A_23 = tpu.memref_squeeze %dma_wait3A_22 : memref<1x512xi32, #tpu.memory_space<vmem>> -> memref<512xi32, #tpu.memory_space<vmem>>
    %dma_wait3A_24 = arith.constant 0 : i32
    %dma_wait3A_25 = arith.constant 0 : i32
    %dma_wait3A_26 = tpu.memref_slice %arg2[%dma_wait3A_24, %dma_wait3A_25] : memref<10112x8xf32, #tpu.memory_space<hbm>> -> memref<10112x8xf32, #tpu.memory_space<hbm>>
    tpu.wait_indirect_dma semaphore(%arg12 : memref<!tpu.dma_semaphore, #tpu.memory_space<semaphore_mem>>) src(%dma_wait3A_26 : memref<10112x8xf32, #tpu.memory_space<hbm>>) dst(%arg9 : memref<512x8xf32, #tpu.memory_space<vmem>>)
    %run_scoped3A = arith.constant 18 : i32
    "tpu.region"() ({
      %run_scoped3A_36 = tpu.sem_alloc : memref<!tpu.dma_semaphore, #tpu.memory_space<semaphore_mem>>
      %dma_start3A_37 = arith.constant 0 : i32
      %dma_start3A_38 = tpu.memref_slice %arg8[%run_scoped3A, %dma_start3A_37] : memref<20x512xi32, #tpu.memory_space<vmem>> -> memref<1x512xi32, #tpu.memory_space<vmem>>
      %dma_start3A_39 = tpu.memref_squeeze %dma_start3A_38 : memref<1x512xi32, #tpu.memory_space<vmem>> -> memref<512xi32, #tpu.memory_space<vmem>>
      %dma_start3A_40 = arith.constant 0 : i32
      %dma_start3A_41 = arith.constant 0 : i32
      %dma_start3A_42 = tpu.memref_slice %arg11[%dma_start3A_40, %dma_start3A_41] : memref<10112x8xf32, #tpu.memory_space<vmem_shared>> -> memref<10112x8xf32, #tpu.memory_space<vmem_shared>>
      tpu.enqueue_indirect_dma source(%arg9 : memref<512x8xf32, #tpu.memory_space<vmem>>) target(%dma_start3A_42 : memref<10112x8xf32, #tpu.memory_space<vmem_shared>>) offsets(%dma_start3A_39 : memref<512xi32, #tpu.memory_space<vmem>>) semaphore(%run_scoped3A_36 : memref<!tpu.dma_semaphore, #tpu.memory_space<semaphore_mem>>) {add = true}
      %dma_wait3A_43 = arith.constant 0 : i32
      %dma_wait3A_44 = tpu.memref_slice %arg8[%run_scoped3A, %dma_wait3A_43] : memref<20x512xi32, #tpu.memory_space<vmem>> -> memref<1x512xi32, #tpu.memory_space<vmem>>
      %dma_wait3A_45 = tpu.memref_squeeze %dma_wait3A_44 : memref<1x512xi32, #tpu.memory_space<vmem>> -> memref<512xi32, #tpu.memory_space<vmem>>
      %dma_wait3A_46 = arith.constant 0 : i32
      %dma_wait3A_47 = arith.constant 0 : i32
      %dma_wait3A_48 = tpu.memref_slice %arg11[%dma_wait3A_46, %dma_wait3A_47] : memref<10112x8xf32, #tpu.memory_space<vmem_shared>> -> memref<10112x8xf32, #tpu.memory_space<vmem_shared>>
      tpu.wait_indirect_dma semaphore(%run_scoped3A_36 : memref<!tpu.dma_semaphore, #tpu.memory_space<semaphore_mem>>) src(%arg9 : memref<512x8xf32, #tpu.memory_space<vmem>>) dst(%dma_wait3A_48 : memref<10112x8xf32, #tpu.memory_space<vmem_shared>>)
      tpu.yield
    }) : () -> ()
    %dma_wait3A_27 = arith.constant 19 : i32
    %dma_wait3A_28 = arith.constant 0 : i32
    %dma_wait3A_29 = tpu.memref_slice %arg7[%dma_wait3A_27, %dma_wait3A_28] : memref<20x512xi32, #tpu.memory_space<vmem>> -> memref<1x512xi32, #tpu.memory_space<vmem>>
    %dma_wait3A_30 = tpu.memref_squeeze %dma_wait3A_29 : memref<1x512xi32, #tpu.memory_space<vmem>> -> memref<512xi32, #tpu.memory_space<vmem>>
    %dma_wait3A_31 = arith.constant 0 : i32
    %dma_wait3A_32 = arith.constant 0 : i32
    %dma_wait3A_33 = tpu.memref_slice %arg2[%dma_wait3A_31, %dma_wait3A_32] : memref<10112x8xf32, #tpu.memory_space<hbm>> -> memref<10112x8xf32, #tpu.memory_space<hbm>>
    tpu.wait_indirect_dma semaphore(%arg13 : memref<!tpu.dma_semaphore, #tpu.memory_space<semaphore_mem>>) src(%dma_wait3A_33 : memref<10112x8xf32, #tpu.memory_space<hbm>>) dst(%arg10 : memref<512x8xf32, #tpu.memory_space<vmem>>)
    %run_scoped3A_34 = arith.constant 19 : i32
    "tpu.region"() ({
      %run_scoped3A_36 = tpu.sem_alloc : memref<!tpu.dma_semaphore, #tpu.memory_space<semaphore_mem>>
      %dma_start3A_37 = arith.constant 0 : i32
      %dma_start3A_38 = tpu.memref_slice %arg8[%run_scoped3A_34, %dma_start3A_37] : memref<20x512xi32, #tpu.memory_space<vmem>> -> memref<1x512xi32, #tpu.memory_space<vmem>>
      %dma_start3A_39 = tpu.memref_squeeze %dma_start3A_38 : memref<1x512xi32, #tpu.memory_space<vmem>> -> memref<512xi32, #tpu.memory_space<vmem>>
      %dma_start3A_40 = arith.constant 0 : i32
      %dma_start3A_41 = arith.constant 0 : i32
      %dma_start3A_42 = tpu.memref_slice %arg11[%dma_start3A_40, %dma_start3A_41] : memref<10112x8xf32, #tpu.memory_space<vmem_shared>> -> memref<10112x8xf32, #tpu.memory_space<vmem_shared>>
      tpu.enqueue_indirect_dma source(%arg10 : memref<512x8xf32, #tpu.memory_space<vmem>>) target(%dma_start3A_42 : memref<10112x8xf32, #tpu.memory_space<vmem_shared>>) offsets(%dma_start3A_39 : memref<512xi32, #tpu.memory_space<vmem>>) semaphore(%run_scoped3A_36 : memref<!tpu.dma_semaphore, #tpu.memory_space<semaphore_mem>>) {add = true}
      %dma_wait3A_43 = arith.constant 0 : i32
      %dma_wait3A_44 = tpu.memref_slice %arg8[%run_scoped3A_34, %dma_wait3A_43] : memref<20x512xi32, #tpu.memory_space<vmem>> -> memref<1x512xi32, #tpu.memory_space<vmem>>
      %dma_wait3A_45 = tpu.memref_squeeze %dma_wait3A_44 : memref<1x512xi32, #tpu.memory_space<vmem>> -> memref<512xi32, #tpu.memory_space<vmem>>
      %dma_wait3A_46 = arith.constant 0 : i32
      %dma_wait3A_47 = arith.constant 0 : i32
      %dma_wait3A_48 = tpu.memref_slice %arg11[%dma_wait3A_46, %dma_wait3A_47] : memref<10112x8xf32, #tpu.memory_space<vmem_shared>> -> memref<10112x8xf32, #tpu.memory_space<vmem_shared>>
      tpu.wait_indirect_dma semaphore(%run_scoped3A_36 : memref<!tpu.dma_semaphore, #tpu.memory_space<semaphore_mem>>) src(%arg10 : memref<512x8xf32, #tpu.memory_space<vmem>>) dst(%dma_wait3A_48 : memref<10112x8xf32, #tpu.memory_space<vmem_shared>>)
      tpu.yield
    }) : () -> ()
    %barrier3A_35 = arith.constant 0 : index
    tpu.barrier barrier_id(%barrier3A_35)
    "tpu.region"() ({
      %run_scoped3A_36 = tpu.sem_alloc : memref<!tpu.dma_semaphore, #tpu.memory_space<semaphore_mem>>
      %dma_start3A_37 = arith.constant 0 : i32
      %dma_start3A_38 = tpu.memref_slice %arg6[%arg0, %mul3A_2, %dma_start3A_37] : memref<2x10112x8xf32, #tpu.memory_space<hbm>> -> memref<1x632x8xf32, #tpu.memory_space<hbm>>
      %dma_start3A_39 = tpu.memref_squeeze %dma_start3A_38 : memref<1x632x8xf32, #tpu.memory_space<hbm>> -> memref<632x8xf32, #tpu.memory_space<hbm>>
      %dma_start3A_40 = arith.constant 0 : i32
      %dma_start3A_41 = tpu.memref_slice %arg11[%mul3A_2, %dma_start3A_40] : memref<10112x8xf32, #tpu.memory_space<vmem_shared>> -> memref<632x8xf32, #tpu.memory_space<vmem_shared>>
      tpu.enqueue_dma source(%dma_start3A_41 : memref<632x8xf32, #tpu.memory_space<vmem_shared>>) target(%dma_start3A_39 : memref<632x8xf32, #tpu.memory_space<hbm>>) target_semaphore(%run_scoped3A_36 : memref<!tpu.dma_semaphore, #tpu.memory_space<semaphore_mem>>)
      %dma_wait3A_42 = arith.constant 0 : i32
      %dma_wait3A_43 = tpu.memref_slice %arg6[%arg0, %mul3A_2, %dma_wait3A_42] : memref<2x10112x8xf32, #tpu.memory_space<hbm>> -> memref<1x632x8xf32, #tpu.memory_space<hbm>>
      %dma_wait3A_44 = tpu.memref_squeeze %dma_wait3A_43 : memref<1x632x8xf32, #tpu.memory_space<hbm>> -> memref<632x8xf32, #tpu.memory_space<hbm>>
      %dma_wait3A_45 = arith.constant 0 : i32
      %dma_wait3A_46 = tpu.memref_slice %arg11[%mul3A_2, %dma_wait3A_45] : memref<10112x8xf32, #tpu.memory_space<vmem_shared>> -> memref<632x8xf32, #tpu.memory_space<vmem_shared>>
      tpu.wait_dma2 semaphore(%run_scoped3A_36 : memref<!tpu.dma_semaphore, #tpu.memory_space<semaphore_mem>>) src(%dma_wait3A_46 : memref<632x8xf32, #tpu.memory_space<vmem_shared>>) dst(%dma_wait3A_44 : memref<632x8xf32, #tpu.memory_space<hbm>>)
      tpu.yield
    }) : () -> ()
    return
  }
}

#map = affine_map<(d0, d1) -> (0, 0)>
#map1 = affine_map<(d0, d1) -> (0, 0, 0)>
module attributes {stable_mosaic.version = 14 : i64} {
  func.func @_agg_kernel(%arg0: i32, %arg1: i32, %arg2: memref<10112x8xf32, #tpu.memory_space<hbm>>, %arg3: memref<32x20x512xi32, #tpu.memory_space<hbm>>, %arg4: memref<32x20x512xi32, #tpu.memory_space<hbm>>, %arg5: memref<10112x8xf32, #tpu.memory_space<hbm>>, %arg6: memref<2x10112x8xf32, #tpu.memory_space<hbm>>, %arg7: memref<20x512xi32, #tpu.memory_space<vmem>>, %arg8: memref<20x512xi32, #tpu.memory_space<vmem>>, %arg9: memref<512x8xf32, #tpu.memory_space<vmem>>, %arg10: memref<512x8xf32, #tpu.memory_space<vmem>>, %arg11: memref<10112x8xf32, #tpu.memory_space<vmem_shared>>, %arg12: memref<!tpu.dma_semaphore, #tpu.memory_space<semaphore_mem>>, %arg13: memref<!tpu.dma_semaphore, #tpu.memory_space<semaphore_mem>>) attributes {dimension_semantics = [#tpu.dimension_semantics<core_parallel>, #tpu.dimension_semantics<subcore_parallel>], iteration_bounds = array<i64: 2, 16>, scalar_prefetch = 0 : i64, scratch_operands = 7 : i64, tpu.core_type = #tpu.core_type<sc_vector_subcore>, window_params = [{transform_indices = #map}, {transform_indices = #map1}, {transform_indices = #map1}, {transform_indices = #map}, {transform_indices = #map1}]} {
    %mul3A = arith.constant 16 : i32
    %mul3A_0 = arith.muli %arg0, %mul3A : i32
    %add3A = arith.addi %mul3A_0, %arg1 : i32
    %mul3A_1 = arith.constant 632 : i32
    %mul3A_2 = arith.muli %arg1, %mul3A_1 : i32
    "tpu.region"() ({
      %run_scoped3A_36 = tpu.sem_alloc : memref<!tpu.dma_semaphore, #tpu.memory_space<semaphore_mem>>
      %dma_start3A_37 = arith.constant 0 : i32
      %dma_start3A_38 = tpu.memref_slice %arg11[%mul3A_2, %dma_start3A_37] : memref<10112x8xf32, #tpu.memory_space<vmem_shared>> -> memref<632x8xf32, #tpu.memory_space<vmem_shared>>
      %dma_start3A_39 = arith.constant 0 : i32
      %dma_start3A_40 = tpu.memref_slice %arg5[%mul3A_2, %dma_start3A_39] : memref<10112x8xf32, #tpu.memory_space<hbm>> -> memref<632x8xf32, #tpu.memory_space<hbm>>
      tpu.enqueue_dma source(%dma_start3A_40 : memref<632x8xf32, #tpu.memory_space<hbm>>) target(%dma_start3A_38 : memref<632x8xf32, #tpu.memory_space<vmem_shared>>) target_semaphore(%run_scoped3A_36 : memref<!tpu.dma_semaphore, #tpu.memory_space<semaphore_mem>>)
      %dma_wait3A_41 = arith.constant 0 : i32
      %dma_wait3A_42 = tpu.memref_slice %arg11[%mul3A_2, %dma_wait3A_41] : memref<10112x8xf32, #tpu.memory_space<vmem_shared>> -> memref<632x8xf32, #tpu.memory_space<vmem_shared>>
      %dma_wait3A_43 = arith.constant 0 : i32
      %dma_wait3A_44 = tpu.memref_slice %arg5[%mul3A_2, %dma_wait3A_43] : memref<10112x8xf32, #tpu.memory_space<hbm>> -> memref<632x8xf32, #tpu.memory_space<hbm>>
      tpu.wait_dma2 semaphore(%run_scoped3A_36 : memref<!tpu.dma_semaphore, #tpu.memory_space<semaphore_mem>>) src(%dma_wait3A_44 : memref<632x8xf32, #tpu.memory_space<hbm>>) dst(%dma_wait3A_42 : memref<632x8xf32, #tpu.memory_space<vmem_shared>>)
      tpu.yield
    }) : () -> ()
    "tpu.region"() ({
      %run_scoped3A_36 = tpu.sem_alloc : memref<!tpu.dma_semaphore, #tpu.memory_space<semaphore_mem>>
      %dma_start3A_37 = arith.constant 0 : i32
      %dma_start3A_38 = arith.constant 0 : i32
      %dma_start3A_39 = tpu.memref_slice %arg3[%add3A, %dma_start3A_37, %dma_start3A_38] : memref<32x20x512xi32, #tpu.memory_space<hbm>> -> memref<1x20x512xi32, #tpu.memory_space<hbm>>
      %dma_start3A_40 = tpu.memref_squeeze %dma_start3A_39 : memref<1x20x512xi32, #tpu.memory_space<hbm>> -> memref<20x512xi32, #tpu.memory_space<hbm>>
      %dma_start3A_41 = arith.constant 0 : i32
      %dma_start3A_42 = arith.constant 0 : i32
      %dma_start3A_43 = tpu.memref_slice %arg3[%add3A, %dma_start3A_41, %dma_start3A_42] : memref<32x20x512xi32, #tpu.memory_space<hbm>> -> memref<1x20x512xi32, #tpu.memory_space<hbm>>
      %dma_start3A_44 = tpu.memref_squeeze %dma_start3A_43 : memref<1x20x512xi32, #tpu.memory_space<hbm>> -> memref<20x512xi32, #tpu.memory_space<hbm>>
      tpu.enqueue_dma source(%dma_start3A_44 : memref<20x512xi32, #tpu.memory_space<hbm>>) target(%arg7 : memref<20x512xi32, #tpu.memory_space<vmem>>) target_semaphore(%run_scoped3A_36 : memref<!tpu.dma_semaphore, #tpu.memory_space<semaphore_mem>>)
      %dma_wait3A_45 = arith.constant 0 : i32
      %dma_wait3A_46 = arith.constant 0 : i32
      %dma_wait3A_47 = tpu.memref_slice %arg3[%add3A, %dma_wait3A_45, %dma_wait3A_46] : memref<32x20x512xi32, #tpu.memory_space<hbm>> -> memref<1x20x512xi32, #tpu.memory_space<hbm>>
      %dma_wait3A_48 = tpu.memref_squeeze %dma_wait3A_47 : memref<1x20x512xi32, #tpu.memory_space<hbm>> -> memref<20x512xi32, #tpu.memory_space<hbm>>
      %dma_wait3A_49 = arith.constant 0 : i32
      %dma_wait3A_50 = arith.constant 0 : i32
      %dma_wait3A_51 = tpu.memref_slice %arg3[%add3A, %dma_wait3A_49, %dma_wait3A_50] : memref<32x20x512xi32, #tpu.memory_space<hbm>> -> memref<1x20x512xi32, #tpu.memory_space<hbm>>
      %dma_wait3A_52 = tpu.memref_squeeze %dma_wait3A_51 : memref<1x20x512xi32, #tpu.memory_space<hbm>> -> memref<20x512xi32, #tpu.memory_space<hbm>>
      tpu.wait_dma2 semaphore(%run_scoped3A_36 : memref<!tpu.dma_semaphore, #tpu.memory_space<semaphore_mem>>) src(%dma_wait3A_52 : memref<20x512xi32, #tpu.memory_space<hbm>>) dst(%arg7 : memref<20x512xi32, #tpu.memory_space<vmem>>)
      tpu.yield
    }) : () -> ()
    "tpu.region"() ({
      %run_scoped3A_36 = tpu.sem_alloc : memref<!tpu.dma_semaphore, #tpu.memory_space<semaphore_mem>>
      %dma_start3A_37 = arith.constant 0 : i32
      %dma_start3A_38 = arith.constant 0 : i32
      %dma_start3A_39 = tpu.memref_slice %arg4[%add3A, %dma_start3A_37, %dma_start3A_38] : memref<32x20x512xi32, #tpu.memory_space<hbm>> -> memref<1x20x512xi32, #tpu.memory_space<hbm>>
      %dma_start3A_40 = tpu.memref_squeeze %dma_start3A_39 : memref<1x20x512xi32, #tpu.memory_space<hbm>> -> memref<20x512xi32, #tpu.memory_space<hbm>>
      %dma_start3A_41 = arith.constant 0 : i32
      %dma_start3A_42 = arith.constant 0 : i32
      %dma_start3A_43 = tpu.memref_slice %arg4[%add3A, %dma_start3A_41, %dma_start3A_42] : memref<32x20x512xi32, #tpu.memory_space<hbm>> -> memref<1x20x512xi32, #tpu.memory_space<hbm>>
      %dma_start3A_44 = tpu.memref_squeeze %dma_start3A_43 : memref<1x20x512xi32, #tpu.memory_space<hbm>> -> memref<20x512xi32, #tpu.memory_space<hbm>>
      tpu.enqueue_dma source(%dma_start3A_44 : memref<20x512xi32, #tpu.memory_space<hbm>>) target(%arg8 : memref<20x512xi32, #tpu.memory_space<vmem>>) target_semaphore(%run_scoped3A_36 : memref<!tpu.dma_semaphore, #tpu.memory_space<semaphore_mem>>)
      %dma_wait3A_45 = arith.constant 0 : i32
      %dma_wait3A_46 = arith.constant 0 : i32
      %dma_wait3A_47 = tpu.memref_slice %arg4[%add3A, %dma_wait3A_45, %dma_wait3A_46] : memref<32x20x512xi32, #tpu.memory_space<hbm>> -> memref<1x20x512xi32, #tpu.memory_space<hbm>>
      %dma_wait3A_48 = tpu.memref_squeeze %dma_wait3A_47 : memref<1x20x512xi32, #tpu.memory_space<hbm>> -> memref<20x512xi32, #tpu.memory_space<hbm>>
      %dma_wait3A_49 = arith.constant 0 : i32
      %dma_wait3A_50 = arith.constant 0 : i32
      %dma_wait3A_51 = tpu.memref_slice %arg4[%add3A, %dma_wait3A_49, %dma_wait3A_50] : memref<32x20x512xi32, #tpu.memory_space<hbm>> -> memref<1x20x512xi32, #tpu.memory_space<hbm>>
      %dma_wait3A_52 = tpu.memref_squeeze %dma_wait3A_51 : memref<1x20x512xi32, #tpu.memory_space<hbm>> -> memref<20x512xi32, #tpu.memory_space<hbm>>
      tpu.wait_dma2 semaphore(%run_scoped3A_36 : memref<!tpu.dma_semaphore, #tpu.memory_space<semaphore_mem>>) src(%dma_wait3A_52 : memref<20x512xi32, #tpu.memory_space<hbm>>) dst(%arg8 : memref<20x512xi32, #tpu.memory_space<vmem>>)
      tpu.yield
    }) : () -> ()
    %barrier3A = arith.constant 0 : index
    tpu.barrier barrier_id(%barrier3A)
    %dma_start3A = arith.constant 0 : i32
    %dma_start3A_3 = arith.constant 0 : i32
    %dma_start3A_4 = tpu.memref_slice %arg7[%dma_start3A, %dma_start3A_3] : memref<20x512xi32, #tpu.memory_space<vmem>> -> memref<1x512xi32, #tpu.memory_space<vmem>>
    %dma_start3A_5 = tpu.memref_squeeze %dma_start3A_4 : memref<1x512xi32, #tpu.memory_space<vmem>> -> memref<512xi32, #tpu.memory_space<vmem>>
    %dma_start3A_6 = arith.constant 0 : i32
    %dma_start3A_7 = arith.constant 0 : i32
    %dma_start3A_8 = tpu.memref_slice %arg2[%dma_start3A_6, %dma_start3A_7] : memref<10112x8xf32, #tpu.memory_space<hbm>> -> memref<10112x8xf32, #tpu.memory_space<hbm>>
    tpu.enqueue_indirect_dma source(%dma_start3A_8 : memref<10112x8xf32, #tpu.memory_space<hbm>>) target(%arg9 : memref<512x8xf32, #tpu.memory_space<vmem>>) offsets(%dma_start3A_5 : memref<512xi32, #tpu.memory_space<vmem>>) semaphore(%arg12 : memref<!tpu.dma_semaphore, #tpu.memory_space<semaphore_mem>>)
    %dma_start3A_9 = arith.constant 1 : i32
    %dma_start3A_10 = arith.constant 0 : i32
    %dma_start3A_11 = tpu.memref_slice %arg7[%dma_start3A_9, %dma_start3A_10] : memref<20x512xi32, #tpu.memory_space<vmem>> -> memref<1x512xi32, #tpu.memory_space<vmem>>
    %dma_start3A_12 = tpu.memref_squeeze %dma_start3A_11 : memref<1x512xi32, #tpu.memory_space<vmem>> -> memref<512xi32, #tpu.memory_space<vmem>>
    %dma_start3A_13 = arith.constant 0 : i32
    %dma_start3A_14 = arith.constant 0 : i32
    %dma_start3A_15 = tpu.memref_slice %arg2[%dma_start3A_13, %dma_start3A_14] : memref<10112x8xf32, #tpu.memory_space<hbm>> -> memref<10112x8xf32, #tpu.memory_space<hbm>>
    tpu.enqueue_indirect_dma source(%dma_start3A_15 : memref<10112x8xf32, #tpu.memory_space<hbm>>) target(%arg10 : memref<512x8xf32, #tpu.memory_space<vmem>>) offsets(%dma_start3A_12 : memref<512xi32, #tpu.memory_space<vmem>>) semaphore(%arg13 : memref<!tpu.dma_semaphore, #tpu.memory_space<semaphore_mem>>)
    %scan3A = arith.constant 0 : i32
    %scan3A_16 = arith.constant 0 : i32
    %scan3A_17 = arith.constant 9 : i32
    %scan3A_18 = arith.addi %scan3A_16, %scan3A_17 : i32
    %scan3A_19 = arith.constant 1 : i32
    scf.for %scan3A_36 = %scan3A_16 to %scan3A_18 step %scan3A_19  : i32 {
      %mul3A_37 = arith.constant 2 : i32
      %mul3A_38 = arith.muli %mul3A_37, %scan3A_36 : i32
      %dma_wait3A_39 = arith.constant 0 : i32
      %dma_wait3A_40 = tpu.memref_slice %arg7[%mul3A_38, %dma_wait3A_39] : memref<20x512xi32, #tpu.memory_space<vmem>> -> memref<1x512xi32, #tpu.memory_space<vmem>>
      %dma_wait3A_41 = tpu.memref_squeeze %dma_wait3A_40 : memref<1x512xi32, #tpu.memory_space<vmem>> -> memref<512xi32, #tpu.memory_space<vmem>>
      %dma_wait3A_42 = arith.constant 0 : i32
      %dma_wait3A_43 = arith.constant 0 : i32
      %dma_wait3A_44 = tpu.memref_slice %arg2[%dma_wait3A_42, %dma_wait3A_43] : memref<10112x8xf32, #tpu.memory_space<hbm>> -> memref<10112x8xf32, #tpu.memory_space<hbm>>
      tpu.wait_indirect_dma semaphore(%arg12 : memref<!tpu.dma_semaphore, #tpu.memory_space<semaphore_mem>>) src(%dma_wait3A_44 : memref<10112x8xf32, #tpu.memory_space<hbm>>) dst(%arg9 : memref<512x8xf32, #tpu.memory_space<vmem>>)
      "tpu.region"() ({
        %run_scoped3A_71 = tpu.sem_alloc : memref<!tpu.dma_semaphore, #tpu.memory_space<semaphore_mem>>
        %dma_start3A_72 = arith.constant 0 : i32
        %dma_start3A_73 = tpu.memref_slice %arg8[%mul3A_38, %dma_start3A_72] : memref<20x512xi32, #tpu.memory_space<vmem>> -> memref<1x512xi32, #tpu.memory_space<vmem>>
        %dma_start3A_74 = tpu.memref_squeeze %dma_start3A_73 : memref<1x512xi32, #tpu.memory_space<vmem>> -> memref<512xi32, #tpu.memory_space<vmem>>
        %dma_start3A_75 = arith.constant 0 : i32
        %dma_start3A_76 = arith.constant 0 : i32
        %dma_start3A_77 = tpu.memref_slice %arg11[%dma_start3A_75, %dma_start3A_76] : memref<10112x8xf32, #tpu.memory_space<vmem_shared>> -> memref<10112x8xf32, #tpu.memory_space<vmem_shared>>
        tpu.enqueue_indirect_dma source(%arg9 : memref<512x8xf32, #tpu.memory_space<vmem>>) target(%dma_start3A_77 : memref<10112x8xf32, #tpu.memory_space<vmem_shared>>) offsets(%dma_start3A_74 : memref<512xi32, #tpu.memory_space<vmem>>) semaphore(%run_scoped3A_71 : memref<!tpu.dma_semaphore, #tpu.memory_space<semaphore_mem>>) {add = true}
        %dma_wait3A_78 = arith.constant 0 : i32
        %dma_wait3A_79 = tpu.memref_slice %arg8[%mul3A_38, %dma_wait3A_78] : memref<20x512xi32, #tpu.memory_space<vmem>> -> memref<1x512xi32, #tpu.memory_space<vmem>>
        %dma_wait3A_80 = tpu.memref_squeeze %dma_wait3A_79 : memref<1x512xi32, #tpu.memory_space<vmem>> -> memref<512xi32, #tpu.memory_space<vmem>>
        %dma_wait3A_81 = arith.constant 0 : i32
        %dma_wait3A_82 = arith.constant 0 : i32
        %dma_wait3A_83 = tpu.memref_slice %arg11[%dma_wait3A_81, %dma_wait3A_82] : memref<10112x8xf32, #tpu.memory_space<vmem_shared>> -> memref<10112x8xf32, #tpu.memory_space<vmem_shared>>
        tpu.wait_indirect_dma semaphore(%run_scoped3A_71 : memref<!tpu.dma_semaphore, #tpu.memory_space<semaphore_mem>>) src(%arg9 : memref<512x8xf32, #tpu.memory_space<vmem>>) dst(%dma_wait3A_83 : memref<10112x8xf32, #tpu.memory_space<vmem_shared>>)
        tpu.yield
      }) : () -> ()
      %add3A_45 = arith.constant 2 : i32
      %add3A_46 = arith.addi %mul3A_38, %add3A_45 : i32
      %dma_start3A_47 = arith.constant 0 : i32
      %dma_start3A_48 = tpu.memref_slice %arg7[%add3A_46, %dma_start3A_47] : memref<20x512xi32, #tpu.memory_space<vmem>> -> memref<1x512xi32, #tpu.memory_space<vmem>>
      %dma_start3A_49 = tpu.memref_squeeze %dma_start3A_48 : memref<1x512xi32, #tpu.memory_space<vmem>> -> memref<512xi32, #tpu.memory_space<vmem>>
      %dma_start3A_50 = arith.constant 0 : i32
      %dma_start3A_51 = arith.constant 0 : i32
      %dma_start3A_52 = tpu.memref_slice %arg2[%dma_start3A_50, %dma_start3A_51] : memref<10112x8xf32, #tpu.memory_space<hbm>> -> memref<10112x8xf32, #tpu.memory_space<hbm>>
      tpu.enqueue_indirect_dma source(%dma_start3A_52 : memref<10112x8xf32, #tpu.memory_space<hbm>>) target(%arg9 : memref<512x8xf32, #tpu.memory_space<vmem>>) offsets(%dma_start3A_49 : memref<512xi32, #tpu.memory_space<vmem>>) semaphore(%arg12 : memref<!tpu.dma_semaphore, #tpu.memory_space<semaphore_mem>>)
      %add3A_53 = arith.constant 1 : i32
      %add3A_54 = arith.addi %mul3A_38, %add3A_53 : i32
      %dma_wait3A_55 = arith.constant 0 : i32
      %dma_wait3A_56 = tpu.memref_slice %arg7[%add3A_54, %dma_wait3A_55] : memref<20x512xi32, #tpu.memory_space<vmem>> -> memref<1x512xi32, #tpu.memory_space<vmem>>
      %dma_wait3A_57 = tpu.memref_squeeze %dma_wait3A_56 : memref<1x512xi32, #tpu.memory_space<vmem>> -> memref<512xi32, #tpu.memory_space<vmem>>
      %dma_wait3A_58 = arith.constant 0 : i32
      %dma_wait3A_59 = arith.constant 0 : i32
      %dma_wait3A_60 = tpu.memref_slice %arg2[%dma_wait3A_58, %dma_wait3A_59] : memref<10112x8xf32, #tpu.memory_space<hbm>> -> memref<10112x8xf32, #tpu.memory_space<hbm>>
      tpu.wait_indirect_dma semaphore(%arg13 : memref<!tpu.dma_semaphore, #tpu.memory_space<semaphore_mem>>) src(%dma_wait3A_60 : memref<10112x8xf32, #tpu.memory_space<hbm>>) dst(%arg10 : memref<512x8xf32, #tpu.memory_space<vmem>>)
      %add3A_61 = arith.constant 1 : i32
      %add3A_62 = arith.addi %mul3A_38, %add3A_61 : i32
      "tpu.region"() ({
        %run_scoped3A_71 = tpu.sem_alloc : memref<!tpu.dma_semaphore, #tpu.memory_space<semaphore_mem>>
        %dma_start3A_72 = arith.constant 0 : i32
        %dma_start3A_73 = tpu.memref_slice %arg8[%add3A_62, %dma_start3A_72] : memref<20x512xi32, #tpu.memory_space<vmem>> -> memref<1x512xi32, #tpu.memory_space<vmem>>
        %dma_start3A_74 = tpu.memref_squeeze %dma_start3A_73 : memref<1x512xi32, #tpu.memory_space<vmem>> -> memref<512xi32, #tpu.memory_space<vmem>>
        %dma_start3A_75 = arith.constant 0 : i32
        %dma_start3A_76 = arith.constant 0 : i32
        %dma_start3A_77 = tpu.memref_slice %arg11[%dma_start3A_75, %dma_start3A_76] : memref<10112x8xf32, #tpu.memory_space<vmem_shared>> -> memref<10112x8xf32, #tpu.memory_space<vmem_shared>>
        tpu.enqueue_indirect_dma source(%arg10 : memref<512x8xf32, #tpu.memory_space<vmem>>) target(%dma_start3A_77 : memref<10112x8xf32, #tpu.memory_space<vmem_shared>>) offsets(%dma_start3A_74 : memref<512xi32, #tpu.memory_space<vmem>>) semaphore(%run_scoped3A_71 : memref<!tpu.dma_semaphore, #tpu.memory_space<semaphore_mem>>) {add = true}
        %dma_wait3A_78 = arith.constant 0 : i32
        %dma_wait3A_79 = tpu.memref_slice %arg8[%add3A_62, %dma_wait3A_78] : memref<20x512xi32, #tpu.memory_space<vmem>> -> memref<1x512xi32, #tpu.memory_space<vmem>>
        %dma_wait3A_80 = tpu.memref_squeeze %dma_wait3A_79 : memref<1x512xi32, #tpu.memory_space<vmem>> -> memref<512xi32, #tpu.memory_space<vmem>>
        %dma_wait3A_81 = arith.constant 0 : i32
        %dma_wait3A_82 = arith.constant 0 : i32
        %dma_wait3A_83 = tpu.memref_slice %arg11[%dma_wait3A_81, %dma_wait3A_82] : memref<10112x8xf32, #tpu.memory_space<vmem_shared>> -> memref<10112x8xf32, #tpu.memory_space<vmem_shared>>
        tpu.wait_indirect_dma semaphore(%run_scoped3A_71 : memref<!tpu.dma_semaphore, #tpu.memory_space<semaphore_mem>>) src(%arg10 : memref<512x8xf32, #tpu.memory_space<vmem>>) dst(%dma_wait3A_83 : memref<10112x8xf32, #tpu.memory_space<vmem_shared>>)
        tpu.yield
      }) : () -> ()
      %add3A_63 = arith.constant 3 : i32
      %add3A_64 = arith.addi %mul3A_38, %add3A_63 : i32
      %dma_start3A_65 = arith.constant 0 : i32
      %dma_start3A_66 = tpu.memref_slice %arg7[%add3A_64, %dma_start3A_65] : memref<20x512xi32, #tpu.memory_space<vmem>> -> memref<1x512xi32, #tpu.memory_space<vmem>>
      %dma_start3A_67 = tpu.memref_squeeze %dma_start3A_66 : memref<1x512xi32, #tpu.memory_space<vmem>> -> memref<512xi32, #tpu.memory_space<vmem>>
      %dma_start3A_68 = arith.constant 0 : i32
      %dma_start3A_69 = arith.constant 0 : i32
      %dma_start3A_70 = tpu.memref_slice %arg2[%dma_start3A_68, %dma_start3A_69] : memref<10112x8xf32, #tpu.memory_space<hbm>> -> memref<10112x8xf32, #tpu.memory_space<hbm>>
      tpu.enqueue_indirect_dma source(%dma_start3A_70 : memref<10112x8xf32, #tpu.memory_space<hbm>>) target(%arg10 : memref<512x8xf32, #tpu.memory_space<vmem>>) offsets(%dma_start3A_67 : memref<512xi32, #tpu.memory_space<vmem>>) semaphore(%arg13 : memref<!tpu.dma_semaphore, #tpu.memory_space<semaphore_mem>>)
    }
    %scan3A_20 = arith.constant 9 : i32
    %dma_wait3A = arith.constant 18 : i32
    %dma_wait3A_21 = arith.constant 0 : i32
    %dma_wait3A_22 = tpu.memref_slice %arg7[%dma_wait3A, %dma_wait3A_21] : memref<20x512xi32, #tpu.memory_space<vmem>> -> memref<1x512xi32, #tpu.memory_space<vmem>>
    %dma_wait3A_23 = tpu.memref_squeeze %dma_wait3A_22 : memref<1x512xi32, #tpu.memory_space<vmem>> -> memref<512xi32, #tpu.memory_space<vmem>>
    %dma_wait3A_24 = arith.constant 0 : i32
    %dma_wait3A_25 = arith.constant 0 : i32
    %dma_wait3A_26 = tpu.memref_slice %arg2[%dma_wait3A_24, %dma_wait3A_25] : memref<10112x8xf32, #tpu.memory_space<hbm>> -> memref<10112x8xf32, #tpu.memory_space<hbm>>
    tpu.wait_indirect_dma semaphore(%arg12 : memref<!tpu.dma_semaphore, #tpu.memory_space<semaphore_mem>>) src(%dma_wait3A_26 : memref<10112x8xf32, #tpu.memory_space<hbm>>) dst(%arg9 : memref<512x8xf32, #tpu.memory_space<vmem>>)
    %run_scoped3A = arith.constant 18 : i32
    "tpu.region"() ({
      %run_scoped3A_36 = tpu.sem_alloc : memref<!tpu.dma_semaphore, #tpu.memory_space<semaphore_mem>>
      %dma_start3A_37 = arith.constant 0 : i32
      %dma_start3A_38 = tpu.memref_slice %arg8[%run_scoped3A, %dma_start3A_37] : memref<20x512xi32, #tpu.memory_space<vmem>> -> memref<1x512xi32, #tpu.memory_space<vmem>>
      %dma_start3A_39 = tpu.memref_squeeze %dma_start3A_38 : memref<1x512xi32, #tpu.memory_space<vmem>> -> memref<512xi32, #tpu.memory_space<vmem>>
      %dma_start3A_40 = arith.constant 0 : i32
      %dma_start3A_41 = arith.constant 0 : i32
      %dma_start3A_42 = tpu.memref_slice %arg11[%dma_start3A_40, %dma_start3A_41] : memref<10112x8xf32, #tpu.memory_space<vmem_shared>> -> memref<10112x8xf32, #tpu.memory_space<vmem_shared>>
      tpu.enqueue_indirect_dma source(%arg9 : memref<512x8xf32, #tpu.memory_space<vmem>>) target(%dma_start3A_42 : memref<10112x8xf32, #tpu.memory_space<vmem_shared>>) offsets(%dma_start3A_39 : memref<512xi32, #tpu.memory_space<vmem>>) semaphore(%run_scoped3A_36 : memref<!tpu.dma_semaphore, #tpu.memory_space<semaphore_mem>>) {add = true}
      %dma_wait3A_43 = arith.constant 0 : i32
      %dma_wait3A_44 = tpu.memref_slice %arg8[%run_scoped3A, %dma_wait3A_43] : memref<20x512xi32, #tpu.memory_space<vmem>> -> memref<1x512xi32, #tpu.memory_space<vmem>>
      %dma_wait3A_45 = tpu.memref_squeeze %dma_wait3A_44 : memref<1x512xi32, #tpu.memory_space<vmem>> -> memref<512xi32, #tpu.memory_space<vmem>>
      %dma_wait3A_46 = arith.constant 0 : i32
      %dma_wait3A_47 = arith.constant 0 : i32
      %dma_wait3A_48 = tpu.memref_slice %arg11[%dma_wait3A_46, %dma_wait3A_47] : memref<10112x8xf32, #tpu.memory_space<vmem_shared>> -> memref<10112x8xf32, #tpu.memory_space<vmem_shared>>
      tpu.wait_indirect_dma semaphore(%run_scoped3A_36 : memref<!tpu.dma_semaphore, #tpu.memory_space<semaphore_mem>>) src(%arg9 : memref<512x8xf32, #tpu.memory_space<vmem>>) dst(%dma_wait3A_48 : memref<10112x8xf32, #tpu.memory_space<vmem_shared>>)
      tpu.yield
    }) : () -> ()
    %dma_wait3A_27 = arith.constant 19 : i32
    %dma_wait3A_28 = arith.constant 0 : i32
    %dma_wait3A_29 = tpu.memref_slice %arg7[%dma_wait3A_27, %dma_wait3A_28] : memref<20x512xi32, #tpu.memory_space<vmem>> -> memref<1x512xi32, #tpu.memory_space<vmem>>
    %dma_wait3A_30 = tpu.memref_squeeze %dma_wait3A_29 : memref<1x512xi32, #tpu.memory_space<vmem>> -> memref<512xi32, #tpu.memory_space<vmem>>
    %dma_wait3A_31 = arith.constant 0 : i32
    %dma_wait3A_32 = arith.constant 0 : i32
    %dma_wait3A_33 = tpu.memref_slice %arg2[%dma_wait3A_31, %dma_wait3A_32] : memref<10112x8xf32, #tpu.memory_space<hbm>> -> memref<10112x8xf32, #tpu.memory_space<hbm>>
    tpu.wait_indirect_dma semaphore(%arg13 : memref<!tpu.dma_semaphore, #tpu.memory_space<semaphore_mem>>) src(%dma_wait3A_33 : memref<10112x8xf32, #tpu.memory_space<hbm>>) dst(%arg10 : memref<512x8xf32, #tpu.memory_space<vmem>>)
    %run_scoped3A_34 = arith.constant 19 : i32
    "tpu.region"() ({
      %run_scoped3A_36 = tpu.sem_alloc : memref<!tpu.dma_semaphore, #tpu.memory_space<semaphore_mem>>
      %dma_start3A_37 = arith.constant 0 : i32
      %dma_start3A_38 = tpu.memref_slice %arg8[%run_scoped3A_34, %dma_start3A_37] : memref<20x512xi32, #tpu.memory_space<vmem>> -> memref<1x512xi32, #tpu.memory_space<vmem>>
      %dma_start3A_39 = tpu.memref_squeeze %dma_start3A_38 : memref<1x512xi32, #tpu.memory_space<vmem>> -> memref<512xi32, #tpu.memory_space<vmem>>
      %dma_start3A_40 = arith.constant 0 : i32
      %dma_start3A_41 = arith.constant 0 : i32
      %dma_start3A_42 = tpu.memref_slice %arg11[%dma_start3A_40, %dma_start3A_41] : memref<10112x8xf32, #tpu.memory_space<vmem_shared>> -> memref<10112x8xf32, #tpu.memory_space<vmem_shared>>
      tpu.enqueue_indirect_dma source(%arg10 : memref<512x8xf32, #tpu.memory_space<vmem>>) target(%dma_start3A_42 : memref<10112x8xf32, #tpu.memory_space<vmem_shared>>) offsets(%dma_start3A_39 : memref<512xi32, #tpu.memory_space<vmem>>) semaphore(%run_scoped3A_36 : memref<!tpu.dma_semaphore, #tpu.memory_space<semaphore_mem>>) {add = true}
      %dma_wait3A_43 = arith.constant 0 : i32
      %dma_wait3A_44 = tpu.memref_slice %arg8[%run_scoped3A_34, %dma_wait3A_43] : memref<20x512xi32, #tpu.memory_space<vmem>> -> memref<1x512xi32, #tpu.memory_space<vmem>>
      %dma_wait3A_45 = tpu.memref_squeeze %dma_wait3A_44 : memref<1x512xi32, #tpu.memory_space<vmem>> -> memref<512xi32, #tpu.memory_space<vmem>>
      %dma_wait3A_46 = arith.constant 0 : i32
      %dma_wait3A_47 = arith.constant 0 : i32
      %dma_wait3A_48 = tpu.memref_slice %arg11[%dma_wait3A_46, %dma_wait3A_47] : memref<10112x8xf32, #tpu.memory_space<vmem_shared>> -> memref<10112x8xf32, #tpu.memory_space<vmem_shared>>
      tpu.wait_indirect_dma semaphore(%run_scoped3A_36 : memref<!tpu.dma_semaphore, #tpu.memory_space<semaphore_mem>>) src(%arg10 : memref<512x8xf32, #tpu.memory_space<vmem>>) dst(%dma_wait3A_48 : memref<10112x8xf32, #tpu.memory_space<vmem_shared>>)
      tpu.yield
    }) : () -> ()
    %barrier3A_35 = arith.constant 0 : index
    tpu.barrier barrier_id(%barrier3A_35)
    "tpu.region"() ({
      %run_scoped3A_36 = tpu.sem_alloc : memref<!tpu.dma_semaphore, #tpu.memory_space<semaphore_mem>>
      %dma_start3A_37 = arith.constant 0 : i32
      %dma_start3A_38 = tpu.memref_slice %arg6[%arg0, %mul3A_2, %dma_start3A_37] : memref<2x10112x8xf32, #tpu.memory_space<hbm>> -> memref<1x632x8xf32, #tpu.memory_space<hbm>>
      %dma_start3A_39 = tpu.memref_squeeze %dma_start3A_38 : memref<1x632x8xf32, #tpu.memory_space<hbm>> -> memref<632x8xf32, #tpu.memory_space<hbm>>
      %dma_start3A_40 = arith.constant 0 : i32
      %dma_start3A_41 = tpu.memref_slice %arg11[%mul3A_2, %dma_start3A_40] : memref<10112x8xf32, #tpu.memory_space<vmem_shared>> -> memref<632x8xf32, #tpu.memory_space<vmem_shared>>
      tpu.enqueue_dma source(%dma_start3A_41 : memref<632x8xf32, #tpu.memory_space<vmem_shared>>) target(%dma_start3A_39 : memref<632x8xf32, #tpu.memory_space<hbm>>) target_semaphore(%run_scoped3A_36 : memref<!tpu.dma_semaphore, #tpu.memory_space<semaphore_mem>>)
      %dma_wait3A_42 = arith.constant 0 : i32
      %dma_wait3A_43 = tpu.memref_slice %arg6[%arg0, %mul3A_2, %dma_wait3A_42] : memref<2x10112x8xf32, #tpu.memory_space<hbm>> -> memref<1x632x8xf32, #tpu.memory_space<hbm>>
      %dma_wait3A_44 = tpu.memref_squeeze %dma_wait3A_43 : memref<1x632x8xf32, #tpu.memory_space<hbm>> -> memref<632x8xf32, #tpu.memory_space<hbm>>
      %dma_wait3A_45 = arith.constant 0 : i32
      %dma_wait3A_46 = tpu.memref_slice %arg11[%mul3A_2, %dma_wait3A_45] : memref<10112x8xf32, #tpu.memory_space<vmem_shared>> -> memref<632x8xf32, #tpu.memory_space<vmem_shared>>
      tpu.wait_dma2 semaphore(%run_scoped3A_36 : memref<!tpu.dma_semaphore, #tpu.memory_space<semaphore_mem>>) src(%dma_wait3A_46 : memref<632x8xf32, #tpu.memory_space<vmem_shared>>) dst(%dma_wait3A_44 : memref<632x8xf32, #tpu.memory_space<hbm>>)
      tpu.yield
    }) : () -> ()
    return
  }
}

#map = affine_map<(d0, d1) -> (0, 0)>
#map1 = affine_map<(d0, d1) -> (0, 0, 0)>
module attributes {stable_mosaic.version = 14 : i64} {
  func.func @_agg_kernel(%arg0: i32, %arg1: i32, %arg2: memref<10112x8xf32, #tpu.memory_space<hbm>>, %arg3: memref<32x20x512xi32, #tpu.memory_space<hbm>>, %arg4: memref<32x20x512xi32, #tpu.memory_space<hbm>>, %arg5: memref<10112x8xf32, #tpu.memory_space<hbm>>, %arg6: memref<2x10112x8xf32, #tpu.memory_space<hbm>>, %arg7: memref<20x512xi32, #tpu.memory_space<vmem>>, %arg8: memref<20x512xi32, #tpu.memory_space<vmem>>, %arg9: memref<512x8xf32, #tpu.memory_space<vmem>>, %arg10: memref<512x8xf32, #tpu.memory_space<vmem>>, %arg11: memref<10112x8xf32, #tpu.memory_space<vmem_shared>>, %arg12: memref<!tpu.dma_semaphore, #tpu.memory_space<semaphore_mem>>, %arg13: memref<!tpu.dma_semaphore, #tpu.memory_space<semaphore_mem>>) attributes {dimension_semantics = [#tpu.dimension_semantics<core_parallel>, #tpu.dimension_semantics<subcore_parallel>], iteration_bounds = array<i64: 2, 16>, scalar_prefetch = 0 : i64, scratch_operands = 7 : i64, tpu.core_type = #tpu.core_type<sc_vector_subcore>, window_params = [{transform_indices = #map}, {transform_indices = #map1}, {transform_indices = #map1}, {transform_indices = #map}, {transform_indices = #map1}]} {
    %mul3A = arith.constant 16 : i32
    %mul3A_0 = arith.muli %arg0, %mul3A : i32
    %add3A = arith.addi %mul3A_0, %arg1 : i32
    %mul3A_1 = arith.constant 632 : i32
    %mul3A_2 = arith.muli %arg1, %mul3A_1 : i32
    "tpu.region"() ({
      %run_scoped3A_36 = tpu.sem_alloc : memref<!tpu.dma_semaphore, #tpu.memory_space<semaphore_mem>>
      %dma_start3A_37 = arith.constant 0 : i32
      %dma_start3A_38 = tpu.memref_slice %arg11[%mul3A_2, %dma_start3A_37] : memref<10112x8xf32, #tpu.memory_space<vmem_shared>> -> memref<632x8xf32, #tpu.memory_space<vmem_shared>>
      %dma_start3A_39 = arith.constant 0 : i32
      %dma_start3A_40 = tpu.memref_slice %arg5[%mul3A_2, %dma_start3A_39] : memref<10112x8xf32, #tpu.memory_space<hbm>> -> memref<632x8xf32, #tpu.memory_space<hbm>>
      tpu.enqueue_dma source(%dma_start3A_40 : memref<632x8xf32, #tpu.memory_space<hbm>>) target(%dma_start3A_38 : memref<632x8xf32, #tpu.memory_space<vmem_shared>>) target_semaphore(%run_scoped3A_36 : memref<!tpu.dma_semaphore, #tpu.memory_space<semaphore_mem>>)
      %dma_wait3A_41 = arith.constant 0 : i32
      %dma_wait3A_42 = tpu.memref_slice %arg11[%mul3A_2, %dma_wait3A_41] : memref<10112x8xf32, #tpu.memory_space<vmem_shared>> -> memref<632x8xf32, #tpu.memory_space<vmem_shared>>
      %dma_wait3A_43 = arith.constant 0 : i32
      %dma_wait3A_44 = tpu.memref_slice %arg5[%mul3A_2, %dma_wait3A_43] : memref<10112x8xf32, #tpu.memory_space<hbm>> -> memref<632x8xf32, #tpu.memory_space<hbm>>
      tpu.wait_dma2 semaphore(%run_scoped3A_36 : memref<!tpu.dma_semaphore, #tpu.memory_space<semaphore_mem>>) src(%dma_wait3A_44 : memref<632x8xf32, #tpu.memory_space<hbm>>) dst(%dma_wait3A_42 : memref<632x8xf32, #tpu.memory_space<vmem_shared>>)
      tpu.yield
    }) : () -> ()
    "tpu.region"() ({
      %run_scoped3A_36 = tpu.sem_alloc : memref<!tpu.dma_semaphore, #tpu.memory_space<semaphore_mem>>
      %dma_start3A_37 = arith.constant 0 : i32
      %dma_start3A_38 = arith.constant 0 : i32
      %dma_start3A_39 = tpu.memref_slice %arg3[%add3A, %dma_start3A_37, %dma_start3A_38] : memref<32x20x512xi32, #tpu.memory_space<hbm>> -> memref<1x20x512xi32, #tpu.memory_space<hbm>>
      %dma_start3A_40 = tpu.memref_squeeze %dma_start3A_39 : memref<1x20x512xi32, #tpu.memory_space<hbm>> -> memref<20x512xi32, #tpu.memory_space<hbm>>
      %dma_start3A_41 = arith.constant 0 : i32
      %dma_start3A_42 = arith.constant 0 : i32
      %dma_start3A_43 = tpu.memref_slice %arg3[%add3A, %dma_start3A_41, %dma_start3A_42] : memref<32x20x512xi32, #tpu.memory_space<hbm>> -> memref<1x20x512xi32, #tpu.memory_space<hbm>>
      %dma_start3A_44 = tpu.memref_squeeze %dma_start3A_43 : memref<1x20x512xi32, #tpu.memory_space<hbm>> -> memref<20x512xi32, #tpu.memory_space<hbm>>
      tpu.enqueue_dma source(%dma_start3A_44 : memref<20x512xi32, #tpu.memory_space<hbm>>) target(%arg7 : memref<20x512xi32, #tpu.memory_space<vmem>>) target_semaphore(%run_scoped3A_36 : memref<!tpu.dma_semaphore, #tpu.memory_space<semaphore_mem>>)
      %dma_wait3A_45 = arith.constant 0 : i32
      %dma_wait3A_46 = arith.constant 0 : i32
      %dma_wait3A_47 = tpu.memref_slice %arg3[%add3A, %dma_wait3A_45, %dma_wait3A_46] : memref<32x20x512xi32, #tpu.memory_space<hbm>> -> memref<1x20x512xi32, #tpu.memory_space<hbm>>
      %dma_wait3A_48 = tpu.memref_squeeze %dma_wait3A_47 : memref<1x20x512xi32, #tpu.memory_space<hbm>> -> memref<20x512xi32, #tpu.memory_space<hbm>>
      %dma_wait3A_49 = arith.constant 0 : i32
      %dma_wait3A_50 = arith.constant 0 : i32
      %dma_wait3A_51 = tpu.memref_slice %arg3[%add3A, %dma_wait3A_49, %dma_wait3A_50] : memref<32x20x512xi32, #tpu.memory_space<hbm>> -> memref<1x20x512xi32, #tpu.memory_space<hbm>>
      %dma_wait3A_52 = tpu.memref_squeeze %dma_wait3A_51 : memref<1x20x512xi32, #tpu.memory_space<hbm>> -> memref<20x512xi32, #tpu.memory_space<hbm>>
      tpu.wait_dma2 semaphore(%run_scoped3A_36 : memref<!tpu.dma_semaphore, #tpu.memory_space<semaphore_mem>>) src(%dma_wait3A_52 : memref<20x512xi32, #tpu.memory_space<hbm>>) dst(%arg7 : memref<20x512xi32, #tpu.memory_space<vmem>>)
      tpu.yield
    }) : () -> ()
    "tpu.region"() ({
      %run_scoped3A_36 = tpu.sem_alloc : memref<!tpu.dma_semaphore, #tpu.memory_space<semaphore_mem>>
      %dma_start3A_37 = arith.constant 0 : i32
      %dma_start3A_38 = arith.constant 0 : i32
      %dma_start3A_39 = tpu.memref_slice %arg4[%add3A, %dma_start3A_37, %dma_start3A_38] : memref<32x20x512xi32, #tpu.memory_space<hbm>> -> memref<1x20x512xi32, #tpu.memory_space<hbm>>
      %dma_start3A_40 = tpu.memref_squeeze %dma_start3A_39 : memref<1x20x512xi32, #tpu.memory_space<hbm>> -> memref<20x512xi32, #tpu.memory_space<hbm>>
      %dma_start3A_41 = arith.constant 0 : i32
      %dma_start3A_42 = arith.constant 0 : i32
      %dma_start3A_43 = tpu.memref_slice %arg4[%add3A, %dma_start3A_41, %dma_start3A_42] : memref<32x20x512xi32, #tpu.memory_space<hbm>> -> memref<1x20x512xi32, #tpu.memory_space<hbm>>
      %dma_start3A_44 = tpu.memref_squeeze %dma_start3A_43 : memref<1x20x512xi32, #tpu.memory_space<hbm>> -> memref<20x512xi32, #tpu.memory_space<hbm>>
      tpu.enqueue_dma source(%dma_start3A_44 : memref<20x512xi32, #tpu.memory_space<hbm>>) target(%arg8 : memref<20x512xi32, #tpu.memory_space<vmem>>) target_semaphore(%run_scoped3A_36 : memref<!tpu.dma_semaphore, #tpu.memory_space<semaphore_mem>>)
      %dma_wait3A_45 = arith.constant 0 : i32
      %dma_wait3A_46 = arith.constant 0 : i32
      %dma_wait3A_47 = tpu.memref_slice %arg4[%add3A, %dma_wait3A_45, %dma_wait3A_46] : memref<32x20x512xi32, #tpu.memory_space<hbm>> -> memref<1x20x512xi32, #tpu.memory_space<hbm>>
      %dma_wait3A_48 = tpu.memref_squeeze %dma_wait3A_47 : memref<1x20x512xi32, #tpu.memory_space<hbm>> -> memref<20x512xi32, #tpu.memory_space<hbm>>
      %dma_wait3A_49 = arith.constant 0 : i32
      %dma_wait3A_50 = arith.constant 0 : i32
      %dma_wait3A_51 = tpu.memref_slice %arg4[%add3A, %dma_wait3A_49, %dma_wait3A_50] : memref<32x20x512xi32, #tpu.memory_space<hbm>> -> memref<1x20x512xi32, #tpu.memory_space<hbm>>
      %dma_wait3A_52 = tpu.memref_squeeze %dma_wait3A_51 : memref<1x20x512xi32, #tpu.memory_space<hbm>> -> memref<20x512xi32, #tpu.memory_space<hbm>>
      tpu.wait_dma2 semaphore(%run_scoped3A_36 : memref<!tpu.dma_semaphore, #tpu.memory_space<semaphore_mem>>) src(%dma_wait3A_52 : memref<20x512xi32, #tpu.memory_space<hbm>>) dst(%arg8 : memref<20x512xi32, #tpu.memory_space<vmem>>)
      tpu.yield
    }) : () -> ()
    %barrier3A = arith.constant 0 : index
    tpu.barrier barrier_id(%barrier3A)
    %dma_start3A = arith.constant 0 : i32
    %dma_start3A_3 = arith.constant 0 : i32
    %dma_start3A_4 = tpu.memref_slice %arg7[%dma_start3A, %dma_start3A_3] : memref<20x512xi32, #tpu.memory_space<vmem>> -> memref<1x512xi32, #tpu.memory_space<vmem>>
    %dma_start3A_5 = tpu.memref_squeeze %dma_start3A_4 : memref<1x512xi32, #tpu.memory_space<vmem>> -> memref<512xi32, #tpu.memory_space<vmem>>
    %dma_start3A_6 = arith.constant 0 : i32
    %dma_start3A_7 = arith.constant 0 : i32
    %dma_start3A_8 = tpu.memref_slice %arg2[%dma_start3A_6, %dma_start3A_7] : memref<10112x8xf32, #tpu.memory_space<hbm>> -> memref<10112x8xf32, #tpu.memory_space<hbm>>
    tpu.enqueue_indirect_dma source(%dma_start3A_8 : memref<10112x8xf32, #tpu.memory_space<hbm>>) target(%arg9 : memref<512x8xf32, #tpu.memory_space<vmem>>) offsets(%dma_start3A_5 : memref<512xi32, #tpu.memory_space<vmem>>) semaphore(%arg12 : memref<!tpu.dma_semaphore, #tpu.memory_space<semaphore_mem>>)
    %dma_start3A_9 = arith.constant 1 : i32
    %dma_start3A_10 = arith.constant 0 : i32
    %dma_start3A_11 = tpu.memref_slice %arg7[%dma_start3A_9, %dma_start3A_10] : memref<20x512xi32, #tpu.memory_space<vmem>> -> memref<1x512xi32, #tpu.memory_space<vmem>>
    %dma_start3A_12 = tpu.memref_squeeze %dma_start3A_11 : memref<1x512xi32, #tpu.memory_space<vmem>> -> memref<512xi32, #tpu.memory_space<vmem>>
    %dma_start3A_13 = arith.constant 0 : i32
    %dma_start3A_14 = arith.constant 0 : i32
    %dma_start3A_15 = tpu.memref_slice %arg2[%dma_start3A_13, %dma_start3A_14] : memref<10112x8xf32, #tpu.memory_space<hbm>> -> memref<10112x8xf32, #tpu.memory_space<hbm>>
    tpu.enqueue_indirect_dma source(%dma_start3A_15 : memref<10112x8xf32, #tpu.memory_space<hbm>>) target(%arg10 : memref<512x8xf32, #tpu.memory_space<vmem>>) offsets(%dma_start3A_12 : memref<512xi32, #tpu.memory_space<vmem>>) semaphore(%arg13 : memref<!tpu.dma_semaphore, #tpu.memory_space<semaphore_mem>>)
    %scan3A = arith.constant 0 : i32
    %scan3A_16 = arith.constant 0 : i32
    %scan3A_17 = arith.constant 9 : i32
    %scan3A_18 = arith.addi %scan3A_16, %scan3A_17 : i32
    %scan3A_19 = arith.constant 1 : i32
    scf.for %scan3A_36 = %scan3A_16 to %scan3A_18 step %scan3A_19  : i32 {
      %mul3A_37 = arith.constant 2 : i32
      %mul3A_38 = arith.muli %mul3A_37, %scan3A_36 : i32
      %dma_wait3A_39 = arith.constant 0 : i32
      %dma_wait3A_40 = tpu.memref_slice %arg7[%mul3A_38, %dma_wait3A_39] : memref<20x512xi32, #tpu.memory_space<vmem>> -> memref<1x512xi32, #tpu.memory_space<vmem>>
      %dma_wait3A_41 = tpu.memref_squeeze %dma_wait3A_40 : memref<1x512xi32, #tpu.memory_space<vmem>> -> memref<512xi32, #tpu.memory_space<vmem>>
      %dma_wait3A_42 = arith.constant 0 : i32
      %dma_wait3A_43 = arith.constant 0 : i32
      %dma_wait3A_44 = tpu.memref_slice %arg2[%dma_wait3A_42, %dma_wait3A_43] : memref<10112x8xf32, #tpu.memory_space<hbm>> -> memref<10112x8xf32, #tpu.memory_space<hbm>>
      tpu.wait_indirect_dma semaphore(%arg12 : memref<!tpu.dma_semaphore, #tpu.memory_space<semaphore_mem>>) src(%dma_wait3A_44 : memref<10112x8xf32, #tpu.memory_space<hbm>>) dst(%arg9 : memref<512x8xf32, #tpu.memory_space<vmem>>)
      "tpu.region"() ({
        %run_scoped3A_71 = tpu.sem_alloc : memref<!tpu.dma_semaphore, #tpu.memory_space<semaphore_mem>>
        %dma_start3A_72 = arith.constant 0 : i32
        %dma_start3A_73 = tpu.memref_slice %arg8[%mul3A_38, %dma_start3A_72] : memref<20x512xi32, #tpu.memory_space<vmem>> -> memref<1x512xi32, #tpu.memory_space<vmem>>
        %dma_start3A_74 = tpu.memref_squeeze %dma_start3A_73 : memref<1x512xi32, #tpu.memory_space<vmem>> -> memref<512xi32, #tpu.memory_space<vmem>>
        %dma_start3A_75 = arith.constant 0 : i32
        %dma_start3A_76 = arith.constant 0 : i32
        %dma_start3A_77 = tpu.memref_slice %arg11[%dma_start3A_75, %dma_start3A_76] : memref<10112x8xf32, #tpu.memory_space<vmem_shared>> -> memref<10112x8xf32, #tpu.memory_space<vmem_shared>>
        tpu.enqueue_indirect_dma source(%arg9 : memref<512x8xf32, #tpu.memory_space<vmem>>) target(%dma_start3A_77 : memref<10112x8xf32, #tpu.memory_space<vmem_shared>>) offsets(%dma_start3A_74 : memref<512xi32, #tpu.memory_space<vmem>>) semaphore(%run_scoped3A_71 : memref<!tpu.dma_semaphore, #tpu.memory_space<semaphore_mem>>) {add = true}
        %dma_wait3A_78 = arith.constant 0 : i32
        %dma_wait3A_79 = tpu.memref_slice %arg8[%mul3A_38, %dma_wait3A_78] : memref<20x512xi32, #tpu.memory_space<vmem>> -> memref<1x512xi32, #tpu.memory_space<vmem>>
        %dma_wait3A_80 = tpu.memref_squeeze %dma_wait3A_79 : memref<1x512xi32, #tpu.memory_space<vmem>> -> memref<512xi32, #tpu.memory_space<vmem>>
        %dma_wait3A_81 = arith.constant 0 : i32
        %dma_wait3A_82 = arith.constant 0 : i32
        %dma_wait3A_83 = tpu.memref_slice %arg11[%dma_wait3A_81, %dma_wait3A_82] : memref<10112x8xf32, #tpu.memory_space<vmem_shared>> -> memref<10112x8xf32, #tpu.memory_space<vmem_shared>>
        tpu.wait_indirect_dma semaphore(%run_scoped3A_71 : memref<!tpu.dma_semaphore, #tpu.memory_space<semaphore_mem>>) src(%arg9 : memref<512x8xf32, #tpu.memory_space<vmem>>) dst(%dma_wait3A_83 : memref<10112x8xf32, #tpu.memory_space<vmem_shared>>)
        tpu.yield
      }) : () -> ()
      %add3A_45 = arith.constant 2 : i32
      %add3A_46 = arith.addi %mul3A_38, %add3A_45 : i32
      %dma_start3A_47 = arith.constant 0 : i32
      %dma_start3A_48 = tpu.memref_slice %arg7[%add3A_46, %dma_start3A_47] : memref<20x512xi32, #tpu.memory_space<vmem>> -> memref<1x512xi32, #tpu.memory_space<vmem>>
      %dma_start3A_49 = tpu.memref_squeeze %dma_start3A_48 : memref<1x512xi32, #tpu.memory_space<vmem>> -> memref<512xi32, #tpu.memory_space<vmem>>
      %dma_start3A_50 = arith.constant 0 : i32
      %dma_start3A_51 = arith.constant 0 : i32
      %dma_start3A_52 = tpu.memref_slice %arg2[%dma_start3A_50, %dma_start3A_51] : memref<10112x8xf32, #tpu.memory_space<hbm>> -> memref<10112x8xf32, #tpu.memory_space<hbm>>
      tpu.enqueue_indirect_dma source(%dma_start3A_52 : memref<10112x8xf32, #tpu.memory_space<hbm>>) target(%arg9 : memref<512x8xf32, #tpu.memory_space<vmem>>) offsets(%dma_start3A_49 : memref<512xi32, #tpu.memory_space<vmem>>) semaphore(%arg12 : memref<!tpu.dma_semaphore, #tpu.memory_space<semaphore_mem>>)
      %add3A_53 = arith.constant 1 : i32
      %add3A_54 = arith.addi %mul3A_38, %add3A_53 : i32
      %dma_wait3A_55 = arith.constant 0 : i32
      %dma_wait3A_56 = tpu.memref_slice %arg7[%add3A_54, %dma_wait3A_55] : memref<20x512xi32, #tpu.memory_space<vmem>> -> memref<1x512xi32, #tpu.memory_space<vmem>>
      %dma_wait3A_57 = tpu.memref_squeeze %dma_wait3A_56 : memref<1x512xi32, #tpu.memory_space<vmem>> -> memref<512xi32, #tpu.memory_space<vmem>>
      %dma_wait3A_58 = arith.constant 0 : i32
      %dma_wait3A_59 = arith.constant 0 : i32
      %dma_wait3A_60 = tpu.memref_slice %arg2[%dma_wait3A_58, %dma_wait3A_59] : memref<10112x8xf32, #tpu.memory_space<hbm>> -> memref<10112x8xf32, #tpu.memory_space<hbm>>
      tpu.wait_indirect_dma semaphore(%arg13 : memref<!tpu.dma_semaphore, #tpu.memory_space<semaphore_mem>>) src(%dma_wait3A_60 : memref<10112x8xf32, #tpu.memory_space<hbm>>) dst(%arg10 : memref<512x8xf32, #tpu.memory_space<vmem>>)
      %add3A_61 = arith.constant 1 : i32
      %add3A_62 = arith.addi %mul3A_38, %add3A_61 : i32
      "tpu.region"() ({
        %run_scoped3A_71 = tpu.sem_alloc : memref<!tpu.dma_semaphore, #tpu.memory_space<semaphore_mem>>
        %dma_start3A_72 = arith.constant 0 : i32
        %dma_start3A_73 = tpu.memref_slice %arg8[%add3A_62, %dma_start3A_72] : memref<20x512xi32, #tpu.memory_space<vmem>> -> memref<1x512xi32, #tpu.memory_space<vmem>>
        %dma_start3A_74 = tpu.memref_squeeze %dma_start3A_73 : memref<1x512xi32, #tpu.memory_space<vmem>> -> memref<512xi32, #tpu.memory_space<vmem>>
        %dma_start3A_75 = arith.constant 0 : i32
        %dma_start3A_76 = arith.constant 0 : i32
        %dma_start3A_77 = tpu.memref_slice %arg11[%dma_start3A_75, %dma_start3A_76] : memref<10112x8xf32, #tpu.memory_space<vmem_shared>> -> memref<10112x8xf32, #tpu.memory_space<vmem_shared>>
        tpu.enqueue_indirect_dma source(%arg10 : memref<512x8xf32, #tpu.memory_space<vmem>>) target(%dma_start3A_77 : memref<10112x8xf32, #tpu.memory_space<vmem_shared>>) offsets(%dma_start3A_74 : memref<512xi32, #tpu.memory_space<vmem>>) semaphore(%run_scoped3A_71 : memref<!tpu.dma_semaphore, #tpu.memory_space<semaphore_mem>>) {add = true}
        %dma_wait3A_78 = arith.constant 0 : i32
        %dma_wait3A_79 = tpu.memref_slice %arg8[%add3A_62, %dma_wait3A_78] : memref<20x512xi32, #tpu.memory_space<vmem>> -> memref<1x512xi32, #tpu.memory_space<vmem>>
        %dma_wait3A_80 = tpu.memref_squeeze %dma_wait3A_79 : memref<1x512xi32, #tpu.memory_space<vmem>> -> memref<512xi32, #tpu.memory_space<vmem>>
        %dma_wait3A_81 = arith.constant 0 : i32
        %dma_wait3A_82 = arith.constant 0 : i32
        %dma_wait3A_83 = tpu.memref_slice %arg11[%dma_wait3A_81, %dma_wait3A_82] : memref<10112x8xf32, #tpu.memory_space<vmem_shared>> -> memref<10112x8xf32, #tpu.memory_space<vmem_shared>>
        tpu.wait_indirect_dma semaphore(%run_scoped3A_71 : memref<!tpu.dma_semaphore, #tpu.memory_space<semaphore_mem>>) src(%arg10 : memref<512x8xf32, #tpu.memory_space<vmem>>) dst(%dma_wait3A_83 : memref<10112x8xf32, #tpu.memory_space<vmem_shared>>)
        tpu.yield
      }) : () -> ()
      %add3A_63 = arith.constant 3 : i32
      %add3A_64 = arith.addi %mul3A_38, %add3A_63 : i32
      %dma_start3A_65 = arith.constant 0 : i32
      %dma_start3A_66 = tpu.memref_slice %arg7[%add3A_64, %dma_start3A_65] : memref<20x512xi32, #tpu.memory_space<vmem>> -> memref<1x512xi32, #tpu.memory_space<vmem>>
      %dma_start3A_67 = tpu.memref_squeeze %dma_start3A_66 : memref<1x512xi32, #tpu.memory_space<vmem>> -> memref<512xi32, #tpu.memory_space<vmem>>
      %dma_start3A_68 = arith.constant 0 : i32
      %dma_start3A_69 = arith.constant 0 : i32
      %dma_start3A_70 = tpu.memref_slice %arg2[%dma_start3A_68, %dma_start3A_69] : memref<10112x8xf32, #tpu.memory_space<hbm>> -> memref<10112x8xf32, #tpu.memory_space<hbm>>
      tpu.enqueue_indirect_dma source(%dma_start3A_70 : memref<10112x8xf32, #tpu.memory_space<hbm>>) target(%arg10 : memref<512x8xf32, #tpu.memory_space<vmem>>) offsets(%dma_start3A_67 : memref<512xi32, #tpu.memory_space<vmem>>) semaphore(%arg13 : memref<!tpu.dma_semaphore, #tpu.memory_space<semaphore_mem>>)
    }
    %scan3A_20 = arith.constant 9 : i32
    %dma_wait3A = arith.constant 18 : i32
    %dma_wait3A_21 = arith.constant 0 : i32
    %dma_wait3A_22 = tpu.memref_slice %arg7[%dma_wait3A, %dma_wait3A_21] : memref<20x512xi32, #tpu.memory_space<vmem>> -> memref<1x512xi32, #tpu.memory_space<vmem>>
    %dma_wait3A_23 = tpu.memref_squeeze %dma_wait3A_22 : memref<1x512xi32, #tpu.memory_space<vmem>> -> memref<512xi32, #tpu.memory_space<vmem>>
    %dma_wait3A_24 = arith.constant 0 : i32
    %dma_wait3A_25 = arith.constant 0 : i32
    %dma_wait3A_26 = tpu.memref_slice %arg2[%dma_wait3A_24, %dma_wait3A_25] : memref<10112x8xf32, #tpu.memory_space<hbm>> -> memref<10112x8xf32, #tpu.memory_space<hbm>>
    tpu.wait_indirect_dma semaphore(%arg12 : memref<!tpu.dma_semaphore, #tpu.memory_space<semaphore_mem>>) src(%dma_wait3A_26 : memref<10112x8xf32, #tpu.memory_space<hbm>>) dst(%arg9 : memref<512x8xf32, #tpu.memory_space<vmem>>)
    %run_scoped3A = arith.constant 18 : i32
    "tpu.region"() ({
      %run_scoped3A_36 = tpu.sem_alloc : memref<!tpu.dma_semaphore, #tpu.memory_space<semaphore_mem>>
      %dma_start3A_37 = arith.constant 0 : i32
      %dma_start3A_38 = tpu.memref_slice %arg8[%run_scoped3A, %dma_start3A_37] : memref<20x512xi32, #tpu.memory_space<vmem>> -> memref<1x512xi32, #tpu.memory_space<vmem>>
      %dma_start3A_39 = tpu.memref_squeeze %dma_start3A_38 : memref<1x512xi32, #tpu.memory_space<vmem>> -> memref<512xi32, #tpu.memory_space<vmem>>
      %dma_start3A_40 = arith.constant 0 : i32
      %dma_start3A_41 = arith.constant 0 : i32
      %dma_start3A_42 = tpu.memref_slice %arg11[%dma_start3A_40, %dma_start3A_41] : memref<10112x8xf32, #tpu.memory_space<vmem_shared>> -> memref<10112x8xf32, #tpu.memory_space<vmem_shared>>
      tpu.enqueue_indirect_dma source(%arg9 : memref<512x8xf32, #tpu.memory_space<vmem>>) target(%dma_start3A_42 : memref<10112x8xf32, #tpu.memory_space<vmem_shared>>) offsets(%dma_start3A_39 : memref<512xi32, #tpu.memory_space<vmem>>) semaphore(%run_scoped3A_36 : memref<!tpu.dma_semaphore, #tpu.memory_space<semaphore_mem>>) {add = true}
      %dma_wait3A_43 = arith.constant 0 : i32
      %dma_wait3A_44 = tpu.memref_slice %arg8[%run_scoped3A, %dma_wait3A_43] : memref<20x512xi32, #tpu.memory_space<vmem>> -> memref<1x512xi32, #tpu.memory_space<vmem>>
      %dma_wait3A_45 = tpu.memref_squeeze %dma_wait3A_44 : memref<1x512xi32, #tpu.memory_space<vmem>> -> memref<512xi32, #tpu.memory_space<vmem>>
      %dma_wait3A_46 = arith.constant 0 : i32
      %dma_wait3A_47 = arith.constant 0 : i32
      %dma_wait3A_48 = tpu.memref_slice %arg11[%dma_wait3A_46, %dma_wait3A_47] : memref<10112x8xf32, #tpu.memory_space<vmem_shared>> -> memref<10112x8xf32, #tpu.memory_space<vmem_shared>>
      tpu.wait_indirect_dma semaphore(%run_scoped3A_36 : memref<!tpu.dma_semaphore, #tpu.memory_space<semaphore_mem>>) src(%arg9 : memref<512x8xf32, #tpu.memory_space<vmem>>) dst(%dma_wait3A_48 : memref<10112x8xf32, #tpu.memory_space<vmem_shared>>)
      tpu.yield
    }) : () -> ()
    %dma_wait3A_27 = arith.constant 19 : i32
    %dma_wait3A_28 = arith.constant 0 : i32
    %dma_wait3A_29 = tpu.memref_slice %arg7[%dma_wait3A_27, %dma_wait3A_28] : memref<20x512xi32, #tpu.memory_space<vmem>> -> memref<1x512xi32, #tpu.memory_space<vmem>>
    %dma_wait3A_30 = tpu.memref_squeeze %dma_wait3A_29 : memref<1x512xi32, #tpu.memory_space<vmem>> -> memref<512xi32, #tpu.memory_space<vmem>>
    %dma_wait3A_31 = arith.constant 0 : i32
    %dma_wait3A_32 = arith.constant 0 : i32
    %dma_wait3A_33 = tpu.memref_slice %arg2[%dma_wait3A_31, %dma_wait3A_32] : memref<10112x8xf32, #tpu.memory_space<hbm>> -> memref<10112x8xf32, #tpu.memory_space<hbm>>
    tpu.wait_indirect_dma semaphore(%arg13 : memref<!tpu.dma_semaphore, #tpu.memory_space<semaphore_mem>>) src(%dma_wait3A_33 : memref<10112x8xf32, #tpu.memory_space<hbm>>) dst(%arg10 : memref<512x8xf32, #tpu.memory_space<vmem>>)
    %run_scoped3A_34 = arith.constant 19 : i32
    "tpu.region"() ({
      %run_scoped3A_36 = tpu.sem_alloc : memref<!tpu.dma_semaphore, #tpu.memory_space<semaphore_mem>>
      %dma_start3A_37 = arith.constant 0 : i32
      %dma_start3A_38 = tpu.memref_slice %arg8[%run_scoped3A_34, %dma_start3A_37] : memref<20x512xi32, #tpu.memory_space<vmem>> -> memref<1x512xi32, #tpu.memory_space<vmem>>
      %dma_start3A_39 = tpu.memref_squeeze %dma_start3A_38 : memref<1x512xi32, #tpu.memory_space<vmem>> -> memref<512xi32, #tpu.memory_space<vmem>>
      %dma_start3A_40 = arith.constant 0 : i32
      %dma_start3A_41 = arith.constant 0 : i32
      %dma_start3A_42 = tpu.memref_slice %arg11[%dma_start3A_40, %dma_start3A_41] : memref<10112x8xf32, #tpu.memory_space<vmem_shared>> -> memref<10112x8xf32, #tpu.memory_space<vmem_shared>>
      tpu.enqueue_indirect_dma source(%arg10 : memref<512x8xf32, #tpu.memory_space<vmem>>) target(%dma_start3A_42 : memref<10112x8xf32, #tpu.memory_space<vmem_shared>>) offsets(%dma_start3A_39 : memref<512xi32, #tpu.memory_space<vmem>>) semaphore(%run_scoped3A_36 : memref<!tpu.dma_semaphore, #tpu.memory_space<semaphore_mem>>) {add = true}
      %dma_wait3A_43 = arith.constant 0 : i32
      %dma_wait3A_44 = tpu.memref_slice %arg8[%run_scoped3A_34, %dma_wait3A_43] : memref<20x512xi32, #tpu.memory_space<vmem>> -> memref<1x512xi32, #tpu.memory_space<vmem>>
      %dma_wait3A_45 = tpu.memref_squeeze %dma_wait3A_44 : memref<1x512xi32, #tpu.memory_space<vmem>> -> memref<512xi32, #tpu.memory_space<vmem>>
      %dma_wait3A_46 = arith.constant 0 : i32
      %dma_wait3A_47 = arith.constant 0 : i32
      %dma_wait3A_48 = tpu.memref_slice %arg11[%dma_wait3A_46, %dma_wait3A_47] : memref<10112x8xf32, #tpu.memory_space<vmem_shared>> -> memref<10112x8xf32, #tpu.memory_space<vmem_shared>>
      tpu.wait_indirect_dma semaphore(%run_scoped3A_36 : memref<!tpu.dma_semaphore, #tpu.memory_space<semaphore_mem>>) src(%arg10 : memref<512x8xf32, #tpu.memory_space<vmem>>) dst(%dma_wait3A_48 : memref<10112x8xf32, #tpu.memory_space<vmem_shared>>)
      tpu.yield
    }) : () -> ()
    %barrier3A_35 = arith.constant 0 : index
    tpu.barrier barrier_id(%barrier3A_35)
    "tpu.region"() ({
      %run_scoped3A_36 = tpu.sem_alloc : memref<!tpu.dma_semaphore, #tpu.memory_space<semaphore_mem>>
      %dma_start3A_37 = arith.constant 0 : i32
      %dma_start3A_38 = tpu.memref_slice %arg6[%arg0, %mul3A_2, %dma_start3A_37] : memref<2x10112x8xf32, #tpu.memory_space<hbm>> -> memref<1x632x8xf32, #tpu.memory_space<hbm>>
      %dma_start3A_39 = tpu.memref_squeeze %dma_start3A_38 : memref<1x632x8xf32, #tpu.memory_space<hbm>> -> memref<632x8xf32, #tpu.memory_space<hbm>>
      %dma_start3A_40 = arith.constant 0 : i32
      %dma_start3A_41 = tpu.memref_slice %arg11[%mul3A_2, %dma_start3A_40] : memref<10112x8xf32, #tpu.memory_space<vmem_shared>> -> memref<632x8xf32, #tpu.memory_space<vmem_shared>>
      tpu.enqueue_dma source(%dma_start3A_41 : memref<632x8xf32, #tpu.memory_space<vmem_shared>>) target(%dma_start3A_39 : memref<632x8xf32, #tpu.memory_space<hbm>>) target_semaphore(%run_scoped3A_36 : memref<!tpu.dma_semaphore, #tpu.memory_space<semaphore_mem>>)
      %dma_wait3A_42 = arith.constant 0 : i32
      %dma_wait3A_43 = tpu.memref_slice %arg6[%arg0, %mul3A_2, %dma_wait3A_42] : memref<2x10112x8xf32, #tpu.memory_space<hbm>> -> memref<1x632x8xf32, #tpu.memory_space<hbm>>
      %dma_wait3A_44 = tpu.memref_squeeze %dma_wait3A_43 : memref<1x632x8xf32, #tpu.memory_space<hbm>> -> memref<632x8xf32, #tpu.memory_space<hbm>>
      %dma_wait3A_45 = arith.constant 0 : i32
      %dma_wait3A_46 = tpu.memref_slice %arg11[%mul3A_2, %dma_wait3A_45] : memref<10112x8xf32, #tpu.memory_space<vmem_shared>> -> memref<632x8xf32, #tpu.memory_space<vmem_shared>>
      tpu.wait_dma2 semaphore(%run_scoped3A_36 : memref<!tpu.dma_semaphore, #tpu.memory_space<semaphore_mem>>) src(%dma_wait3A_46 : memref<632x8xf32, #tpu.memory_space<vmem_shared>>) dst(%dma_wait3A_44 : memref<632x8xf32, #tpu.memory_space<hbm>>)
      tpu.yield
    }) : () -> ()
    return
  }
}

module attributes {stable_mosaic.version = 14 : i64} {
  func.func @_proj_body(%arg0: memref<10112x128xf32, #tpu.memory_space<vmem>>, %arg1: memref<128x8xf32, #tpu.memory_space<vmem>>, %arg2: memref<10112x8xf32, #tpu.memory_space<vmem>>) attributes {dimension_semantics = [], scalar_prefetch = 0 : i64, scratch_operands = 0 : i64, tpu.core_type = #tpu.core_type<tc>} {
    %get3A = arith.constant 0 : index
    %get3A_0 = arith.constant 0 : index
    %get3A_1 = vector.load %arg0[%get3A, %get3A_0] : memref<10112x128xf32, #tpu.memory_space<vmem>>, vector<10112x128xf32>
    %get3A_2 = arith.constant 0 : index
    %get3A_3 = arith.constant 0 : index
    %get3A_4 = vector.load %arg1[%get3A_2, %get3A_3] : memref<128x8xf32, #tpu.memory_space<vmem>>, vector<128x8xf32>
    %dot_general3A = arith.constant dense<0.000000e+00> : vector<10112x8xf32>
    %dot_general3A_5 = tpu.matmul %get3A_1, %get3A_4, %dot_general3A {dimension_numbers = #tpu.dot_dimension_numbers<[1], [0], [0], [1], [0, 0, 1, 1], [], []>, transpose_lhs_hint = false} : vector<10112x128xf32>, vector<128x8xf32>, vector<10112x8xf32> -> vector<10112x8xf32>
    %swap3A = arith.constant 0 : index
    %swap3A_6 = arith.constant 0 : index
    %swap3A_7 = vector.load %arg2[%swap3A, %swap3A_6] : memref<10112x8xf32, #tpu.memory_space<vmem>>, vector<10112x8xf32>
    tpu.vector_store %arg2[%swap3A, %swap3A_6], %dot_general3A_5 {strides = array<i32>} : memref<10112x8xf32, #tpu.memory_space<vmem>>, vector<10112x8xf32>,
    return
  }
}

module attributes {stable_mosaic.version = 14 : i64} {
  func.func @_prep_body(%arg0: memref<632x128xf32, #tpu.memory_space<vmem>>, %arg1: memref<632x128xf32, #tpu.memory_space<vmem>>, %arg2: memref<632x128xf32, #tpu.memory_space<vmem>>, %arg3: memref<632x128xf32, #tpu.memory_space<vmem>>, %arg4: memref<632x128xf32, #tpu.memory_space<vmem>>, %arg5: memref<632x128xf32, #tpu.memory_space<vmem>>, %arg6: memref<632x128xf32, #tpu.memory_space<vmem>>, %arg7: memref<632x128xf32, #tpu.memory_space<vmem>>) attributes {dimension_semantics = [], scalar_prefetch = 0 : i64, scratch_operands = 0 : i64, tpu.core_type = #tpu.core_type<tc>} {
    %get3A = arith.constant 0 : index
    %get3A_0 = arith.constant 0 : index
    %get3A_1 = vector.load %arg1[%get3A, %get3A_0] : memref<632x128xf32, #tpu.memory_space<vmem>>, vector<632x128xf32>
    %get3A_2 = arith.constant 0 : index
    %get3A_3 = arith.constant 0 : index
    %get3A_4 = vector.load %arg2[%get3A_2, %get3A_3] : memref<632x128xf32, #tpu.memory_space<vmem>>, vector<632x128xf32>
    %add3A = arith.addf %get3A_1, %get3A_4 : vector<632x128xf32>
    %max3A = arith.constant 1.000000e+00 : f32
    %max3A_5 = vector.broadcast %max3A : f32 to vector<632x128xf32>
    %max3A_6 = arith.maximumf %add3A, %max3A_5 : vector<632x128xf32>
    %rsqrt3A = math.rsqrt %max3A_6 : vector<632x128xf32>
    %get3A_7 = arith.constant 0 : index
    %get3A_8 = arith.constant 0 : index
    %get3A_9 = vector.load %arg3[%get3A_7, %get3A_8] : memref<632x128xf32, #tpu.memory_space<vmem>>, vector<632x128xf32>
    %get3A_10 = arith.constant 0 : index
    %get3A_11 = arith.constant 0 : index
    %get3A_12 = vector.load %arg4[%get3A_10, %get3A_11] : memref<632x128xf32, #tpu.memory_space<vmem>>, vector<632x128xf32>
    %add3A_13 = arith.addf %get3A_9, %get3A_12 : vector<632x128xf32>
    %max3A_14 = arith.constant 1.000000e+00 : f32
    %max3A_15 = vector.broadcast %max3A_14 : f32 to vector<632x128xf32>
    %max3A_16 = arith.maximumf %add3A_13, %max3A_15 : vector<632x128xf32>
    %rsqrt3A_17 = math.rsqrt %max3A_16 : vector<632x128xf32>
    %get3A_18 = arith.constant 0 : index
    %get3A_19 = arith.constant 0 : index
    %get3A_20 = vector.load %arg0[%get3A_18, %get3A_19] : memref<632x128xf32, #tpu.memory_space<vmem>>, vector<632x128xf32>
    %mul3A = arith.mulf %get3A_20, %rsqrt3A : vector<632x128xf32>
    %swap3A = arith.constant 0 : index
    %swap3A_21 = arith.constant 0 : index
    %swap3A_22 = vector.load %arg5[%swap3A, %swap3A_21] : memref<632x128xf32, #tpu.memory_space<vmem>>, vector<632x128xf32>
    tpu.vector_store %arg5[%swap3A, %swap3A_21], %mul3A {strides = array<i32>} : memref<632x128xf32, #tpu.memory_space<vmem>>, vector<632x128xf32>,
    %swap3A_23 = arith.constant 0 : index
    %swap3A_24 = arith.constant 0 : index
    %swap3A_25 = vector.load %arg6[%swap3A_23, %swap3A_24] : memref<632x128xf32, #tpu.memory_space<vmem>>, vector<632x128xf32>
    tpu.vector_store %arg6[%swap3A_23, %swap3A_24], %rsqrt3A {strides = array<i32>} : memref<632x128xf32, #tpu.memory_space<vmem>>, vector<632x128xf32>,
    %swap3A_26 = arith.constant 0 : index
    %swap3A_27 = arith.constant 0 : index
    %swap3A_28 = vector.load %arg7[%swap3A_26, %swap3A_27] : memref<632x128xf32, #tpu.memory_space<vmem>>, vector<632x128xf32>
    tpu.vector_store %arg7[%swap3A_26, %swap3A_27], %rsqrt3A_17 {strides = array<i32>} : memref<632x128xf32, #tpu.memory_space<vmem>>, vector<632x128xf32>,
    return
  }
}

module attributes {stable_mosaic.version = 14 : i64} {
  func.func @_mid1_body(%arg0: memref<632x128xf32, #tpu.memory_space<vmem>>, %arg1: memref<632x128xf32, #tpu.memory_space<vmem>>, %arg2: memref<632x128xf32, #tpu.memory_space<vmem>>, %arg3: memref<632x128xf32, #tpu.memory_space<vmem>>, %arg4: memref<8x128xf32, #tpu.memory_space<vmem>>, %arg5: memref<632x128xf32, #tpu.memory_space<vmem>>) attributes {dimension_semantics = [], scalar_prefetch = 0 : i64, scratch_operands = 0 : i64, tpu.core_type = #tpu.core_type<tc>} {
    %get3A = arith.constant 0 : index
    %get3A_0 = arith.constant 0 : index
    %get3A_1 = vector.load %arg0[%get3A, %get3A_0] : memref<632x128xf32, #tpu.memory_space<vmem>>, vector<632x128xf32>
    %get3A_2 = arith.constant 0 : index
    %get3A_3 = arith.constant 0 : index
    %get3A_4 = vector.load %arg1[%get3A_2, %get3A_3] : memref<632x128xf32, #tpu.memory_space<vmem>>, vector<632x128xf32>
    %add3A = arith.addf %get3A_1, %get3A_4 : vector<632x128xf32>
    %get3A_5 = arith.constant 0 : index
    %get3A_6 = arith.constant 0 : index
    %get3A_7 = vector.load %arg3[%get3A_5, %get3A_6] : memref<632x128xf32, #tpu.memory_space<vmem>>, vector<632x128xf32>
    %mul3A = arith.mulf %add3A, %get3A_7 : vector<632x128xf32>
    %get3A_8 = arith.constant 0 : index
    %get3A_9 = arith.constant 0 : index
    %get3A_10 = vector.load %arg4[%get3A_8, %get3A_9] : memref<8x128xf32, #tpu.memory_space<vmem>>, vector<1x128xf32>
    %add3A_11 = vector.broadcast %get3A_10 : vector<1x128xf32> to vector<632x128xf32>
    %add3A_12 = arith.addf %mul3A, %add3A_11 : vector<632x128xf32>
    %get3A_13 = arith.constant 0 : index
    %get3A_14 = arith.constant 0 : index
    %get3A_15 = vector.load %arg2[%get3A_13, %get3A_14] : memref<632x128xf32, #tpu.memory_space<vmem>>, vector<632x128xf32>
    %mul3A_16 = arith.mulf %add3A_12, %get3A_15 : vector<632x128xf32>
    %swap3A = arith.constant 0 : index
    %swap3A_17 = arith.constant 0 : index
    %swap3A_18 = vector.load %arg5[%swap3A, %swap3A_17] : memref<632x128xf32, #tpu.memory_space<vmem>>, vector<632x128xf32>
    tpu.vector_store %arg5[%swap3A, %swap3A_17], %mul3A_16 {strides = array<i32>} : memref<632x128xf32, #tpu.memory_space<vmem>>, vector<632x128xf32>,
    return
  }
}

module attributes {stable_mosaic.version = 14 : i64} {
  func.func @_mid2_body(%arg0: memref<632x128xf32, #tpu.memory_space<vmem>>, %arg1: memref<632x128xf32, #tpu.memory_space<vmem>>, %arg2: memref<128x128xf32, #tpu.memory_space<vmem>>, %arg3: memref<632x128xf32, #tpu.memory_space<vmem>>, %arg4: memref<632x128xf32, #tpu.memory_space<vmem>>, %arg5: memref<8x128xf32, #tpu.memory_space<vmem>>, %arg6: memref<632x128xf32, #tpu.memory_space<vmem>>) attributes {dimension_semantics = [], scalar_prefetch = 0 : i64, scratch_operands = 0 : i64, tpu.core_type = #tpu.core_type<tc>} {
    %get3A = arith.constant 0 : index
    %get3A_0 = arith.constant 0 : index
    %get3A_1 = vector.load %arg0[%get3A, %get3A_0] : memref<632x128xf32, #tpu.memory_space<vmem>>, vector<632x128xf32>
    %get3A_2 = arith.constant 0 : index
    %get3A_3 = arith.constant 0 : index
    %get3A_4 = vector.load %arg1[%get3A_2, %get3A_3] : memref<632x128xf32, #tpu.memory_space<vmem>>, vector<632x128xf32>
    %add3A = arith.addf %get3A_1, %get3A_4 : vector<632x128xf32>
    %get3A_5 = arith.constant 0 : index
    %get3A_6 = arith.constant 0 : index
    %get3A_7 = vector.load %arg2[%get3A_5, %get3A_6] : memref<128x128xf32, #tpu.memory_space<vmem>>, vector<128x128xf32>
    %dot_general3A = arith.constant dense<0.000000e+00> : vector<632x128xf32>
    %dot_general3A_8 = tpu.matmul %add3A, %get3A_7, %dot_general3A {dimension_numbers = #tpu.dot_dimension_numbers<[1], [0], [0], [1], [0, 0, 1, 1], [], []>, transpose_lhs_hint = false} : vector<632x128xf32>, vector<128x128xf32>, vector<632x128xf32> -> vector<632x128xf32>
    %get3A_9 = arith.constant 0 : index
    %get3A_10 = arith.constant 0 : index
    %get3A_11 = vector.load %arg4[%get3A_9, %get3A_10] : memref<632x128xf32, #tpu.memory_space<vmem>>, vector<632x128xf32>
    %mul3A = arith.mulf %dot_general3A_8, %get3A_11 : vector<632x128xf32>
    %get3A_12 = arith.constant 0 : index
    %get3A_13 = arith.constant 0 : index
    %get3A_14 = vector.load %arg5[%get3A_12, %get3A_13] : memref<8x128xf32, #tpu.memory_space<vmem>>, vector<1x128xf32>
    %add3A_15 = vector.broadcast %get3A_14 : vector<1x128xf32> to vector<632x128xf32>
    %add3A_16 = arith.addf %mul3A, %add3A_15 : vector<632x128xf32>
    %get3A_17 = arith.constant 0 : index
    %get3A_18 = arith.constant 0 : index
    %get3A_19 = vector.load %arg3[%get3A_17, %get3A_18] : memref<632x128xf32, #tpu.memory_space<vmem>>, vector<632x128xf32>
    %mul3A_20 = arith.mulf %add3A_16, %get3A_19 : vector<632x128xf32>
    %swap3A = arith.constant 0 : index
    %swap3A_21 = arith.constant 0 : index
    %swap3A_22 = vector.load %arg6[%swap3A, %swap3A_21] : memref<632x128xf32, #tpu.memory_space<vmem>>, vector<632x128xf32>
    tpu.vector_store %arg6[%swap3A, %swap3A_21], %mul3A_20 {strides = array<i32>} : memref<632x128xf32, #tpu.memory_space<vmem>>, vector<632x128xf32>,
    return
  }
}

module attributes {stable_mosaic.version = 14 : i64} {
  func.func @_fin_body(%arg0: memref<632x128xf32, #tpu.memory_space<vmem>>, %arg1: memref<632x128xf32, #tpu.memory_space<vmem>>, %arg2: memref<128x128xf32, #tpu.memory_space<vmem>>, %arg3: memref<632x128xf32, #tpu.memory_space<vmem>>, %arg4: memref<8x128xf32, #tpu.memory_space<vmem>>, %arg5: memref<632x128xf32, #tpu.memory_space<vmem>>) attributes {dimension_semantics = [], scalar_prefetch = 0 : i64, scratch_operands = 0 : i64, tpu.core_type = #tpu.core_type<tc>} {
    %get3A = arith.constant 0 : index
    %get3A_0 = arith.constant 0 : index
    %get3A_1 = vector.load %arg0[%get3A, %get3A_0] : memref<632x128xf32, #tpu.memory_space<vmem>>, vector<632x128xf32>
    %get3A_2 = arith.constant 0 : index
    %get3A_3 = arith.constant 0 : index
    %get3A_4 = vector.load %arg1[%get3A_2, %get3A_3] : memref<632x128xf32, #tpu.memory_space<vmem>>, vector<632x128xf32>
    %add3A = arith.addf %get3A_1, %get3A_4 : vector<632x128xf32>
    %get3A_5 = arith.constant 0 : index
    %get3A_6 = arith.constant 0 : index
    %get3A_7 = vector.load %arg2[%get3A_5, %get3A_6] : memref<128x128xf32, #tpu.memory_space<vmem>>, vector<128x128xf32>
    %dot_general3A = arith.constant dense<0.000000e+00> : vector<632x128xf32>
    %dot_general3A_8 = tpu.matmul %add3A, %get3A_7, %dot_general3A {dimension_numbers = #tpu.dot_dimension_numbers<[1], [0], [0], [1], [0, 0, 1, 1], [], []>, transpose_lhs_hint = false} : vector<632x128xf32>, vector<128x128xf32>, vector<632x128xf32> -> vector<632x128xf32>
    %get3A_9 = arith.constant 0 : index
    %get3A_10 = arith.constant 0 : index
    %get3A_11 = vector.load %arg3[%get3A_9, %get3A_10] : memref<632x128xf32, #tpu.memory_space<vmem>>, vector<632x128xf32>
    %mul3A = arith.mulf %dot_general3A_8, %get3A_11 : vector<632x128xf32>
    %get3A_12 = arith.constant 0 : index
    %get3A_13 = arith.constant 0 : index
    %get3A_14 = vector.load %arg4[%get3A_12, %get3A_13] : memref<8x128xf32, #tpu.memory_space<vmem>>, vector<1x128xf32>
    %add3A_15 = vector.broadcast %get3A_14 : vector<1x128xf32> to vector<632x128xf32>
    %add3A_16 = arith.addf %mul3A, %add3A_15 : vector<632x128xf32>
    %swap3A = arith.constant 0 : index
    %swap3A_17 = arith.constant 0 : index
    %swap3A_18 = vector.load %arg5[%swap3A, %swap3A_17] : memref<632x128xf32, #tpu.memory_space<vmem>>, vector<632x128xf32>
    tpu.vector_store %arg5[%swap3A, %swap3A_17], %add3A_16 {strides = array<i32>} : memref<632x128xf32, #tpu.memory_space<vmem>>, vector<632x128xf32>,
    return
  }
}

</mosaic_0001>

<sc_bundles>
// kernel: kernel.11.cloned.1.call-start
scs
__scs_entry_jumppad:
0x0: {  	(pc) =	sbr.rel $0x88, $3  }
0x1: {  	(tag) =	ssettag $0x0;
	lr =	simm.s32 $0x1  }
0x2: {  	[smem:$0x3F99] =	sst lr;
	_ =	strace $0xD0000000  }
0x3: {  	_ = 	snop  }
0x4: {  	_ = 	snop  }
0x5: {  	_ = 	snop  }
0x6: {  	_ = 	snop  }
0x7: {  	_ = 	snop  }
__scs_overlays_trampoline_lowered:
0x8: {  	[smem:$0x3FA8] =	sst s0  }
0x9: {  	[smem:$0x3FA9] =	sst s1  }
0xa: {  	[smem:$0x3FAA] =	sst s2  }
0xb: {  	[smem:$0x3FAB] =	sst s3  }
0xc: {  	[smem:$0x3FAC] =	sst s4  }
0xd: {  	[smem:$0x3FAD] =	sst s5  }
0xe: {  	[smem:$0x3FAE] =	sst s6  }
0xf: {  	[smem:$0x3FAF] =	sst s7  }
0x10: {  	[smem:$0x3FB0] =	sst s8  }
0x11: {  	[smem:$0x3FB1] =	sst s9;
	s0 =	simm.s32 @!p0 $0x0  }
0x12: {  	s1 =	sld [smem:$0x3F97];
	s0 =	simm.s32 @p0 $0x1  }
0x13: {  	[smem:$0x3FB2] =	sst s0;
	s0 =	simm.s32 @!p1 $0x0  }
0x14: {  	s2 =	sld [smem:$0x3F96];
	s0 =	simm.s32 @p1 $0x1  }
0x15: {  	[smem:$0x3FB3] =	sst s0;
	s0 =	simm.s32 @!p2 $0x0  }
0x16: {  	s3 =	sld [smem:$0x3FDB];
	s0 =	simm.s32 @p2 $0x1  }
0x17: {  	s4 =	simm.s32 $0x1BF5;
	[smem:$0x3FB5] =	sst s0  }
0x18: {  	s0 =	sld [smem:$0x3F98];
	_ =	swait.ge [sflag:s4], $0x0  }
0x19: {  	s7 =	sld [smem:$0x3F99]  }
0x1a: {  	s8 =	sadd.s32 $0xFFFFE003, lr  }
0x1b: {  	s9 =	sadd.s32 $0xFFFFFEF7, lr;
	s5 =	simm.s32 $0xFFFFFFFF;
	p2 =	slt.u32 s8, $0xFFFFF086  }
0x1c: {  	p1 =	slt.u32 s9, $0xF7A;
	s5 =	simm.s32 @!p2 $0x0  }
0x1d: {  	s5 =	simm.s32 @p1 $0x1;
	p0 =	seq.s32 s7, s2  }
0x1e: {  	s7 =	smul.u32 @!p0 $0xF7A, s2;
	p2 =	seq.s32 @!p0 s5, $0x0  }
0x1f: {  	s9 =	smul.u32 $0xF7A, s1;
	s8 =	simm.s32 @!p0 $0x1BF5;
	p2 =	por !p2, p0  }
0x20: {  	[sflag:s8] =	ssyncset.s32 @!p0 $0xFFFFF086;
	s6 =	sadd.s32 @!p0 s3, s7;
	s7 =	simm.s32 @!p0 $0x108  }
0x21: {  	s3 =	sadd.s32 s3, s9;
	s6 =	sadd.s32 @!p0 $0x88, s6;
	s7 =	simm.s32 @p2 $0x1082  }
0x22: {  	[simem:s7], [sflag:s8] =	dma.local @!p0 [hbm:s6], $0xF7A  }
0x23: {  	s9 =	sor.u32 $0xD0000000, s2;
	s6 =	simm.s32 $0x108;
	_ =	swait.ge @!p0 [sflag:s8], $0x0  }
0x24: {  	s3 =	sadd.s32 $0x88, s3;
	s6 =	simm.s32 @!p1 $0x1082;
	[sflag:s4] =	ssyncset.s32 $0xFFFFF086  }
0x25: {  	[simem:s6], [sflag:s4] =	dma.local [hbm:s3], $0xF7A  }
0x26: {  	[smem:$0x3F99] =	sst s1;
	(tag) =	ssettag s2;
	_ =	strace s9  }
0x27: {  	s1 =	sld [smem:$0x3FA9]  }
0x28: {  	s2 =	sld [smem:$0x3FAA]  }
0x29: {  	s4 =	sld [smem:$0x3FAC]  }
0x2a: {  	p0 =	seq.s32 s5, $0x0;
	s5 =	sld [smem:$0x3FAD]  }
0x2b: {  	s6 =	sld [smem:$0x3FAE]  }
0x2c: {  	s7 =	sld [smem:$0x3FAF]  }
0x2d: {  	s3 =	simm.s32 $0x108;
	s8 =	sld [smem:$0x3FB0]  }
0x2e: {  	s3 =	simm.s32 @!p0 $0x1082;
	s9 =	sld [smem:$0x3FB1]  }
0x2f: {  	lr =	sadd.s32 s0, s3;
	s0 =	sld [smem:$0x3FA8]  }
0x30: {  	s3 =	sld [smem:$0x3FAB]  }
0x31: {  	[smem:$0x3FB4] =	sst s10  }
0x32: {  	s10 =	sld [smem:$0x3FB2];
	_ =	sdelay $0x3  }
0x33: {  	p0 =	seq.s32 s10, $0x1;
	s10 =	sld [smem:$0x3FB4];
	_ =	sdelay $0x3  }
0x34: {  	[smem:$0x3FB4] =	sst s10  }
0x35: {  	s10 =	sld [smem:$0x3FB3];
	_ =	sdelay $0x3  }
0x36: {  	p1 =	seq.s32 s10, $0x1;
	s10 =	sld [smem:$0x3FB4];
	_ =	sdelay $0x3  }
0x37: {  	[smem:$0x3FB4] =	sst s10  }
0x38: {  	s10 =	sld [smem:$0x3FB5]  }
0x39: {  	_ = 	snop;
	(pc) =	sbr.ind lr, $3  }
0x3a: {  	_ = 	snop  }
0x3b: {  	_ = 	snop  }
0x3c: {  	p2 =	seq.s32 s10, $0x1;
	s10 =	sld [smem:$0x3FB4]  }
0x3d: {  	_ =	shalt  }
0x3e: {  	_ =	shalt  }
0x3f: {  	_ =	shalt  }
0x40: {  	_ =	shalt  }
0x41: {  	_ =	shalt  }
0x42: {  	_ =	shalt  }
0x43: {  	_ =	shalt  }
0x44: {  	_ =	shalt  }
0x45: {  	_ =	shalt  }
0x46: {  	_ =	shalt  }
0x47: {  	_ =	shalt  }
0x48: {  	_ =	shalt  }
0x49: {  	_ =	shalt  }
0x4a: {  	_ =	shalt  }
0x4b: {  	_ =	shalt  }
0x4c: {  	_ =	shalt  }
0x4d: {  	_ =	shalt  }
0x4e: {  	_ =	shalt  }
0x4f: {  	_ =	shalt  }
0x50: {  	_ =	shalt  }
0x51: {  	_ =	shalt  }
0x52: {  	_ =	shalt  }
0x53: {  	_ =	shalt  }
0x54: {  	_ =	shalt  }
0x55: {  	_ =	shalt  }
0x56: {  	_ =	shalt  }
0x57: {  	_ =	shalt  }
0x58: {  	_ =	shalt  }
0x59: {  	_ =	shalt  }
0x5a: {  	_ =	shalt  }
0x5b: {  	_ =	shalt  }
0x5c: {  	_ =	shalt  }
0x5d: {  	_ =	shalt  }
0x5e: {  	_ =	shalt  }
0x5f: {  	_ =	shalt  }
0x60: {  	_ =	shalt  }
0x61: {  	_ =	shalt  }
0x62: {  	_ =	shalt  }
0x63: {  	_ =	shalt  }
0x64: {  	_ =	shalt  }
0x65: {  	_ =	shalt  }
0x66: {  	_ =	shalt  }
0x67: {  	_ =	shalt  }
0x68: {  	_ =	shalt  }
0x69: {  	_ =	shalt  }
0x6a: {  	_ =	shalt  }
0x6b: {  	_ =	shalt  }
0x6c: {  	_ =	shalt  }
0x6d: {  	_ =	shalt  }
0x6e: {  	_ =	shalt  }
0x6f: {  	_ =	shalt  }
0x70: {  	_ =	shalt  }
0x71: {  	_ =	shalt  }
0x72: {  	_ =	shalt  }
0x73: {  	_ =	shalt  }
0x74: {  	_ =	shalt  }
0x75: {  	_ =	shalt  }
0x76: {  	_ =	shalt  }
0x77: {  	_ =	shalt  }
0x78: {  	_ =	shalt  }
0x79: {  	_ =	shalt  }
0x7a: {  	_ =	shalt  }
0x7b: {  	_ =	shalt  }
0x7c: {  	_ =	shalt  }
0x7d: {  	_ =	shalt  }
0x7e: {  	_ =	shalt  }
0x7f: {  	_ =	shalt  }
0x80: {  	_ =	shalt  }
0x81: {  	_ =	shalt  }
0x82: {  	_ =	shalt  }
0x83: {  	_ =	shalt  }
0x84: {  	_ =	shalt  }
0x85: {  	_ =	shalt  }
0x86: {  	_ =	shalt  }
0x87: {  	_ =	shalt  }
.Lfunc_end0:
.L_simem_size_0:
called_computation_lowered:
.L_overlay_start_0:
0x88: {  	s2 =	sld [smem:$0x3FD9]  }
0x89: {  	s3 =	sld [smem:$0x3FFE];
	_ =	sdelay $0x1  }
0x8a: {  	s1 =	srdreg.scid  }
0x8b: {  	s0 =	sand.u32 $0x1, s1  }
0x8c: {  	s17 =	sshll.u32 s0, $0xA;
	s2 =	sadd.s32 s3, s2  }
0x8d: {  	s2 =	sadd.s32 s2, s17  }
0x8e: {  	[smem:$0x3FC0] =	sst s2  }
0x8f: {  	_ = 	snop  }
0x90: {  	s2 =	sld [smem:$0x3FD0];
	(tm) =	ssettm $0x1  }
0x91: {  	s18 =	sld [smem:$0x3FFB];
	_ =	sdelay $0x3  }
0x92: {  	_ =	strace s18  }
0x93: {  	s3 =	sld [smem:$0x3FFC];
	_ =	sdelay $0x3  }
0x94: {  	_ =	strace s3  }
0x95: {  	s3 =	sld [smem:$0x3FFD];
	_ =	sdelay $0x3  }
0x96: {  	_ =	strace s3  }
0x97: {  	_ =	strace $0x8FFFFFFF  }
0x98: {  	s19 =	sld [smem:$0x3FDB];
	_ =	sdelay $0x1  }
0x99: {  	s4 =	simm.s32 $_scs_section_size  }
0x9a: {  	s5 =	simm.s32 $_size__tile_overlayer_lowered;
	s6 =	simm.s32 $_tile_overlayer_lowered  }
0x9b: {  	s22 =	simm.s32 $0x1BFF;
	s21 =	sshll.u32 s6, $0x1;
	s3 =	sadd.s32 s4, s19  }
0x9c: {  	s7 =	simm.s32 $0x0;
	s20 =	sshll.u32 s5, $0x1;
	s5 =	sadd.s32 s21, s3  }
0x9d: {  	[timem:s7], [sflag:s22] =	dma.local [hbm:s5], s20  }
0x9e: {  	_ =	swait.ge [sflag:s22], s20  }
0x9f: {  	s4 =	ssub.s32 $0x0, s20;
	[sflag:s22] =	ssyncset.done $0x0  }
0xa0: {  	[sflag:s22] =	ssyncadd.s32 s4;
	_ =	sdelay $0x1  }
0xa1: {  	s23 =	simm.s32 $0x1B8B  }
0xa2: {  	_ =	swait.ge [sflag:s23], $0x1  }
0xa3: {  	[sflag:s23] =	ssyncset.done $0x0  }
0xa4: {  	s25 =	simm.s32 $0x1B8E;
	s24 =	sld [smem:$0x3FFE];
	[sflag:s23] =	ssyncadd.s32 $0xFFFFFFFF  }
0xa5: {  	s26 =	simm.s32 $execute0_lowered;
	[smem:$0x3FD2] =	sst s25  }
0xa6: {  	s5 =	sshll.u32 s26, $0x1;
	_ =	strace $0x80000046;
	[dreg:$0x1] =	wrdreg $0xFFFFFFFF  }
0xa7: {  	s28 =	simm.s32 $_size_execute0_lowered;
	s3 =	sadd.s32 s3, s5;
	[dreg:$0x0] =	wrdreg $0x0  }
0xa8: {  	s5 =	sshll.u32 s28, $0x1;
	[dreg:$0x2] =	wrdreg s3  }
0xa9: {  	[dreg:$0x3] =	wrdreg s5  }
0xaa: {  	[dreg:$0x4] =	wrdreg $0xC0  }
0xab: {  	_ =	task [dreg:s7], $0x5FFFF  }
0xac: {  	[dreg:$0x1] =	wrdreg $0xFFFFFFFF  }
0xad: {  	[dreg:$0x0] =	wrdreg $0x60  }
0xae: {  	[dreg:$0x2] =	wrdreg s24  }
0xaf: {  	[dreg:$0x3] =	wrdreg s2  }
0xb0: {  	[dreg:$0x4] =	wrdreg $0x60000  }
0xb1: {  	[dreg:$0x5] =	wrdreg $0x73C00  }
0xb2: {  	[dreg:$0x6] =	wrdreg $0x9  }
0xb3: {  	_ =	task.clear_ibuf [dreg:s7], $0x7FFFF;
	_ =	strace $0x90000046  }
0xb4: {  	s29 =	simm.s32 $0x9;
	_ =	strace $0x80000048  }
0xb5: {  	_ =	swait.ge [sflag:s29], $0x1  }
0xb6: {  	[sflag:s29] =	ssyncadd.s32 $0xFFFFFFFF  }
0xb7: {  	_ =	strace $0x90000048  }
0xb8: {  	_ =	sfence  }
0xb9: {  	s30 =	sld [smem:$0x0];
	_ =	sdelay $0x2  }
0xba: {  	s31 =	sshll.u32 s1, $0xD;
	s1 =	sshrl.u32 s1, $0x2  }
0xbb: {  	s3 =	sand.u32 $0x4000, s31;
	s1 =	sadd.s32 s1, s30  }
0xbc: {  	s0 =	sor.u32 s3, s0;
	s1 =	sshll.u32 s1, $0x11  }
0xbd: {  	s0 =	sor.u32 s1, s0  }
0xbe: {  	s0 =	sadd.s32 $0x8F2B, s0  }
0xbf: {  	[sflag:s0] =	ssyncadd.remote.s32 $0x1  }
0xc0: {  	_ =	sfence.sel $0xFFFF  }
0xc1: {  	[dreg:$0x0] =	wrdreg $0xFFFFFFFF;
	(pc) =	sbr.abs _section_cstart, $3  }
0xc2: {  	[dreg:$0x1] =	wrdreg $0xFFFFFFFF  }
0xc3: {  	_ =	task.clear_ibuf [dreg:s7], $0x2FFFF;
	_ =	strace $0x9FFFFFFF  }
0xc4: {  	(tm) =	ssettm $0x7FFFFFFF  }
0xc5: {  	_ =	shalt  }
tec
execute0_lowered:
.L_overlay_start_1:
0x0: {  	(tag) =	ssettag $0x1  }
0x1: {  	s7 =	rddreg [dreg:$0x0]  }
0x2: {  	s8 =	rddreg [dreg:$0x1]  }
0x3: {  	s2 =	rddreg [dreg:$0x2]  }
0x4: {  	s0 =	srdreg.scid;
	s3 =	rddreg [dreg:$0x3];
	s4 =	simm.s32 $0x0  }
0x5: {  	s17 =	simm.s32 $0x2800;
	s6 =	sand.u32 $0x1, s0;
	s0 =	stileid.u32  }
0x6: {  	s18 =	simm.s32 $0x200;
	s19 =	simm.s32 $0x0;
	s9 =	smul.u32 $0x13C0, s0  }
0x7: {  	[smem:$0x7FF] =	sst s4;
	s1 =	sshll.u32 s6, $0x4;
	s10 =	smul.u32 $0x13C00, s6  }
0x8: {  	s6 =	ssub.s32 $0x2, s6;
	s14 =	sshll.u32 s0, $0x6;
	s1 =	sor.u32 s0, s1  }
0x9: {  	s31 =	sshrl.u32 s6, $0x1;
	s14 =	sor.u32 $0x1C01, s14;
	s5 =	smul.u32 $0x500, s1  }
0xa: {  	s1 =	rddreg [dreg:$0x4];
	_ =	strace $0x80000047;
	s10 =	sadd.s32 s9, s10  }
0xb: {  	s12 =	sshrl.u32 s9, $0x3;
	s13 =	ssub.s32 s6, s31;
	s15 =	sadd.s32 s9, s2  }
0xc: {  	s16 =	sadd.s32 s9, s3;
	s10 =	sshrl.u32 s10, $0x3;
	s6 =	sadd.s32 s8, s12  }
0xd: {  	s12 =	simm.s32 $0x5000;
	s15 =	sshrl.u32 s15, $0x3;
	s16 =	sshrl.u32 s16, $0x3  }
0xe: {  	s11 =	sadd.s32 s5, s7;
	s5 =	sadd.s32 $0x17800, s7;
	s10 =	sadd.s32 s10, s7  }
0xf: {  	s7 =	sadd.s32 $0xD800, s11;
	s8 =	sadd.s32 $0x3800, s11;
	s9 =	sadd.s32 $0x1CA00, s10  }
0x10: {  	s10 =	sadd.s32 $0x17A00, s10;
	s11 =	smax.u32 s13, $0x1;
	s13 =	simm.s32 $0x1  }
.LBB2_1:
0x11: {  	[tilespmem:s12], [sflag:$0x1] =	stream.linear.gather [hbm4b:s5+s4], $0x1000, $0x38;
	[tilespmem:$0x8780] =	vst v63  }
0x12: {  	_ =	swait.ge [sflag:s13], $0x1000  }
0x13: {  	[sflag:s13] =	ssyncset.done $0x0  }
0x14: {  	[sflag:s13] =	ssyncadd.s32 $0xFFFFF000  }
0x15: {  	[spmem:s15], [sflag:s14] =	dma.local [hbm:s6], $0x278  }
0x16: {  	_ =	swait.ge [sflag:s13], $0x278  }
0x17: {  	[sflag:s13] =	ssyncset.done $0x0  }
0x18: {  	[sflag:s13] =	ssyncadd.s32 $0xFFFFFD88  }
0x19: {  	[spmem:s16], [sflag:s14] =	dma.local [hbm:s6], $0x278  }
0x1a: {  	_ =	swait.ge [sflag:s13], $0x278  }
0x1b: {  	[sflag:s13] =	ssyncset.done $0x0  }
0x1c: {  	[sflag:s13] =	ssyncadd.s32 $0xFFFFFD88  }
0x1d: {  	[tilespmem:s4], [sflag:$0x1] =	stream.linear.gather [hbm4b:s7+s4], $0x2800, $0x38;
	[tilespmem:$0x8780] =	vst v63  }
0x1e: {  	_ =	swait.ge [sflag:s13], $0x2800  }
0x1f: {  	[sflag:s13] =	ssyncset.done $0x0  }
0x20: {  	[sflag:s13] =	ssyncadd.s32 $0xFFFFD800  }
0x21: {  	[tilespmem:s17], [sflag:$0x1] =	stream.linear.gather [hbm4b:s8+s4], $0x2800, $0x38;
	[tilespmem:$0x8780] =	vst v63  }
0x22: {  	_ =	swait.ge [sflag:s13], $0x2800  }
0x23: {  	[sflag:s13] =	ssyncset.done $0x0  }
0x24: {  	[sflag:s13] =	ssyncadd.s32 $0xFFFFD800  }
0x25: {  	s20 =	simm.s32 $0x0;
	[bflag:$0x0] =	sbarrier.arrive $0xFFFF  }
0x26: {  	[spmem:s2] =	stream.indirect.scatter.add.f32 [tilespmem:s12], [sflag:$0x1], $0x8, s20, s18, $0xb8;
	[tilespmem:$0x8780] =	vst v63  }
0x27: {  	_ =	swait.ge [sflag:s13], $0x1000  }
0x28: {  	[sflag:s13] =	ssyncset.done $0x0  }
0x29: {  	s31 =	simm.s32 $0x2800;
	[sflag:s13] =	ssyncadd.s32 $0xFFFFF000  }
0x2a: {  	[spmem:s3] =	stream.indirect.scatter.add.f32 [tilespmem:s12], [sflag:$0x1], $0x8, s31, s18, $0xb8;
	[tilespmem:$0x8780] =	vst v63  }
0x2b: {  	_ =	swait.ge [sflag:s13], $0x1000  }
0x2c: {  	s21 =	simm.s32 $0x1000;
	s20 =	simm.s32 $0x800;
	[sflag:s13] =	ssyncset.done $0x0  }
.LBB2_2:
0x2d: {  	s22 =	sshra.s32 s20, $0x2  }
0x2e: {  	[sflag:s13] =	ssyncadd.s32 $0xFFFFF000;
	s20 =	smov.u32 s21;
	s23 =	sadd.s32 $0x800, s21  }
0x2f: {  	[spmem:s2] =	stream.indirect.scatter.add.f32 [tilespmem:s12], [sflag:$0x1], $0x8, s22, s18, $0xb8;
	[tilespmem:$0x8780] =	vst v63  }
0x30: {  	p0 =	sne.s32 s21, $0x9800;
	_ =	swait.ge [sflag:s13], $0x1000  }
.Ltmp0:
0x31: {  	[sflag:s13] =	ssyncset.done $0x0;
	(pc) =	sbr.rel @p0 .LBB2_2-.Ltmp0, $4  }
0x32: {  	s21 =	sadd.s32 $0x2800, s22;
	[sflag:s13] =	ssyncadd.s32 $0xFFFFF000  }
0x33: {  	[spmem:s3] =	stream.indirect.scatter.add.f32 [tilespmem:s12], [sflag:$0x1], $0x8, s21, s18, $0xb8;
	[tilespmem:$0x8780] =	vst v63  }
0x34: {  	_ =	swait.ge [sflag:s13], $0x1000  }
0x35: {  	s21 =	smov.u32 s23;
	[sflag:s13] =	ssyncset.done $0x0  }
0x36: {  	s20 =	sshra.s32 s20, $0x2;
	[sflag:s13] =	ssyncadd.s32 $0xFFFFF000  }
0x37: {  	[spmem:s2] =	stream.indirect.scatter.add.f32 [tilespmem:s12], [sflag:$0x1], $0x8, s20, s18, $0xb8;
	[tilespmem:$0x8780] =	vst v63  }
0x38: {  	_ =	swait.ge [sflag:s13], $0x1000  }
0x39: {  	[sflag:s13] =	ssyncset.done $0x0  }
0x3a: {  	s20 =	sadd.s32 $0x2800, s20;
	[sflag:s13] =	ssyncadd.s32 $0xFFFFF000  }
0x3b: {  	[spmem:s3] =	stream.indirect.scatter.add.f32 [tilespmem:s12], [sflag:$0x1], $0x8, s20, s18, $0xb8;
	[tilespmem:$0x8780] =	vst v63  }
0x3c: {  	_ =	swait.ge [sflag:s13], $0x1000  }
0x3d: {  	[sflag:s13] =	ssyncset.done $0x0  }
0x3e: {  	[sflag:s13] =	ssyncadd.s32 $0xFFFFF000  }
0x3f: {  	[bflag:$0x0] =	sbarrier.arrive $0xFFFF  }
0x40: {  	[hbm:s9], [sflag:s14] =	dma.local [spmem:s15], $0x278  }
0x41: {  	s19 =	sadd.s32 $0x1, s19;
	_ =	swait.ge [sflag:s13], $0x278  }
0x42: {  	p0 =	sne.s32 s19, s11;
	[sflag:s13] =	ssyncset.done $0x0  }
.Ltmp1:
0x43: {  	[sflag:s13] =	ssyncadd.s32 $0xFFFFFD88;
	(pc) =	sbr.rel @p0 .LBB2_1-.Ltmp1, $4  }
0x44: {  	[hbm:s10], [sflag:s14] =	dma.local [spmem:s16], $0x278  }
0x45: {  	_ =	swait.ge [sflag:s13], $0x278  }
0x46: {  	[sflag:s13] =	ssyncset.done $0x0  }
0x47: {  	[sflag:s13] =	ssyncadd.s32 $0xFFFFFD88  }
0x48: {  	_ =	sfence.sel $0x180000  }
0x49: {  	[bflag:$0x0] =	sbarrier.arrive $0xFFFF  }
0x4a: {  	p0 =	sne.s32 s0, $0x0;
	_ =	strace $0x90000047  }
0x4b: {  	s0 =	sadd.s32 @!p0 $0x100000, s1;
	[bflag:$0x2] =	sbarrier.arrive $0xFFFF  }
0x4c: {  	[sflag:s0] =	ssyncadd.tile.s32 @!p0 $0x1;
	_ =	shalt  }
.Lfunc_end2:
_tile_overlayer_lowered:
.L_overlay_start_2:
0x4d: {  	(tag) =	ssettag $0x2  }
0x4e: {  	s0 =	rddreg [dreg:$0x0];
	s2 =	stileid.u32  }
0x4f: {  	s1 =	rddreg [dreg:$0x1];
	p0 =	sne.s32 s2, $0x0  }
0x50: {  	s3 =	rddreg [dreg:$0x2];
	[bflag:$0x3] =	sbarrier.arrive $0xFFFF;
	s2 =	simm.s32 @!p0 $0x1C01  }
0x51: {  	[timem:s3], [sflag:s2] =	dma.local @!p0 [hbm:s0], s1  }
0x52: {  	s0 =	simm.s32 @!p0 $0x1  }
0x53: {  	_ =	swait.ge @!p0 [sflag:s0], s1  }
0x54: {  	s1 =	ssub.s32 @!p0 $0x0, s1;
	[sflag:s0] =	ssyncset.done @!p0 $0x0  }
0x55: {  	[sflag:s0] =	ssyncadd.s32 @!p0 s1  }
0x56: {  	[bflag:$0x3] =	sbarrier.arrive $0xFFFF  }
0x57: {  	_ =	shalt  }

// kernel: kernel.14.cloned.1.call-start
scs
__scs_entry_jumppad:
0x0: {  	(pc) =	sbr.rel $0x88, $3  }
0x1: {  	(tag) =	ssettag $0x0;
	lr =	simm.s32 $0x1  }
0x2: {  	[smem:$0x3F99] =	sst lr;
	_ =	strace $0xD0000000  }
0x3: {  	_ = 	snop  }
0x4: {  	_ = 	snop  }
0x5: {  	_ = 	snop  }
0x6: {  	_ = 	snop  }
0x7: {  	_ = 	snop  }
__scs_overlays_trampoline_lowered:
0x8: {  	[smem:$0x3FA8] =	sst s0  }
0x9: {  	[smem:$0x3FA9] =	sst s1  }
0xa: {  	[smem:$0x3FAA] =	sst s2  }
0xb: {  	[smem:$0x3FAB] =	sst s3  }
0xc: {  	[smem:$0x3FAC] =	sst s4  }
0xd: {  	[smem:$0x3FAD] =	sst s5  }
0xe: {  	[smem:$0x3FAE] =	sst s6  }
0xf: {  	[smem:$0x3FAF] =	sst s7  }
0x10: {  	[smem:$0x3FB0] =	sst s8  }
0x11: {  	[smem:$0x3FB1] =	sst s9;
	s0 =	simm.s32 @!p0 $0x0  }
0x12: {  	s1 =	sld [smem:$0x3F97];
	s0 =	simm.s32 @p0 $0x1  }
0x13: {  	[smem:$0x3FB2] =	sst s0;
	s0 =	simm.s32 @!p1 $0x0  }
0x14: {  	s2 =	sld [smem:$0x3F96];
	s0 =	simm.s32 @p1 $0x1  }
0x15: {  	[smem:$0x3FB3] =	sst s0;
	s0 =	simm.s32 @!p2 $0x0  }
0x16: {  	s3 =	sld [smem:$0x3FDB];
	s0 =	simm.s32 @p2 $0x1  }
0x17: {  	s4 =	simm.s32 $0x1BF5;
	[smem:$0x3FB5] =	sst s0  }
0x18: {  	s0 =	sld [smem:$0x3F98];
	_ =	swait.ge [sflag:s4], $0x0  }
0x19: {  	s7 =	sld [smem:$0x3F99]  }
0x1a: {  	s8 =	sadd.s32 $0xFFFFE003, lr  }
0x1b: {  	s9 =	sadd.s32 $0xFFFFFEF7, lr;
	s5 =	simm.s32 $0xFFFFFFFF;
	p2 =	slt.u32 s8, $0xFFFFF086  }
0x1c: {  	p1 =	slt.u32 s9, $0xF7A;
	s5 =	simm.s32 @!p2 $0x0  }
0x1d: {  	s5 =	simm.s32 @p1 $0x1;
	p0 =	seq.s32 s7, s2  }
0x1e: {  	s7 =	smul.u32 @!p0 $0xF7A, s2;
	p2 =	seq.s32 @!p0 s5, $0x0  }
0x1f: {  	s9 =	smul.u32 $0xF7A, s1;
	s8 =	simm.s32 @!p0 $0x1BF5;
	p2 =	por !p2, p0  }
0x20: {  	[sflag:s8] =	ssyncset.s32 @!p0 $0xFFFFF086;
	s6 =	sadd.s32 @!p0 s3, s7;
	s7 =	simm.s32 @!p0 $0x108  }
0x21: {  	s3 =	sadd.s32 s3, s9;
	s6 =	sadd.s32 @!p0 $0x88, s6;
	s7 =	simm.s32 @p2 $0x1082  }
0x22: {  	[simem:s7], [sflag:s8] =	dma.local @!p0 [hbm:s6], $0xF7A  }
0x23: {  	s9 =	sor.u32 $0xD0000000, s2;
	s6 =	simm.s32 $0x108;
	_ =	swait.ge @!p0 [sflag:s8], $0x0  }
0x24: {  	s3 =	sadd.s32 $0x88, s3;
	s6 =	simm.s32 @!p1 $0x1082;
	[sflag:s4] =	ssyncset.s32 $0xFFFFF086  }
0x25: {  	[simem:s6], [sflag:s4] =	dma.local [hbm:s3], $0xF7A  }
0x26: {  	[smem:$0x3F99] =	sst s1;
	(tag) =	ssettag s2;
	_ =	strace s9  }
0x27: {  	s1 =	sld [smem:$0x3FA9]  }
0x28: {  	s2 =	sld [smem:$0x3FAA]  }
0x29: {  	s4 =	sld [smem:$0x3FAC]  }
0x2a: {  	p0 =	seq.s32 s5, $0x0;
	s5 =	sld [smem:$0x3FAD]  }
0x2b: {  	s6 =	sld [smem:$0x3FAE]  }
0x2c: {  	s7 =	sld [smem:$0x3FAF]  }
0x2d: {  	s3 =	simm.s32 $0x108;
	s8 =	sld [smem:$0x3FB0]  }
0x2e: {  	s3 =	simm.s32 @!p0 $0x1082;
	s9 =	sld [smem:$0x3FB1]  }
0x2f: {  	lr =	sadd.s32 s0, s3;
	s0 =	sld [smem:$0x3FA8]  }
0x30: {  	s3 =	sld [smem:$0x3FAB]  }
0x31: {  	[smem:$0x3FB4] =	sst s10  }
0x32: {  	s10 =	sld [smem:$0x3FB2];
	_ =	sdelay $0x3  }
0x33: {  	p0 =	seq.s32 s10, $0x1;
	s10 =	sld [smem:$0x3FB4];
	_ =	sdelay $0x3  }
0x34: {  	[smem:$0x3FB4] =	sst s10  }
0x35: {  	s10 =	sld [smem:$0x3FB3];
	_ =	sdelay $0x3  }
0x36: {  	p1 =	seq.s32 s10, $0x1;
	s10 =	sld [smem:$0x3FB4];
	_ =	sdelay $0x3  }
0x37: {  	[smem:$0x3FB4] =	sst s10  }
0x38: {  	s10 =	sld [smem:$0x3FB5]  }
0x39: {  	_ = 	snop;
	(pc) =	sbr.ind lr, $3  }
0x3a: {  	_ = 	snop  }
0x3b: {  	_ = 	snop  }
0x3c: {  	p2 =	seq.s32 s10, $0x1;
	s10 =	sld [smem:$0x3FB4]  }
0x3d: {  	_ =	shalt  }
0x3e: {  	_ =	shalt  }
0x3f: {  	_ =	shalt  }
0x40: {  	_ =	shalt  }
0x41: {  	_ =	shalt  }
0x42: {  	_ =	shalt  }
0x43: {  	_ =	shalt  }
0x44: {  	_ =	shalt  }
0x45: {  	_ =	shalt  }
0x46: {  	_ =	shalt  }
0x47: {  	_ =	shalt  }
0x48: {  	_ =	shalt  }
0x49: {  	_ =	shalt  }
0x4a: {  	_ =	shalt  }
0x4b: {  	_ =	shalt  }
0x4c: {  	_ =	shalt  }
0x4d: {  	_ =	shalt  }
0x4e: {  	_ =	shalt  }
0x4f: {  	_ =	shalt  }
0x50: {  	_ =	shalt  }
0x51: {  	_ =	shalt  }
0x52: {  	_ =	shalt  }
0x53: {  	_ =	shalt  }
0x54: {  	_ =	shalt  }
0x55: {  	_ =	shalt  }
0x56: {  	_ =	shalt  }
0x57: {  	_ =	shalt  }
0x58: {  	_ =	shalt  }
0x59: {  	_ =	shalt  }
0x5a: {  	_ =	shalt  }
0x5b: {  	_ =	shalt  }
0x5c: {  	_ =	shalt  }
0x5d: {  	_ =	shalt  }
0x5e: {  	_ =	shalt  }
0x5f: {  	_ =	shalt  }
0x60: {  	_ =	shalt  }
0x61: {  	_ =	shalt  }
0x62: {  	_ =	shalt  }
0x63: {  	_ =	shalt  }
0x64: {  	_ =	shalt  }
0x65: {  	_ =	shalt  }
0x66: {  	_ =	shalt  }
0x67: {  	_ =	shalt  }
0x68: {  	_ =	shalt  }
0x69: {  	_ =	shalt  }
0x6a: {  	_ =	shalt  }
0x6b: {  	_ =	shalt  }
0x6c: {  	_ =	shalt  }
0x6d: {  	_ =	shalt  }
0x6e: {  	_ =	shalt  }
0x6f: {  	_ =	shalt  }
0x70: {  	_ =	shalt  }
0x71: {  	_ =	shalt  }
0x72: {  	_ =	shalt  }
0x73: {  	_ =	shalt  }
0x74: {  	_ =	shalt  }
0x75: {  	_ =	shalt  }
0x76: {  	_ =	shalt  }
0x77: {  	_ =	shalt  }
0x78: {  	_ =	shalt  }
0x79: {  	_ =	shalt  }
0x7a: {  	_ =	shalt  }
0x7b: {  	_ =	shalt  }
0x7c: {  	_ =	shalt  }
0x7d: {  	_ =	shalt  }
0x7e: {  	_ =	shalt  }
0x7f: {  	_ =	shalt  }
0x80: {  	_ =	shalt  }
0x81: {  	_ =	shalt  }
0x82: {  	_ =	shalt  }
0x83: {  	_ =	shalt  }
0x84: {  	_ =	shalt  }
0x85: {  	_ =	shalt  }
0x86: {  	_ =	shalt  }
0x87: {  	_ =	shalt  }
.Lfunc_end0:
.L_simem_size_0:
called_computation.1_lowered:
.L_overlay_start_0:
0x88: {  	s2 =	sld [smem:$0x3FD9]  }
0x89: {  	s3 =	sld [smem:$0x3FFE];
	_ =	sdelay $0x1  }
0x8a: {  	s1 =	srdreg.scid  }
0x8b: {  	s0 =	sand.u32 $0x1, s1  }
0x8c: {  	s17 =	sshll.u32 s0, $0xA;
	s2 =	sadd.s32 s3, s2  }
0x8d: {  	s2 =	sadd.s32 s2, s17  }
0x8e: {  	[smem:$0x3FC0] =	sst s2  }
0x8f: {  	_ = 	snop  }
0x90: {  	s2 =	sld [smem:$0x3FD0];
	(tm) =	ssettm $0x1  }
0x91: {  	s18 =	sld [smem:$0x3FFB];
	_ =	sdelay $0x3  }
0x92: {  	_ =	strace s18  }
0x93: {  	s3 =	sld [smem:$0x3FFC];
	_ =	sdelay $0x3  }
0x94: {  	_ =	strace s3  }
0x95: {  	s3 =	sld [smem:$0x3FFD];
	_ =	sdelay $0x3  }
0x96: {  	_ =	strace s3  }
0x97: {  	_ =	strace $0x8FFFFFFF  }
0x98: {  	s19 =	sld [smem:$0x3FDB];
	_ =	sdelay $0x1  }
0x99: {  	s4 =	simm.s32 $_scs_section_size  }
0x9a: {  	s5 =	simm.s32 $_size__tile_overlayer_lowered;
	s6 =	simm.s32 $_tile_overlayer_lowered  }
0x9b: {  	s22 =	simm.s32 $0x1BFF;
	s21 =	sshll.u32 s6, $0x1;
	s3 =	sadd.s32 s4, s19  }
0x9c: {  	s7 =	simm.s32 $0x0;
	s20 =	sshll.u32 s5, $0x1;
	s5 =	sadd.s32 s21, s3  }
0x9d: {  	[timem:s7], [sflag:s22] =	dma.local [hbm:s5], s20  }
0x9e: {  	_ =	swait.ge [sflag:s22], s20  }
0x9f: {  	s4 =	ssub.s32 $0x0, s20;
	[sflag:s22] =	ssyncset.done $0x0  }
0xa0: {  	[sflag:s22] =	ssyncadd.s32 s4;
	_ =	sdelay $0x1  }
0xa1: {  	s23 =	simm.s32 $0x1B8B  }
0xa2: {  	_ =	swait.ge [sflag:s23], $0x1  }
0xa3: {  	[sflag:s23] =	ssyncset.done $0x0  }
0xa4: {  	s25 =	simm.s32 $0x1B8E;
	s24 =	sld [smem:$0x3FFE];
	[sflag:s23] =	ssyncadd.s32 $0xFFFFFFFF  }
0xa5: {  	s26 =	simm.s32 $execute0_lowered;
	[smem:$0x3FD2] =	sst s25  }
0xa6: {  	s5 =	sshll.u32 s26, $0x1;
	_ =	strace $0x80000049;
	[dreg:$0x1] =	wrdreg $0xFFFFFFFF  }
0xa7: {  	s28 =	simm.s32 $_size_execute0_lowered;
	s3 =	sadd.s32 s3, s5;
	[dreg:$0x0] =	wrdreg $0x0  }
0xa8: {  	s5 =	sshll.u32 s28, $0x1;
	[dreg:$0x2] =	wrdreg s3  }
0xa9: {  	[dreg:$0x3] =	wrdreg s5  }
0xaa: {  	[dreg:$0x4] =	wrdreg $0xC0  }
0xab: {  	_ =	task [dreg:s7], $0x5FFFF  }
0xac: {  	[dreg:$0x1] =	wrdreg $0xFFFFFFFF  }
0xad: {  	[dreg:$0x0] =	wrdreg $0x60  }
0xae: {  	[dreg:$0x2] =	wrdreg s24  }
0xaf: {  	[dreg:$0x3] =	wrdreg s2  }
0xb0: {  	[dreg:$0x4] =	wrdreg $0x70000  }
0xb1: {  	[dreg:$0x5] =	wrdreg $0x9  }
0xb2: {  	_ =	task.clear_ibuf [dreg:s7], $0x6FFFF;
	_ =	strace $0x90000049  }
0xb3: {  	s29 =	simm.s32 $0x9;
	_ =	strace $0x8000004B  }
0xb4: {  	_ =	swait.ge [sflag:s29], $0x1  }
0xb5: {  	[sflag:s29] =	ssyncadd.s32 $0xFFFFFFFF  }
0xb6: {  	_ =	strace $0x9000004B  }
0xb7: {  	_ =	sfence  }
0xb8: {  	s30 =	sld [smem:$0x0];
	_ =	sdelay $0x2  }
0xb9: {  	s31 =	sshll.u32 s1, $0xD;
	s1 =	sshrl.u32 s1, $0x2  }
0xba: {  	s3 =	sand.u32 $0x4000, s31;
	s1 =	sadd.s32 s1, s30  }
0xbb: {  	s0 =	sor.u32 s3, s0;
	s1 =	sshll.u32 s1, $0x11  }
0xbc: {  	s0 =	sor.u32 s1, s0  }
0xbd: {  	s0 =	sadd.s32 $0x8F2B, s0  }
0xbe: {  	[sflag:s0] =	ssyncadd.remote.s32 $0x1  }
0xbf: {  	_ =	sfence.sel $0xFFFF  }
0xc0: {  	[dreg:$0x0] =	wrdreg $0xFFFFFFFF;
	(pc) =	sbr.abs _section_cstart, $3  }
0xc1: {  	[dreg:$0x1] =	wrdreg $0xFFFFFFFF  }
0xc2: {  	_ =	task.clear_ibuf [dreg:s7], $0x2FFFF;
	_ =	strace $0x9FFFFFFF  }
0xc3: {  	(tm) =	ssettm $0x7FFFFFFF  }
tec
execute0_lowered:
.L_overlay_start_1:
0x0: {  	(tag) =	ssettag $0x1  }
0x1: {  	s0 =	srdreg.scid;
	s1 =	rddreg [dreg:$0x0]  }
0x2: {  	s3 =	rddreg [dreg:$0x1];
	s30 =	simm.s32 $0x0;
	s0 =	sand.u32 $0x1, s0  }
0x3: {  	s8 =	stileid.u32;
	[smem:$0x7FF] =	sst s30;
	s2 =	sshll.u32 s0, $0x4  }
0x4: {  	s26 =	simm.s32 $0x400;
	s4 =	sor.u32 s8, s2;
	s2 =	rddreg [dreg:$0x2]  }
0x5: {  	s9 =	simm.s32 $0x800;
	_ =	strace $0x8000004A;
	[dreg:$0x8] =	wrdreg s26  }
0x6: {  	s10 =	simm.s32 $0x2E00;
	[dreg:$0xc] =	wrdreg s9  }
0x7: {  	s11 =	simm.s32 $0xA00;
	[dreg:$0xd] =	wrdreg s10  }
0x8: {  	s12 =	simm.s32 $0x3000;
	s14 =	simm.s32 $0xC00;
	[dreg:$0xe] =	wrdreg s11  }
0x9: {  	s15 =	simm.s32 $0x3200;
	s16 =	simm.s32 $0xE00;
	[dreg:$0xf] =	wrdreg s12  }
0xa: {  	s18 =	simm.s32 $0x3400;
	s19 =	simm.s32 $0x1000;
	[dreg:$0x10] =	wrdreg s14  }
0xb: {  	s20 =	simm.s32 $0x3600;
	s21 =	simm.s32 $0x1200;
	[dreg:$0x11] =	wrdreg s15  }
0xc: {  	s22 =	simm.s32 $0x3800;
	s31 =	simm.s32 $0x2800;
	[dreg:$0x12] =	wrdreg s16  }
0xd: {  	s29 =	simm.s32 $0x1800;
	s28 =	simm.s32 $0x3E00;
	[dreg:$0x13] =	wrdreg s18  }
0xe: {  	p0 =	por $0x0, $0x0;
	s5 =	smul.u32 $0x13C0, s8;
	[dreg:$0x14] =	wrdreg s19  }
0xf: {  	s17 =	sshll.u32 s8, $0x6;
	s6 =	smul.u32 $0x13C00, s0;
	[dreg:$0x15] =	wrdreg s20  }
0x10: {  	s0 =	ssub.s32 $0x2, s0;
	s7 =	sshrl.u32 s5, $0x3;
	[dreg:$0x16] =	wrdreg s21  }
0x11: {  	s13 =	sshrl.u32 s0, $0x1;
	[dreg:$0x17] =	wrdreg s22;
	s9 =	simm.s32 $0x5000  }
0x12: {  	s8 =	simm.s32 $0x6000;
	s26 =	simm.s32 $0x3C00;
	s11 =	simm.s32 $0x1  }
0x13: {  	s10 =	simm.s32 $0x2;
	s22 =	simm.s32 $0x1E00;
	s21 =	simm.s32 $0x4400  }
0x14: {  	s20 =	simm.s32 $0x2000;
	s19 =	simm.s32 $0x4600;
	s18 =	simm.s32 $0x4800  }
0x15: {  	s16 =	simm.s32 $0x2400;
	s15 =	simm.s32 $0x4A00;
	s14 =	simm.s32 $0x2600  }
0x16: {  	s12 =	simm.s32 $0x4E00;
	s4 =	smul.u32 $0x500, s4;
	s6 =	sadd.s32 s5, s6  }
0x17: {  	s3 =	sadd.s32 s3, s7;
	s7 =	simm.s32 $0x2C00;
	[dreg:$0x1b] =	wrdreg s26  }
0x18: {  	s0 =	ssub.s32 s0, s13;
	s6 =	sshrl.u32 s6, $0x3;
	[dreg:$0x4] =	wrdreg s3  }
0x19: {  	[dreg:$0xb] =	wrdreg s7;
	s3 =	sadd.s32 $0x17800, s1;
	s0 =	smax.u32 s0, $0x1  }
0x1a: {  	s4 =	sadd.s32 s4, s1;
	s6 =	sadd.s32 s6, s1;
	p1 =	sne.s32 s0, $0x1  }
0x1b: {  	s1 =	sadd.s32 $0xFFFFFFFF, s0;
	s0 =	rddreg [dreg:$0x4];
	s23 =	sadd.s32 $0xD800, s4  }
0x1c: {  	s5 =	sadd.s32 s5, s2;
	s24 =	sadd.s32 $0x3800, s4;
	[dreg:$0x5] =	wrdreg s23  }
0x1d: {  	s26 =	simm.s32 $0x1A00;
	s25 =	sadd.s32 $0x1A000, s6;
	[dreg:$0x6] =	wrdreg s24  }
0x1e: {  	s13 =	simm.s32 $0x4C00;
	s4 =	simm.s32 $0x2A00;
	[dreg:$0x7] =	wrdreg s25  }
0x1f: {  	s5 =	sshrl.u32 s5, $0x3;
	s6 =	simm.s32 $0x600;
	[dreg:$0x9] =	wrdreg s4  }
.Ltmp0:
0x20: {  	[dreg:$0xa] =	wrdreg s6;
	s23 =	simm.s32 $0x1400;
	(pc) =	sbr.rel @!p1 .LBB2_3-.Ltmp0, $4  }
0x21: {  	s7 =	simm.s32 $0x200;
	s24 =	simm.s32 $0x3A00;
	[dreg:$0x18] =	wrdreg s23  }
0x22: {  	s4 =	sor.u32 $0x1C03, s17;
	s25 =	simm.s32 $0x1600;
	[dreg:$0x19] =	wrdreg s24  }
0x23: {  	s6 =	simm.s32 $0x3;
	s17 =	simm.s32 $0x2200;
	[dreg:$0x1a] =	wrdreg s25  }
0x24: {  	s25 =	simm.s32 $0x4000;
	s24 =	simm.s32 $0x1C00;
	s23 =	simm.s32 $0x4200  }
0x25: {  	[spmem:s5], [sflag:s4] =	dma.local [hbm:s0], $0x278  }
0x26: {  	_ =	swait.ge [sflag:s6], $0x278  }
0x27: {  	[sflag:s6] =	ssyncset.done $0x0  }
0x28: {  	s0 =	rddreg [dreg:$0x5];
	[sflag:s6] =	ssyncadd.s32 $0xFFFFFD88  }
0x29: {  	[tilespmem:s30], [sflag:$0x3] =	stream.linear.gather [hbm4b:s0+s30], $0x2800, $0x38;
	[tilespmem:$0x83C0] =	vst v63  }
0x2a: {  	_ =	swait.ge [sflag:s6], $0x2800  }
0x2b: {  	[sflag:s6] =	ssyncset.done $0x0  }
0x2c: {  	s0 =	rddreg [dreg:$0x6];
	[sflag:s6] =	ssyncadd.s32 $0xFFFFD800  }
0x2d: {  	[tilespmem:s31], [sflag:$0x3] =	stream.linear.gather [hbm4b:s0+s30], $0x2800, $0x38;
	[tilespmem:$0x83C0] =	vst v63  }
0x2e: {  	_ =	swait.ge [sflag:s6], $0x2800  }
0x2f: {  	[sflag:s6] =	ssyncset.done $0x0  }
0x30: {  	[sflag:s6] =	ssyncadd.s32 $0xFFFFD800  }
0x31: {  	[bflag:$0x0] =	sbarrier.arrive $0xFFFF  }
0x32: {  	[tilespmem:s9], [sflag:$0x1] =	stream.indirect.gather [hbm4b:s3+s7], $0x8, s30, s7, $0xb8;
	[tilespmem:$0x83C0] =	vst v63  }
0x33: {  	_ = 	snop  }
0x34: {  	[tilespmem:s8], [sflag:$0x2] =	stream.indirect.gather [hbm4b:s3+s7], $0x8, s7, s7, $0xb8;
	[tilespmem:$0x83C0] =	vst v63  }
0x35: {  	_ =	swait.ge [sflag:s11], $0x1000  }
0x36: {  	[sflag:s11] =	ssyncset.done $0x0  }
0x37: {  	[sflag:s11] =	ssyncadd.s32 $0xFFFFF000  }
0x38: {  	[spmem:s2] =	stream.indirect.scatter.add.f32 [tilespmem:s9], [sflag:$0x3], $0x8, s31, s7, $0xb8;
	[tilespmem:$0x83C0] =	vst v63  }
0x39: {  	_ =	swait.ge [sflag:s6], $0x1000  }
0x3a: {  	[sflag:s6] =	ssyncset.done $0x0  }
0x3b: {  	s0 =	rddreg [dreg:$0x8];
	[sflag:s6] =	ssyncadd.s32 $0xFFFFF000  }
0x3c: {  	[tilespmem:s9], [sflag:$0x1] =	stream.indirect.gather [hbm4b:s3+s7], $0x8, s0, s7, $0xb8;
	[tilespmem:$0x83C0] =	vst v63  }
0x3d: {  	_ =	swait.ge [sflag:s10], $0x1000  }
0x3e: {  	[sflag:s10] =	ssyncset.done $0x0  }
0x3f: {  	s0 =	rddreg [dreg:$0x9];
	[sflag:s10] =	ssyncadd.s32 $0xFFFFF000  }
0x40: {  	[spmem:s2] =	stream.indirect.scatter.add.f32 [tilespmem:s8], [sflag:$0x3], $0x8, s0, s7, $0xb8;
	[tilespmem:$0x83C0] =	vst v63  }
0x41: {  	_ =	swait.ge [sflag:s6], $0x1000  }
0x42: {  	[sflag:s6] =	ssyncset.done $0x0  }
0x43: {  	s0 =	rddreg [dreg:$0xa];
	[sflag:s6] =	ssyncadd.s32 $0xFFFFF000  }
0x44: {  	[tilespmem:s8], [sflag:$0x2] =	stream.indirect.gather [hbm4b:s3+s7], $0x8, s0, s7, $0xb8;
	[tilespmem:$0x83C0] =	vst v63  }
0x45: {  	_ =	swait.ge [sflag:s11], $0x1000  }
0x46: {  	[sflag:s11] =	ssyncset.done $0x0  }
0x47: {  	s0 =	rddreg [dreg:$0xb];
	[sflag:s11] =	ssyncadd.s32 $0xFFFFF000  }
0x48: {  	[spmem:s2] =	stream.indirect.scatter.add.f32 [tilespmem:s9], [sflag:$0x3], $0x8, s0, s7, $0xb8;
	[tilespmem:$0x83C0] =	vst v63  }
0x49: {  	_ =	swait.ge [sflag:s6], $0x1000  }
0x4a: {  	[sflag:s6] =	ssyncset.done $0x0  }
0x4b: {  	s0 =	rddreg [dreg:$0xc];
	[sflag:s6] =	ssyncadd.s32 $0xFFFFF000  }
0x4c: {  	[tilespmem:s9], [sflag:$0x1] =	stream.indirect.gather [hbm4b:s3+s7], $0x8, s0, s7, $0xb8;
	[tilespmem:$0x83C0] =	vst v63  }
0x4d: {  	_ =	swait.ge [sflag:s10], $0x1000  }
0x4e: {  	[sflag:s10] =	ssyncset.done $0x0  }
0x4f: {  	s0 =	rddreg [dreg:$0xd];
	[sflag:s10] =	ssyncadd.s32 $0xFFFFF000  }
0x50: {  	[spmem:s2] =	stream.indirect.scatter.add.f32 [tilespmem:s8], [sflag:$0x3], $0x8, s0, s7, $0xb8;
	[tilespmem:$0x83C0] =	vst v63  }
0x51: {  	_ =	swait.ge [sflag:s6], $0x1000  }
0x52: {  	[sflag:s6] =	ssyncset.done $0x0  }
0x53: {  	s0 =	rddreg [dreg:$0xe];
	[sflag:s6] =	ssyncadd.s32 $0xFFFFF000  }
0x54: {  	[tilespmem:s8], [sflag:$0x2] =	stream.indirect.gather [hbm4b:s3+s7], $0x8, s0, s7, $0xb8;
	[tilespmem:$0x83C0] =	vst v63  }
0x55: {  	_ =	swait.ge [sflag:s11], $0x1000  }
0x56: {  	[sflag:s11] =	ssyncset.done $0x0  }
0x57: {  	s0 =	rddreg [dreg:$0xf];
	[sflag:s11] =	ssyncadd.s32 $0xFFFFF000  }
0x58: {  	[spmem:s2] =	stream.indirect.scatter.add.f32 [tilespmem:s9], [sflag:$0x3], $0x8, s0, s7, $0xb8;
	[tilespmem:$0x83C0] =	vst v63  }
0x59: {  	_ =	swait.ge [sflag:s6], $0x1000  }
0x5a: {  	[sflag:s6] =	ssyncset.done $0x0  }
0x5b: {  	s0 =	rddreg [dreg:$0x10];
	[sflag:s6] =	ssyncadd.s32 $0xFFFFF000  }
0x5c: {  	[tilespmem:s9], [sflag:$0x1] =	stream.indirect.gather [hbm4b:s3+s7], $0x8, s0, s7, $0xb8;
	[tilespmem:$0x83C0] =	vst v63  }
0x5d: {  	_ =	swait.ge [sflag:s10], $0x1000  }
0x5e: {  	[sflag:s10] =	ssyncset.done $0x0  }
0x5f: {  	s0 =	rddreg [dreg:$0x11];
	[sflag:s10] =	ssyncadd.s32 $0xFFFFF000  }
0x60: {  	[spmem:s2] =	stream.indirect.scatter.add.f32 [tilespmem:s8], [sflag:$0x3], $0x8, s0, s7, $0xb8;
	[tilespmem:$0x83C0] =	vst v63  }
0x61: {  	_ =	swait.ge [sflag:s6], $0x1000  }
0x62: {  	[sflag:s6] =	ssyncset.done $0x0  }
0x63: {  	s0 =	rddreg [dreg:$0x12];
	[sflag:s6] =	ssyncadd.s32 $0xFFFFF000  }
0x64: {  	[tilespmem:s8], [sflag:$0x2] =	stream.indirect.gather [hbm4b:s3+s7], $0x8, s0, s7, $0xb8;
	[tilespmem:$0x83C0] =	vst v63  }
0x65: {  	_ =	swait.ge [sflag:s11], $0x1000  }
0x66: {  	[sflag:s11] =	ssyncset.done $0x0  }
0x67: {  	s0 =	rddreg [dreg:$0x13];
	[sflag:s11] =	ssyncadd.s32 $0xFFFFF000  }
0x68: {  	[spmem:s2] =	stream.indirect.scatter.add.f32 [tilespmem:s9], [sflag:$0x3], $0x8, s0, s7, $0xb8;
	[tilespmem:$0x83C0] =	vst v63  }
0x69: {  	_ =	swait.ge [sflag:s6], $0x1000  }
0x6a: {  	[sflag:s6] =	ssyncset.done $0x0  }
0x6b: {  	s0 =	rddreg [dreg:$0x14];
	[sflag:s6] =	ssyncadd.s32 $0xFFFFF000  }
0x6c: {  	[tilespmem:s9], [sflag:$0x1] =	stream.indirect.gather [hbm4b:s3+s7], $0x8, s0, s7, $0xb8;
	[tilespmem:$0x83C0] =	vst v63  }
0x6d: {  	_ =	swait.ge [sflag:s10], $0x1000  }
0x6e: {  	[sflag:s10] =	ssyncset.done $0x0  }
0x6f: {  	s0 =	rddreg [dreg:$0x15];
	[sflag:s10] =	ssyncadd.s32 $0xFFFFF000  }
0x70: {  	[spmem:s2] =	stream.indirect.scatter.add.f32 [tilespmem:s8], [sflag:$0x3], $0x8, s0, s7, $0xb8;
	[tilespmem:$0x83C0] =	vst v63  }
0x71: {  	_ =	swait.ge [sflag:s6], $0x1000  }
0x72: {  	[sflag:s6] =	ssyncset.done $0x0  }
0x73: {  	s0 =	rddreg [dreg:$0x16];
	[sflag:s6] =	ssyncadd.s32 $0xFFFFF000  }
0x74: {  	[tilespmem:s8], [sflag:$0x2] =	stream.indirect.gather [hbm4b:s3+s7], $0x8, s0, s7, $0xb8;
	[tilespmem:$0x83C0] =	vst v63  }
0x75: {  	_ =	swait.ge [sflag:s11], $0x1000  }
0x76: {  	[sflag:s11] =	ssyncset.done $0x0  }
0x77: {  	s0 =	rddreg [dreg:$0x17];
	[sflag:s11] =	ssyncadd.s32 $0xFFFFF000  }
0x78: {  	[spmem:s2] =	stream.indirect.scatter.add.f32 [tilespmem:s9], [sflag:$0x3], $0x8, s0, s7, $0xb8;
	[tilespmem:$0x83C0] =	vst v63  }
0x79: {  	_ =	swait.ge [sflag:s6], $0x1000  }
0x7a: {  	[sflag:s6] =	ssyncset.done $0x0  }
0x7b: {  	s0 =	rddreg [dreg:$0x18];
	[sflag:s6] =	ssyncadd.s32 $0xFFFFF000  }
0x7c: {  	[tilespmem:s9], [sflag:$0x1] =	stream.indirect.gather [hbm4b:s3+s7], $0x8, s0, s7, $0xb8;
	[tilespmem:$0x83C0] =	vst v63  }
0x7d: {  	_ =	swait.ge [sflag:s10], $0x1000  }
0x7e: {  	[sflag:s10] =	ssyncset.done $0x0  }
0x7f: {  	s0 =	rddreg [dreg:$0x19];
	[sflag:s10] =	ssyncadd.s32 $0xFFFFF000  }
0x80: {  	[spmem:s2] =	stream.indirect.scatter.add.f32 [tilespmem:s8], [sflag:$0x3], $0x8, s0, s7, $0xb8;
	[tilespmem:$0x83C0] =	vst v63  }
0x81: {  	_ =	swait.ge [sflag:s6], $0x1000  }
0x82: {  	[sflag:s6] =	ssyncset.done $0x0  }
0x83: {  	s0 =	rddreg [dreg:$0x1a];
	[sflag:s6] =	ssyncadd.s32 $0xFFFFF000  }
0x84: {  	[tilespmem:s8], [sflag:$0x2] =	stream.indirect.gather [hbm4b:s3+s7], $0x8, s0, s7, $0xb8;
	[tilespmem:$0x83C0] =	vst v63  }
0x85: {  	_ =	swait.ge [sflag:s11], $0x1000  }
0x86: {  	[sflag:s11] =	ssyncset.done $0x0  }
0x87: {  	s0 =	rddreg [dreg:$0x1b];
	[sflag:s11] =	ssyncadd.s32 $0xFFFFF000  }
0x88: {  	[spmem:s2] =	stream.indirect.scatter.add.f32 [tilespmem:s9], [sflag:$0x3], $0x8, s0, s7, $0xb8;
	[tilespmem:$0x83C0] =	vst v63  }
0x89: {  	_ =	swait.ge [sflag:s6], $0x1000  }
0x8a: {  	[sflag:s6] =	ssyncset.done $0x0  }
0x8b: {  	[sflag:s6] =	ssyncadd.s32 $0xFFFFF000  }
0x8c: {  	[tilespmem:s9], [sflag:$0x1] =	stream.indirect.gather [hbm4b:s3+s7], $0x8, s29, s7, $0xb8;
	[tilespmem:$0x83C0] =	vst v63  }
0x8d: {  	_ =	swait.ge [sflag:s10], $0x1000  }
0x8e: {  	[sflag:s10] =	ssyncset.done $0x0  }
0x8f: {  	[sflag:s10] =	ssyncadd.s32 $0xFFFFF000  }
0x90: {  	[spmem:s2] =	stream.indirect.scatter.add.f32 [tilespmem:s8], [sflag:$0x3], $0x8, s28, s7, $0xb8;
	[tilespmem:$0x83C0] =	vst v63  }
0x91: {  	_ =	swait.ge [sflag:s6], $0x1000  }
0x92: {  	[sflag:s6] =	ssyncset.done $0x0  }
0x93: {  	[sflag:s6] =	ssyncadd.s32 $0xFFFFF000  }
0x94: {  	[tilespmem:s8], [sflag:$0x2] =	stream.indirect.gather [hbm4b:s3+s7], $0x8, s26, s7, $0xb8;
	[tilespmem:$0x83C0] =	vst v63  }
0x95: {  	_ =	swait.ge [sflag:s11], $0x1000  }
0x96: {  	[sflag:s11] =	ssyncset.done $0x0  }
0x97: {  	[sflag:s11] =	ssyncadd.s32 $0xFFFFF000  }
0x98: {  	[spmem:s2] =	stream.indirect.scatter.add.f32 [tilespmem:s9], [sflag:$0x3], $0x8, s25, s7, $0xb8;
	[tilespmem:$0x83C0] =	vst v63  }
0x99: {  	_ =	swait.ge [sflag:s6], $0x1000  }
0x9a: {  	[sflag:s6] =	ssyncset.done $0x0  }
0x9b: {  	[sflag:s6] =	ssyncadd.s32 $0xFFFFF000  }
0x9c: {  	[tilespmem:s9], [sflag:$0x1] =	stream.indirect.gather [hbm4b:s3+s7], $0x8, s24, s7, $0xb8;
	[tilespmem:$0x83C0] =	vst v63  }
0x9d: {  	_ =	swait.ge [sflag:s10], $0x1000  }
0x9e: {  	[sflag:s10] =	ssyncset.done $0x0  }
0x9f: {  	[sflag:s10] =	ssyncadd.s32 $0xFFFFF000  }
0xa0: {  	[spmem:s2] =	stream.indirect.scatter.add.f32 [tilespmem:s8], [sflag:$0x3], $0x8, s23, s7, $0xb8;
	[tilespmem:$0x83C0] =	vst v63  }
0xa1: {  	_ =	swait.ge [sflag:s6], $0x1000  }
0xa2: {  	[sflag:s6] =	ssyncset.done $0x0  }
0xa3: {  	[sflag:s6] =	ssyncadd.s32 $0xFFFFF000  }
0xa4: {  	[tilespmem:s8], [sflag:$0x2] =	stream.indirect.gather [hbm4b:s3+s7], $0x8, s22, s7, $0xb8;
	[tilespmem:$0x83C0] =	vst v63  }
0xa5: {  	_ =	swait.ge [sflag:s11], $0x1000  }
0xa6: {  	[sflag:s11] =	ssyncset.done $0x0  }
0xa7: {  	[sflag:s11] =	ssyncadd.s32 $0xFFFFF000  }
0xa8: {  	[spmem:s2] =	stream.indirect.scatter.add.f32 [tilespmem:s9], [sflag:$0x3], $0x8, s21, s7, $0xb8;
	[tilespmem:$0x83C0] =	vst v63  }
0xa9: {  	_ =	swait.ge [sflag:s6], $0x1000  }
0xaa: {  	[sflag:s6] =	ssyncset.done $0x0  }
0xab: {  	[sflag:s6] =	ssyncadd.s32 $0xFFFFF000  }
0xac: {  	[tilespmem:s9], [sflag:$0x1] =	stream.indirect.gather [hbm4b:s3+s7], $0x8, s20, s7, $0xb8;
	[tilespmem:$0x83C0] =	vst v63  }
0xad: {  	_ =	swait.ge [sflag:s10], $0x1000  }
0xae: {  	[sflag:s10] =	ssyncset.done $0x0  }
0xaf: {  	[sflag:s10] =	ssyncadd.s32 $0xFFFFF000  }
0xb0: {  	[spmem:s2] =	stream.indirect.scatter.add.f32 [tilespmem:s8], [sflag:$0x3], $0x8, s19, s7, $0xb8;
	[tilespmem:$0x83C0] =	vst v63  }
0xb1: {  	_ =	swait.ge [sflag:s6], $0x1000  }
0xb2: {  	[sflag:s6] =	ssyncset.done $0x0  }
0xb3: {  	[sflag:s6] =	ssyncadd.s32 $0xFFFFF000  }
0xb4: {  	[tilespmem:s8], [sflag:$0x2] =	stream.indirect.gather [hbm4b:s3+s7], $0x8, s17, s7, $0xb8;
	[tilespmem:$0x83C0] =	vst v63  }
0xb5: {  	_ =	swait.ge [sflag:s11], $0x1000  }
0xb6: {  	[sflag:s11] =	ssyncset.done $0x0  }
0xb7: {  	[sflag:s11] =	ssyncadd.s32 $0xFFFFF000  }
0xb8: {  	[spmem:s2] =	stream.indirect.scatter.add.f32 [tilespmem:s9], [sflag:$0x3], $0x8, s18, s7, $0xb8;
	[tilespmem:$0x83C0] =	vst v63  }
0xb9: {  	_ =	swait.ge [sflag:s6], $0x1000  }
0xba: {  	[sflag:s6] =	ssyncset.done $0x0  }
0xbb: {  	[sflag:s6] =	ssyncadd.s32 $0xFFFFF000  }
0xbc: {  	[tilespmem:s9], [sflag:$0x1] =	stream.indirect.gather [hbm4b:s3+s7], $0x8, s16, s7, $0xb8;
	[tilespmem:$0x83C0] =	vst v63  }
0xbd: {  	_ =	swait.ge [sflag:s10], $0x1000  }
0xbe: {  	[sflag:s10] =	ssyncset.done $0x0  }
0xbf: {  	[sflag:s10] =	ssyncadd.s32 $0xFFFFF000  }
0xc0: {  	[spmem:s2] =	stream.indirect.scatter.add.f32 [tilespmem:s8], [sflag:$0x3], $0x8, s15, s7, $0xb8;
	[tilespmem:$0x83C0] =	vst v63  }
0xc1: {  	_ =	swait.ge [sflag:s6], $0x1000  }
0xc2: {  	[sflag:s6] =	ssyncset.done $0x0  }
0xc3: {  	[sflag:s6] =	ssyncadd.s32 $0xFFFFF000  }
0xc4: {  	[tilespmem:s8], [sflag:$0x2] =	stream.indirect.gather [hbm4b:s3+s7], $0x8, s14, s7, $0xb8;
	[tilespmem:$0x83C0] =	vst v63  }
0xc5: {  	_ =	swait.ge [sflag:s11], $0x1000  }
0xc6: {  	[sflag:s11] =	ssyncset.done $0x0  }
0xc7: {  	[sflag:s11] =	ssyncadd.s32 $0xFFFFF000  }
0xc8: {  	[spmem:s2] =	stream.indirect.scatter.add.f32 [tilespmem:s9], [sflag:$0x3], $0x8, s13, s7, $0xb8;
	[tilespmem:$0x83C0] =	vst v63  }
0xc9: {  	_ =	swait.ge [sflag:s6], $0x1000  }
0xca: {  	[sflag:s6] =	ssyncset.done $0x0  }
0xcb: {  	[sflag:s6] =	ssyncadd.s32 $0xFFFFF000  }
0xcc: {  	_ =	swait.ge [sflag:s10], $0x1000  }
0xcd: {  	[sflag:s10] =	ssyncset.done $0x0  }
0xce: {  	[sflag:s10] =	ssyncadd.s32 $0xFFFFF000  }
0xcf: {  	[spmem:s2] =	stream.indirect.scatter.add.f32 [tilespmem:s8], [sflag:$0x3], $0x8, s12, s7, $0xb8;
	[tilespmem:$0x83C0] =	vst v63  }
0xd0: {  	_ =	swait.ge [sflag:s6], $0x1000  }
0xd1: {  	[sflag:s6] =	ssyncset.done $0x0  }
0xd2: {  	p1 =	sne.s32 s1, $0x1;
	[sflag:s6] =	ssyncadd.s32 $0xFFFFF000  }
.Ltmp1:
0xd3: {  	[bflag:$0x0] =	sbarrier.arrive $0xFFFF;
	(pc) =	sbr.rel @!p1 .LBB2_3-.Ltmp1, $4  }
0xd4: {  	s0 =	rddreg [dreg:$0x7]  }
0xd5: {  	[hbm:s0], [sflag:s4] =	dma.local [spmem:s5], $0x278  }
0xd6: {  	s1 =	sadd.s32 $0xFFFFFFFF, s1;
	_ =	swait.ge [sflag:s6], $0x278  }
0xd7: {  	p0 =	por $0x1, $0x1;
	s0 =	rddreg [dreg:$0x4];
	[sflag:s6] =	ssyncset.done $0x0  }
.LBB2_2:
0xd8: {  	[sflag:s6] =	ssyncadd.s32 $0xFFFFFD88  }
0xd9: {  	[spmem:s5], [sflag:s4] =	dma.local [hbm:s0], $0x278  }
0xda: {  	_ =	swait.ge [sflag:s6], $0x278  }
0xdb: {  	[sflag:s6] =	ssyncset.done $0x0  }
0xdc: {  	s0 =	rddreg [dreg:$0x5];
	[sflag:s6] =	ssyncadd.s32 $0xFFFFFD88  }
0xdd: {  	[tilespmem:s30], [sflag:$0x3] =	stream.linear.gather [hbm4b:s0+s30], $0x2800, $0x38;
	[tilespmem:$0x83C0] =	vst v63  }
0xde: {  	_ =	swait.ge [sflag:s6], $0x2800  }
0xdf: {  	[sflag:s6] =	ssyncset.done $0x0  }
0xe0: {  	s0 =	rddreg [dreg:$0x6];
	[sflag:s6] =	ssyncadd.s32 $0xFFFFD800  }
0xe1: {  	[tilespmem:s31], [sflag:$0x3] =	stream.linear.gather [hbm4b:s0+s30], $0x2800, $0x38;
	[tilespmem:$0x83C0] =	vst v63  }
0xe2: {  	_ =	swait.ge [sflag:s6], $0x2800  }
0xe3: {  	[sflag:s6] =	ssyncset.done $0x0  }
0xe4: {  	[sflag:s6] =	ssyncadd.s32 $0xFFFFD800  }
0xe5: {  	[bflag:$0x0] =	sbarrier.arrive $0xFFFF  }
0xe6: {  	[tilespmem:s9], [sflag:$0x1] =	stream.indirect.gather [hbm4b:s3+s7], $0x8, s30, s7, $0xb8;
	[tilespmem:$0x83C0] =	vst v63  }
0xe7: {  	_ = 	snop  }
0xe8: {  	[tilespmem:s8], [sflag:$0x2] =	stream.indirect.gather [hbm4b:s3+s7], $0x8, s7, s7, $0xb8;
	[tilespmem:$0x83C0] =	vst v63  }
0xe9: {  	_ =	swait.ge [sflag:s11], $0x1000  }
0xea: {  	[sflag:s11] =	ssyncset.done $0x0  }
0xeb: {  	[sflag:s11] =	ssyncadd.s32 $0xFFFFF000  }
0xec: {  	[spmem:s2] =	stream.indirect.scatter.add.f32 [tilespmem:s9], [sflag:$0x3], $0x8, s31, s7, $0xb8;
	[tilespmem:$0x83C0] =	vst v63  }
0xed: {  	_ =	swait.ge [sflag:s6], $0x1000  }
0xee: {  	[sflag:s6] =	ssyncset.done $0x0  }
0xef: {  	s0 =	rddreg [dreg:$0x8];
	[sflag:s6] =	ssyncadd.s32 $0xFFFFF000  }
0xf0: {  	[tilespmem:s9], [sflag:$0x1] =	stream.indirect.gather [hbm4b:s3+s7], $0x8, s0, s7, $0xb8;
	[tilespmem:$0x83C0] =	vst v63  }
0xf1: {  	_ =	swait.ge [sflag:s10], $0x1000  }
0xf2: {  	[sflag:s10] =	ssyncset.done $0x0  }
0xf3: {  	s0 =	rddreg [dreg:$0x9];
	[sflag:s10] =	ssyncadd.s32 $0xFFFFF000  }
0xf4: {  	[spmem:s2] =	stream.indirect.scatter.add.f32 [tilespmem:s8], [sflag:$0x3], $0x8, s0, s7, $0xb8;
	[tilespmem:$0x83C0] =	vst v63  }
0xf5: {  	_ =	swait.ge [sflag:s6], $0x1000  }
0xf6: {  	[sflag:s6] =	ssyncset.done $0x0  }
0xf7: {  	s0 =	rddreg [dreg:$0xa];
	[sflag:s6] =	ssyncadd.s32 $0xFFFFF000  }
0xf8: {  	[tilespmem:s8], [sflag:$0x2] =	stream.indirect.gather [hbm4b:s3+s7], $0x8, s0, s7, $0xb8;
	[tilespmem:$0x83C0] =	vst v63  }
0xf9: {  	_ =	swait.ge [sflag:s11], $0x1000  }
0xfa: {  	[sflag:s11] =	ssyncset.done $0x0  }
0xfb: {  	s0 =	rddreg [dreg:$0xb];
	[sflag:s11] =	ssyncadd.s32 $0xFFFFF000  }
0xfc: {  	[spmem:s2] =	stream.indirect.scatter.add.f32 [tilespmem:s9], [sflag:$0x3], $0x8, s0, s7, $0xb8;
	[tilespmem:$0x83C0] =	vst v63  }
0xfd: {  	_ =	swait.ge [sflag:s6], $0x1000  }
0xfe: {  	[sflag:s6] =	ssyncset.done $0x0  }
0xff: {  	s0 =	rddreg [dreg:$0xc];
	[sflag:s6] =	ssyncadd.s32 $0xFFFFF000  }
0x100: {  	[tilespmem:s9], [sflag:$0x1] =	stream.indirect.gather [hbm4b:s3+s7], $0x8, s0, s7, $0xb8;
	[tilespmem:$0x83C0] =	vst v63  }
0x101: {  	_ =	swait.ge [sflag:s10], $0x1000  }
0x102: {  	[sflag:s10] =	ssyncset.done $0x0  }
0x103: {  	s0 =	rddreg [dreg:$0xd];
	[sflag:s10] =	ssyncadd.s32 $0xFFFFF000  }
0x104: {  	[spmem:s2] =	stream.indirect.scatter.add.f32 [tilespmem:s8], [sflag:$0x3], $0x8, s0, s7, $0xb8;
	[tilespmem:$0x83C0] =	vst v63  }
0x105: {  	_ =	swait.ge [sflag:s6], $0x1000  }
0x106: {  	[sflag:s6] =	ssyncset.done $0x0  }
0x107: {  	s0 =	rddreg [dreg:$0xe];
	[sflag:s6] =	ssyncadd.s32 $0xFFFFF000  }
0x108: {  	[tilespmem:s8], [sflag:$0x2] =	stream.indirect.gather [hbm4b:s3+s7], $0x8, s0, s7, $0xb8;
	[tilespmem:$0x83C0] =	vst v63  }
0x109: {  	_ =	swait.ge [sflag:s11], $0x1000  }
0x10a: {  	[sflag:s11] =	ssyncset.done $0x0  }
0x10b: {  	s0 =	rddreg [dreg:$0xf];
	[sflag:s11] =	ssyncadd.s32 $0xFFFFF000  }
0x10c: {  	[spmem:s2] =	stream.indirect.scatter.add.f32 [tilespmem:s9], [sflag:$0x3], $0x8, s0, s7, $0xb8;
	[tilespmem:$0x83C0] =	vst v63  }
0x10d: {  	_ =	swait.ge [sflag:s6], $0x1000  }
0x10e: {  	[sflag:s6] =	ssyncset.done $0x0  }
0x10f: {  	s0 =	rddreg [dreg:$0x10];
	[sflag:s6] =	ssyncadd.s32 $0xFFFFF000  }
0x110: {  	[tilespmem:s9], [sflag:$0x1] =	stream.indirect.gather [hbm4b:s3+s7], $0x8, s0, s7, $0xb8;
	[tilespmem:$0x83C0] =	vst v63  }
0x111: {  	_ =	swait.ge [sflag:s10], $0x1000  }
0x112: {  	[sflag:s10] =	ssyncset.done $0x0  }
0x113: {  	s0 =	rddreg [dreg:$0x11];
	[sflag:s10] =	ssyncadd.s32 $0xFFFFF000  }
0x114: {  	[spmem:s2] =	stream.indirect.scatter.add.f32 [tilespmem:s8], [sflag:$0x3], $0x8, s0, s7, $0xb8;
	[tilespmem:$0x83C0] =	vst v63  }
0x115: {  	_ =	swait.ge [sflag:s6], $0x1000  }
0x116: {  	[sflag:s6] =	ssyncset.done $0x0  }
0x117: {  	s0 =	rddreg [dreg:$0x12];
	[sflag:s6] =	ssyncadd.s32 $0xFFFFF000  }
0x118: {  	[tilespmem:s8], [sflag:$0x2] =	stream.indirect.gather [hbm4b:s3+s7], $0x8, s0, s7, $0xb8;
	[tilespmem:$0x83C0] =	vst v63  }
0x119: {  	_ =	swait.ge [sflag:s11], $0x1000  }
0x11a: {  	[sflag:s11] =	ssyncset.done $0x0  }
0x11b: {  	s0 =	rddreg [dreg:$0x13];
	[sflag:s11] =	ssyncadd.s32 $0xFFFFF000  }
0x11c: {  	[spmem:s2] =	stream.indirect.scatter.add.f32 [tilespmem:s9], [sflag:$0x3], $0x8, s0, s7, $0xb8;
	[tilespmem:$0x83C0] =	vst v63  }
0x11d: {  	_ =	swait.ge [sflag:s6], $0x1000  }
0x11e: {  	[sflag:s6] =	ssyncset.done $0x0  }
0x11f: {  	s0 =	rddreg [dreg:$0x14];
	[sflag:s6] =	ssyncadd.s32 $0xFFFFF000  }
0x120: {  	[tilespmem:s9], [sflag:$0x1] =	stream.indirect.gather [hbm4b:s3+s7], $0x8, s0, s7, $0xb8;
	[tilespmem:$0x83C0] =	vst v63  }
0x121: {  	_ =	swait.ge [sflag:s10], $0x1000  }
0x122: {  	[sflag:s10] =	ssyncset.done $0x0  }
0x123: {  	s0 =	rddreg [dreg:$0x15];
	[sflag:s10] =	ssyncadd.s32 $0xFFFFF000  }
0x124: {  	[spmem:s2] =	stream.indirect.scatter.add.f32 [tilespmem:s8], [sflag:$0x3], $0x8, s0, s7, $0xb8;
	[tilespmem:$0x83C0] =	vst v63  }
0x125: {  	_ =	swait.ge [sflag:s6], $0x1000  }
0x126: {  	[sflag:s6] =	ssyncset.done $0x0  }
0x127: {  	s0 =	rddreg [dreg:$0x16];
	[sflag:s6] =	ssyncadd.s32 $0xFFFFF000  }
0x128: {  	[tilespmem:s8], [sflag:$0x2] =	stream.indirect.gather [hbm4b:s3+s7], $0x8, s0, s7, $0xb8;
	[tilespmem:$0x83C0] =	vst v63  }
0x129: {  	_ =	swait.ge [sflag:s11], $0x1000  }
0x12a: {  	[sflag:s11] =	ssyncset.done $0x0  }
0x12b: {  	s0 =	rddreg [dreg:$0x17];
	[sflag:s11] =	ssyncadd.s32 $0xFFFFF000  }
0x12c: {  	[spmem:s2] =	stream.indirect.scatter.add.f32 [tilespmem:s9], [sflag:$0x3], $0x8, s0, s7, $0xb8;
	[tilespmem:$0x83C0] =	vst v63  }
0x12d: {  	_ =	swait.ge [sflag:s6], $0x1000  }
0x12e: {  	[sflag:s6] =	ssyncset.done $0x0  }
0x12f: {  	s0 =	rddreg [dreg:$0x18];
	[sflag:s6] =	ssyncadd.s32 $0xFFFFF000  }
0x130: {  	[tilespmem:s9], [sflag:$0x1] =	stream.indirect.gather [hbm4b:s3+s7], $0x8, s0, s7, $0xb8;
	[tilespmem:$0x83C0] =	vst v63  }
0x131: {  	_ =	swait.ge [sflag:s10], $0x1000  }
0x132: {  	[sflag:s10] =	ssyncset.done $0x0  }
0x133: {  	s0 =	rddreg [dreg:$0x19];
	[sflag:s10] =	ssyncadd.s32 $0xFFFFF000  }
0x134: {  	[spmem:s2] =	stream.indirect.scatter.add.f32 [tilespmem:s8], [sflag:$0x3], $0x8, s0, s7, $0xb8;
	[tilespmem:$0x83C0] =	vst v63  }
0x135: {  	_ =	swait.ge [sflag:s6], $0x1000  }
0x136: {  	[sflag:s6] =	ssyncset.done $0x0  }
0x137: {  	s0 =	rddreg [dreg:$0x1a];
	[sflag:s6] =	ssyncadd.s32 $0xFFFFF000  }
0x138: {  	[tilespmem:s8], [sflag:$0x2] =	stream.indirect.gather [hbm4b:s3+s7], $0x8, s0, s7, $0xb8;
	[tilespmem:$0x83C0] =	vst v63  }
0x139: {  	_ =	swait.ge [sflag:s11], $0x1000  }
0x13a: {  	[sflag:s11] =	ssyncset.done $0x0  }
0x13b: {  	s0 =	rddreg [dreg:$0x1b];
	[sflag:s11] =	ssyncadd.s32 $0xFFFFF000  }
0x13c: {  	[spmem:s2] =	stream.indirect.scatter.add.f32 [tilespmem:s9], [sflag:$0x3], $0x8, s0, s7, $0xb8;
	[tilespmem:$0x83C0] =	vst v63  }
0x13d: {  	_ =	swait.ge [sflag:s6], $0x1000  }
0x13e: {  	[sflag:s6] =	ssyncset.done $0x0  }
0x13f: {  	[sflag:s6] =	ssyncadd.s32 $0xFFFFF000  }
0x140: {  	[tilespmem:s9], [sflag:$0x1] =	stream.indirect.gather [hbm4b:s3+s7], $0x8, s29, s7, $0xb8;
	[tilespmem:$0x83C0] =	vst v63  }
0x141: {  	_ =	swait.ge [sflag:s10], $0x1000  }
0x142: {  	[sflag:s10] =	ssyncset.done $0x0  }
0x143: {  	[sflag:s10] =	ssyncadd.s32 $0xFFFFF000  }
0x144: {  	[spmem:s2] =	stream.indirect.scatter.add.f32 [tilespmem:s8], [sflag:$0x3], $0x8, s28, s7, $0xb8;
	[tilespmem:$0x83C0] =	vst v63  }
0x145: {  	_ =	swait.ge [sflag:s6], $0x1000  }
0x146: {  	[sflag:s6] =	ssyncset.done $0x0  }
0x147: {  	[sflag:s6] =	ssyncadd.s32 $0xFFFFF000  }
0x148: {  	[tilespmem:s8], [sflag:$0x2] =	stream.indirect.gather [hbm4b:s3+s7], $0x8, s26, s7, $0xb8;
	[tilespmem:$0x83C0] =	vst v63  }
0x149: {  	_ =	swait.ge [sflag:s11], $0x1000  }
0x14a: {  	[sflag:s11] =	ssyncset.done $0x0  }
0x14b: {  	[sflag:s11] =	ssyncadd.s32 $0xFFFFF000  }
0x14c: {  	[spmem:s2] =	stream.indirect.scatter.add.f32 [tilespmem:s9], [sflag:$0x3], $0x8, s25, s7, $0xb8;
	[tilespmem:$0x83C0] =	vst v63  }
0x14d: {  	_ =	swait.ge [sflag:s6], $0x1000  }
0x14e: {  	[sflag:s6] =	ssyncset.done $0x0  }
0x14f: {  	[sflag:s6] =	ssyncadd.s32 $0xFFFFF000  }
0x150: {  	[tilespmem:s9], [sflag:$0x1] =	stream.indirect.gather [hbm4b:s3+s7], $0x8, s24, s7, $0xb8;
	[tilespmem:$0x83C0] =	vst v63  }
0x151: {  	_ =	swait.ge [sflag:s10], $0x1000  }
0x152: {  	[sflag:s10] =	ssyncset.done $0x0  }
0x153: {  	[sflag:s10] =	ssyncadd.s32 $0xFFFFF000  }
0x154: {  	[spmem:s2] =	stream.indirect.scatter.add.f32 [tilespmem:s8], [sflag:$0x3], $0x8, s23, s7, $0xb8;
	[tilespmem:$0x83C0] =	vst v63  }
0x155: {  	_ =	swait.ge [sflag:s6], $0x1000  }
0x156: {  	[sflag:s6] =	ssyncset.done $0x0  }
0x157: {  	[sflag:s6] =	ssyncadd.s32 $0xFFFFF000  }
0x158: {  	[tilespmem:s8], [sflag:$0x2] =	stream.indirect.gather [hbm4b:s3+s7], $0x8, s22, s7, $0xb8;
	[tilespmem:$0x83C0] =	vst v63  }
0x159: {  	_ =	swait.ge [sflag:s11], $0x1000  }
0x15a: {  	[sflag:s11] =	ssyncset.done $0x0  }
0x15b: {  	[sflag:s11] =	ssyncadd.s32 $0xFFFFF000  }
0x15c: {  	[spmem:s2] =	stream.indirect.scatter.add.f32 [tilespmem:s9], [sflag:$0x3], $0x8, s21, s7, $0xb8;
	[tilespmem:$0x83C0] =	vst v63  }
0x15d: {  	_ =	swait.ge [sflag:s6], $0x1000  }
0x15e: {  	[sflag:s6] =	ssyncset.done $0x0  }
0x15f: {  	[sflag:s6] =	ssyncadd.s32 $0xFFFFF000  }
0x160: {  	[tilespmem:s9], [sflag:$0x1] =	stream.indirect.gather [hbm4b:s3+s7], $0x8, s20, s7, $0xb8;
	[tilespmem:$0x83C0] =	vst v63  }
0x161: {  	_ =	swait.ge [sflag:s10], $0x1000  }
0x162: {  	[sflag:s10] =	ssyncset.done $0x0  }
0x163: {  	[sflag:s10] =	ssyncadd.s32 $0xFFFFF000  }
0x164: {  	[spmem:s2] =	stream.indirect.scatter.add.f32 [tilespmem:s8], [sflag:$0x3], $0x8, s19, s7, $0xb8;
	[tilespmem:$0x83C0] =	vst v63  }
0x165: {  	_ =	swait.ge [sflag:s6], $0x1000  }
0x166: {  	[sflag:s6] =	ssyncset.done $0x0  }
0x167: {  	[sflag:s6] =	ssyncadd.s32 $0xFFFFF000  }
0x168: {  	[tilespmem:s8], [sflag:$0x2] =	stream.indirect.gather [hbm4b:s3+s7], $0x8, s17, s7, $0xb8;
	[tilespmem:$0x83C0] =	vst v63  }
0x169: {  	_ =	swait.ge [sflag:s11], $0x1000  }
0x16a: {  	[sflag:s11] =	ssyncset.done $0x0  }
0x16b: {  	[sflag:s11] =	ssyncadd.s32 $0xFFFFF000  }
0x16c: {  	[spmem:s2] =	stream.indirect.scatter.add.f32 [tilespmem:s9], [sflag:$0x3], $0x8, s18, s7, $0xb8;
	[tilespmem:$0x83C0] =	vst v63  }
0x16d: {  	_ =	swait.ge [sflag:s6], $0x1000  }
0x16e: {  	[sflag:s6] =	ssyncset.done $0x0  }
0x16f: {  	[sflag:s6] =	ssyncadd.s32 $0xFFFFF000  }
0x170: {  	[tilespmem:s9], [sflag:$0x1] =	stream.indirect.gather [hbm4b:s3+s7], $0x8, s16, s7, $0xb8;
	[tilespmem:$0x83C0] =	vst v63  }
0x171: {  	_ =	swait.ge [sflag:s10], $0x1000  }
0x172: {  	[sflag:s10] =	ssyncset.done $0x0  }
0x173: {  	[sflag:s10] =	ssyncadd.s32 $0xFFFFF000  }
0x174: {  	[spmem:s2] =	stream.indirect.scatter.add.f32 [tilespmem:s8], [sflag:$0x3], $0x8, s15, s7, $0xb8;
	[tilespmem:$0x83C0] =	vst v63  }
0x175: {  	_ =	swait.ge [sflag:s6], $0x1000  }
0x176: {  	[sflag:s6] =	ssyncset.done $0x0  }
0x177: {  	[sflag:s6] =	ssyncadd.s32 $0xFFFFF000  }
0x178: {  	[tilespmem:s8], [sflag:$0x2] =	stream.indirect.gather [hbm4b:s3+s7], $0x8, s14, s7, $0xb8;
	[tilespmem:$0x83C0] =	vst v63  }
0x179: {  	_ =	swait.ge [sflag:s11], $0x1000  }
0x17a: {  	[sflag:s11] =	ssyncset.done $0x0  }
0x17b: {  	[sflag:s11] =	ssyncadd.s32 $0xFFFFF000  }
0x17c: {  	[spmem:s2] =	stream.indirect.scatter.add.f32 [tilespmem:s9], [sflag:$0x3], $0x8, s13, s7, $0xb8;
	[tilespmem:$0x83C0] =	vst v63  }
0x17d: {  	_ =	swait.ge [sflag:s6], $0x1000  }
0x17e: {  	[sflag:s6] =	ssyncset.done $0x0  }
0x17f: {  	[sflag:s6] =	ssyncadd.s32 $0xFFFFF000  }
0x180: {  	_ =	swait.ge [sflag:s10], $0x1000  }
0x181: {  	[sflag:s10] =	ssyncset.done $0x0  }
0x182: {  	[sflag:s10] =	ssyncadd.s32 $0xFFFFF000  }
0x183: {  	[spmem:s2] =	stream.indirect.scatter.add.f32 [tilespmem:s8], [sflag:$0x3], $0x8, s12, s7, $0xb8;
	[tilespmem:$0x83C0] =	vst v63  }
0x184: {  	_ =	swait.ge [sflag:s6], $0x1000  }
0x185: {  	[sflag:s6] =	ssyncset.done $0x0  }
0x186: {  	p1 =	sne.s32 s1, $0x1;
	[sflag:s6] =	ssyncadd.s32 $0xFFFFF000  }
.Ltmp2:
0x187: {  	[bflag:$0x0] =	sbarrier.arrive $0xFFFF;
	(pc) =	sbr.rel @p1 .LBB2_2-.Ltmp2, $4  }
0x188: {  	s0 =	rddreg [dreg:$0x7]  }
0x189: {  	[hbm:s0], [sflag:s4] =	dma.local [spmem:s5], $0x278  }
0x18a: {  	_ =	swait.ge [sflag:s6], $0x278  }
0x18b: {  	s1 =	sadd.s32 $0xFFFFFFFF, s1;
	s0 =	rddreg [dreg:$0x4];
	[sflag:s6] =	ssyncset.done $0x0  }
.LBB2_3:
0x18c: {  	[sflag:s6] =	ssyncadd.s32 @p0 $0xFFFFFD88  }
0x18d: {  	[spmem:s5], [sflag:s4] =	dma.local [hbm:s0], $0x278  }
0x18e: {  	_ =	swait.ge [sflag:s6], $0x278  }
0x18f: {  	[sflag:s6] =	ssyncset.done $0x0  }
0x190: {  	s1 =	rddreg [dreg:$0x5];
	[sflag:s6] =	ssyncadd.s32 $0xFFFFFD88  }
0x191: {  	[tilespmem:s30], [sflag:$0x3] =	stream.linear.gather [hbm4b:s1+s30], $0x2800, $0x38;
	[tilespmem:$0x83C0] =	vst v63  }
0x192: {  	_ =	swait.ge [sflag:s6], $0x2800  }
0x193: {  	[sflag:s6] =	ssyncset.done $0x0  }
0x194: {  	s1 =	rddreg [dreg:$0x6];
	[sflag:s6] =	ssyncadd.s32 $0xFFFFD800  }
0x195: {  	[tilespmem:s31], [sflag:$0x3] =	stream.linear.gather [hbm4b:s1+s30], $0x2800, $0x38;
	[tilespmem:$0x83C0] =	vst v63  }
0x196: {  	_ =	swait.ge [sflag:s6], $0x2800  }
0x197: {  	[sflag:s6] =	ssyncset.done $0x0  }
0x198: {  	[sflag:s6] =	ssyncadd.s32 $0xFFFFD800  }
0x199: {  	[bflag:$0x0] =	sbarrier.arrive $0xFFFF  }
0x19a: {  	[tilespmem:s9], [sflag:$0x1] =	stream.indirect.gather [hbm4b:s3+s7], $0x8, s30, s7, $0xb8;
	[tilespmem:$0x83C0] =	vst v63  }
0x19b: {  	_ = 	snop  }
0x19c: {  	[tilespmem:s8], [sflag:$0x2] =	stream.indirect.gather [hbm4b:s3+s7], $0x8, s7, s7, $0xb8;
	[tilespmem:$0x83C0] =	vst v63  }
0x19d: {  	_ =	swait.ge [sflag:s11], $0x1000  }
0x19e: {  	[sflag:s11] =	ssyncset.done $0x0  }
0x19f: {  	[sflag:s11] =	ssyncadd.s32 $0xFFFFF000  }
0x1a0: {  	[spmem:s2] =	stream.indirect.scatter.add.f32 [tilespmem:s9], [sflag:$0x3], $0x8, s31, s7, $0xb8;
	[tilespmem:$0x83C0] =	vst v63  }
0x1a1: {  	_ =	swait.ge [sflag:s6], $0x1000  }
0x1a2: {  	[sflag:s6] =	ssyncset.done $0x0  }
0x1a3: {  	s31 =	rddreg [dreg:$0x8];
	[sflag:s6] =	ssyncadd.s32 $0xFFFFF000  }
0x1a4: {  	[tilespmem:s9], [sflag:$0x1] =	stream.indirect.gather [hbm4b:s3+s7], $0x8, s31, s7, $0xb8;
	[tilespmem:$0x83C0] =	vst v63  }
0x1a5: {  	_ =	swait.ge [sflag:s10], $0x1000  }
0x1a6: {  	[sflag:s10] =	ssyncset.done $0x0  }
0x1a7: {  	s1 =	rddreg [dreg:$0x9];
	[sflag:s10] =	ssyncadd.s32 $0xFFFFF000  }
0x1a8: {  	[spmem:s2] =	stream.indirect.scatter.add.f32 [tilespmem:s8], [sflag:$0x3], $0x8, s1, s7, $0xb8;
	[tilespmem:$0x83C0] =	vst v63  }
0x1a9: {  	_ =	swait.ge [sflag:s6], $0x1000  }
0x1aa: {  	[sflag:s6] =	ssyncset.done $0x0  }
0x1ab: {  	s30 =	rddreg [dreg:$0xa];
	[sflag:s6] =	ssyncadd.s32 $0xFFFFF000  }
0x1ac: {  	[tilespmem:s8], [sflag:$0x2] =	stream.indirect.gather [hbm4b:s3+s7], $0x8, s30, s7, $0xb8;
	[tilespmem:$0x83C0] =	vst v63  }
0x1ad: {  	_ =	swait.ge [sflag:s11], $0x1000  }
0x1ae: {  	[sflag:s11] =	ssyncset.done $0x0  }
0x1af: {  	s31 =	rddreg [dreg:$0xb];
	[sflag:s11] =	ssyncadd.s32 $0xFFFFF000  }
0x1b0: {  	[spmem:s2] =	stream.indirect.scatter.add.f32 [tilespmem:s9], [sflag:$0x3], $0x8, s31, s7, $0xb8;
	[tilespmem:$0x83C0] =	vst v63  }
0x1b1: {  	_ =	swait.ge [sflag:s6], $0x1000  }
0x1b2: {  	[sflag:s6] =	ssyncset.done $0x0  }
0x1b3: {  	s1 =	rddreg [dreg:$0xc];
	[sflag:s6] =	ssyncadd.s32 $0xFFFFF000  }
0x1b4: {  	[tilespmem:s9], [sflag:$0x1] =	stream.indirect.gather [hbm4b:s3+s7], $0x8, s1, s7, $0xb8;
	[tilespmem:$0x83C0] =	vst v63  }
0x1b5: {  	_ =	swait.ge [sflag:s10], $0x1000  }
0x1b6: {  	[sflag:s10] =	ssyncset.done $0x0  }
0x1b7: {  	s30 =	rddreg [dreg:$0xd];
	[sflag:s10] =	ssyncadd.s32 $0xFFFFF000  }
0x1b8: {  	[spmem:s2] =	stream.indirect.scatter.add.f32 [tilespmem:s8], [sflag:$0x3], $0x8, s30, s7, $0xb8;
	[tilespmem:$0x83C0] =	vst v63  }
0x1b9: {  	_ =	swait.ge [sflag:s6], $0x1000  }
0x1ba: {  	[sflag:s6] =	ssyncset.done $0x0  }
0x1bb: {  	s31 =	rddreg [dreg:$0xe];
	[sflag:s6] =	ssyncadd.s32 $0xFFFFF000  }
0x1bc: {  	[tilespmem:s8], [sflag:$0x2] =	stream.indirect.gather [hbm4b:s3+s7], $0x8, s31, s7, $0xb8;
	[tilespmem:$0x83C0] =	vst v63  }
0x1bd: {  	_ =	swait.ge [sflag:s11], $0x1000  }
0x1be: {  	[sflag:s11] =	ssyncset.done $0x0  }
0x1bf: {  	s1 =	rddreg [dreg:$0xf];
	[sflag:s11] =	ssyncadd.s32 $0xFFFFF000  }
0x1c0: {  	[spmem:s2] =	stream.indirect.scatter.add.f32 [tilespmem:s9], [sflag:$0x3], $0x8, s1, s7, $0xb8;
	[tilespmem:$0x83C0] =	vst v63  }
0x1c1: {  	_ =	swait.ge [sflag:s6], $0x1000  }
0x1c2: {  	[sflag:s6] =	ssyncset.done $0x0  }
0x1c3: {  	s30 =	rddreg [dreg:$0x10];
	[sflag:s6] =	ssyncadd.s32 $0xFFFFF000  }
0x1c4: {  	[tilespmem:s9], [sflag:$0x1] =	stream.indirect.gather [hbm4b:s3+s7], $0x8, s30, s7, $0xb8;
	[tilespmem:$0x83C0] =	vst v63  }
0x1c5: {  	_ =	swait.ge [sflag:s10], $0x1000  }
0x1c6: {  	[sflag:s10] =	ssyncset.done $0x0  }
0x1c7: {  	s31 =	rddreg [dreg:$0x11];
	[sflag:s10] =	ssyncadd.s32 $0xFFFFF000  }
0x1c8: {  	[spmem:s2] =	stream.indirect.scatter.add.f32 [tilespmem:s8], [sflag:$0x3], $0x8, s31, s7, $0xb8;
	[tilespmem:$0x83C0] =	vst v63  }
0x1c9: {  	_ =	swait.ge [sflag:s6], $0x1000  }
0x1ca: {  	[sflag:s6] =	ssyncset.done $0x0  }
0x1cb: {  	s1 =	rddreg [dreg:$0x12];
	[sflag:s6] =	ssyncadd.s32 $0xFFFFF000  }
0x1cc: {  	[tilespmem:s8], [sflag:$0x2] =	stream.indirect.gather [hbm4b:s3+s7], $0x8, s1, s7, $0xb8;
	[tilespmem:$0x83C0] =	vst v63  }
0x1cd: {  	_ =	swait.ge [sflag:s11], $0x1000  }
0x1ce: {  	[sflag:s11] =	ssyncset.done $0x0  }
0x1cf: {  	s30 =	rddreg [dreg:$0x13];
	[sflag:s11] =	ssyncadd.s32 $0xFFFFF000  }
0x1d0: {  	[spmem:s2] =	stream.indirect.scatter.add.f32 [tilespmem:s9], [sflag:$0x3], $0x8, s30, s7, $0xb8;
	[tilespmem:$0x83C0] =	vst v63  }
0x1d1: {  	_ =	swait.ge [sflag:s6], $0x1000  }
0x1d2: {  	[sflag:s6] =	ssyncset.done $0x0  }
0x1d3: {  	s31 =	rddreg [dreg:$0x14];
	[sflag:s6] =	ssyncadd.s32 $0xFFFFF000  }
0x1d4: {  	[tilespmem:s9], [sflag:$0x1] =	stream.indirect.gather [hbm4b:s3+s7], $0x8, s31, s7, $0xb8;
	[tilespmem:$0x83C0] =	vst v63  }
0x1d5: {  	_ =	swait.ge [sflag:s10], $0x1000  }
0x1d6: {  	[sflag:s10] =	ssyncset.done $0x0  }
0x1d7: {  	s1 =	rddreg [dreg:$0x15];
	[sflag:s10] =	ssyncadd.s32 $0xFFFFF000  }
0x1d8: {  	[spmem:s2] =	stream.indirect.scatter.add.f32 [tilespmem:s8], [sflag:$0x3], $0x8, s1, s7, $0xb8;
	[tilespmem:$0x83C0] =	vst v63  }
0x1d9: {  	_ =	swait.ge [sflag:s6], $0x1000  }
0x1da: {  	[sflag:s6] =	ssyncset.done $0x0  }
0x1db: {  	s30 =	rddreg [dreg:$0x16];
	[sflag:s6] =	ssyncadd.s32 $0xFFFFF000  }
0x1dc: {  	[tilespmem:s8], [sflag:$0x2] =	stream.indirect.gather [hbm4b:s3+s7], $0x8, s30, s7, $0xb8;
	[tilespmem:$0x83C0] =	vst v63  }
0x1dd: {  	_ =	swait.ge [sflag:s11], $0x1000  }
0x1de: {  	[sflag:s11] =	ssyncset.done $0x0  }
0x1df: {  	s31 =	rddreg [dreg:$0x17];
	[sflag:s11] =	ssyncadd.s32 $0xFFFFF000  }
0x1e0: {  	[spmem:s2] =	stream.indirect.scatter.add.f32 [tilespmem:s9], [sflag:$0x3], $0x8, s31, s7, $0xb8;
	[tilespmem:$0x83C0] =	vst v63  }
0x1e1: {  	_ =	swait.ge [sflag:s6], $0x1000  }
0x1e2: {  	[sflag:s6] =	ssyncset.done $0x0  }
0x1e3: {  	s1 =	rddreg [dreg:$0x18];
	[sflag:s6] =	ssyncadd.s32 $0xFFFFF000  }
0x1e4: {  	[tilespmem:s9], [sflag:$0x1] =	stream.indirect.gather [hbm4b:s3+s7], $0x8, s1, s7, $0xb8;
	[tilespmem:$0x83C0] =	vst v63  }
0x1e5: {  	_ =	swait.ge [sflag:s10], $0x1000  }
0x1e6: {  	[sflag:s10] =	ssyncset.done $0x0  }
0x1e7: {  	s30 =	rddreg [dreg:$0x19];
	[sflag:s10] =	ssyncadd.s32 $0xFFFFF000  }
0x1e8: {  	[spmem:s2] =	stream.indirect.scatter.add.f32 [tilespmem:s8], [sflag:$0x3], $0x8, s30, s7, $0xb8;
	[tilespmem:$0x83C0] =	vst v63  }
0x1e9: {  	_ =	swait.ge [sflag:s6], $0x1000  }
0x1ea: {  	[sflag:s6] =	ssyncset.done $0x0  }
0x1eb: {  	s31 =	rddreg [dreg:$0x1a];
	[sflag:s6] =	ssyncadd.s32 $0xFFFFF000  }
0x1ec: {  	[tilespmem:s8], [sflag:$0x2] =	stream.indirect.gather [hbm4b:s3+s7], $0x8, s31, s7, $0xb8;
	[tilespmem:$0x83C0] =	vst v63  }
0x1ed: {  	_ =	swait.ge [sflag:s11], $0x1000  }
0x1ee: {  	[sflag:s11] =	ssyncset.done $0x0  }
0x1ef: {  	s1 =	rddreg [dreg:$0x1b];
	[sflag:s11] =	ssyncadd.s32 $0xFFFFF000  }
0x1f0: {  	[spmem:s2] =	stream.indirect.scatter.add.f32 [tilespmem:s9], [sflag:$0x3], $0x8, s1, s7, $0xb8;
	[tilespmem:$0x83C0] =	vst v63  }
0x1f1: {  	_ =	swait.ge [sflag:s6], $0x1000  }
0x1f2: {  	[sflag:s6] =	ssyncset.done $0x0  }
0x1f3: {  	[sflag:s6] =	ssyncadd.s32 $0xFFFFF000  }
0x1f4: {  	[tilespmem:s9], [sflag:$0x1] =	stream.indirect.gather [hbm4b:s3+s7], $0x8, s29, s7, $0xb8;
	[tilespmem:$0x83C0] =	vst v63  }
0x1f5: {  	_ =	swait.ge [sflag:s10], $0x1000  }
0x1f6: {  	[sflag:s10] =	ssyncset.done $0x0  }
0x1f7: {  	[sflag:s10] =	ssyncadd.s32 $0xFFFFF000  }
0x1f8: {  	[spmem:s2] =	stream.indirect.scatter.add.f32 [tilespmem:s8], [sflag:$0x3], $0x8, s28, s7, $0xb8;
	[tilespmem:$0x83C0] =	vst v63  }
0x1f9: {  	_ =	swait.ge [sflag:s6], $0x1000  }
0x1fa: {  	[sflag:s6] =	ssyncset.done $0x0  }
0x1fb: {  	[sflag:s6] =	ssyncadd.s32 $0xFFFFF000  }
0x1fc: {  	[tilespmem:s8], [sflag:$0x2] =	stream.indirect.gather [hbm4b:s3+s7], $0x8, s26, s7, $0xb8;
	[tilespmem:$0x83C0] =	vst v63  }
0x1fd: {  	_ =	swait.ge [sflag:s11], $0x1000  }
0x1fe: {  	[sflag:s11] =	ssyncset.done $0x0  }
0x1ff: {  	[sflag:s11] =	ssyncadd.s32 $0xFFFFF000  }
0x200: {  	[spmem:s2] =	stream.indirect.scatter.add.f32 [tilespmem:s9], [sflag:$0x3], $0x8, s25, s7, $0xb8;
	[tilespmem:$0x83C0] =	vst v63  }
0x201: {  	_ =	swait.ge [sflag:s6], $0x1000  }
0x202: {  	[sflag:s6] =	ssyncset.done $0x0  }
0x203: {  	[sflag:s6] =	ssyncadd.s32 $0xFFFFF000  }
0x204: {  	[tilespmem:s9], [sflag:$0x1] =	stream.indirect.gather [hbm4b:s3+s7], $0x8, s24, s7, $0xb8;
	[tilespmem:$0x83C0] =	vst v63  }
0x205: {  	_ =	swait.ge [sflag:s10], $0x1000  }
0x206: {  	[sflag:s10] =	ssyncset.done $0x0  }
0x207: {  	[sflag:s10] =	ssyncadd.s32 $0xFFFFF000  }
0x208: {  	[spmem:s2] =	stream.indirect.scatter.add.f32 [tilespmem:s8], [sflag:$0x3], $0x8, s23, s7, $0xb8;
	[tilespmem:$0x83C0] =	vst v63  }
0x209: {  	_ =	swait.ge [sflag:s6], $0x1000  }
0x20a: {  	[sflag:s6] =	ssyncset.done $0x0  }
0x20b: {  	[sflag:s6] =	ssyncadd.s32 $0xFFFFF000  }
0x20c: {  	[tilespmem:s8], [sflag:$0x2] =	stream.indirect.gather [hbm4b:s3+s7], $0x8, s22, s7, $0xb8;
	[tilespmem:$0x83C0] =	vst v63  }
0x20d: {  	_ =	swait.ge [sflag:s11], $0x1000  }
0x20e: {  	[sflag:s11] =	ssyncset.done $0x0  }
0x20f: {  	[sflag:s11] =	ssyncadd.s32 $0xFFFFF000  }
0x210: {  	[spmem:s2] =	stream.indirect.scatter.add.f32 [tilespmem:s9], [sflag:$0x3], $0x8, s21, s7, $0xb8;
	[tilespmem:$0x83C0] =	vst v63  }
0x211: {  	_ =	swait.ge [sflag:s6], $0x1000  }
0x212: {  	[sflag:s6] =	ssyncset.done $0x0  }
0x213: {  	[sflag:s6] =	ssyncadd.s32 $0xFFFFF000  }
0x214: {  	[tilespmem:s9], [sflag:$0x1] =	stream.indirect.gather [hbm4b:s3+s7], $0x8, s20, s7, $0xb8;
	[tilespmem:$0x83C0] =	vst v63  }
0x215: {  	_ =	swait.ge [sflag:s10], $0x1000  }
0x216: {  	[sflag:s10] =	ssyncset.done $0x0  }
0x217: {  	[sflag:s10] =	ssyncadd.s32 $0xFFFFF000  }
0x218: {  	[spmem:s2] =	stream.indirect.scatter.add.f32 [tilespmem:s8], [sflag:$0x3], $0x8, s19, s7, $0xb8;
	[tilespmem:$0x83C0] =	vst v63  }
0x219: {  	_ =	swait.ge [sflag:s6], $0x1000  }
0x21a: {  	[sflag:s6] =	ssyncset.done $0x0  }
0x21b: {  	[sflag:s6] =	ssyncadd.s32 $0xFFFFF000  }
0x21c: {  	[tilespmem:s8], [sflag:$0x2] =	stream.indirect.gather [hbm4b:s3+s7], $0x8, s17, s7, $0xb8;
	[tilespmem:$0x83C0] =	vst v63  }
0x21d: {  	_ =	swait.ge [sflag:s11], $0x1000  }
0x21e: {  	[sflag:s11] =	ssyncset.done $0x0  }
0x21f: {  	[sflag:s11] =	ssyncadd.s32 $0xFFFFF000  }
0x220: {  	[spmem:s2] =	stream.indirect.scatter.add.f32 [tilespmem:s9], [sflag:$0x3], $0x8, s18, s7, $0xb8;
	[tilespmem:$0x83C0] =	vst v63  }
0x221: {  	_ =	swait.ge [sflag:s6], $0x1000  }
0x222: {  	[sflag:s6] =	ssyncset.done $0x0  }
0x223: {  	[sflag:s6] =	ssyncadd.s32 $0xFFFFF000  }
0x224: {  	[tilespmem:s9], [sflag:$0x1] =	stream.indirect.gather [hbm4b:s3+s7], $0x8, s16, s7, $0xb8;
	[tilespmem:$0x83C0] =	vst v63  }
0x225: {  	_ =	swait.ge [sflag:s10], $0x1000  }
0x226: {  	[sflag:s10] =	ssyncset.done $0x0  }
0x227: {  	[sflag:s10] =	ssyncadd.s32 $0xFFFFF000  }
0x228: {  	[spmem:s2] =	stream.indirect.scatter.add.f32 [tilespmem:s8], [sflag:$0x3], $0x8, s15, s7, $0xb8;
	[tilespmem:$0x83C0] =	vst v63  }
0x229: {  	_ =	swait.ge [sflag:s6], $0x1000  }
0x22a: {  	[sflag:s6] =	ssyncset.done $0x0  }
0x22b: {  	[sflag:s6] =	ssyncadd.s32 $0xFFFFF000  }
0x22c: {  	[tilespmem:s8], [sflag:$0x2] =	stream.indirect.gather [hbm4b:s3+s7], $0x8, s14, s7, $0xb8;
	[tilespmem:$0x83C0] =	vst v63  }
0x22d: {  	_ =	swait.ge [sflag:s11], $0x1000  }
0x22e: {  	[sflag:s11] =	ssyncset.done $0x0  }
0x22f: {  	[sflag:s11] =	ssyncadd.s32 $0xFFFFF000  }
0x230: {  	[spmem:s2] =	stream.indirect.scatter.add.f32 [tilespmem:s9], [sflag:$0x3], $0x8, s13, s7, $0xb8;
	[tilespmem:$0x83C0] =	vst v63  }
0x231: {  	_ =	swait.ge [sflag:s6], $0x1000  }
0x232: {  	[sflag:s6] =	ssyncset.done $0x0  }
0x233: {  	[sflag:s6] =	ssyncadd.s32 $0xFFFFF000  }
0x234: {  	_ =	swait.ge [sflag:s10], $0x1000  }
0x235: {  	[sflag:s10] =	ssyncset.done $0x0  }
0x236: {  	[sflag:s10] =	ssyncadd.s32 $0xFFFFF000  }
0x237: {  	[spmem:s2] =	stream.indirect.scatter.add.f32 [tilespmem:s8], [sflag:$0x3], $0x8, s12, s7, $0xb8;
	[tilespmem:$0x83C0] =	vst v63  }
0x238: {  	_ =	swait.ge [sflag:s6], $0x1000  }
0x239: {  	[sflag:s6] =	ssyncset.done $0x0  }
0x23a: {  	[sflag:s6] =	ssyncadd.s32 $0xFFFFF000  }
0x23b: {  	[bflag:$0x0] =	sbarrier.arrive $0xFFFF  }
0x23c: {  	s30 =	rddreg [dreg:$0x7]  }
0x23d: {  	[hbm:s30], [sflag:s4] =	dma.local [spmem:s5], $0x278  }
0x23e: {  	_ =	swait.ge [sflag:s6], $0x278  }
0x23f: {  	[sflag:s6] =	ssyncset.done $0x0  }
0x240: {  	[sflag:s6] =	ssyncadd.s32 $0xFFFFFD88  }
0x241: {  	_ =	sfence.sel $0x180000  }
0x242: {  	[bflag:$0x0] =	sbarrier.arrive $0xFFFF  }
0x243: {  	_ =	strace $0x9000004A  }
0x244: {  	s31 =	stileid.u32;
	[bflag:$0x2] =	sbarrier.arrive $0xFFFF  }
0x245: {  	p0 =	sne.s32 s31, $0x0;
	s0 =	rddreg [dreg:$0x3]  }
0x246: {  	s0 =	sadd.s32 @!p0 $0x100000, s0  }
0x247: {  	[sflag:s0] =	ssyncadd.tile.s32 @!p0 $0x1;
	_ =	shalt  }
.Lfunc_end2:
_tile_overlayer_lowered:
.L_overlay_start_2:
0x248: {  	(tag) =	ssettag $0x2  }
0x249: {  	s0 =	rddreg [dreg:$0x0];
	s2 =	stileid.u32  }
0x24a: {  	s1 =	rddreg [dreg:$0x1];
	p0 =	sne.s32 s2, $0x0  }
0x24b: {  	s3 =	rddreg [dreg:$0x2];
	[bflag:$0x3] =	sbarrier.arrive $0xFFFF;
	s2 =	simm.s32 @!p0 $0x1C03  }
0x24c: {  	[timem:s3], [sflag:s2] =	dma.local @!p0 [hbm:s0], s1  }
0x24d: {  	s0 =	simm.s32 @!p0 $0x3  }
0x24e: {  	_ =	swait.ge @!p0 [sflag:s0], s1  }
0x24f: {  	s1 =	ssub.s32 @!p0 $0x0, s1;
	[sflag:s0] =	ssyncset.done @!p0 $0x0  }
0x250: {  	[sflag:s0] =	ssyncadd.s32 @!p0 s1  }
0x251: {  	[bflag:$0x3] =	sbarrier.arrive $0xFFFF  }
0x252: {  	_ =	shalt  }

// kernel: kernel.17.cloned.1.call-start
scs
__scs_entry_jumppad:
0x0: {  	(pc) =	sbr.rel $0x88, $3  }
0x1: {  	(tag) =	ssettag $0x0;
	lr =	simm.s32 $0x1  }
0x2: {  	[smem:$0x3F99] =	sst lr;
	_ =	strace $0xD0000000  }
0x3: {  	_ = 	snop  }
0x4: {  	_ = 	snop  }
0x5: {  	_ = 	snop  }
0x6: {  	_ = 	snop  }
0x7: {  	_ = 	snop  }
__scs_overlays_trampoline_lowered:
0x8: {  	[smem:$0x3FA8] =	sst s0  }
0x9: {  	[smem:$0x3FA9] =	sst s1  }
0xa: {  	[smem:$0x3FAA] =	sst s2  }
0xb: {  	[smem:$0x3FAB] =	sst s3  }
0xc: {  	[smem:$0x3FAC] =	sst s4  }
0xd: {  	[smem:$0x3FAD] =	sst s5  }
0xe: {  	[smem:$0x3FAE] =	sst s6  }
0xf: {  	[smem:$0x3FAF] =	sst s7  }
0x10: {  	[smem:$0x3FB0] =	sst s8  }
0x11: {  	[smem:$0x3FB1] =	sst s9;
	s0 =	simm.s32 @!p0 $0x0  }
0x12: {  	s1 =	sld [smem:$0x3F97];
	s0 =	simm.s32 @p0 $0x1  }
0x13: {  	[smem:$0x3FB2] =	sst s0;
	s0 =	simm.s32 @!p1 $0x0  }
0x14: {  	s2 =	sld [smem:$0x3F96];
	s0 =	simm.s32 @p1 $0x1  }
0x15: {  	[smem:$0x3FB3] =	sst s0;
	s0 =	simm.s32 @!p2 $0x0  }
0x16: {  	s3 =	sld [smem:$0x3FDB];
	s0 =	simm.s32 @p2 $0x1  }
0x17: {  	s4 =	simm.s32 $0x1BF5;
	[smem:$0x3FB5] =	sst s0  }
0x18: {  	s0 =	sld [smem:$0x3F98];
	_ =	swait.ge [sflag:s4], $0x0  }
0x19: {  	s7 =	sld [smem:$0x3F99]  }
0x1a: {  	s8 =	sadd.s32 $0xFFFFE003, lr  }
0x1b: {  	s9 =	sadd.s32 $0xFFFFFEF7, lr;
	s5 =	simm.s32 $0xFFFFFFFF;
	p2 =	slt.u32 s8, $0xFFFFF086  }
0x1c: {  	p1 =	slt.u32 s9, $0xF7A;
	s5 =	simm.s32 @!p2 $0x0  }
0x1d: {  	s5 =	simm.s32 @p1 $0x1;
	p0 =	seq.s32 s7, s2  }
0x1e: {  	s7 =	smul.u32 @!p0 $0xF7A, s2;
	p2 =	seq.s32 @!p0 s5, $0x0  }
0x1f: {  	s9 =	smul.u32 $0xF7A, s1;
	s8 =	simm.s32 @!p0 $0x1BF5;
	p2 =	por !p2, p0  }
0x20: {  	[sflag:s8] =	ssyncset.s32 @!p0 $0xFFFFF086;
	s6 =	sadd.s32 @!p0 s3, s7;
	s7 =	simm.s32 @!p0 $0x108  }
0x21: {  	s3 =	sadd.s32 s3, s9;
	s6 =	sadd.s32 @!p0 $0x88, s6;
	s7 =	simm.s32 @p2 $0x1082  }
0x22: {  	[simem:s7], [sflag:s8] =	dma.local @!p0 [hbm:s6], $0xF7A  }
0x23: {  	s9 =	sor.u32 $0xD0000000, s2;
	s6 =	simm.s32 $0x108;
	_ =	swait.ge @!p0 [sflag:s8], $0x0  }
0x24: {  	s3 =	sadd.s32 $0x88, s3;
	s6 =	simm.s32 @!p1 $0x1082;
	[sflag:s4] =	ssyncset.s32 $0xFFFFF086  }
0x25: {  	[simem:s6], [sflag:s4] =	dma.local [hbm:s3], $0xF7A  }
0x26: {  	[smem:$0x3F99] =	sst s1;
	(tag) =	ssettag s2;
	_ =	strace s9  }
0x27: {  	s1 =	sld [smem:$0x3FA9]  }
0x28: {  	s2 =	sld [smem:$0x3FAA]  }
0x29: {  	s4 =	sld [smem:$0x3FAC]  }
0x2a: {  	p0 =	seq.s32 s5, $0x0;
	s5 =	sld [smem:$0x3FAD]  }
0x2b: {  	s6 =	sld [smem:$0x3FAE]  }
0x2c: {  	s7 =	sld [smem:$0x3FAF]  }
0x2d: {  	s3 =	simm.s32 $0x108;
	s8 =	sld [smem:$0x3FB0]  }
0x2e: {  	s3 =	simm.s32 @!p0 $0x1082;
	s9 =	sld [smem:$0x3FB1]  }
0x2f: {  	lr =	sadd.s32 s0, s3;
	s0 =	sld [smem:$0x3FA8]  }
0x30: {  	s3 =	sld [smem:$0x3FAB]  }
0x31: {  	[smem:$0x3FB4] =	sst s10  }
0x32: {  	s10 =	sld [smem:$0x3FB2];
	_ =	sdelay $0x3  }
0x33: {  	p0 =	seq.s32 s10, $0x1;
	s10 =	sld [smem:$0x3FB4];
	_ =	sdelay $0x3  }
0x34: {  	[smem:$0x3FB4] =	sst s10  }
0x35: {  	s10 =	sld [smem:$0x3FB3];
	_ =	sdelay $0x3  }
0x36: {  	p1 =	seq.s32 s10, $0x1;
	s10 =	sld [smem:$0x3FB4];
	_ =	sdelay $0x3  }
0x37: {  	[smem:$0x3FB4] =	sst s10  }
0x38: {  	s10 =	sld [smem:$0x3FB5]  }
0x39: {  	_ = 	snop;
	(pc) =	sbr.ind lr, $3  }
0x3a: {  	_ = 	snop  }
0x3b: {  	_ = 	snop  }
0x3c: {  	p2 =	seq.s32 s10, $0x1;
	s10 =	sld [smem:$0x3FB4]  }
0x3d: {  	_ =	shalt  }
0x3e: {  	_ =	shalt  }
0x3f: {  	_ =	shalt  }
0x40: {  	_ =	shalt  }
0x41: {  	_ =	shalt  }
0x42: {  	_ =	shalt  }
0x43: {  	_ =	shalt  }
0x44: {  	_ =	shalt  }
0x45: {  	_ =	shalt  }
0x46: {  	_ =	shalt  }
0x47: {  	_ =	shalt  }
0x48: {  	_ =	shalt  }
0x49: {  	_ =	shalt  }
0x4a: {  	_ =	shalt  }
0x4b: {  	_ =	shalt  }
0x4c: {  	_ =	shalt  }
0x4d: {  	_ =	shalt  }
0x4e: {  	_ =	shalt  }
0x4f: {  	_ =	shalt  }
0x50: {  	_ =	shalt  }
0x51: {  	_ =	shalt  }
0x52: {  	_ =	shalt  }
0x53: {  	_ =	shalt  }
0x54: {  	_ =	shalt  }
0x55: {  	_ =	shalt  }
0x56: {  	_ =	shalt  }
0x57: {  	_ =	shalt  }
0x58: {  	_ =	shalt  }
0x59: {  	_ =	shalt  }
0x5a: {  	_ =	shalt  }
0x5b: {  	_ =	shalt  }
0x5c: {  	_ =	shalt  }
0x5d: {  	_ =	shalt  }
0x5e: {  	_ =	shalt  }
0x5f: {  	_ =	shalt  }
0x60: {  	_ =	shalt  }
0x61: {  	_ =	shalt  }
0x62: {  	_ =	shalt  }
0x63: {  	_ =	shalt  }
0x64: {  	_ =	shalt  }
0x65: {  	_ =	shalt  }
0x66: {  	_ =	shalt  }
0x67: {  	_ =	shalt  }
0x68: {  	_ =	shalt  }
0x69: {  	_ =	shalt  }
0x6a: {  	_ =	shalt  }
0x6b: {  	_ =	shalt  }
0x6c: {  	_ =	shalt  }
0x6d: {  	_ =	shalt  }
0x6e: {  	_ =	shalt  }
0x6f: {  	_ =	shalt  }
0x70: {  	_ =	shalt  }
0x71: {  	_ =	shalt  }
0x72: {  	_ =	shalt  }
0x73: {  	_ =	shalt  }
0x74: {  	_ =	shalt  }
0x75: {  	_ =	shalt  }
0x76: {  	_ =	shalt  }
0x77: {  	_ =	shalt  }
0x78: {  	_ =	shalt  }
0x79: {  	_ =	shalt  }
0x7a: {  	_ =	shalt  }
0x7b: {  	_ =	shalt  }
0x7c: {  	_ =	shalt  }
0x7d: {  	_ =	shalt  }
0x7e: {  	_ =	shalt  }
0x7f: {  	_ =	shalt  }
0x80: {  	_ =	shalt  }
0x81: {  	_ =	shalt  }
0x82: {  	_ =	shalt  }
0x83: {  	_ =	shalt  }
0x84: {  	_ =	shalt  }
0x85: {  	_ =	shalt  }
0x86: {  	_ =	shalt  }
0x87: {  	_ =	shalt  }
.Lfunc_end0:
.L_simem_size_0:
called_computation.2_lowered:
.L_overlay_start_0:
0x88: {  	s2 =	sld [smem:$0x3FD9]  }
0x89: {  	s3 =	sld [smem:$0x3FFE];
	_ =	sdelay $0x1  }
0x8a: {  	s1 =	srdreg.scid  }
0x8b: {  	s0 =	sand.u32 $0x1, s1  }
0x8c: {  	s17 =	sshll.u32 s0, $0xA;
	s2 =	sadd.s32 s3, s2  }
0x8d: {  	s2 =	sadd.s32 s2, s17  }
0x8e: {  	[smem:$0x3FC0] =	sst s2  }
0x8f: {  	_ = 	snop  }
0x90: {  	s2 =	sld [smem:$0x3FD0];
	(tm) =	ssettm $0x1  }
0x91: {  	s18 =	sld [smem:$0x3FFB];
	_ =	sdelay $0x3  }
0x92: {  	_ =	strace s18  }
0x93: {  	s3 =	sld [smem:$0x3FFC];
	_ =	sdelay $0x3  }
0x94: {  	_ =	strace s3  }
0x95: {  	s3 =	sld [smem:$0x3FFD];
	_ =	sdelay $0x3  }
0x96: {  	_ =	strace s3  }
0x97: {  	_ =	strace $0x8FFFFFFF  }
0x98: {  	s19 =	sld [smem:$0x3FDB];
	_ =	sdelay $0x1  }
0x99: {  	s4 =	simm.s32 $_scs_section_size  }
0x9a: {  	s5 =	simm.s32 $_size__tile_overlayer_lowered;
	s6 =	simm.s32 $_tile_overlayer_lowered  }
0x9b: {  	s22 =	simm.s32 $0x1BFF;
	s21 =	sshll.u32 s6, $0x1;
	s3 =	sadd.s32 s4, s19  }
0x9c: {  	s7 =	simm.s32 $0x0;
	s20 =	sshll.u32 s5, $0x1;
	s5 =	sadd.s32 s21, s3  }
0x9d: {  	[timem:s7], [sflag:s22] =	dma.local [hbm:s5], s20  }
0x9e: {  	_ =	swait.ge [sflag:s22], s20  }
0x9f: {  	s4 =	ssub.s32 $0x0, s20;
	[sflag:s22] =	ssyncset.done $0x0  }
0xa0: {  	[sflag:s22] =	ssyncadd.s32 s4;
	_ =	sdelay $0x1  }
0xa1: {  	s23 =	simm.s32 $0x1B8B  }
0xa2: {  	_ =	swait.ge [sflag:s23], $0x1  }
0xa3: {  	[sflag:s23] =	ssyncset.done $0x0  }
0xa4: {  	s25 =	simm.s32 $0x1B8E;
	s24 =	sld [smem:$0x3FFE];
	[sflag:s23] =	ssyncadd.s32 $0xFFFFFFFF  }
0xa5: {  	s26 =	simm.s32 $execute0_lowered;
	[smem:$0x3FD2] =	sst s25  }
0xa6: {  	s5 =	sshll.u32 s26, $0x1;
	_ =	strace $0x8000004C;
	[dreg:$0x1] =	wrdreg $0xFFFFFFFF  }
0xa7: {  	s28 =	simm.s32 $_size_execute0_lowered;
	s3 =	sadd.s32 s3, s5;
	[dreg:$0x0] =	wrdreg $0x0  }
0xa8: {  	s5 =	sshll.u32 s28, $0x1;
	[dreg:$0x2] =	wrdreg s3  }
0xa9: {  	[dreg:$0x3] =	wrdreg s5  }
0xaa: {  	[dreg:$0x4] =	wrdreg $0xC0  }
0xab: {  	_ =	task [dreg:s7], $0x5FFFF  }
0xac: {  	[dreg:$0x1] =	wrdreg $0xFFFFFFFF  }
0xad: {  	[dreg:$0x0] =	wrdreg $0x60  }
0xae: {  	[dreg:$0x2] =	wrdreg s24  }
0xaf: {  	[dreg:$0x3] =	wrdreg s2  }
0xb0: {  	[dreg:$0x4] =	wrdreg $0x70000  }
0xb1: {  	[dreg:$0x5] =	wrdreg $0x9  }
0xb2: {  	_ =	task.clear_ibuf [dreg:s7], $0x6FFFF;
	_ =	strace $0x9000004C  }
0xb3: {  	s29 =	simm.s32 $0x9;
	_ =	strace $0x8000004E  }
0xb4: {  	_ =	swait.ge [sflag:s29], $0x1  }
0xb5: {  	[sflag:s29] =	ssyncadd.s32 $0xFFFFFFFF  }
0xb6: {  	_ =	strace $0x9000004E  }
0xb7: {  	_ =	sfence  }
0xb8: {  	s30 =	sld [smem:$0x0];
	_ =	sdelay $0x2  }
0xb9: {  	s31 =	sshll.u32 s1, $0xD;
	s1 =	sshrl.u32 s1, $0x2  }
0xba: {  	s3 =	sand.u32 $0x4000, s31;
	s1 =	sadd.s32 s1, s30  }
0xbb: {  	s0 =	sor.u32 s3, s0;
	s1 =	sshll.u32 s1, $0x11  }
0xbc: {  	s0 =	sor.u32 s1, s0  }
0xbd: {  	s0 =	sadd.s32 $0x8F2B, s0  }
0xbe: {  	[sflag:s0] =	ssyncadd.remote.s32 $0x1  }
0xbf: {  	_ =	sfence.sel $0xFFFF  }
0xc0: {  	[dreg:$0x0] =	wrdreg $0xFFFFFFFF;
	(pc) =	sbr.abs _section_cstart, $3  }
0xc1: {  	[dreg:$0x1] =	wrdreg $0xFFFFFFFF  }
0xc2: {  	_ =	task.clear_ibuf [dreg:s7], $0x2FFFF;
	_ =	strace $0x9FFFFFFF  }
0xc3: {  	(tm) =	ssettm $0x7FFFFFFF  }
tec
execute0_lowered:
.L_overlay_start_1:
0x0: {  	(tag) =	ssettag $0x1  }
0x1: {  	s0 =	srdreg.scid;
	s1 =	rddreg [dreg:$0x0]  }
0x2: {  	s3 =	rddreg [dreg:$0x1];
	s30 =	simm.s32 $0x0;
	s0 =	sand.u32 $0x1, s0  }
0x3: {  	s8 =	stileid.u32;
	[smem:$0x7FF] =	sst s30;
	s2 =	sshll.u32 s0, $0x4  }
0x4: {  	s26 =	simm.s32 $0x400;
	s4 =	sor.u32 s8, s2;
	s2 =	rddreg [dreg:$0x2]  }
0x5: {  	s9 =	simm.s32 $0x800;
	_ =	strace $0x8000004D;
	[dreg:$0x8] =	wrdreg s26  }
0x6: {  	s10 =	simm.s32 $0x2E00;
	[dreg:$0xc] =	wrdreg s9  }
0x7: {  	s11 =	simm.s32 $0xA00;
	[dreg:$0xd] =	wrdreg s10  }
0x8: {  	s12 =	simm.s32 $0x3000;
	s14 =	simm.s32 $0xC00;
	[dreg:$0xe] =	wrdreg s11  }
0x9: {  	s15 =	simm.s32 $0x3200;
	s16 =	simm.s32 $0xE00;
	[dreg:$0xf] =	wrdreg s12  }
0xa: {  	s18 =	simm.s32 $0x3400;
	s19 =	simm.s32 $0x1000;
	[dreg:$0x10] =	wrdreg s14  }
0xb: {  	s20 =	simm.s32 $0x3600;
	s21 =	simm.s32 $0x1200;
	[dreg:$0x11] =	wrdreg s15  }
0xc: {  	s22 =	simm.s32 $0x3800;
	s31 =	simm.s32 $0x2800;
	[dreg:$0x12] =	wrdreg s16  }
0xd: {  	s29 =	simm.s32 $0x1800;
	s28 =	simm.s32 $0x3E00;
	[dreg:$0x13] =	wrdreg s18  }
0xe: {  	p0 =	por $0x0, $0x0;
	s5 =	smul.u32 $0x13C0, s8;
	[dreg:$0x14] =	wrdreg s19  }
0xf: {  	s17 =	sshll.u32 s8, $0x6;
	s6 =	smul.u32 $0x13C00, s0;
	[dreg:$0x15] =	wrdreg s20  }
0x10: {  	s0 =	ssub.s32 $0x2, s0;
	s7 =	sshrl.u32 s5, $0x3;
	[dreg:$0x16] =	wrdreg s21  }
0x11: {  	s13 =	sshrl.u32 s0, $0x1;
	[dreg:$0x17] =	wrdreg s22;
	s9 =	simm.s32 $0x5000  }
0x12: {  	s8 =	simm.s32 $0x6000;
	s26 =	simm.s32 $0x3C00;
	s11 =	simm.s32 $0x1  }
0x13: {  	s10 =	simm.s32 $0x2;
	s22 =	simm.s32 $0x1E00;
	s21 =	simm.s32 $0x4400  }
0x14: {  	s20 =	simm.s32 $0x2000;
	s19 =	simm.s32 $0x4600;
	s18 =	simm.s32 $0x4800  }
0x15: {  	s16 =	simm.s32 $0x2400;
	s15 =	simm.s32 $0x4A00;
	s14 =	simm.s32 $0x2600  }
0x16: {  	s12 =	simm.s32 $0x4E00;
	s4 =	smul.u32 $0x500, s4;
	s6 =	sadd.s32 s5, s6  }
0x17: {  	s3 =	sadd.s32 s3, s7;
	s7 =	simm.s32 $0x2C00;
	[dreg:$0x1b] =	wrdreg s26  }
0x18: {  	s0 =	ssub.s32 s0, s13;
	s6 =	sshrl.u32 s6, $0x3;
	[dreg:$0x4] =	wrdreg s3  }
0x19: {  	[dreg:$0xb] =	wrdreg s7;
	s3 =	sadd.s32 $0x17800, s1;
	s0 =	smax.u32 s0, $0x1  }
0x1a: {  	s4 =	sadd.s32 s4, s1;
	s6 =	sadd.s32 s6, s1;
	p1 =	sne.s32 s0, $0x1  }
0x1b: {  	s1 =	sadd.s32 $0xFFFFFFFF, s0;
	s0 =	rddreg [dreg:$0x4];
	s23 =	sadd.s32 $0xD800, s4  }
0x1c: {  	s5 =	sadd.s32 s5, s2;
	s24 =	sadd.s32 $0x3800, s4;
	[dreg:$0x5] =	wrdreg s23  }
0x1d: {  	s26 =	simm.s32 $0x1A00;
	s25 =	sadd.s32 $0x1A000, s6;
	[dreg:$0x6] =	wrdreg s24  }
0x1e: {  	s13 =	simm.s32 $0x4C00;
	s4 =	simm.s32 $0x2A00;
	[dreg:$0x7] =	wrdreg s25  }
0x1f: {  	s5 =	sshrl.u32 s5, $0x3;
	s6 =	simm.s32 $0x600;
	[dreg:$0x9] =	wrdreg s4  }
.Ltmp0:
0x20: {  	[dreg:$0xa] =	wrdreg s6;
	s23 =	simm.s32 $0x1400;
	(pc) =	sbr.rel @!p1 .LBB2_3-.Ltmp0, $4  }
0x21: {  	s7 =	simm.s32 $0x200;
	s24 =	simm.s32 $0x3A00;
	[dreg:$0x18] =	wrdreg s23  }
0x22: {  	s4 =	sor.u32 $0x1C03, s17;
	s25 =	simm.s32 $0x1600;
	[dreg:$0x19] =	wrdreg s24  }
0x23: {  	s6 =	simm.s32 $0x3;
	s17 =	simm.s32 $0x2200;
	[dreg:$0x1a] =	wrdreg s25  }
0x24: {  	s25 =	simm.s32 $0x4000;
	s24 =	simm.s32 $0x1C00;
	s23 =	simm.s32 $0x4200  }
0x25: {  	[spmem:s5], [sflag:s4] =	dma.local [hbm:s0], $0x278  }
0x26: {  	_ =	swait.ge [sflag:s6], $0x278  }
0x27: {  	[sflag:s6] =	ssyncset.done $0x0  }
0x28: {  	s0 =	rddreg [dreg:$0x5];
	[sflag:s6] =	ssyncadd.s32 $0xFFFFFD88  }
0x29: {  	[tilespmem:s30], [sflag:$0x3] =	stream.linear.gather [hbm4b:s0+s30], $0x2800, $0x38;
	[tilespmem:$0x83C0] =	vst v63  }
0x2a: {  	_ =	swait.ge [sflag:s6], $0x2800  }
0x2b: {  	[sflag:s6] =	ssyncset.done $0x0  }
0x2c: {  	s0 =	rddreg [dreg:$0x6];
	[sflag:s6] =	ssyncadd.s32 $0xFFFFD800  }
0x2d: {  	[tilespmem:s31], [sflag:$0x3] =	stream.linear.gather [hbm4b:s0+s30], $0x2800, $0x38;
	[tilespmem:$0x83C0] =	vst v63  }
0x2e: {  	_ =	swait.ge [sflag:s6], $0x2800  }
0x2f: {  	[sflag:s6] =	ssyncset.done $0x0  }
0x30: {  	[sflag:s6] =	ssyncadd.s32 $0xFFFFD800  }
0x31: {  	[bflag:$0x0] =	sbarrier.arrive $0xFFFF  }
0x32: {  	[tilespmem:s9], [sflag:$0x1] =	stream.indirect.gather [hbm4b:s3+s7], $0x8, s30, s7, $0xb8;
	[tilespmem:$0x83C0] =	vst v63  }
0x33: {  	_ = 	snop  }
0x34: {  	[tilespmem:s8], [sflag:$0x2] =	stream.indirect.gather [hbm4b:s3+s7], $0x8, s7, s7, $0xb8;
	[tilespmem:$0x83C0] =	vst v63  }
0x35: {  	_ =	swait.ge [sflag:s11], $0x1000  }
0x36: {  	[sflag:s11] =	ssyncset.done $0x0  }
0x37: {  	[sflag:s11] =	ssyncadd.s32 $0xFFFFF000  }
0x38: {  	[spmem:s2] =	stream.indirect.scatter.add.f32 [tilespmem:s9], [sflag:$0x3], $0x8, s31, s7, $0xb8;
	[tilespmem:$0x83C0] =	vst v63  }
0x39: {  	_ =	swait.ge [sflag:s6], $0x1000  }
0x3a: {  	[sflag:s6] =	ssyncset.done $0x0  }
0x3b: {  	s0 =	rddreg [dreg:$0x8];
	[sflag:s6] =	ssyncadd.s32 $0xFFFFF000  }
0x3c: {  	[tilespmem:s9], [sflag:$0x1] =	stream.indirect.gather [hbm4b:s3+s7], $0x8, s0, s7, $0xb8;
	[tilespmem:$0x83C0] =	vst v63  }
0x3d: {  	_ =	swait.ge [sflag:s10], $0x1000  }
0x3e: {  	[sflag:s10] =	ssyncset.done $0x0  }
0x3f: {  	s0 =	rddreg [dreg:$0x9];
	[sflag:s10] =	ssyncadd.s32 $0xFFFFF000  }
0x40: {  	[spmem:s2] =	stream.indirect.scatter.add.f32 [tilespmem:s8], [sflag:$0x3], $0x8, s0, s7, $0xb8;
	[tilespmem:$0x83C0] =	vst v63  }
0x41: {  	_ =	swait.ge [sflag:s6], $0x1000  }
0x42: {  	[sflag:s6] =	ssyncset.done $0x0  }
0x43: {  	s0 =	rddreg [dreg:$0xa];
	[sflag:s6] =	ssyncadd.s32 $0xFFFFF000  }
0x44: {  	[tilespmem:s8], [sflag:$0x2] =	stream.indirect.gather [hbm4b:s3+s7], $0x8, s0, s7, $0xb8;
	[tilespmem:$0x83C0] =	vst v63  }
0x45: {  	_ =	swait.ge [sflag:s11], $0x1000  }
0x46: {  	[sflag:s11] =	ssyncset.done $0x0  }
0x47: {  	s0 =	rddreg [dreg:$0xb];
	[sflag:s11] =	ssyncadd.s32 $0xFFFFF000  }
0x48: {  	[spmem:s2] =	stream.indirect.scatter.add.f32 [tilespmem:s9], [sflag:$0x3], $0x8, s0, s7, $0xb8;
	[tilespmem:$0x83C0] =	vst v63  }
0x49: {  	_ =	swait.ge [sflag:s6], $0x1000  }
0x4a: {  	[sflag:s6] =	ssyncset.done $0x0  }
0x4b: {  	s0 =	rddreg [dreg:$0xc];
	[sflag:s6] =	ssyncadd.s32 $0xFFFFF000  }
0x4c: {  	[tilespmem:s9], [sflag:$0x1] =	stream.indirect.gather [hbm4b:s3+s7], $0x8, s0, s7, $0xb8;
	[tilespmem:$0x83C0] =	vst v63  }
0x4d: {  	_ =	swait.ge [sflag:s10], $0x1000  }
0x4e: {  	[sflag:s10] =	ssyncset.done $0x0  }
0x4f: {  	s0 =	rddreg [dreg:$0xd];
	[sflag:s10] =	ssyncadd.s32 $0xFFFFF000  }
0x50: {  	[spmem:s2] =	stream.indirect.scatter.add.f32 [tilespmem:s8], [sflag:$0x3], $0x8, s0, s7, $0xb8;
	[tilespmem:$0x83C0] =	vst v63  }
0x51: {  	_ =	swait.ge [sflag:s6], $0x1000  }
0x52: {  	[sflag:s6] =	ssyncset.done $0x0  }
0x53: {  	s0 =	rddreg [dreg:$0xe];
	[sflag:s6] =	ssyncadd.s32 $0xFFFFF000  }
0x54: {  	[tilespmem:s8], [sflag:$0x2] =	stream.indirect.gather [hbm4b:s3+s7], $0x8, s0, s7, $0xb8;
	[tilespmem:$0x83C0] =	vst v63  }
0x55: {  	_ =	swait.ge [sflag:s11], $0x1000  }
0x56: {  	[sflag:s11] =	ssyncset.done $0x0  }
0x57: {  	s0 =	rddreg [dreg:$0xf];
	[sflag:s11] =	ssyncadd.s32 $0xFFFFF000  }
0x58: {  	[spmem:s2] =	stream.indirect.scatter.add.f32 [tilespmem:s9], [sflag:$0x3], $0x8, s0, s7, $0xb8;
	[tilespmem:$0x83C0] =	vst v63  }
0x59: {  	_ =	swait.ge [sflag:s6], $0x1000  }
0x5a: {  	[sflag:s6] =	ssyncset.done $0x0  }
0x5b: {  	s0 =	rddreg [dreg:$0x10];
	[sflag:s6] =	ssyncadd.s32 $0xFFFFF000  }
0x5c: {  	[tilespmem:s9], [sflag:$0x1] =	stream.indirect.gather [hbm4b:s3+s7], $0x8, s0, s7, $0xb8;
	[tilespmem:$0x83C0] =	vst v63  }
0x5d: {  	_ =	swait.ge [sflag:s10], $0x1000  }
0x5e: {  	[sflag:s10] =	ssyncset.done $0x0  }
0x5f: {  	s0 =	rddreg [dreg:$0x11];
	[sflag:s10] =	ssyncadd.s32 $0xFFFFF000  }
0x60: {  	[spmem:s2] =	stream.indirect.scatter.add.f32 [tilespmem:s8], [sflag:$0x3], $0x8, s0, s7, $0xb8;
	[tilespmem:$0x83C0] =	vst v63  }
0x61: {  	_ =	swait.ge [sflag:s6], $0x1000  }
0x62: {  	[sflag:s6] =	ssyncset.done $0x0  }
0x63: {  	s0 =	rddreg [dreg:$0x12];
	[sflag:s6] =	ssyncadd.s32 $0xFFFFF000  }
0x64: {  	[tilespmem:s8], [sflag:$0x2] =	stream.indirect.gather [hbm4b:s3+s7], $0x8, s0, s7, $0xb8;
	[tilespmem:$0x83C0] =	vst v63  }
0x65: {  	_ =	swait.ge [sflag:s11], $0x1000  }
0x66: {  	[sflag:s11] =	ssyncset.done $0x0  }
0x67: {  	s0 =	rddreg [dreg:$0x13];
	[sflag:s11] =	ssyncadd.s32 $0xFFFFF000  }
0x68: {  	[spmem:s2] =	stream.indirect.scatter.add.f32 [tilespmem:s9], [sflag:$0x3], $0x8, s0, s7, $0xb8;
	[tilespmem:$0x83C0] =	vst v63  }
0x69: {  	_ =	swait.ge [sflag:s6], $0x1000  }
0x6a: {  	[sflag:s6] =	ssyncset.done $0x0  }
0x6b: {  	s0 =	rddreg [dreg:$0x14];
	[sflag:s6] =	ssyncadd.s32 $0xFFFFF000  }
0x6c: {  	[tilespmem:s9], [sflag:$0x1] =	stream.indirect.gather [hbm4b:s3+s7], $0x8, s0, s7, $0xb8;
	[tilespmem:$0x83C0] =	vst v63  }
0x6d: {  	_ =	swait.ge [sflag:s10], $0x1000  }
0x6e: {  	[sflag:s10] =	ssyncset.done $0x0  }
0x6f: {  	s0 =	rddreg [dreg:$0x15];
	[sflag:s10] =	ssyncadd.s32 $0xFFFFF000  }
0x70: {  	[spmem:s2] =	stream.indirect.scatter.add.f32 [tilespmem:s8], [sflag:$0x3], $0x8, s0, s7, $0xb8;
	[tilespmem:$0x83C0] =	vst v63  }
0x71: {  	_ =	swait.ge [sflag:s6], $0x1000  }
0x72: {  	[sflag:s6] =	ssyncset.done $0x0  }
0x73: {  	s0 =	rddreg [dreg:$0x16];
	[sflag:s6] =	ssyncadd.s32 $0xFFFFF000  }
0x74: {  	[tilespmem:s8], [sflag:$0x2] =	stream.indirect.gather [hbm4b:s3+s7], $0x8, s0, s7, $0xb8;
	[tilespmem:$0x83C0] =	vst v63  }
0x75: {  	_ =	swait.ge [sflag:s11], $0x1000  }
0x76: {  	[sflag:s11] =	ssyncset.done $0x0  }
0x77: {  	s0 =	rddreg [dreg:$0x17];
	[sflag:s11] =	ssyncadd.s32 $0xFFFFF000  }
0x78: {  	[spmem:s2] =	stream.indirect.scatter.add.f32 [tilespmem:s9], [sflag:$0x3], $0x8, s0, s7, $0xb8;
	[tilespmem:$0x83C0] =	vst v63  }
0x79: {  	_ =	swait.ge [sflag:s6], $0x1000  }
0x7a: {  	[sflag:s6] =	ssyncset.done $0x0  }
0x7b: {  	s0 =	rddreg [dreg:$0x18];
	[sflag:s6] =	ssyncadd.s32 $0xFFFFF000  }
0x7c: {  	[tilespmem:s9], [sflag:$0x1] =	stream.indirect.gather [hbm4b:s3+s7], $0x8, s0, s7, $0xb8;
	[tilespmem:$0x83C0] =	vst v63  }
0x7d: {  	_ =	swait.ge [sflag:s10], $0x1000  }
0x7e: {  	[sflag:s10] =	ssyncset.done $0x0  }
0x7f: {  	s0 =	rddreg [dreg:$0x19];
	[sflag:s10] =	ssyncadd.s32 $0xFFFFF000  }
0x80: {  	[spmem:s2] =	stream.indirect.scatter.add.f32 [tilespmem:s8], [sflag:$0x3], $0x8, s0, s7, $0xb8;
	[tilespmem:$0x83C0] =	vst v63  }
0x81: {  	_ =	swait.ge [sflag:s6], $0x1000  }
0x82: {  	[sflag:s6] =	ssyncset.done $0x0  }
0x83: {  	s0 =	rddreg [dreg:$0x1a];
	[sflag:s6] =	ssyncadd.s32 $0xFFFFF000  }
0x84: {  	[tilespmem:s8], [sflag:$0x2] =	stream.indirect.gather [hbm4b:s3+s7], $0x8, s0, s7, $0xb8;
	[tilespmem:$0x83C0] =	vst v63  }
0x85: {  	_ =	swait.ge [sflag:s11], $0x1000  }
0x86: {  	[sflag:s11] =	ssyncset.done $0x0  }
0x87: {  	s0 =	rddreg [dreg:$0x1b];
	[sflag:s11] =	ssyncadd.s32 $0xFFFFF000  }
0x88: {  	[spmem:s2] =	stream.indirect.scatter.add.f32 [tilespmem:s9], [sflag:$0x3], $0x8, s0, s7, $0xb8;
	[tilespmem:$0x83C0] =	vst v63  }
0x89: {  	_ =	swait.ge [sflag:s6], $0x1000  }
0x8a: {  	[sflag:s6] =	ssyncset.done $0x0  }
0x8b: {  	[sflag:s6] =	ssyncadd.s32 $0xFFFFF000  }
0x8c: {  	[tilespmem:s9], [sflag:$0x1] =	stream.indirect.gather [hbm4b:s3+s7], $0x8, s29, s7, $0xb8;
	[tilespmem:$0x83C0] =	vst v63  }
0x8d: {  	_ =	swait.ge [sflag:s10], $0x1000  }
0x8e: {  	[sflag:s10] =	ssyncset.done $0x0  }
0x8f: {  	[sflag:s10] =	ssyncadd.s32 $0xFFFFF000  }
0x90: {  	[spmem:s2] =	stream.indirect.scatter.add.f32 [tilespmem:s8], [sflag:$0x3], $0x8, s28, s7, $0xb8;
	[tilespmem:$0x83C0] =	vst v63  }
0x91: {  	_ =	swait.ge [sflag:s6], $0x1000  }
0x92: {  	[sflag:s6] =	ssyncset.done $0x0  }
0x93: {  	[sflag:s6] =	ssyncadd.s32 $0xFFFFF000  }
0x94: {  	[tilespmem:s8], [sflag:$0x2] =	stream.indirect.gather [hbm4b:s3+s7], $0x8, s26, s7, $0xb8;
	[tilespmem:$0x83C0] =	vst v63  }
0x95: {  	_ =	swait.ge [sflag:s11], $0x1000  }
0x96: {  	[sflag:s11] =	ssyncset.done $0x0  }
0x97: {  	[sflag:s11] =	ssyncadd.s32 $0xFFFFF000  }
0x98: {  	[spmem:s2] =	stream.indirect.scatter.add.f32 [tilespmem:s9], [sflag:$0x3], $0x8, s25, s7, $0xb8;
	[tilespmem:$0x83C0] =	vst v63  }
0x99: {  	_ =	swait.ge [sflag:s6], $0x1000  }
0x9a: {  	[sflag:s6] =	ssyncset.done $0x0  }
0x9b: {  	[sflag:s6] =	ssyncadd.s32 $0xFFFFF000  }
0x9c: {  	[tilespmem:s9], [sflag:$0x1] =	stream.indirect.gather [hbm4b:s3+s7], $0x8, s24, s7, $0xb8;
	[tilespmem:$0x83C0] =	vst v63  }
0x9d: {  	_ =	swait.ge [sflag:s10], $0x1000  }
0x9e: {  	[sflag:s10] =	ssyncset.done $0x0  }
0x9f: {  	[sflag:s10] =	ssyncadd.s32 $0xFFFFF000  }
0xa0: {  	[spmem:s2] =	stream.indirect.scatter.add.f32 [tilespmem:s8], [sflag:$0x3], $0x8, s23, s7, $0xb8;
	[tilespmem:$0x83C0] =	vst v63  }
0xa1: {  	_ =	swait.ge [sflag:s6], $0x1000  }
0xa2: {  	[sflag:s6] =	ssyncset.done $0x0  }
0xa3: {  	[sflag:s6] =	ssyncadd.s32 $0xFFFFF000  }
0xa4: {  	[tilespmem:s8], [sflag:$0x2] =	stream.indirect.gather [hbm4b:s3+s7], $0x8, s22, s7, $0xb8;
	[tilespmem:$0x83C0] =	vst v63  }
0xa5: {  	_ =	swait.ge [sflag:s11], $0x1000  }
0xa6: {  	[sflag:s11] =	ssyncset.done $0x0  }
0xa7: {  	[sflag:s11] =	ssyncadd.s32 $0xFFFFF000  }
0xa8: {  	[spmem:s2] =	stream.indirect.scatter.add.f32 [tilespmem:s9], [sflag:$0x3], $0x8, s21, s7, $0xb8;
	[tilespmem:$0x83C0] =	vst v63  }
0xa9: {  	_ =	swait.ge [sflag:s6], $0x1000  }
0xaa: {  	[sflag:s6] =	ssyncset.done $0x0  }
0xab: {  	[sflag:s6] =	ssyncadd.s32 $0xFFFFF000  }
0xac: {  	[tilespmem:s9], [sflag:$0x1] =	stream.indirect.gather [hbm4b:s3+s7], $0x8, s20, s7, $0xb8;
	[tilespmem:$0x83C0] =	vst v63  }
0xad: {  	_ =	swait.ge [sflag:s10], $0x1000  }
0xae: {  	[sflag:s10] =	ssyncset.done $0x0  }
0xaf: {  	[sflag:s10] =	ssyncadd.s32 $0xFFFFF000  }
0xb0: {  	[spmem:s2] =	stream.indirect.scatter.add.f32 [tilespmem:s8], [sflag:$0x3], $0x8, s19, s7, $0xb8;
	[tilespmem:$0x83C0] =	vst v63  }
0xb1: {  	_ =	swait.ge [sflag:s6], $0x1000  }
0xb2: {  	[sflag:s6] =	ssyncset.done $0x0  }
0xb3: {  	[sflag:s6] =	ssyncadd.s32 $0xFFFFF000  }
0xb4: {  	[tilespmem:s8], [sflag:$0x2] =	stream.indirect.gather [hbm4b:s3+s7], $0x8, s17, s7, $0xb8;
	[tilespmem:$0x83C0] =	vst v63  }
0xb5: {  	_ =	swait.ge [sflag:s11], $0x1000  }
0xb6: {  	[sflag:s11] =	ssyncset.done $0x0  }
0xb7: {  	[sflag:s11] =	ssyncadd.s32 $0xFFFFF000  }
0xb8: {  	[spmem:s2] =	stream.indirect.scatter.add.f32 [tilespmem:s9], [sflag:$0x3], $0x8, s18, s7, $0xb8;
	[tilespmem:$0x83C0] =	vst v63  }
0xb9: {  	_ =	swait.ge [sflag:s6], $0x1000  }
0xba: {  	[sflag:s6] =	ssyncset.done $0x0  }
0xbb: {  	[sflag:s6] =	ssyncadd.s32 $0xFFFFF000  }
0xbc: {  	[tilespmem:s9], [sflag:$0x1] =	stream.indirect.gather [hbm4b:s3+s7], $0x8, s16, s7, $0xb8;
	[tilespmem:$0x83C0] =	vst v63  }
0xbd: {  	_ =	swait.ge [sflag:s10], $0x1000  }
0xbe: {  	[sflag:s10] =	ssyncset.done $0x0  }
0xbf: {  	[sflag:s10] =	ssyncadd.s32 $0xFFFFF000  }
0xc0: {  	[spmem:s2] =	stream.indirect.scatter.add.f32 [tilespmem:s8], [sflag:$0x3], $0x8, s15, s7, $0xb8;
	[tilespmem:$0x83C0] =	vst v63  }
0xc1: {  	_ =	swait.ge [sflag:s6], $0x1000  }
0xc2: {  	[sflag:s6] =	ssyncset.done $0x0  }
0xc3: {  	[sflag:s6] =	ssyncadd.s32 $0xFFFFF000  }
0xc4: {  	[tilespmem:s8], [sflag:$0x2] =	stream.indirect.gather [hbm4b:s3+s7], $0x8, s14, s7, $0xb8;
	[tilespmem:$0x83C0] =	vst v63  }
0xc5: {  	_ =	swait.ge [sflag:s11], $0x1000  }
0xc6: {  	[sflag:s11] =	ssyncset.done $0x0  }
0xc7: {  	[sflag:s11] =	ssyncadd.s32 $0xFFFFF000  }
0xc8: {  	[spmem:s2] =	stream.indirect.scatter.add.f32 [tilespmem:s9], [sflag:$0x3], $0x8, s13, s7, $0xb8;
	[tilespmem:$0x83C0] =	vst v63  }
0xc9: {  	_ =	swait.ge [sflag:s6], $0x1000  }
0xca: {  	[sflag:s6] =	ssyncset.done $0x0  }
0xcb: {  	[sflag:s6] =	ssyncadd.s32 $0xFFFFF000  }
0xcc: {  	_ =	swait.ge [sflag:s10], $0x1000  }
0xcd: {  	[sflag:s10] =	ssyncset.done $0x0  }
0xce: {  	[sflag:s10] =	ssyncadd.s32 $0xFFFFF000  }
0xcf: {  	[spmem:s2] =	stream.indirect.scatter.add.f32 [tilespmem:s8], [sflag:$0x3], $0x8, s12, s7, $0xb8;
	[tilespmem:$0x83C0] =	vst v63  }
0xd0: {  	_ =	swait.ge [sflag:s6], $0x1000  }
0xd1: {  	[sflag:s6] =	ssyncset.done $0x0  }
0xd2: {  	p1 =	sne.s32 s1, $0x1;
	[sflag:s6] =	ssyncadd.s32 $0xFFFFF000  }
.Ltmp1:
0xd3: {  	[bflag:$0x0] =	sbarrier.arrive $0xFFFF;
	(pc) =	sbr.rel @!p1 .LBB2_3-.Ltmp1, $4  }
0xd4: {  	s0 =	rddreg [dreg:$0x7]  }
0xd5: {  	[hbm:s0], [sflag:s4] =	dma.local [spmem:s5], $0x278  }
0xd6: {  	s1 =	sadd.s32 $0xFFFFFFFF, s1;
	_ =	swait.ge [sflag:s6], $0x278  }
0xd7: {  	p0 =	por $0x1, $0x1;
	s0 =	rddreg [dreg:$0x4];
	[sflag:s6] =	ssyncset.done $0x0  }
.LBB2_2:
0xd8: {  	[sflag:s6] =	ssyncadd.s32 $0xFFFFFD88  }
0xd9: {  	[spmem:s5], [sflag:s4] =	dma.local [hbm:s0], $0x278  }
0xda: {  	_ =	swait.ge [sflag:s6], $0x278  }
0xdb: {  	[sflag:s6] =	ssyncset.done $0x0  }
0xdc: {  	s0 =	rddreg [dreg:$0x5];
	[sflag:s6] =	ssyncadd.s32 $0xFFFFFD88  }
0xdd: {  	[tilespmem:s30], [sflag:$0x3] =	stream.linear.gather [hbm4b:s0+s30], $0x2800, $0x38;
	[tilespmem:$0x83C0] =	vst v63  }
0xde: {  	_ =	swait.ge [sflag:s6], $0x2800  }
0xdf: {  	[sflag:s6] =	ssyncset.done $0x0  }
0xe0: {  	s0 =	rddreg [dreg:$0x6];
	[sflag:s6] =	ssyncadd.s32 $0xFFFFD800  }
0xe1: {  	[tilespmem:s31], [sflag:$0x3] =	stream.linear.gather [hbm4b:s0+s30], $0x2800, $0x38;
	[tilespmem:$0x83C0] =	vst v63  }
0xe2: {  	_ =	swait.ge [sflag:s6], $0x2800  }
0xe3: {  	[sflag:s6] =	ssyncset.done $0x0  }
0xe4: {  	[sflag:s6] =	ssyncadd.s32 $0xFFFFD800  }
0xe5: {  	[bflag:$0x0] =	sbarrier.arrive $0xFFFF  }
0xe6: {  	[tilespmem:s9], [sflag:$0x1] =	stream.indirect.gather [hbm4b:s3+s7], $0x8, s30, s7, $0xb8;
	[tilespmem:$0x83C0] =	vst v63  }
0xe7: {  	_ = 	snop  }
0xe8: {  	[tilespmem:s8], [sflag:$0x2] =	stream.indirect.gather [hbm4b:s3+s7], $0x8, s7, s7, $0xb8;
	[tilespmem:$0x83C0] =	vst v63  }
0xe9: {  	_ =	swait.ge [sflag:s11], $0x1000  }
0xea: {  	[sflag:s11] =	ssyncset.done $0x0  }
0xeb: {  	[sflag:s11] =	ssyncadd.s32 $0xFFFFF000  }
0xec: {  	[spmem:s2] =	stream.indirect.scatter.add.f32 [tilespmem:s9], [sflag:$0x3], $0x8, s31, s7, $0xb8;
	[tilespmem:$0x83C0] =	vst v63  }
0xed: {  	_ =	swait.ge [sflag:s6], $0x1000  }
0xee: {  	[sflag:s6] =	ssyncset.done $0x0  }
0xef: {  	s0 =	rddreg [dreg:$0x8];
	[sflag:s6] =	ssyncadd.s32 $0xFFFFF000  }
0xf0: {  	[tilespmem:s9], [sflag:$0x1] =	stream.indirect.gather [hbm4b:s3+s7], $0x8, s0, s7, $0xb8;
	[tilespmem:$0x83C0] =	vst v63  }
0xf1: {  	_ =	swait.ge [sflag:s10], $0x1000  }
0xf2: {  	[sflag:s10] =	ssyncset.done $0x0  }
0xf3: {  	s0 =	rddreg [dreg:$0x9];
	[sflag:s10] =	ssyncadd.s32 $0xFFFFF000  }
0xf4: {  	[spmem:s2] =	stream.indirect.scatter.add.f32 [tilespmem:s8], [sflag:$0x3], $0x8, s0, s7, $0xb8;
	[tilespmem:$0x83C0] =	vst v63  }
0xf5: {  	_ =	swait.ge [sflag:s6], $0x1000  }
0xf6: {  	[sflag:s6] =	ssyncset.done $0x0  }
0xf7: {  	s0 =	rddreg [dreg:$0xa];
	[sflag:s6] =	ssyncadd.s32 $0xFFFFF000  }
0xf8: {  	[tilespmem:s8], [sflag:$0x2] =	stream.indirect.gather [hbm4b:s3+s7], $0x8, s0, s7, $0xb8;
	[tilespmem:$0x83C0] =	vst v63  }
0xf9: {  	_ =	swait.ge [sflag:s11], $0x1000  }
0xfa: {  	[sflag:s11] =	ssyncset.done $0x0  }
0xfb: {  	s0 =	rddreg [dreg:$0xb];
	[sflag:s11] =	ssyncadd.s32 $0xFFFFF000  }
0xfc: {  	[spmem:s2] =	stream.indirect.scatter.add.f32 [tilespmem:s9], [sflag:$0x3], $0x8, s0, s7, $0xb8;
	[tilespmem:$0x83C0] =	vst v63  }
0xfd: {  	_ =	swait.ge [sflag:s6], $0x1000  }
0xfe: {  	[sflag:s6] =	ssyncset.done $0x0  }
0xff: {  	s0 =	rddreg [dreg:$0xc];
	[sflag:s6] =	ssyncadd.s32 $0xFFFFF000  }
0x100: {  	[tilespmem:s9], [sflag:$0x1] =	stream.indirect.gather [hbm4b:s3+s7], $0x8, s0, s7, $0xb8;
	[tilespmem:$0x83C0] =	vst v63  }
0x101: {  	_ =	swait.ge [sflag:s10], $0x1000  }
0x102: {  	[sflag:s10] =	ssyncset.done $0x0  }
0x103: {  	s0 =	rddreg [dreg:$0xd];
	[sflag:s10] =	ssyncadd.s32 $0xFFFFF000  }
0x104: {  	[spmem:s2] =	stream.indirect.scatter.add.f32 [tilespmem:s8], [sflag:$0x3], $0x8, s0, s7, $0xb8;
	[tilespmem:$0x83C0] =	vst v63  }
0x105: {  	_ =	swait.ge [sflag:s6], $0x1000  }
0x106: {  	[sflag:s6] =	ssyncset.done $0x0  }
0x107: {  	s0 =	rddreg [dreg:$0xe];
	[sflag:s6] =	ssyncadd.s32 $0xFFFFF000  }
0x108: {  	[tilespmem:s8], [sflag:$0x2] =	stream.indirect.gather [hbm4b:s3+s7], $0x8, s0, s7, $0xb8;
	[tilespmem:$0x83C0] =	vst v63  }
0x109: {  	_ =	swait.ge [sflag:s11], $0x1000  }
0x10a: {  	[sflag:s11] =	ssyncset.done $0x0  }
0x10b: {  	s0 =	rddreg [dreg:$0xf];
	[sflag:s11] =	ssyncadd.s32 $0xFFFFF000  }
0x10c: {  	[spmem:s2] =	stream.indirect.scatter.add.f32 [tilespmem:s9], [sflag:$0x3], $0x8, s0, s7, $0xb8;
	[tilespmem:$0x83C0] =	vst v63  }
0x10d: {  	_ =	swait.ge [sflag:s6], $0x1000  }
0x10e: {  	[sflag:s6] =	ssyncset.done $0x0  }
0x10f: {  	s0 =	rddreg [dreg:$0x10];
	[sflag:s6] =	ssyncadd.s32 $0xFFFFF000  }
0x110: {  	[tilespmem:s9], [sflag:$0x1] =	stream.indirect.gather [hbm4b:s3+s7], $0x8, s0, s7, $0xb8;
	[tilespmem:$0x83C0] =	vst v63  }
0x111: {  	_ =	swait.ge [sflag:s10], $0x1000  }
0x112: {  	[sflag:s10] =	ssyncset.done $0x0  }
0x113: {  	s0 =	rddreg [dreg:$0x11];
	[sflag:s10] =	ssyncadd.s32 $0xFFFFF000  }
0x114: {  	[spmem:s2] =	stream.indirect.scatter.add.f32 [tilespmem:s8], [sflag:$0x3], $0x8, s0, s7, $0xb8;
	[tilespmem:$0x83C0] =	vst v63  }
0x115: {  	_ =	swait.ge [sflag:s6], $0x1000  }
0x116: {  	[sflag:s6] =	ssyncset.done $0x0  }
0x117: {  	s0 =	rddreg [dreg:$0x12];
	[sflag:s6] =	ssyncadd.s32 $0xFFFFF000  }
0x118: {  	[tilespmem:s8], [sflag:$0x2] =	stream.indirect.gather [hbm4b:s3+s7], $0x8, s0, s7, $0xb8;
	[tilespmem:$0x83C0] =	vst v63  }
0x119: {  	_ =	swait.ge [sflag:s11], $0x1000  }
0x11a: {  	[sflag:s11] =	ssyncset.done $0x0  }
0x11b: {  	s0 =	rddreg [dreg:$0x13];
	[sflag:s11] =	ssyncadd.s32 $0xFFFFF000  }
0x11c: {  	[spmem:s2] =	stream.indirect.scatter.add.f32 [tilespmem:s9], [sflag:$0x3], $0x8, s0, s7, $0xb8;
	[tilespmem:$0x83C0] =	vst v63  }
0x11d: {  	_ =	swait.ge [sflag:s6], $0x1000  }
0x11e: {  	[sflag:s6] =	ssyncset.done $0x0  }
0x11f: {  	s0 =	rddreg [dreg:$0x14];
	[sflag:s6] =	ssyncadd.s32 $0xFFFFF000  }
0x120: {  	[tilespmem:s9], [sflag:$0x1] =	stream.indirect.gather [hbm4b:s3+s7], $0x8, s0, s7, $0xb8;
	[tilespmem:$0x83C0] =	vst v63  }
0x121: {  	_ =	swait.ge [sflag:s10], $0x1000  }
0x122: {  	[sflag:s10] =	ssyncset.done $0x0  }
0x123: {  	s0 =	rddreg [dreg:$0x15];
	[sflag:s10] =	ssyncadd.s32 $0xFFFFF000  }
0x124: {  	[spmem:s2] =	stream.indirect.scatter.add.f32 [tilespmem:s8], [sflag:$0x3], $0x8, s0, s7, $0xb8;
	[tilespmem:$0x83C0] =	vst v63  }
0x125: {  	_ =	swait.ge [sflag:s6], $0x1000  }
0x126: {  	[sflag:s6] =	ssyncset.done $0x0  }
0x127: {  	s0 =	rddreg [dreg:$0x16];
	[sflag:s6] =	ssyncadd.s32 $0xFFFFF000  }
0x128: {  	[tilespmem:s8], [sflag:$0x2] =	stream.indirect.gather [hbm4b:s3+s7], $0x8, s0, s7, $0xb8;
	[tilespmem:$0x83C0] =	vst v63  }
0x129: {  	_ =	swait.ge [sflag:s11], $0x1000  }
0x12a: {  	[sflag:s11] =	ssyncset.done $0x0  }
0x12b: {  	s0 =	rddreg [dreg:$0x17];
	[sflag:s11] =	ssyncadd.s32 $0xFFFFF000  }
0x12c: {  	[spmem:s2] =	stream.indirect.scatter.add.f32 [tilespmem:s9], [sflag:$0x3], $0x8, s0, s7, $0xb8;
	[tilespmem:$0x83C0] =	vst v63  }
0x12d: {  	_ =	swait.ge [sflag:s6], $0x1000  }
0x12e: {  	[sflag:s6] =	ssyncset.done $0x0  }
0x12f: {  	s0 =	rddreg [dreg:$0x18];
	[sflag:s6] =	ssyncadd.s32 $0xFFFFF000  }
0x130: {  	[tilespmem:s9], [sflag:$0x1] =	stream.indirect.gather [hbm4b:s3+s7], $0x8, s0, s7, $0xb8;
	[tilespmem:$0x83C0] =	vst v63  }
0x131: {  	_ =	swait.ge [sflag:s10], $0x1000  }
0x132: {  	[sflag:s10] =	ssyncset.done $0x0  }
0x133: {  	s0 =	rddreg [dreg:$0x19];
	[sflag:s10] =	ssyncadd.s32 $0xFFFFF000  }
0x134: {  	[spmem:s2] =	stream.indirect.scatter.add.f32 [tilespmem:s8], [sflag:$0x3], $0x8, s0, s7, $0xb8;
	[tilespmem:$0x83C0] =	vst v63  }
0x135: {  	_ =	swait.ge [sflag:s6], $0x1000  }
0x136: {  	[sflag:s6] =	ssyncset.done $0x0  }
0x137: {  	s0 =	rddreg [dreg:$0x1a];
	[sflag:s6] =	ssyncadd.s32 $0xFFFFF000  }
0x138: {  	[tilespmem:s8], [sflag:$0x2] =	stream.indirect.gather [hbm4b:s3+s7], $0x8, s0, s7, $0xb8;
	[tilespmem:$0x83C0] =	vst v63  }
0x139: {  	_ =	swait.ge [sflag:s11], $0x1000  }
0x13a: {  	[sflag:s11] =	ssyncset.done $0x0  }
0x13b: {  	s0 =	rddreg [dreg:$0x1b];
	[sflag:s11] =	ssyncadd.s32 $0xFFFFF000  }
0x13c: {  	[spmem:s2] =	stream.indirect.scatter.add.f32 [tilespmem:s9], [sflag:$0x3], $0x8, s0, s7, $0xb8;
	[tilespmem:$0x83C0] =	vst v63  }
0x13d: {  	_ =	swait.ge [sflag:s6], $0x1000  }
0x13e: {  	[sflag:s6] =	ssyncset.done $0x0  }
0x13f: {  	[sflag:s6] =	ssyncadd.s32 $0xFFFFF000  }
0x140: {  	[tilespmem:s9], [sflag:$0x1] =	stream.indirect.gather [hbm4b:s3+s7], $0x8, s29, s7, $0xb8;
	[tilespmem:$0x83C0] =	vst v63  }
0x141: {  	_ =	swait.ge [sflag:s10], $0x1000  }
0x142: {  	[sflag:s10] =	ssyncset.done $0x0  }
0x143: {  	[sflag:s10] =	ssyncadd.s32 $0xFFFFF000  }
0x144: {  	[spmem:s2] =	stream.indirect.scatter.add.f32 [tilespmem:s8], [sflag:$0x3], $0x8, s28, s7, $0xb8;
	[tilespmem:$0x83C0] =	vst v63  }
0x145: {  	_ =	swait.ge [sflag:s6], $0x1000  }
0x146: {  	[sflag:s6] =	ssyncset.done $0x0  }
0x147: {  	[sflag:s6] =	ssyncadd.s32 $0xFFFFF000  }
0x148: {  	[tilespmem:s8], [sflag:$0x2] =	stream.indirect.gather [hbm4b:s3+s7], $0x8, s26, s7, $0xb8;
	[tilespmem:$0x83C0] =	vst v63  }
0x149: {  	_ =	swait.ge [sflag:s11], $0x1000  }
0x14a: {  	[sflag:s11] =	ssyncset.done $0x0  }
0x14b: {  	[sflag:s11] =	ssyncadd.s32 $0xFFFFF000  }
0x14c: {  	[spmem:s2] =	stream.indirect.scatter.add.f32 [tilespmem:s9], [sflag:$0x3], $0x8, s25, s7, $0xb8;
	[tilespmem:$0x83C0] =	vst v63  }
0x14d: {  	_ =	swait.ge [sflag:s6], $0x1000  }
0x14e: {  	[sflag:s6] =	ssyncset.done $0x0  }
0x14f: {  	[sflag:s6] =	ssyncadd.s32 $0xFFFFF000  }
0x150: {  	[tilespmem:s9], [sflag:$0x1] =	stream.indirect.gather [hbm4b:s3+s7], $0x8, s24, s7, $0xb8;
	[tilespmem:$0x83C0] =	vst v63  }
0x151: {  	_ =	swait.ge [sflag:s10], $0x1000  }
0x152: {  	[sflag:s10] =	ssyncset.done $0x0  }
0x153: {  	[sflag:s10] =	ssyncadd.s32 $0xFFFFF000  }
0x154: {  	[spmem:s2] =	stream.indirect.scatter.add.f32 [tilespmem:s8], [sflag:$0x3], $0x8, s23, s7, $0xb8;
	[tilespmem:$0x83C0] =	vst v63  }
0x155: {  	_ =	swait.ge [sflag:s6], $0x1000  }
0x156: {  	[sflag:s6] =	ssyncset.done $0x0  }
0x157: {  	[sflag:s6] =	ssyncadd.s32 $0xFFFFF000  }
0x158: {  	[tilespmem:s8], [sflag:$0x2] =	stream.indirect.gather [hbm4b:s3+s7], $0x8, s22, s7, $0xb8;
	[tilespmem:$0x83C0] =	vst v63  }
0x159: {  	_ =	swait.ge [sflag:s11], $0x1000  }
0x15a: {  	[sflag:s11] =	ssyncset.done $0x0  }
0x15b: {  	[sflag:s11] =	ssyncadd.s32 $0xFFFFF000  }
0x15c: {  	[spmem:s2] =	stream.indirect.scatter.add.f32 [tilespmem:s9], [sflag:$0x3], $0x8, s21, s7, $0xb8;
	[tilespmem:$0x83C0] =	vst v63  }
0x15d: {  	_ =	swait.ge [sflag:s6], $0x1000  }
0x15e: {  	[sflag:s6] =	ssyncset.done $0x0  }
0x15f: {  	[sflag:s6] =	ssyncadd.s32 $0xFFFFF000  }
0x160: {  	[tilespmem:s9], [sflag:$0x1] =	stream.indirect.gather [hbm4b:s3+s7], $0x8, s20, s7, $0xb8;
	[tilespmem:$0x83C0] =	vst v63  }
0x161: {  	_ =	swait.ge [sflag:s10], $0x1000  }
0x162: {  	[sflag:s10] =	ssyncset.done $0x0  }
0x163: {  	[sflag:s10] =	ssyncadd.s32 $0xFFFFF000  }
0x164: {  	[spmem:s2] =	stream.indirect.scatter.add.f32 [tilespmem:s8], [sflag:$0x3], $0x8, s19, s7, $0xb8;
	[tilespmem:$0x83C0] =	vst v63  }
0x165: {  	_ =	swait.ge [sflag:s6], $0x1000  }
0x166: {  	[sflag:s6] =	ssyncset.done $0x0  }
0x167: {  	[sflag:s6] =	ssyncadd.s32 $0xFFFFF000  }
0x168: {  	[tilespmem:s8], [sflag:$0x2] =	stream.indirect.gather [hbm4b:s3+s7], $0x8, s17, s7, $0xb8;
	[tilespmem:$0x83C0] =	vst v63  }
0x169: {  	_ =	swait.ge [sflag:s11], $0x1000  }
0x16a: {  	[sflag:s11] =	ssyncset.done $0x0  }
0x16b: {  	[sflag:s11] =	ssyncadd.s32 $0xFFFFF000  }
0x16c: {  	[spmem:s2] =	stream.indirect.scatter.add.f32 [tilespmem:s9], [sflag:$0x3], $0x8, s18, s7, $0xb8;
	[tilespmem:$0x83C0] =	vst v63  }
0x16d: {  	_ =	swait.ge [sflag:s6], $0x1000  }
0x16e: {  	[sflag:s6] =	ssyncset.done $0x0  }
0x16f: {  	[sflag:s6] =	ssyncadd.s32 $0xFFFFF000  }
0x170: {  	[tilespmem:s9], [sflag:$0x1] =	stream.indirect.gather [hbm4b:s3+s7], $0x8, s16, s7, $0xb8;
	[tilespmem:$0x83C0] =	vst v63  }
0x171: {  	_ =	swait.ge [sflag:s10], $0x1000  }
0x172: {  	[sflag:s10] =	ssyncset.done $0x0  }
0x173: {  	[sflag:s10] =	ssyncadd.s32 $0xFFFFF000  }
0x174: {  	[spmem:s2] =	stream.indirect.scatter.add.f32 [tilespmem:s8], [sflag:$0x3], $0x8, s15, s7, $0xb8;
	[tilespmem:$0x83C0] =	vst v63  }
0x175: {  	_ =	swait.ge [sflag:s6], $0x1000  }
0x176: {  	[sflag:s6] =	ssyncset.done $0x0  }
0x177: {  	[sflag:s6] =	ssyncadd.s32 $0xFFFFF000  }
0x178: {  	[tilespmem:s8], [sflag:$0x2] =	stream.indirect.gather [hbm4b:s3+s7], $0x8, s14, s7, $0xb8;
	[tilespmem:$0x83C0] =	vst v63  }
0x179: {  	_ =	swait.ge [sflag:s11], $0x1000  }
0x17a: {  	[sflag:s11] =	ssyncset.done $0x0  }
0x17b: {  	[sflag:s11] =	ssyncadd.s32 $0xFFFFF000  }
0x17c: {  	[spmem:s2] =	stream.indirect.scatter.add.f32 [tilespmem:s9], [sflag:$0x3], $0x8, s13, s7, $0xb8;
	[tilespmem:$0x83C0] =	vst v63  }
0x17d: {  	_ =	swait.ge [sflag:s6], $0x1000  }
0x17e: {  	[sflag:s6] =	ssyncset.done $0x0  }
0x17f: {  	[sflag:s6] =	ssyncadd.s32 $0xFFFFF000  }
0x180: {  	_ =	swait.ge [sflag:s10], $0x1000  }
0x181: {  	[sflag:s10] =	ssyncset.done $0x0  }
0x182: {  	[sflag:s10] =	ssyncadd.s32 $0xFFFFF000  }
0x183: {  	[spmem:s2] =	stream.indirect.scatter.add.f32 [tilespmem:s8], [sflag:$0x3], $0x8, s12, s7, $0xb8;
	[tilespmem:$0x83C0] =	vst v63  }
0x184: {  	_ =	swait.ge [sflag:s6], $0x1000  }
0x185: {  	[sflag:s6] =	ssyncset.done $0x0  }
0x186: {  	p1 =	sne.s32 s1, $0x1;
	[sflag:s6] =	ssyncadd.s32 $0xFFFFF000  }
.Ltmp2:
0x187: {  	[bflag:$0x0] =	sbarrier.arrive $0xFFFF;
	(pc) =	sbr.rel @p1 .LBB2_2-.Ltmp2, $4  }
0x188: {  	s0 =	rddreg [dreg:$0x7]  }
0x189: {  	[hbm:s0], [sflag:s4] =	dma.local [spmem:s5], $0x278  }
0x18a: {  	_ =	swait.ge [sflag:s6], $0x278  }
0x18b: {  	s1 =	sadd.s32 $0xFFFFFFFF, s1;
	s0 =	rddreg [dreg:$0x4];
	[sflag:s6] =	ssyncset.done $0x0  }
.LBB2_3:
0x18c: {  	[sflag:s6] =	ssyncadd.s32 @p0 $0xFFFFFD88  }
0x18d: {  	[spmem:s5], [sflag:s4] =	dma.local [hbm:s0], $0x278  }
0x18e: {  	_ =	swait.ge [sflag:s6], $0x278  }
0x18f: {  	[sflag:s6] =	ssyncset.done $0x0  }
0x190: {  	s1 =	rddreg [dreg:$0x5];
	[sflag:s6] =	ssyncadd.s32 $0xFFFFFD88  }
0x191: {  	[tilespmem:s30], [sflag:$0x3] =	stream.linear.gather [hbm4b:s1+s30], $0x2800, $0x38;
	[tilespmem:$0x83C0] =	vst v63  }
0x192: {  	_ =	swait.ge [sflag:s6], $0x2800  }
0x193: {  	[sflag:s6] =	ssyncset.done $0x0  }
0x194: {  	s1 =	rddreg [dreg:$0x6];
	[sflag:s6] =	ssyncadd.s32 $0xFFFFD800  }
0x195: {  	[tilespmem:s31], [sflag:$0x3] =	stream.linear.gather [hbm4b:s1+s30], $0x2800, $0x38;
	[tilespmem:$0x83C0] =	vst v63  }
0x196: {  	_ =	swait.ge [sflag:s6], $0x2800  }
0x197: {  	[sflag:s6] =	ssyncset.done $0x0  }
0x198: {  	[sflag:s6] =	ssyncadd.s32 $0xFFFFD800  }
0x199: {  	[bflag:$0x0] =	sbarrier.arrive $0xFFFF  }
0x19a: {  	[tilespmem:s9], [sflag:$0x1] =	stream.indirect.gather [hbm4b:s3+s7], $0x8, s30, s7, $0xb8;
	[tilespmem:$0x83C0] =	vst v63  }
0x19b: {  	_ = 	snop  }
0x19c: {  	[tilespmem:s8], [sflag:$0x2] =	stream.indirect.gather [hbm4b:s3+s7], $0x8, s7, s7, $0xb8;
	[tilespmem:$0x83C0] =	vst v63  }
0x19d: {  	_ =	swait.ge [sflag:s11], $0x1000  }
0x19e: {  	[sflag:s11] =	ssyncset.done $0x0  }
0x19f: {  	[sflag:s11] =	ssyncadd.s32 $0xFFFFF000  }
0x1a0: {  	[spmem:s2] =	stream.indirect.scatter.add.f32 [tilespmem:s9], [sflag:$0x3], $0x8, s31, s7, $0xb8;
	[tilespmem:$0x83C0] =	vst v63  }
0x1a1: {  	_ =	swait.ge [sflag:s6], $0x1000  }
0x1a2: {  	[sflag:s6] =	ssyncset.done $0x0  }
0x1a3: {  	s31 =	rddreg [dreg:$0x8];
	[sflag:s6] =	ssyncadd.s32 $0xFFFFF000  }
0x1a4: {  	[tilespmem:s9], [sflag:$0x1] =	stream.indirect.gather [hbm4b:s3+s7], $0x8, s31, s7, $0xb8;
	[tilespmem:$0x83C0] =	vst v63  }
0x1a5: {  	_ =	swait.ge [sflag:s10], $0x1000  }
0x1a6: {  	[sflag:s10] =	ssyncset.done $0x0  }
0x1a7: {  	s1 =	rddreg [dreg:$0x9];
	[sflag:s10] =	ssyncadd.s32 $0xFFFFF000  }
0x1a8: {  	[spmem:s2] =	stream.indirect.scatter.add.f32 [tilespmem:s8], [sflag:$0x3], $0x8, s1, s7, $0xb8;
	[tilespmem:$0x83C0] =	vst v63  }
0x1a9: {  	_ =	swait.ge [sflag:s6], $0x1000  }
0x1aa: {  	[sflag:s6] =	ssyncset.done $0x0  }
0x1ab: {  	s30 =	rddreg [dreg:$0xa];
	[sflag:s6] =	ssyncadd.s32 $0xFFFFF000  }
0x1ac: {  	[tilespmem:s8], [sflag:$0x2] =	stream.indirect.gather [hbm4b:s3+s7], $0x8, s30, s7, $0xb8;
	[tilespmem:$0x83C0] =	vst v63  }
0x1ad: {  	_ =	swait.ge [sflag:s11], $0x1000  }
0x1ae: {  	[sflag:s11] =	ssyncset.done $0x0  }
0x1af: {  	s31 =	rddreg [dreg:$0xb];
	[sflag:s11] =	ssyncadd.s32 $0xFFFFF000  }
0x1b0: {  	[spmem:s2] =	stream.indirect.scatter.add.f32 [tilespmem:s9], [sflag:$0x3], $0x8, s31, s7, $0xb8;
	[tilespmem:$0x83C0] =	vst v63  }
0x1b1: {  	_ =	swait.ge [sflag:s6], $0x1000  }
0x1b2: {  	[sflag:s6] =	ssyncset.done $0x0  }
0x1b3: {  	s1 =	rddreg [dreg:$0xc];
	[sflag:s6] =	ssyncadd.s32 $0xFFFFF000  }
0x1b4: {  	[tilespmem:s9], [sflag:$0x1] =	stream.indirect.gather [hbm4b:s3+s7], $0x8, s1, s7, $0xb8;
	[tilespmem:$0x83C0] =	vst v63  }
0x1b5: {  	_ =	swait.ge [sflag:s10], $0x1000  }
0x1b6: {  	[sflag:s10] =	ssyncset.done $0x0  }
0x1b7: {  	s30 =	rddreg [dreg:$0xd];
	[sflag:s10] =	ssyncadd.s32 $0xFFFFF000  }
0x1b8: {  	[spmem:s2] =	stream.indirect.scatter.add.f32 [tilespmem:s8], [sflag:$0x3], $0x8, s30, s7, $0xb8;
	[tilespmem:$0x83C0] =	vst v63  }
0x1b9: {  	_ =	swait.ge [sflag:s6], $0x1000  }
0x1ba: {  	[sflag:s6] =	ssyncset.done $0x0  }
0x1bb: {  	s31 =	rddreg [dreg:$0xe];
	[sflag:s6] =	ssyncadd.s32 $0xFFFFF000  }
0x1bc: {  	[tilespmem:s8], [sflag:$0x2] =	stream.indirect.gather [hbm4b:s3+s7], $0x8, s31, s7, $0xb8;
	[tilespmem:$0x83C0] =	vst v63  }
0x1bd: {  	_ =	swait.ge [sflag:s11], $0x1000  }
0x1be: {  	[sflag:s11] =	ssyncset.done $0x0  }
0x1bf: {  	s1 =	rddreg [dreg:$0xf];
	[sflag:s11] =	ssyncadd.s32 $0xFFFFF000  }
0x1c0: {  	[spmem:s2] =	stream.indirect.scatter.add.f32 [tilespmem:s9], [sflag:$0x3], $0x8, s1, s7, $0xb8;
	[tilespmem:$0x83C0] =	vst v63  }
0x1c1: {  	_ =	swait.ge [sflag:s6], $0x1000  }
0x1c2: {  	[sflag:s6] =	ssyncset.done $0x0  }
0x1c3: {  	s30 =	rddreg [dreg:$0x10];
	[sflag:s6] =	ssyncadd.s32 $0xFFFFF000  }
0x1c4: {  	[tilespmem:s9], [sflag:$0x1] =	stream.indirect.gather [hbm4b:s3+s7], $0x8, s30, s7, $0xb8;
	[tilespmem:$0x83C0] =	vst v63  }
0x1c5: {  	_ =	swait.ge [sflag:s10], $0x1000  }
0x1c6: {  	[sflag:s10] =	ssyncset.done $0x0  }
0x1c7: {  	s31 =	rddreg [dreg:$0x11];
	[sflag:s10] =	ssyncadd.s32 $0xFFFFF000  }
0x1c8: {  	[spmem:s2] =	stream.indirect.scatter.add.f32 [tilespmem:s8], [sflag:$0x3], $0x8, s31, s7, $0xb8;
	[tilespmem:$0x83C0] =	vst v63  }
0x1c9: {  	_ =	swait.ge [sflag:s6], $0x1000  }
0x1ca: {  	[sflag:s6] =	ssyncset.done $0x0  }
0x1cb: {  	s1 =	rddreg [dreg:$0x12];
	[sflag:s6] =	ssyncadd.s32 $0xFFFFF000  }
0x1cc: {  	[tilespmem:s8], [sflag:$0x2] =	stream.indirect.gather [hbm4b:s3+s7], $0x8, s1, s7, $0xb8;
	[tilespmem:$0x83C0] =	vst v63  }
0x1cd: {  	_ =	swait.ge [sflag:s11], $0x1000  }
0x1ce: {  	[sflag:s11] =	ssyncset.done $0x0  }
0x1cf: {  	s30 =	rddreg [dreg:$0x13];
	[sflag:s11] =	ssyncadd.s32 $0xFFFFF000  }
0x1d0: {  	[spmem:s2] =	stream.indirect.scatter.add.f32 [tilespmem:s9], [sflag:$0x3], $0x8, s30, s7, $0xb8;
	[tilespmem:$0x83C0] =	vst v63  }
0x1d1: {  	_ =	swait.ge [sflag:s6], $0x1000  }
0x1d2: {  	[sflag:s6] =	ssyncset.done $0x0  }
0x1d3: {  	s31 =	rddreg [dreg:$0x14];
	[sflag:s6] =	ssyncadd.s32 $0xFFFFF000  }
0x1d4: {  	[tilespmem:s9], [sflag:$0x1] =	stream.indirect.gather [hbm4b:s3+s7], $0x8, s31, s7, $0xb8;
	[tilespmem:$0x83C0] =	vst v63  }
0x1d5: {  	_ =	swait.ge [sflag:s10], $0x1000  }
0x1d6: {  	[sflag:s10] =	ssyncset.done $0x0  }
0x1d7: {  	s1 =	rddreg [dreg:$0x15];
	[sflag:s10] =	ssyncadd.s32 $0xFFFFF000  }
0x1d8: {  	[spmem:s2] =	stream.indirect.scatter.add.f32 [tilespmem:s8], [sflag:$0x3], $0x8, s1, s7, $0xb8;
	[tilespmem:$0x83C0] =	vst v63  }
0x1d9: {  	_ =	swait.ge [sflag:s6], $0x1000  }
0x1da: {  	[sflag:s6] =	ssyncset.done $0x0  }
0x1db: {  	s30 =	rddreg [dreg:$0x16];
	[sflag:s6] =	ssyncadd.s32 $0xFFFFF000  }
0x1dc: {  	[tilespmem:s8], [sflag:$0x2] =	stream.indirect.gather [hbm4b:s3+s7], $0x8, s30, s7, $0xb8;
	[tilespmem:$0x83C0] =	vst v63  }
0x1dd: {  	_ =	swait.ge [sflag:s11], $0x1000  }
0x1de: {  	[sflag:s11] =	ssyncset.done $0x0  }
0x1df: {  	s31 =	rddreg [dreg:$0x17];
	[sflag:s11] =	ssyncadd.s32 $0xFFFFF000  }
0x1e0: {  	[spmem:s2] =	stream.indirect.scatter.add.f32 [tilespmem:s9], [sflag:$0x3], $0x8, s31, s7, $0xb8;
	[tilespmem:$0x83C0] =	vst v63  }
0x1e1: {  	_ =	swait.ge [sflag:s6], $0x1000  }
0x1e2: {  	[sflag:s6] =	ssyncset.done $0x0  }
0x1e3: {  	s1 =	rddreg [dreg:$0x18];
	[sflag:s6] =	ssyncadd.s32 $0xFFFFF000  }
0x1e4: {  	[tilespmem:s9], [sflag:$0x1] =	stream.indirect.gather [hbm4b:s3+s7], $0x8, s1, s7, $0xb8;
	[tilespmem:$0x83C0] =	vst v63  }
0x1e5: {  	_ =	swait.ge [sflag:s10], $0x1000  }
0x1e6: {  	[sflag:s10] =	ssyncset.done $0x0  }
0x1e7: {  	s30 =	rddreg [dreg:$0x19];
	[sflag:s10] =	ssyncadd.s32 $0xFFFFF000  }
0x1e8: {  	[spmem:s2] =	stream.indirect.scatter.add.f32 [tilespmem:s8], [sflag:$0x3], $0x8, s30, s7, $0xb8;
	[tilespmem:$0x83C0] =	vst v63  }
0x1e9: {  	_ =	swait.ge [sflag:s6], $0x1000  }
0x1ea: {  	[sflag:s6] =	ssyncset.done $0x0  }
0x1eb: {  	s31 =	rddreg [dreg:$0x1a];
	[sflag:s6] =	ssyncadd.s32 $0xFFFFF000  }
0x1ec: {  	[tilespmem:s8], [sflag:$0x2] =	stream.indirect.gather [hbm4b:s3+s7], $0x8, s31, s7, $0xb8;
	[tilespmem:$0x83C0] =	vst v63  }
0x1ed: {  	_ =	swait.ge [sflag:s11], $0x1000  }
0x1ee: {  	[sflag:s11] =	ssyncset.done $0x0  }
0x1ef: {  	s1 =	rddreg [dreg:$0x1b];
	[sflag:s11] =	ssyncadd.s32 $0xFFFFF000  }
0x1f0: {  	[spmem:s2] =	stream.indirect.scatter.add.f32 [tilespmem:s9], [sflag:$0x3], $0x8, s1, s7, $0xb8;
	[tilespmem:$0x83C0] =	vst v63  }
0x1f1: {  	_ =	swait.ge [sflag:s6], $0x1000  }
0x1f2: {  	[sflag:s6] =	ssyncset.done $0x0  }
0x1f3: {  	[sflag:s6] =	ssyncadd.s32 $0xFFFFF000  }
0x1f4: {  	[tilespmem:s9], [sflag:$0x1] =	stream.indirect.gather [hbm4b:s3+s7], $0x8, s29, s7, $0xb8;
	[tilespmem:$0x83C0] =	vst v63  }
0x1f5: {  	_ =	swait.ge [sflag:s10], $0x1000  }
0x1f6: {  	[sflag:s10] =	ssyncset.done $0x0  }
0x1f7: {  	[sflag:s10] =	ssyncadd.s32 $0xFFFFF000  }
0x1f8: {  	[spmem:s2] =	stream.indirect.scatter.add.f32 [tilespmem:s8], [sflag:$0x3], $0x8, s28, s7, $0xb8;
	[tilespmem:$0x83C0] =	vst v63  }
0x1f9: {  	_ =	swait.ge [sflag:s6], $0x1000  }
0x1fa: {  	[sflag:s6] =	ssyncset.done $0x0  }
0x1fb: {  	[sflag:s6] =	ssyncadd.s32 $0xFFFFF000  }
0x1fc: {  	[tilespmem:s8], [sflag:$0x2] =	stream.indirect.gather [hbm4b:s3+s7], $0x8, s26, s7, $0xb8;
	[tilespmem:$0x83C0] =	vst v63  }
0x1fd: {  	_ =	swait.ge [sflag:s11], $0x1000  }
0x1fe: {  	[sflag:s11] =	ssyncset.done $0x0  }
0x1ff: {  	[sflag:s11] =	ssyncadd.s32 $0xFFFFF000  }
0x200: {  	[spmem:s2] =	stream.indirect.scatter.add.f32 [tilespmem:s9], [sflag:$0x3], $0x8, s25, s7, $0xb8;
	[tilespmem:$0x83C0] =	vst v63  }
0x201: {  	_ =	swait.ge [sflag:s6], $0x1000  }
0x202: {  	[sflag:s6] =	ssyncset.done $0x0  }
0x203: {  	[sflag:s6] =	ssyncadd.s32 $0xFFFFF000  }
0x204: {  	[tilespmem:s9], [sflag:$0x1] =	stream.indirect.gather [hbm4b:s3+s7], $0x8, s24, s7, $0xb8;
	[tilespmem:$0x83C0] =	vst v63  }
0x205: {  	_ =	swait.ge [sflag:s10], $0x1000  }
0x206: {  	[sflag:s10] =	ssyncset.done $0x0  }
0x207: {  	[sflag:s10] =	ssyncadd.s32 $0xFFFFF000  }
0x208: {  	[spmem:s2] =	stream.indirect.scatter.add.f32 [tilespmem:s8], [sflag:$0x3], $0x8, s23, s7, $0xb8;
	[tilespmem:$0x83C0] =	vst v63  }
0x209: {  	_ =	swait.ge [sflag:s6], $0x1000  }
0x20a: {  	[sflag:s6] =	ssyncset.done $0x0  }
0x20b: {  	[sflag:s6] =	ssyncadd.s32 $0xFFFFF000  }
0x20c: {  	[tilespmem:s8], [sflag:$0x2] =	stream.indirect.gather [hbm4b:s3+s7], $0x8, s22, s7, $0xb8;
	[tilespmem:$0x83C0] =	vst v63  }
0x20d: {  	_ =	swait.ge [sflag:s11], $0x1000  }
0x20e: {  	[sflag:s11] =	ssyncset.done $0x0  }
0x20f: {  	[sflag:s11] =	ssyncadd.s32 $0xFFFFF000  }
0x210: {  	[spmem:s2] =	stream.indirect.scatter.add.f32 [tilespmem:s9], [sflag:$0x3], $0x8, s21, s7, $0xb8;
	[tilespmem:$0x83C0] =	vst v63  }
0x211: {  	_ =	swait.ge [sflag:s6], $0x1000  }
0x212: {  	[sflag:s6] =	ssyncset.done $0x0  }
0x213: {  	[sflag:s6] =	ssyncadd.s32 $0xFFFFF000  }
0x214: {  	[tilespmem:s9], [sflag:$0x1] =	stream.indirect.gather [hbm4b:s3+s7], $0x8, s20, s7, $0xb8;
	[tilespmem:$0x83C0] =	vst v63  }
0x215: {  	_ =	swait.ge [sflag:s10], $0x1000  }
0x216: {  	[sflag:s10] =	ssyncset.done $0x0  }
0x217: {  	[sflag:s10] =	ssyncadd.s32 $0xFFFFF000  }
0x218: {  	[spmem:s2] =	stream.indirect.scatter.add.f32 [tilespmem:s8], [sflag:$0x3], $0x8, s19, s7, $0xb8;
	[tilespmem:$0x83C0] =	vst v63  }
0x219: {  	_ =	swait.ge [sflag:s6], $0x1000  }
0x21a: {  	[sflag:s6] =	ssyncset.done $0x0  }
0x21b: {  	[sflag:s6] =	ssyncadd.s32 $0xFFFFF000  }
0x21c: {  	[tilespmem:s8], [sflag:$0x2] =	stream.indirect.gather [hbm4b:s3+s7], $0x8, s17, s7, $0xb8;
	[tilespmem:$0x83C0] =	vst v63  }
0x21d: {  	_ =	swait.ge [sflag:s11], $0x1000  }
0x21e: {  	[sflag:s11] =	ssyncset.done $0x0  }
0x21f: {  	[sflag:s11] =	ssyncadd.s32 $0xFFFFF000  }
0x220: {  	[spmem:s2] =	stream.indirect.scatter.add.f32 [tilespmem:s9], [sflag:$0x3], $0x8, s18, s7, $0xb8;
	[tilespmem:$0x83C0] =	vst v63  }
0x221: {  	_ =	swait.ge [sflag:s6], $0x1000  }
0x222: {  	[sflag:s6] =	ssyncset.done $0x0  }
0x223: {  	[sflag:s6] =	ssyncadd.s32 $0xFFFFF000  }
0x224: {  	[tilespmem:s9], [sflag:$0x1] =	stream.indirect.gather [hbm4b:s3+s7], $0x8, s16, s7, $0xb8;
	[tilespmem:$0x83C0] =	vst v63  }
0x225: {  	_ =	swait.ge [sflag:s10], $0x1000  }
0x226: {  	[sflag:s10] =	ssyncset.done $0x0  }
0x227: {  	[sflag:s10] =	ssyncadd.s32 $0xFFFFF000  }
0x228: {  	[spmem:s2] =	stream.indirect.scatter.add.f32 [tilespmem:s8], [sflag:$0x3], $0x8, s15, s7, $0xb8;
	[tilespmem:$0x83C0] =	vst v63  }
0x229: {  	_ =	swait.ge [sflag:s6], $0x1000  }
0x22a: {  	[sflag:s6] =	ssyncset.done $0x0  }
0x22b: {  	[sflag:s6] =	ssyncadd.s32 $0xFFFFF000  }
0x22c: {  	[tilespmem:s8], [sflag:$0x2] =	stream.indirect.gather [hbm4b:s3+s7], $0x8, s14, s7, $0xb8;
	[tilespmem:$0x83C0] =	vst v63  }
0x22d: {  	_ =	swait.ge [sflag:s11], $0x1000  }
0x22e: {  	[sflag:s11] =	ssyncset.done $0x0  }
0x22f: {  	[sflag:s11] =	ssyncadd.s32 $0xFFFFF000  }
0x230: {  	[spmem:s2] =	stream.indirect.scatter.add.f32 [tilespmem:s9], [sflag:$0x3], $0x8, s13, s7, $0xb8;
	[tilespmem:$0x83C0] =	vst v63  }
0x231: {  	_ =	swait.ge [sflag:s6], $0x1000  }
0x232: {  	[sflag:s6] =	ssyncset.done $0x0  }
0x233: {  	[sflag:s6] =	ssyncadd.s32 $0xFFFFF000  }
0x234: {  	_ =	swait.ge [sflag:s10], $0x1000  }
0x235: {  	[sflag:s10] =	ssyncset.done $0x0  }
0x236: {  	[sflag:s10] =	ssyncadd.s32 $0xFFFFF000  }
0x237: {  	[spmem:s2] =	stream.indirect.scatter.add.f32 [tilespmem:s8], [sflag:$0x3], $0x8, s12, s7, $0xb8;
	[tilespmem:$0x83C0] =	vst v63  }
0x238: {  	_ =	swait.ge [sflag:s6], $0x1000  }
0x239: {  	[sflag:s6] =	ssyncset.done $0x0  }
0x23a: {  	[sflag:s6] =	ssyncadd.s32 $0xFFFFF000  }
0x23b: {  	[bflag:$0x0] =	sbarrier.arrive $0xFFFF  }
0x23c: {  	s30 =	rddreg [dreg:$0x7]  }
0x23d: {  	[hbm:s30], [sflag:s4] =	dma.local [spmem:s5], $0x278  }
0x23e: {  	_ =	swait.ge [sflag:s6], $0x278  }
0x23f: {  	[sflag:s6] =	ssyncset.done $0x0  }
0x240: {  	[sflag:s6] =	ssyncadd.s32 $0xFFFFFD88  }
0x241: {  	_ =	sfence.sel $0x180000  }
0x242: {  	[bflag:$0x0] =	sbarrier.arrive $0xFFFF  }
0x243: {  	_ =	strace $0x9000004D  }
0x244: {  	s31 =	stileid.u32;
	[bflag:$0x2] =	sbarrier.arrive $0xFFFF  }
0x245: {  	p0 =	sne.s32 s31, $0x0;
	s0 =	rddreg [dreg:$0x3]  }
0x246: {  	s0 =	sadd.s32 @!p0 $0x100000, s0  }
0x247: {  	[sflag:s0] =	ssyncadd.tile.s32 @!p0 $0x1;
	_ =	shalt  }
.Lfunc_end2:
_tile_overlayer_lowered:
.L_overlay_start_2:
0x248: {  	(tag) =	ssettag $0x2  }
0x249: {  	s0 =	rddreg [dreg:$0x0];
	s2 =	stileid.u32  }
0x24a: {  	s1 =	rddreg [dreg:$0x1];
	p0 =	sne.s32 s2, $0x0  }
0x24b: {  	s3 =	rddreg [dreg:$0x2];
	[bflag:$0x3] =	sbarrier.arrive $0xFFFF;
	s2 =	simm.s32 @!p0 $0x1C03  }
0x24c: {  	[timem:s3], [sflag:s2] =	dma.local @!p0 [hbm:s0], s1  }
0x24d: {  	s0 =	simm.s32 @!p0 $0x3  }
0x24e: {  	_ =	swait.ge @!p0 [sflag:s0], s1  }
0x24f: {  	s1 =	ssub.s32 @!p0 $0x0, s1;
	[sflag:s0] =	ssyncset.done @!p0 $0x0  }
0x250: {  	[sflag:s0] =	ssyncadd.s32 @!p0 s1  }
0x251: {  	[bflag:$0x3] =	sbarrier.arrive $0xFFFF  }
0x252: {  	_ =	shalt  }

// kernel: kernel.20.cloned.1.call-start
scs
__scs_entry_jumppad:
0x0: {  	(pc) =	sbr.rel $0x88, $3  }
0x1: {  	(tag) =	ssettag $0x0;
	lr =	simm.s32 $0x1  }
0x2: {  	[smem:$0x3F99] =	sst lr;
	_ =	strace $0xD0000000  }
0x3: {  	_ = 	snop  }
0x4: {  	_ = 	snop  }
0x5: {  	_ = 	snop  }
0x6: {  	_ = 	snop  }
0x7: {  	_ = 	snop  }
__scs_overlays_trampoline_lowered:
0x8: {  	[smem:$0x3FA8] =	sst s0  }
0x9: {  	[smem:$0x3FA9] =	sst s1  }
0xa: {  	[smem:$0x3FAA] =	sst s2  }
0xb: {  	[smem:$0x3FAB] =	sst s3  }
0xc: {  	[smem:$0x3FAC] =	sst s4  }
0xd: {  	[smem:$0x3FAD] =	sst s5  }
0xe: {  	[smem:$0x3FAE] =	sst s6  }
0xf: {  	[smem:$0x3FAF] =	sst s7  }
0x10: {  	[smem:$0x3FB0] =	sst s8  }
0x11: {  	[smem:$0x3FB1] =	sst s9;
	s0 =	simm.s32 @!p0 $0x0  }
0x12: {  	s1 =	sld [smem:$0x3F97];
	s0 =	simm.s32 @p0 $0x1  }
0x13: {  	[smem:$0x3FB2] =	sst s0;
	s0 =	simm.s32 @!p1 $0x0  }
0x14: {  	s2 =	sld [smem:$0x3F96];
	s0 =	simm.s32 @p1 $0x1  }
0x15: {  	[smem:$0x3FB3] =	sst s0;
	s0 =	simm.s32 @!p2 $0x0  }
0x16: {  	s3 =	sld [smem:$0x3FDB];
	s0 =	simm.s32 @p2 $0x1  }
0x17: {  	s4 =	simm.s32 $0x1BF5;
	[smem:$0x3FB5] =	sst s0  }
0x18: {  	s0 =	sld [smem:$0x3F98];
	_ =	swait.ge [sflag:s4], $0x0  }
0x19: {  	s7 =	sld [smem:$0x3F99]  }
0x1a: {  	s8 =	sadd.s32 $0xFFFFE003, lr  }
0x1b: {  	s9 =	sadd.s32 $0xFFFFFEF7, lr;
	s5 =	simm.s32 $0xFFFFFFFF;
	p2 =	slt.u32 s8, $0xFFFFF086  }
0x1c: {  	p1 =	slt.u32 s9, $0xF7A;
	s5 =	simm.s32 @!p2 $0x0  }
0x1d: {  	s5 =	simm.s32 @p1 $0x1;
	p0 =	seq.s32 s7, s2  }
0x1e: {  	s7 =	smul.u32 @!p0 $0xF7A, s2;
	p2 =	seq.s32 @!p0 s5, $0x0  }
0x1f: {  	s9 =	smul.u32 $0xF7A, s1;
	s8 =	simm.s32 @!p0 $0x1BF5;
	p2 =	por !p2, p0  }
0x20: {  	[sflag:s8] =	ssyncset.s32 @!p0 $0xFFFFF086;
	s6 =	sadd.s32 @!p0 s3, s7;
	s7 =	simm.s32 @!p0 $0x108  }
0x21: {  	s3 =	sadd.s32 s3, s9;
	s6 =	sadd.s32 @!p0 $0x88, s6;
	s7 =	simm.s32 @p2 $0x1082  }
0x22: {  	[simem:s7], [sflag:s8] =	dma.local @!p0 [hbm:s6], $0xF7A  }
0x23: {  	s9 =	sor.u32 $0xD0000000, s2;
	s6 =	simm.s32 $0x108;
	_ =	swait.ge @!p0 [sflag:s8], $0x0  }
0x24: {  	s3 =	sadd.s32 $0x88, s3;
	s6 =	simm.s32 @!p1 $0x1082;
	[sflag:s4] =	ssyncset.s32 $0xFFFFF086  }
0x25: {  	[simem:s6], [sflag:s4] =	dma.local [hbm:s3], $0xF7A  }
0x26: {  	[smem:$0x3F99] =	sst s1;
	(tag) =	ssettag s2;
	_ =	strace s9  }
0x27: {  	s1 =	sld [smem:$0x3FA9]  }
0x28: {  	s2 =	sld [smem:$0x3FAA]  }
0x29: {  	s4 =	sld [smem:$0x3FAC]  }
0x2a: {  	p0 =	seq.s32 s5, $0x0;
	s5 =	sld [smem:$0x3FAD]  }
0x2b: {  	s6 =	sld [smem:$0x3FAE]  }
0x2c: {  	s7 =	sld [smem:$0x3FAF]  }
0x2d: {  	s3 =	simm.s32 $0x108;
	s8 =	sld [smem:$0x3FB0]  }
0x2e: {  	s3 =	simm.s32 @!p0 $0x1082;
	s9 =	sld [smem:$0x3FB1]  }
0x2f: {  	lr =	sadd.s32 s0, s3;
	s0 =	sld [smem:$0x3FA8]  }
0x30: {  	s3 =	sld [smem:$0x3FAB]  }
0x31: {  	[smem:$0x3FB4] =	sst s10  }
0x32: {  	s10 =	sld [smem:$0x3FB2];
	_ =	sdelay $0x3  }
0x33: {  	p0 =	seq.s32 s10, $0x1;
	s10 =	sld [smem:$0x3FB4];
	_ =	sdelay $0x3  }
0x34: {  	[smem:$0x3FB4] =	sst s10  }
0x35: {  	s10 =	sld [smem:$0x3FB3];
	_ =	sdelay $0x3  }
0x36: {  	p1 =	seq.s32 s10, $0x1;
	s10 =	sld [smem:$0x3FB4];
	_ =	sdelay $0x3  }
0x37: {  	[smem:$0x3FB4] =	sst s10  }
0x38: {  	s10 =	sld [smem:$0x3FB5]  }
0x39: {  	_ = 	snop;
	(pc) =	sbr.ind lr, $3  }
0x3a: {  	_ = 	snop  }
0x3b: {  	_ = 	snop  }
0x3c: {  	p2 =	seq.s32 s10, $0x1;
	s10 =	sld [smem:$0x3FB4]  }
0x3d: {  	_ =	shalt  }
0x3e: {  	_ =	shalt  }
0x3f: {  	_ =	shalt  }
0x40: {  	_ =	shalt  }
0x41: {  	_ =	shalt  }
0x42: {  	_ =	shalt  }
0x43: {  	_ =	shalt  }
0x44: {  	_ =	shalt  }
0x45: {  	_ =	shalt  }
0x46: {  	_ =	shalt  }
0x47: {  	_ =	shalt  }
0x48: {  	_ =	shalt  }
0x49: {  	_ =	shalt  }
0x4a: {  	_ =	shalt  }
0x4b: {  	_ =	shalt  }
0x4c: {  	_ =	shalt  }
0x4d: {  	_ =	shalt  }
0x4e: {  	_ =	shalt  }
0x4f: {  	_ =	shalt  }
0x50: {  	_ =	shalt  }
0x51: {  	_ =	shalt  }
0x52: {  	_ =	shalt  }
0x53: {  	_ =	shalt  }
0x54: {  	_ =	shalt  }
0x55: {  	_ =	shalt  }
0x56: {  	_ =	shalt  }
0x57: {  	_ =	shalt  }
0x58: {  	_ =	shalt  }
0x59: {  	_ =	shalt  }
0x5a: {  	_ =	shalt  }
0x5b: {  	_ =	shalt  }
0x5c: {  	_ =	shalt  }
0x5d: {  	_ =	shalt  }
0x5e: {  	_ =	shalt  }
0x5f: {  	_ =	shalt  }
0x60: {  	_ =	shalt  }
0x61: {  	_ =	shalt  }
0x62: {  	_ =	shalt  }
0x63: {  	_ =	shalt  }
0x64: {  	_ =	shalt  }
0x65: {  	_ =	shalt  }
0x66: {  	_ =	shalt  }
0x67: {  	_ =	shalt  }
0x68: {  	_ =	shalt  }
0x69: {  	_ =	shalt  }
0x6a: {  	_ =	shalt  }
0x6b: {  	_ =	shalt  }
0x6c: {  	_ =	shalt  }
0x6d: {  	_ =	shalt  }
0x6e: {  	_ =	shalt  }
0x6f: {  	_ =	shalt  }
0x70: {  	_ =	shalt  }
0x71: {  	_ =	shalt  }
0x72: {  	_ =	shalt  }
0x73: {  	_ =	shalt  }
0x74: {  	_ =	shalt  }
0x75: {  	_ =	shalt  }
0x76: {  	_ =	shalt  }
0x77: {  	_ =	shalt  }
0x78: {  	_ =	shalt  }
0x79: {  	_ =	shalt  }
0x7a: {  	_ =	shalt  }
0x7b: {  	_ =	shalt  }
0x7c: {  	_ =	shalt  }
0x7d: {  	_ =	shalt  }
0x7e: {  	_ =	shalt  }
0x7f: {  	_ =	shalt  }
0x80: {  	_ =	shalt  }
0x81: {  	_ =	shalt  }
0x82: {  	_ =	shalt  }
0x83: {  	_ =	shalt  }
0x84: {  	_ =	shalt  }
0x85: {  	_ =	shalt  }
0x86: {  	_ =	shalt  }
0x87: {  	_ =	shalt  }
.Lfunc_end0:
.L_simem_size_0:
called_computation.3_lowered:
.L_overlay_start_0:
0x88: {  	s2 =	sld [smem:$0x3FD9]  }
0x89: {  	s3 =	sld [smem:$0x3FFE];
	_ =	sdelay $0x1  }
0x8a: {  	s1 =	srdreg.scid  }
0x8b: {  	s0 =	sand.u32 $0x1, s1  }
0x8c: {  	s17 =	sshll.u32 s0, $0xA;
	s2 =	sadd.s32 s3, s2  }
0x8d: {  	s2 =	sadd.s32 s2, s17  }
0x8e: {  	[smem:$0x3FC0] =	sst s2  }
0x8f: {  	_ = 	snop  }
0x90: {  	s2 =	sld [smem:$0x3FD0];
	(tm) =	ssettm $0x1  }
0x91: {  	s18 =	sld [smem:$0x3FFB];
	_ =	sdelay $0x3  }
0x92: {  	_ =	strace s18  }
0x93: {  	s3 =	sld [smem:$0x3FFC];
	_ =	sdelay $0x3  }
0x94: {  	_ =	strace s3  }
0x95: {  	s3 =	sld [smem:$0x3FFD];
	_ =	sdelay $0x3  }
0x96: {  	_ =	strace s3  }
0x97: {  	_ =	strace $0x8FFFFFFF  }
0x98: {  	s19 =	sld [smem:$0x3FDB];
	_ =	sdelay $0x1  }
0x99: {  	s4 =	simm.s32 $_scs_section_size  }
0x9a: {  	s5 =	simm.s32 $_size__tile_overlayer_lowered;
	s6 =	simm.s32 $_tile_overlayer_lowered  }
0x9b: {  	s22 =	simm.s32 $0x1BFF;
	s21 =	sshll.u32 s6, $0x1;
	s3 =	sadd.s32 s4, s19  }
0x9c: {  	s7 =	simm.s32 $0x0;
	s20 =	sshll.u32 s5, $0x1;
	s5 =	sadd.s32 s21, s3  }
0x9d: {  	[timem:s7], [sflag:s22] =	dma.local [hbm:s5], s20  }
0x9e: {  	_ =	swait.ge [sflag:s22], s20  }
0x9f: {  	s4 =	ssub.s32 $0x0, s20;
	[sflag:s22] =	ssyncset.done $0x0  }
0xa0: {  	[sflag:s22] =	ssyncadd.s32 s4;
	_ =	sdelay $0x1  }
0xa1: {  	s23 =	simm.s32 $0x1B8B  }
0xa2: {  	_ =	swait.ge [sflag:s23], $0x1  }
0xa3: {  	[sflag:s23] =	ssyncset.done $0x0  }
0xa4: {  	s25 =	simm.s32 $0x1B8E;
	s24 =	sld [smem:$0x3FFE];
	[sflag:s23] =	ssyncadd.s32 $0xFFFFFFFF  }
0xa5: {  	s26 =	simm.s32 $execute0_lowered;
	[smem:$0x3FD2] =	sst s25  }
0xa6: {  	s5 =	sshll.u32 s26, $0x1;
	_ =	strace $0x8000004F;
	[dreg:$0x1] =	wrdreg $0xFFFFFFFF  }
0xa7: {  	s28 =	simm.s32 $_size_execute0_lowered;
	s3 =	sadd.s32 s3, s5;
	[dreg:$0x0] =	wrdreg $0x0  }
0xa8: {  	s5 =	sshll.u32 s28, $0x1;
	[dreg:$0x2] =	wrdreg s3  }
0xa9: {  	[dreg:$0x3] =	wrdreg s5  }
0xaa: {  	[dreg:$0x4] =	wrdreg $0xC0  }
0xab: {  	_ =	task [dreg:s7], $0x5FFFF  }
0xac: {  	[dreg:$0x1] =	wrdreg $0xFFFFFFFF  }
0xad: {  	[dreg:$0x0] =	wrdreg $0x60  }
0xae: {  	[dreg:$0x2] =	wrdreg s24  }
0xaf: {  	[dreg:$0x3] =	wrdreg s2  }
0xb0: {  	[dreg:$0x4] =	wrdreg $0x70000  }
0xb1: {  	[dreg:$0x5] =	wrdreg $0x9  }
0xb2: {  	_ =	task.clear_ibuf [dreg:s7], $0x6FFFF;
	_ =	strace $0x9000004F  }
0xb3: {  	s29 =	simm.s32 $0x9;
	_ =	strace $0x80000051  }
0xb4: {  	_ =	swait.ge [sflag:s29], $0x1  }
0xb5: {  	[sflag:s29] =	ssyncadd.s32 $0xFFFFFFFF  }
0xb6: {  	_ =	strace $0x90000051  }
0xb7: {  	_ =	sfence  }
0xb8: {  	s30 =	sld [smem:$0x0];
	_ =	sdelay $0x2  }
0xb9: {  	s31 =	sshll.u32 s1, $0xD;
	s1 =	sshrl.u32 s1, $0x2  }
0xba: {  	s3 =	sand.u32 $0x4000, s31;
	s1 =	sadd.s32 s1, s30  }
0xbb: {  	s0 =	sor.u32 s3, s0;
	s1 =	sshll.u32 s1, $0x11  }
0xbc: {  	s0 =	sor.u32 s1, s0  }
0xbd: {  	s0 =	sadd.s32 $0x8F2B, s0  }
0xbe: {  	[sflag:s0] =	ssyncadd.remote.s32 $0x1  }
0xbf: {  	_ =	sfence.sel $0xFFFF  }
0xc0: {  	[dreg:$0x0] =	wrdreg $0xFFFFFFFF;
	(pc) =	sbr.abs _section_cstart, $3  }
0xc1: {  	[dreg:$0x1] =	wrdreg $0xFFFFFFFF  }
0xc2: {  	_ =	task.clear_ibuf [dreg:s7], $0x2FFFF;
	_ =	strace $0x9FFFFFFF  }
0xc3: {  	(tm) =	ssettm $0x7FFFFFFF  }
tec
execute0_lowered:
.L_overlay_start_1:
0x0: {  	(tag) =	ssettag $0x1  }
0x1: {  	s0 =	srdreg.scid;
	s1 =	rddreg [dreg:$0x0]  }
0x2: {  	s3 =	rddreg [dreg:$0x1];
	s30 =	simm.s32 $0x0;
	s0 =	sand.u32 $0x1, s0  }
0x3: {  	s8 =	stileid.u32;
	[smem:$0x7FF] =	sst s30;
	s2 =	sshll.u32 s0, $0x4  }
0x4: {  	s26 =	simm.s32 $0x400;
	s4 =	sor.u32 s8, s2;
	s2 =	rddreg [dreg:$0x2]  }
0x5: {  	s9 =	simm.s32 $0x800;
	_ =	strace $0x80000050;
	[dreg:$0x8] =	wrdreg s26  }
0x6: {  	s10 =	simm.s32 $0x2E00;
	[dreg:$0xc] =	wrdreg s9  }
0x7: {  	s11 =	simm.s32 $0xA00;
	[dreg:$0xd] =	wrdreg s10  }
0x8: {  	s12 =	simm.s32 $0x3000;
	s14 =	simm.s32 $0xC00;
	[dreg:$0xe] =	wrdreg s11  }
0x9: {  	s15 =	simm.s32 $0x3200;
	s16 =	simm.s32 $0xE00;
	[dreg:$0xf] =	wrdreg s12  }
0xa: {  	s18 =	simm.s32 $0x3400;
	s19 =	simm.s32 $0x1000;
	[dreg:$0x10] =	wrdreg s14  }
0xb: {  	s20 =	simm.s32 $0x3600;
	s21 =	simm.s32 $0x1200;
	[dreg:$0x11] =	wrdreg s15  }
0xc: {  	s22 =	simm.s32 $0x3800;
	s31 =	simm.s32 $0x2800;
	[dreg:$0x12] =	wrdreg s16  }
0xd: {  	s29 =	simm.s32 $0x1800;
	s28 =	simm.s32 $0x3E00;
	[dreg:$0x13] =	wrdreg s18  }
0xe: {  	p0 =	por $0x0, $0x0;
	s5 =	smul.u32 $0x13C0, s8;
	[dreg:$0x14] =	wrdreg s19  }
0xf: {  	s17 =	sshll.u32 s8, $0x6;
	s6 =	smul.u32 $0x13C00, s0;
	[dreg:$0x15] =	wrdreg s20  }
0x10: {  	s0 =	ssub.s32 $0x2, s0;
	s7 =	sshrl.u32 s5, $0x3;
	[dreg:$0x16] =	wrdreg s21  }
0x11: {  	s13 =	sshrl.u32 s0, $0x1;
	[dreg:$0x17] =	wrdreg s22;
	s9 =	simm.s32 $0x5000  }
0x12: {  	s8 =	simm.s32 $0x6000;
	s26 =	simm.s32 $0x3C00;
	s11 =	simm.s32 $0x1  }
0x13: {  	s10 =	simm.s32 $0x2;
	s22 =	simm.s32 $0x1E00;
	s21 =	simm.s32 $0x4400  }
0x14: {  	s20 =	simm.s32 $0x2000;
	s19 =	simm.s32 $0x4600;
	s18 =	simm.s32 $0x4800  }
0x15: {  	s16 =	simm.s32 $0x2400;
	s15 =	simm.s32 $0x4A00;
	s14 =	simm.s32 $0x2600  }
0x16: {  	s12 =	simm.s32 $0x4E00;
	s4 =	smul.u32 $0x500, s4;
	s6 =	sadd.s32 s5, s6  }
0x17: {  	s3 =	sadd.s32 s3, s7;
	s7 =	simm.s32 $0x2C00;
	[dreg:$0x1b] =	wrdreg s26  }
0x18: {  	s0 =	ssub.s32 s0, s13;
	s6 =	sshrl.u32 s6, $0x3;
	[dreg:$0x4] =	wrdreg s3  }
0x19: {  	[dreg:$0xb] =	wrdreg s7;
	s3 =	sadd.s32 $0x17800, s1;
	s0 =	smax.u32 s0, $0x1  }
0x1a: {  	s4 =	sadd.s32 s4, s1;
	s6 =	sadd.s32 s6, s1;
	p1 =	sne.s32 s0, $0x1  }
0x1b: {  	s1 =	sadd.s32 $0xFFFFFFFF, s0;
	s0 =	rddreg [dreg:$0x4];
	s23 =	sadd.s32 $0xD800, s4  }
0x1c: {  	s5 =	sadd.s32 s5, s2;
	s24 =	sadd.s32 $0x3800, s4;
	[dreg:$0x5] =	wrdreg s23  }
0x1d: {  	s26 =	simm.s32 $0x1A00;
	s25 =	sadd.s32 $0x1A000, s6;
	[dreg:$0x6] =	wrdreg s24  }
0x1e: {  	s13 =	simm.s32 $0x4C00;
	s4 =	simm.s32 $0x2A00;
	[dreg:$0x7] =	wrdreg s25  }
0x1f: {  	s5 =	sshrl.u32 s5, $0x3;
	s6 =	simm.s32 $0x600;
	[dreg:$0x9] =	wrdreg s4  }
.Ltmp0:
0x20: {  	[dreg:$0xa] =	wrdreg s6;
	s23 =	simm.s32 $0x1400;
	(pc) =	sbr.rel @!p1 .LBB2_3-.Ltmp0, $4  }
0x21: {  	s7 =	simm.s32 $0x200;
	s24 =	simm.s32 $0x3A00;
	[dreg:$0x18] =	wrdreg s23  }
0x22: {  	s4 =	sor.u32 $0x1C03, s17;
	s25 =	simm.s32 $0x1600;
	[dreg:$0x19] =	wrdreg s24  }
0x23: {  	s6 =	simm.s32 $0x3;
	s17 =	simm.s32 $0x2200;
	[dreg:$0x1a] =	wrdreg s25  }
0x24: {  	s25 =	simm.s32 $0x4000;
	s24 =	simm.s32 $0x1C00;
	s23 =	simm.s32 $0x4200  }
0x25: {  	[spmem:s5], [sflag:s4] =	dma.local [hbm:s0], $0x278  }
0x26: {  	_ =	swait.ge [sflag:s6], $0x278  }
0x27: {  	[sflag:s6] =	ssyncset.done $0x0  }
0x28: {  	s0 =	rddreg [dreg:$0x5];
	[sflag:s6] =	ssyncadd.s32 $0xFFFFFD88  }
0x29: {  	[tilespmem:s30], [sflag:$0x3] =	stream.linear.gather [hbm4b:s0+s30], $0x2800, $0x38;
	[tilespmem:$0x83C0] =	vst v63  }
0x2a: {  	_ =	swait.ge [sflag:s6], $0x2800  }
0x2b: {  	[sflag:s6] =	ssyncset.done $0x0  }
0x2c: {  	s0 =	rddreg [dreg:$0x6];
	[sflag:s6] =	ssyncadd.s32 $0xFFFFD800  }
0x2d: {  	[tilespmem:s31], [sflag:$0x3] =	stream.linear.gather [hbm4b:s0+s30], $0x2800, $0x38;
	[tilespmem:$0x83C0] =	vst v63  }
0x2e: {  	_ =	swait.ge [sflag:s6], $0x2800  }
0x2f: {  	[sflag:s6] =	ssyncset.done $0x0  }
0x30: {  	[sflag:s6] =	ssyncadd.s32 $0xFFFFD800  }
0x31: {  	[bflag:$0x0] =	sbarrier.arrive $0xFFFF  }
0x32: {  	[tilespmem:s9], [sflag:$0x1] =	stream.indirect.gather [hbm4b:s3+s7], $0x8, s30, s7, $0xb8;
	[tilespmem:$0x83C0] =	vst v63  }
0x33: {  	_ = 	snop  }
0x34: {  	[tilespmem:s8], [sflag:$0x2] =	stream.indirect.gather [hbm4b:s3+s7], $0x8, s7, s7, $0xb8;
	[tilespmem:$0x83C0] =	vst v63  }
0x35: {  	_ =	swait.ge [sflag:s11], $0x1000  }
0x36: {  	[sflag:s11] =	ssyncset.done $0x0  }
0x37: {  	[sflag:s11] =	ssyncadd.s32 $0xFFFFF000  }
0x38: {  	[spmem:s2] =	stream.indirect.scatter.add.f32 [tilespmem:s9], [sflag:$0x3], $0x8, s31, s7, $0xb8;
	[tilespmem:$0x83C0] =	vst v63  }
0x39: {  	_ =	swait.ge [sflag:s6], $0x1000  }
0x3a: {  	[sflag:s6] =	ssyncset.done $0x0  }
0x3b: {  	s0 =	rddreg [dreg:$0x8];
	[sflag:s6] =	ssyncadd.s32 $0xFFFFF000  }
0x3c: {  	[tilespmem:s9], [sflag:$0x1] =	stream.indirect.gather [hbm4b:s3+s7], $0x8, s0, s7, $0xb8;
	[tilespmem:$0x83C0] =	vst v63  }
0x3d: {  	_ =	swait.ge [sflag:s10], $0x1000  }
0x3e: {  	[sflag:s10] =	ssyncset.done $0x0  }
0x3f: {  	s0 =	rddreg [dreg:$0x9];
	[sflag:s10] =	ssyncadd.s32 $0xFFFFF000  }
0x40: {  	[spmem:s2] =	stream.indirect.scatter.add.f32 [tilespmem:s8], [sflag:$0x3], $0x8, s0, s7, $0xb8;
	[tilespmem:$0x83C0] =	vst v63  }
0x41: {  	_ =	swait.ge [sflag:s6], $0x1000  }
0x42: {  	[sflag:s6] =	ssyncset.done $0x0  }
0x43: {  	s0 =	rddreg [dreg:$0xa];
	[sflag:s6] =	ssyncadd.s32 $0xFFFFF000  }
0x44: {  	[tilespmem:s8], [sflag:$0x2] =	stream.indirect.gather [hbm4b:s3+s7], $0x8, s0, s7, $0xb8;
	[tilespmem:$0x83C0] =	vst v63  }
0x45: {  	_ =	swait.ge [sflag:s11], $0x1000  }
0x46: {  	[sflag:s11] =	ssyncset.done $0x0  }
0x47: {  	s0 =	rddreg [dreg:$0xb];
	[sflag:s11] =	ssyncadd.s32 $0xFFFFF000  }
0x48: {  	[spmem:s2] =	stream.indirect.scatter.add.f32 [tilespmem:s9], [sflag:$0x3], $0x8, s0, s7, $0xb8;
	[tilespmem:$0x83C0] =	vst v63  }
0x49: {  	_ =	swait.ge [sflag:s6], $0x1000  }
0x4a: {  	[sflag:s6] =	ssyncset.done $0x0  }
0x4b: {  	s0 =	rddreg [dreg:$0xc];
	[sflag:s6] =	ssyncadd.s32 $0xFFFFF000  }
0x4c: {  	[tilespmem:s9], [sflag:$0x1] =	stream.indirect.gather [hbm4b:s3+s7], $0x8, s0, s7, $0xb8;
	[tilespmem:$0x83C0] =	vst v63  }
0x4d: {  	_ =	swait.ge [sflag:s10], $0x1000  }
0x4e: {  	[sflag:s10] =	ssyncset.done $0x0  }
0x4f: {  	s0 =	rddreg [dreg:$0xd];
	[sflag:s10] =	ssyncadd.s32 $0xFFFFF000  }
0x50: {  	[spmem:s2] =	stream.indirect.scatter.add.f32 [tilespmem:s8], [sflag:$0x3], $0x8, s0, s7, $0xb8;
	[tilespmem:$0x83C0] =	vst v63  }
0x51: {  	_ =	swait.ge [sflag:s6], $0x1000  }
0x52: {  	[sflag:s6] =	ssyncset.done $0x0  }
0x53: {  	s0 =	rddreg [dreg:$0xe];
	[sflag:s6] =	ssyncadd.s32 $0xFFFFF000  }
0x54: {  	[tilespmem:s8], [sflag:$0x2] =	stream.indirect.gather [hbm4b:s3+s7], $0x8, s0, s7, $0xb8;
	[tilespmem:$0x83C0] =	vst v63  }
0x55: {  	_ =	swait.ge [sflag:s11], $0x1000  }
0x56: {  	[sflag:s11] =	ssyncset.done $0x0  }
0x57: {  	s0 =	rddreg [dreg:$0xf];
	[sflag:s11] =	ssyncadd.s32 $0xFFFFF000  }
0x58: {  	[spmem:s2] =	stream.indirect.scatter.add.f32 [tilespmem:s9], [sflag:$0x3], $0x8, s0, s7, $0xb8;
	[tilespmem:$0x83C0] =	vst v63  }
0x59: {  	_ =	swait.ge [sflag:s6], $0x1000  }
0x5a: {  	[sflag:s6] =	ssyncset.done $0x0  }
0x5b: {  	s0 =	rddreg [dreg:$0x10];
	[sflag:s6] =	ssyncadd.s32 $0xFFFFF000  }
0x5c: {  	[tilespmem:s9], [sflag:$0x1] =	stream.indirect.gather [hbm4b:s3+s7], $0x8, s0, s7, $0xb8;
	[tilespmem:$0x83C0] =	vst v63  }
0x5d: {  	_ =	swait.ge [sflag:s10], $0x1000  }
0x5e: {  	[sflag:s10] =	ssyncset.done $0x0  }
0x5f: {  	s0 =	rddreg [dreg:$0x11];
	[sflag:s10] =	ssyncadd.s32 $0xFFFFF000  }
0x60: {  	[spmem:s2] =	stream.indirect.scatter.add.f32 [tilespmem:s8], [sflag:$0x3], $0x8, s0, s7, $0xb8;
	[tilespmem:$0x83C0] =	vst v63  }
0x61: {  	_ =	swait.ge [sflag:s6], $0x1000  }
0x62: {  	[sflag:s6] =	ssyncset.done $0x0  }
0x63: {  	s0 =	rddreg [dreg:$0x12];
	[sflag:s6] =	ssyncadd.s32 $0xFFFFF000  }
0x64: {  	[tilespmem:s8], [sflag:$0x2] =	stream.indirect.gather [hbm4b:s3+s7], $0x8, s0, s7, $0xb8;
	[tilespmem:$0x83C0] =	vst v63  }
0x65: {  	_ =	swait.ge [sflag:s11], $0x1000  }
0x66: {  	[sflag:s11] =	ssyncset.done $0x0  }
0x67: {  	s0 =	rddreg [dreg:$0x13];
	[sflag:s11] =	ssyncadd.s32 $0xFFFFF000  }
0x68: {  	[spmem:s2] =	stream.indirect.scatter.add.f32 [tilespmem:s9], [sflag:$0x3], $0x8, s0, s7, $0xb8;
	[tilespmem:$0x83C0] =	vst v63  }
0x69: {  	_ =	swait.ge [sflag:s6], $0x1000  }
0x6a: {  	[sflag:s6] =	ssyncset.done $0x0  }
0x6b: {  	s0 =	rddreg [dreg:$0x14];
	[sflag:s6] =	ssyncadd.s32 $0xFFFFF000  }
0x6c: {  	[tilespmem:s9], [sflag:$0x1] =	stream.indirect.gather [hbm4b:s3+s7], $0x8, s0, s7, $0xb8;
	[tilespmem:$0x83C0] =	vst v63  }
0x6d: {  	_ =	swait.ge [sflag:s10], $0x1000  }
0x6e: {  	[sflag:s10] =	ssyncset.done $0x0  }
0x6f: {  	s0 =	rddreg [dreg:$0x15];
	[sflag:s10] =	ssyncadd.s32 $0xFFFFF000  }
0x70: {  	[spmem:s2] =	stream.indirect.scatter.add.f32 [tilespmem:s8], [sflag:$0x3], $0x8, s0, s7, $0xb8;
	[tilespmem:$0x83C0] =	vst v63  }
0x71: {  	_ =	swait.ge [sflag:s6], $0x1000  }
0x72: {  	[sflag:s6] =	ssyncset.done $0x0  }
0x73: {  	s0 =	rddreg [dreg:$0x16];
	[sflag:s6] =	ssyncadd.s32 $0xFFFFF000  }
0x74: {  	[tilespmem:s8], [sflag:$0x2] =	stream.indirect.gather [hbm4b:s3+s7], $0x8, s0, s7, $0xb8;
	[tilespmem:$0x83C0] =	vst v63  }
0x75: {  	_ =	swait.ge [sflag:s11], $0x1000  }
0x76: {  	[sflag:s11] =	ssyncset.done $0x0  }
0x77: {  	s0 =	rddreg [dreg:$0x17];
	[sflag:s11] =	ssyncadd.s32 $0xFFFFF000  }
0x78: {  	[spmem:s2] =	stream.indirect.scatter.add.f32 [tilespmem:s9], [sflag:$0x3], $0x8, s0, s7, $0xb8;
	[tilespmem:$0x83C0] =	vst v63  }
0x79: {  	_ =	swait.ge [sflag:s6], $0x1000  }
0x7a: {  	[sflag:s6] =	ssyncset.done $0x0  }
0x7b: {  	s0 =	rddreg [dreg:$0x18];
	[sflag:s6] =	ssyncadd.s32 $0xFFFFF000  }
0x7c: {  	[tilespmem:s9], [sflag:$0x1] =	stream.indirect.gather [hbm4b:s3+s7], $0x8, s0, s7, $0xb8;
	[tilespmem:$0x83C0] =	vst v63  }
0x7d: {  	_ =	swait.ge [sflag:s10], $0x1000  }
0x7e: {  	[sflag:s10] =	ssyncset.done $0x0  }
0x7f: {  	s0 =	rddreg [dreg:$0x19];
	[sflag:s10] =	ssyncadd.s32 $0xFFFFF000  }
0x80: {  	[spmem:s2] =	stream.indirect.scatter.add.f32 [tilespmem:s8], [sflag:$0x3], $0x8, s0, s7, $0xb8;
	[tilespmem:$0x83C0] =	vst v63  }
0x81: {  	_ =	swait.ge [sflag:s6], $0x1000  }
0x82: {  	[sflag:s6] =	ssyncset.done $0x0  }
0x83: {  	s0 =	rddreg [dreg:$0x1a];
	[sflag:s6] =	ssyncadd.s32 $0xFFFFF000  }
0x84: {  	[tilespmem:s8], [sflag:$0x2] =	stream.indirect.gather [hbm4b:s3+s7], $0x8, s0, s7, $0xb8;
	[tilespmem:$0x83C0] =	vst v63  }
0x85: {  	_ =	swait.ge [sflag:s11], $0x1000  }
0x86: {  	[sflag:s11] =	ssyncset.done $0x0  }
0x87: {  	s0 =	rddreg [dreg:$0x1b];
	[sflag:s11] =	ssyncadd.s32 $0xFFFFF000  }
0x88: {  	[spmem:s2] =	stream.indirect.scatter.add.f32 [tilespmem:s9], [sflag:$0x3], $0x8, s0, s7, $0xb8;
	[tilespmem:$0x83C0] =	vst v63  }
0x89: {  	_ =	swait.ge [sflag:s6], $0x1000  }
0x8a: {  	[sflag:s6] =	ssyncset.done $0x0  }
0x8b: {  	[sflag:s6] =	ssyncadd.s32 $0xFFFFF000  }
0x8c: {  	[tilespmem:s9], [sflag:$0x1] =	stream.indirect.gather [hbm4b:s3+s7], $0x8, s29, s7, $0xb8;
	[tilespmem:$0x83C0] =	vst v63  }
0x8d: {  	_ =	swait.ge [sflag:s10], $0x1000  }
0x8e: {  	[sflag:s10] =	ssyncset.done $0x0  }
0x8f: {  	[sflag:s10] =	ssyncadd.s32 $0xFFFFF000  }
0x90: {  	[spmem:s2] =	stream.indirect.scatter.add.f32 [tilespmem:s8], [sflag:$0x3], $0x8, s28, s7, $0xb8;
	[tilespmem:$0x83C0] =	vst v63  }
0x91: {  	_ =	swait.ge [sflag:s6], $0x1000  }
0x92: {  	[sflag:s6] =	ssyncset.done $0x0  }
0x93: {  	[sflag:s6] =	ssyncadd.s32 $0xFFFFF000  }
0x94: {  	[tilespmem:s8], [sflag:$0x2] =	stream.indirect.gather [hbm4b:s3+s7], $0x8, s26, s7, $0xb8;
	[tilespmem:$0x83C0] =	vst v63  }
0x95: {  	_ =	swait.ge [sflag:s11], $0x1000  }
0x96: {  	[sflag:s11] =	ssyncset.done $0x0  }
0x97: {  	[sflag:s11] =	ssyncadd.s32 $0xFFFFF000  }
0x98: {  	[spmem:s2] =	stream.indirect.scatter.add.f32 [tilespmem:s9], [sflag:$0x3], $0x8, s25, s7, $0xb8;
	[tilespmem:$0x83C0] =	vst v63  }
0x99: {  	_ =	swait.ge [sflag:s6], $0x1000  }
0x9a: {  	[sflag:s6] =	ssyncset.done $0x0  }
0x9b: {  	[sflag:s6] =	ssyncadd.s32 $0xFFFFF000  }
0x9c: {  	[tilespmem:s9], [sflag:$0x1] =	stream.indirect.gather [hbm4b:s3+s7], $0x8, s24, s7, $0xb8;
	[tilespmem:$0x83C0] =	vst v63  }
0x9d: {  	_ =	swait.ge [sflag:s10], $0x1000  }
0x9e: {  	[sflag:s10] =	ssyncset.done $0x0  }
0x9f: {  	[sflag:s10] =	ssyncadd.s32 $0xFFFFF000  }
0xa0: {  	[spmem:s2] =	stream.indirect.scatter.add.f32 [tilespmem:s8], [sflag:$0x3], $0x8, s23, s7, $0xb8;
	[tilespmem:$0x83C0] =	vst v63  }
0xa1: {  	_ =	swait.ge [sflag:s6], $0x1000  }
0xa2: {  	[sflag:s6] =	ssyncset.done $0x0  }
0xa3: {  	[sflag:s6] =	ssyncadd.s32 $0xFFFFF000  }
0xa4: {  	[tilespmem:s8], [sflag:$0x2] =	stream.indirect.gather [hbm4b:s3+s7], $0x8, s22, s7, $0xb8;
	[tilespmem:$0x83C0] =	vst v63  }
0xa5: {  	_ =	swait.ge [sflag:s11], $0x1000  }
0xa6: {  	[sflag:s11] =	ssyncset.done $0x0  }
0xa7: {  	[sflag:s11] =	ssyncadd.s32 $0xFFFFF000  }
0xa8: {  	[spmem:s2] =	stream.indirect.scatter.add.f32 [tilespmem:s9], [sflag:$0x3], $0x8, s21, s7, $0xb8;
	[tilespmem:$0x83C0] =	vst v63  }
0xa9: {  	_ =	swait.ge [sflag:s6], $0x1000  }
0xaa: {  	[sflag:s6] =	ssyncset.done $0x0  }
0xab: {  	[sflag:s6] =	ssyncadd.s32 $0xFFFFF000  }
0xac: {  	[tilespmem:s9], [sflag:$0x1] =	stream.indirect.gather [hbm4b:s3+s7], $0x8, s20, s7, $0xb8;
	[tilespmem:$0x83C0] =	vst v63  }
0xad: {  	_ =	swait.ge [sflag:s10], $0x1000  }
0xae: {  	[sflag:s10] =	ssyncset.done $0x0  }
0xaf: {  	[sflag:s10] =	ssyncadd.s32 $0xFFFFF000  }
0xb0: {  	[spmem:s2] =	stream.indirect.scatter.add.f32 [tilespmem:s8], [sflag:$0x3], $0x8, s19, s7, $0xb8;
	[tilespmem:$0x83C0] =	vst v63  }
0xb1: {  	_ =	swait.ge [sflag:s6], $0x1000  }
0xb2: {  	[sflag:s6] =	ssyncset.done $0x0  }
0xb3: {  	[sflag:s6] =	ssyncadd.s32 $0xFFFFF000  }
0xb4: {  	[tilespmem:s8], [sflag:$0x2] =	stream.indirect.gather [hbm4b:s3+s7], $0x8, s17, s7, $0xb8;
	[tilespmem:$0x83C0] =	vst v63  }
0xb5: {  	_ =	swait.ge [sflag:s11], $0x1000  }
0xb6: {  	[sflag:s11] =	ssyncset.done $0x0  }
0xb7: {  	[sflag:s11] =	ssyncadd.s32 $0xFFFFF000  }
0xb8: {  	[spmem:s2] =	stream.indirect.scatter.add.f32 [tilespmem:s9], [sflag:$0x3], $0x8, s18, s7, $0xb8;
	[tilespmem:$0x83C0] =	vst v63  }
0xb9: {  	_ =	swait.ge [sflag:s6], $0x1000  }
0xba: {  	[sflag:s6] =	ssyncset.done $0x0  }
0xbb: {  	[sflag:s6] =	ssyncadd.s32 $0xFFFFF000  }
0xbc: {  	[tilespmem:s9], [sflag:$0x1] =	stream.indirect.gather [hbm4b:s3+s7], $0x8, s16, s7, $0xb8;
	[tilespmem:$0x83C0] =	vst v63  }
0xbd: {  	_ =	swait.ge [sflag:s10], $0x1000  }
0xbe: {  	[sflag:s10] =	ssyncset.done $0x0  }
0xbf: {  	[sflag:s10] =	ssyncadd.s32 $0xFFFFF000  }
0xc0: {  	[spmem:s2] =	stream.indirect.scatter.add.f32 [tilespmem:s8], [sflag:$0x3], $0x8, s15, s7, $0xb8;
	[tilespmem:$0x83C0] =	vst v63  }
0xc1: {  	_ =	swait.ge [sflag:s6], $0x1000  }
0xc2: {  	[sflag:s6] =	ssyncset.done $0x0  }
0xc3: {  	[sflag:s6] =	ssyncadd.s32 $0xFFFFF000  }
0xc4: {  	[tilespmem:s8], [sflag:$0x2] =	stream.indirect.gather [hbm4b:s3+s7], $0x8, s14, s7, $0xb8;
	[tilespmem:$0x83C0] =	vst v63  }
0xc5: {  	_ =	swait.ge [sflag:s11], $0x1000  }
0xc6: {  	[sflag:s11] =	ssyncset.done $0x0  }
0xc7: {  	[sflag:s11] =	ssyncadd.s32 $0xFFFFF000  }
0xc8: {  	[spmem:s2] =	stream.indirect.scatter.add.f32 [tilespmem:s9], [sflag:$0x3], $0x8, s13, s7, $0xb8;
	[tilespmem:$0x83C0] =	vst v63  }
0xc9: {  	_ =	swait.ge [sflag:s6], $0x1000  }
0xca: {  	[sflag:s6] =	ssyncset.done $0x0  }
0xcb: {  	[sflag:s6] =	ssyncadd.s32 $0xFFFFF000  }
0xcc: {  	_ =	swait.ge [sflag:s10], $0x1000  }
0xcd: {  	[sflag:s10] =	ssyncset.done $0x0  }
0xce: {  	[sflag:s10] =	ssyncadd.s32 $0xFFFFF000  }
0xcf: {  	[spmem:s2] =	stream.indirect.scatter.add.f32 [tilespmem:s8], [sflag:$0x3], $0x8, s12, s7, $0xb8;
	[tilespmem:$0x83C0] =	vst v63  }
0xd0: {  	_ =	swait.ge [sflag:s6], $0x1000  }
0xd1: {  	[sflag:s6] =	ssyncset.done $0x0  }
0xd2: {  	p1 =	sne.s32 s1, $0x1;
	[sflag:s6] =	ssyncadd.s32 $0xFFFFF000  }
.Ltmp1:
0xd3: {  	[bflag:$0x0] =	sbarrier.arrive $0xFFFF;
	(pc) =	sbr.rel @!p1 .LBB2_3-.Ltmp1, $4  }
0xd4: {  	s0 =	rddreg [dreg:$0x7]  }
0xd5: {  	[hbm:s0], [sflag:s4] =	dma.local [spmem:s5], $0x278  }
0xd6: {  	s1 =	sadd.s32 $0xFFFFFFFF, s1;
	_ =	swait.ge [sflag:s6], $0x278  }
0xd7: {  	p0 =	por $0x1, $0x1;
	s0 =	rddreg [dreg:$0x4];
	[sflag:s6] =	ssyncset.done $0x0  }
.LBB2_2:
0xd8: {  	[sflag:s6] =	ssyncadd.s32 $0xFFFFFD88  }
0xd9: {  	[spmem:s5], [sflag:s4] =	dma.local [hbm:s0], $0x278  }
0xda: {  	_ =	swait.ge [sflag:s6], $0x278  }
0xdb: {  	[sflag:s6] =	ssyncset.done $0x0  }
0xdc: {  	s0 =	rddreg [dreg:$0x5];
	[sflag:s6] =	ssyncadd.s32 $0xFFFFFD88  }
0xdd: {  	[tilespmem:s30], [sflag:$0x3] =	stream.linear.gather [hbm4b:s0+s30], $0x2800, $0x38;
	[tilespmem:$0x83C0] =	vst v63  }
0xde: {  	_ =	swait.ge [sflag:s6], $0x2800  }
0xdf: {  	[sflag:s6] =	ssyncset.done $0x0  }
0xe0: {  	s0 =	rddreg [dreg:$0x6];
	[sflag:s6] =	ssyncadd.s32 $0xFFFFD800  }
0xe1: {  	[tilespmem:s31], [sflag:$0x3] =	stream.linear.gather [hbm4b:s0+s30], $0x2800, $0x38;
	[tilespmem:$0x83C0] =	vst v63  }
0xe2: {  	_ =	swait.ge [sflag:s6], $0x2800  }
0xe3: {  	[sflag:s6] =	ssyncset.done $0x0  }
0xe4: {  	[sflag:s6] =	ssyncadd.s32 $0xFFFFD800  }
0xe5: {  	[bflag:$0x0] =	sbarrier.arrive $0xFFFF  }
0xe6: {  	[tilespmem:s9], [sflag:$0x1] =	stream.indirect.gather [hbm4b:s3+s7], $0x8, s30, s7, $0xb8;
	[tilespmem:$0x83C0] =	vst v63  }
0xe7: {  	_ = 	snop  }
0xe8: {  	[tilespmem:s8], [sflag:$0x2] =	stream.indirect.gather [hbm4b:s3+s7], $0x8, s7, s7, $0xb8;
	[tilespmem:$0x83C0] =	vst v63  }
0xe9: {  	_ =	swait.ge [sflag:s11], $0x1000  }
0xea: {  	[sflag:s11] =	ssyncset.done $0x0  }
0xeb: {  	[sflag:s11] =	ssyncadd.s32 $0xFFFFF000  }
0xec: {  	[spmem:s2] =	stream.indirect.scatter.add.f32 [tilespmem:s9], [sflag:$0x3], $0x8, s31, s7, $0xb8;
	[tilespmem:$0x83C0] =	vst v63  }
0xed: {  	_ =	swait.ge [sflag:s6], $0x1000  }
0xee: {  	[sflag:s6] =	ssyncset.done $0x0  }
0xef: {  	s0 =	rddreg [dreg:$0x8];
	[sflag:s6] =	ssyncadd.s32 $0xFFFFF000  }
0xf0: {  	[tilespmem:s9], [sflag:$0x1] =	stream.indirect.gather [hbm4b:s3+s7], $0x8, s0, s7, $0xb8;
	[tilespmem:$0x83C0] =	vst v63  }
0xf1: {  	_ =	swait.ge [sflag:s10], $0x1000  }
0xf2: {  	[sflag:s10] =	ssyncset.done $0x0  }
0xf3: {  	s0 =	rddreg [dreg:$0x9];
	[sflag:s10] =	ssyncadd.s32 $0xFFFFF000  }
0xf4: {  	[spmem:s2] =	stream.indirect.scatter.add.f32 [tilespmem:s8], [sflag:$0x3], $0x8, s0, s7, $0xb8;
	[tilespmem:$0x83C0] =	vst v63  }
0xf5: {  	_ =	swait.ge [sflag:s6], $0x1000  }
0xf6: {  	[sflag:s6] =	ssyncset.done $0x0  }
0xf7: {  	s0 =	rddreg [dreg:$0xa];
	[sflag:s6] =	ssyncadd.s32 $0xFFFFF000  }
0xf8: {  	[tilespmem:s8], [sflag:$0x2] =	stream.indirect.gather [hbm4b:s3+s7], $0x8, s0, s7, $0xb8;
	[tilespmem:$0x83C0] =	vst v63  }
0xf9: {  	_ =	swait.ge [sflag:s11], $0x1000  }
0xfa: {  	[sflag:s11] =	ssyncset.done $0x0  }
0xfb: {  	s0 =	rddreg [dreg:$0xb];
	[sflag:s11] =	ssyncadd.s32 $0xFFFFF000  }
0xfc: {  	[spmem:s2] =	stream.indirect.scatter.add.f32 [tilespmem:s9], [sflag:$0x3], $0x8, s0, s7, $0xb8;
	[tilespmem:$0x83C0] =	vst v63  }
0xfd: {  	_ =	swait.ge [sflag:s6], $0x1000  }
0xfe: {  	[sflag:s6] =	ssyncset.done $0x0  }
0xff: {  	s0 =	rddreg [dreg:$0xc];
	[sflag:s6] =	ssyncadd.s32 $0xFFFFF000  }
0x100: {  	[tilespmem:s9], [sflag:$0x1] =	stream.indirect.gather [hbm4b:s3+s7], $0x8, s0, s7, $0xb8;
	[tilespmem:$0x83C0] =	vst v63  }
0x101: {  	_ =	swait.ge [sflag:s10], $0x1000  }
0x102: {  	[sflag:s10] =	ssyncset.done $0x0  }
0x103: {  	s0 =	rddreg [dreg:$0xd];
	[sflag:s10] =	ssyncadd.s32 $0xFFFFF000  }
0x104: {  	[spmem:s2] =	stream.indirect.scatter.add.f32 [tilespmem:s8], [sflag:$0x3], $0x8, s0, s7, $0xb8;
	[tilespmem:$0x83C0] =	vst v63  }
0x105: {  	_ =	swait.ge [sflag:s6], $0x1000  }
0x106: {  	[sflag:s6] =	ssyncset.done $0x0  }
0x107: {  	s0 =	rddreg [dreg:$0xe];
	[sflag:s6] =	ssyncadd.s32 $0xFFFFF000  }
0x108: {  	[tilespmem:s8], [sflag:$0x2] =	stream.indirect.gather [hbm4b:s3+s7], $0x8, s0, s7, $0xb8;
	[tilespmem:$0x83C0] =	vst v63  }
0x109: {  	_ =	swait.ge [sflag:s11], $0x1000  }
0x10a: {  	[sflag:s11] =	ssyncset.done $0x0  }
0x10b: {  	s0 =	rddreg [dreg:$0xf];
	[sflag:s11] =	ssyncadd.s32 $0xFFFFF000  }
0x10c: {  	[spmem:s2] =	stream.indirect.scatter.add.f32 [tilespmem:s9], [sflag:$0x3], $0x8, s0, s7, $0xb8;
	[tilespmem:$0x83C0] =	vst v63  }
0x10d: {  	_ =	swait.ge [sflag:s6], $0x1000  }
0x10e: {  	[sflag:s6] =	ssyncset.done $0x0  }
0x10f: {  	s0 =	rddreg [dreg:$0x10];
	[sflag:s6] =	ssyncadd.s32 $0xFFFFF000  }
0x110: {  	[tilespmem:s9], [sflag:$0x1] =	stream.indirect.gather [hbm4b:s3+s7], $0x8, s0, s7, $0xb8;
	[tilespmem:$0x83C0] =	vst v63  }
0x111: {  	_ =	swait.ge [sflag:s10], $0x1000  }
0x112: {  	[sflag:s10] =	ssyncset.done $0x0  }
0x113: {  	s0 =	rddreg [dreg:$0x11];
	[sflag:s10] =	ssyncadd.s32 $0xFFFFF000  }
0x114: {  	[spmem:s2] =	stream.indirect.scatter.add.f32 [tilespmem:s8], [sflag:$0x3], $0x8, s0, s7, $0xb8;
	[tilespmem:$0x83C0] =	vst v63  }
0x115: {  	_ =	swait.ge [sflag:s6], $0x1000  }
0x116: {  	[sflag:s6] =	ssyncset.done $0x0  }
0x117: {  	s0 =	rddreg [dreg:$0x12];
	[sflag:s6] =	ssyncadd.s32 $0xFFFFF000  }
0x118: {  	[tilespmem:s8], [sflag:$0x2] =	stream.indirect.gather [hbm4b:s3+s7], $0x8, s0, s7, $0xb8;
	[tilespmem:$0x83C0] =	vst v63  }
0x119: {  	_ =	swait.ge [sflag:s11], $0x1000  }
0x11a: {  	[sflag:s11] =	ssyncset.done $0x0  }
0x11b: {  	s0 =	rddreg [dreg:$0x13];
	[sflag:s11] =	ssyncadd.s32 $0xFFFFF000  }
0x11c: {  	[spmem:s2] =	stream.indirect.scatter.add.f32 [tilespmem:s9], [sflag:$0x3], $0x8, s0, s7, $0xb8;
	[tilespmem:$0x83C0] =	vst v63  }
0x11d: {  	_ =	swait.ge [sflag:s6], $0x1000  }
0x11e: {  	[sflag:s6] =	ssyncset.done $0x0  }
0x11f: {  	s0 =	rddreg [dreg:$0x14];
	[sflag:s6] =	ssyncadd.s32 $0xFFFFF000  }
0x120: {  	[tilespmem:s9], [sflag:$0x1] =	stream.indirect.gather [hbm4b:s3+s7], $0x8, s0, s7, $0xb8;
	[tilespmem:$0x83C0] =	vst v63  }
0x121: {  	_ =	swait.ge [sflag:s10], $0x1000  }
0x122: {  	[sflag:s10] =	ssyncset.done $0x0  }
0x123: {  	s0 =	rddreg [dreg:$0x15];
	[sflag:s10] =	ssyncadd.s32 $0xFFFFF000  }
0x124: {  	[spmem:s2] =	stream.indirect.scatter.add.f32 [tilespmem:s8], [sflag:$0x3], $0x8, s0, s7, $0xb8;
	[tilespmem:$0x83C0] =	vst v63  }
0x125: {  	_ =	swait.ge [sflag:s6], $0x1000  }
0x126: {  	[sflag:s6] =	ssyncset.done $0x0  }
0x127: {  	s0 =	rddreg [dreg:$0x16];
	[sflag:s6] =	ssyncadd.s32 $0xFFFFF000  }
0x128: {  	[tilespmem:s8], [sflag:$0x2] =	stream.indirect.gather [hbm4b:s3+s7], $0x8, s0, s7, $0xb8;
	[tilespmem:$0x83C0] =	vst v63  }
0x129: {  	_ =	swait.ge [sflag:s11], $0x1000  }
0x12a: {  	[sflag:s11] =	ssyncset.done $0x0  }
0x12b: {  	s0 =	rddreg [dreg:$0x17];
	[sflag:s11] =	ssyncadd.s32 $0xFFFFF000  }
0x12c: {  	[spmem:s2] =	stream.indirect.scatter.add.f32 [tilespmem:s9], [sflag:$0x3], $0x8, s0, s7, $0xb8;
	[tilespmem:$0x83C0] =	vst v63  }
0x12d: {  	_ =	swait.ge [sflag:s6], $0x1000  }
0x12e: {  	[sflag:s6] =	ssyncset.done $0x0  }
0x12f: {  	s0 =	rddreg [dreg:$0x18];
	[sflag:s6] =	ssyncadd.s32 $0xFFFFF000  }
0x130: {  	[tilespmem:s9], [sflag:$0x1] =	stream.indirect.gather [hbm4b:s3+s7], $0x8, s0, s7, $0xb8;
	[tilespmem:$0x83C0] =	vst v63  }
0x131: {  	_ =	swait.ge [sflag:s10], $0x1000  }
0x132: {  	[sflag:s10] =	ssyncset.done $0x0  }
0x133: {  	s0 =	rddreg [dreg:$0x19];
	[sflag:s10] =	ssyncadd.s32 $0xFFFFF000  }
0x134: {  	[spmem:s2] =	stream.indirect.scatter.add.f32 [tilespmem:s8], [sflag:$0x3], $0x8, s0, s7, $0xb8;
	[tilespmem:$0x83C0] =	vst v63  }
0x135: {  	_ =	swait.ge [sflag:s6], $0x1000  }
0x136: {  	[sflag:s6] =	ssyncset.done $0x0  }
0x137: {  	s0 =	rddreg [dreg:$0x1a];
	[sflag:s6] =	ssyncadd.s32 $0xFFFFF000  }
0x138: {  	[tilespmem:s8], [sflag:$0x2] =	stream.indirect.gather [hbm4b:s3+s7], $0x8, s0, s7, $0xb8;
	[tilespmem:$0x83C0] =	vst v63  }
0x139: {  	_ =	swait.ge [sflag:s11], $0x1000  }
0x13a: {  	[sflag:s11] =	ssyncset.done $0x0  }
0x13b: {  	s0 =	rddreg [dreg:$0x1b];
	[sflag:s11] =	ssyncadd.s32 $0xFFFFF000  }
0x13c: {  	[spmem:s2] =	stream.indirect.scatter.add.f32 [tilespmem:s9], [sflag:$0x3], $0x8, s0, s7, $0xb8;
	[tilespmem:$0x83C0] =	vst v63  }
0x13d: {  	_ =	swait.ge [sflag:s6], $0x1000  }
0x13e: {  	[sflag:s6] =	ssyncset.done $0x0  }
0x13f: {  	[sflag:s6] =	ssyncadd.s32 $0xFFFFF000  }
0x140: {  	[tilespmem:s9], [sflag:$0x1] =	stream.indirect.gather [hbm4b:s3+s7], $0x8, s29, s7, $0xb8;
	[tilespmem:$0x83C0] =	vst v63  }
0x141: {  	_ =	swait.ge [sflag:s10], $0x1000  }
0x142: {  	[sflag:s10] =	ssyncset.done $0x0  }
0x143: {  	[sflag:s10] =	ssyncadd.s32 $0xFFFFF000  }
0x144: {  	[spmem:s2] =	stream.indirect.scatter.add.f32 [tilespmem:s8], [sflag:$0x3], $0x8, s28, s7, $0xb8;
	[tilespmem:$0x83C0] =	vst v63  }
0x145: {  	_ =	swait.ge [sflag:s6], $0x1000  }
0x146: {  	[sflag:s6] =	ssyncset.done $0x0  }
0x147: {  	[sflag:s6] =	ssyncadd.s32 $0xFFFFF000  }
0x148: {  	[tilespmem:s8], [sflag:$0x2] =	stream.indirect.gather [hbm4b:s3+s7], $0x8, s26, s7, $0xb8;
	[tilespmem:$0x83C0] =	vst v63  }
0x149: {  	_ =	swait.ge [sflag:s11], $0x1000  }
0x14a: {  	[sflag:s11] =	ssyncset.done $0x0  }
0x14b: {  	[sflag:s11] =	ssyncadd.s32 $0xFFFFF000  }
0x14c: {  	[spmem:s2] =	stream.indirect.scatter.add.f32 [tilespmem:s9], [sflag:$0x3], $0x8, s25, s7, $0xb8;
	[tilespmem:$0x83C0] =	vst v63  }
0x14d: {  	_ =	swait.ge [sflag:s6], $0x1000  }
0x14e: {  	[sflag:s6] =	ssyncset.done $0x0  }
0x14f: {  	[sflag:s6] =	ssyncadd.s32 $0xFFFFF000  }
0x150: {  	[tilespmem:s9], [sflag:$0x1] =	stream.indirect.gather [hbm4b:s3+s7], $0x8, s24, s7, $0xb8;
	[tilespmem:$0x83C0] =	vst v63  }
0x151: {  	_ =	swait.ge [sflag:s10], $0x1000  }
0x152: {  	[sflag:s10] =	ssyncset.done $0x0  }
0x153: {  	[sflag:s10] =	ssyncadd.s32 $0xFFFFF000  }
0x154: {  	[spmem:s2] =	stream.indirect.scatter.add.f32 [tilespmem:s8], [sflag:$0x3], $0x8, s23, s7, $0xb8;
	[tilespmem:$0x83C0] =	vst v63  }
0x155: {  	_ =	swait.ge [sflag:s6], $0x1000  }
0x156: {  	[sflag:s6] =	ssyncset.done $0x0  }
0x157: {  	[sflag:s6] =	ssyncadd.s32 $0xFFFFF000  }
0x158: {  	[tilespmem:s8], [sflag:$0x2] =	stream.indirect.gather [hbm4b:s3+s7], $0x8, s22, s7, $0xb8;
	[tilespmem:$0x83C0] =	vst v63  }
0x159: {  	_ =	swait.ge [sflag:s11], $0x1000  }
0x15a: {  	[sflag:s11] =	ssyncset.done $0x0  }
0x15b: {  	[sflag:s11] =	ssyncadd.s32 $0xFFFFF000  }
0x15c: {  	[spmem:s2] =	stream.indirect.scatter.add.f32 [tilespmem:s9], [sflag:$0x3], $0x8, s21, s7, $0xb8;
	[tilespmem:$0x83C0] =	vst v63  }
0x15d: {  	_ =	swait.ge [sflag:s6], $0x1000  }
0x15e: {  	[sflag:s6] =	ssyncset.done $0x0  }
0x15f: {  	[sflag:s6] =	ssyncadd.s32 $0xFFFFF000  }
0x160: {  	[tilespmem:s9], [sflag:$0x1] =	stream.indirect.gather [hbm4b:s3+s7], $0x8, s20, s7, $0xb8;
	[tilespmem:$0x83C0] =	vst v63  }
0x161: {  	_ =	swait.ge [sflag:s10], $0x1000  }
0x162: {  	[sflag:s10] =	ssyncset.done $0x0  }
0x163: {  	[sflag:s10] =	ssyncadd.s32 $0xFFFFF000  }
0x164: {  	[spmem:s2] =	stream.indirect.scatter.add.f32 [tilespmem:s8], [sflag:$0x3], $0x8, s19, s7, $0xb8;
	[tilespmem:$0x83C0] =	vst v63  }
0x165: {  	_ =	swait.ge [sflag:s6], $0x1000  }
0x166: {  	[sflag:s6] =	ssyncset.done $0x0  }
0x167: {  	[sflag:s6] =	ssyncadd.s32 $0xFFFFF000  }
0x168: {  	[tilespmem:s8], [sflag:$0x2] =	stream.indirect.gather [hbm4b:s3+s7], $0x8, s17, s7, $0xb8;
	[tilespmem:$0x83C0] =	vst v63  }
0x169: {  	_ =	swait.ge [sflag:s11], $0x1000  }
0x16a: {  	[sflag:s11] =	ssyncset.done $0x0  }
0x16b: {  	[sflag:s11] =	ssyncadd.s32 $0xFFFFF000  }
0x16c: {  	[spmem:s2] =	stream.indirect.scatter.add.f32 [tilespmem:s9], [sflag:$0x3], $0x8, s18, s7, $0xb8;
	[tilespmem:$0x83C0] =	vst v63  }
0x16d: {  	_ =	swait.ge [sflag:s6], $0x1000  }
0x16e: {  	[sflag:s6] =	ssyncset.done $0x0  }
0x16f: {  	[sflag:s6] =	ssyncadd.s32 $0xFFFFF000  }
0x170: {  	[tilespmem:s9], [sflag:$0x1] =	stream.indirect.gather [hbm4b:s3+s7], $0x8, s16, s7, $0xb8;
	[tilespmem:$0x83C0] =	vst v63  }
0x171: {  	_ =	swait.ge [sflag:s10], $0x1000  }
0x172: {  	[sflag:s10] =	ssyncset.done $0x0  }
0x173: {  	[sflag:s10] =	ssyncadd.s32 $0xFFFFF000  }
0x174: {  	[spmem:s2] =	stream.indirect.scatter.add.f32 [tilespmem:s8], [sflag:$0x3], $0x8, s15, s7, $0xb8;
	[tilespmem:$0x83C0] =	vst v63  }
0x175: {  	_ =	swait.ge [sflag:s6], $0x1000  }
0x176: {  	[sflag:s6] =	ssyncset.done $0x0  }
0x177: {  	[sflag:s6] =	ssyncadd.s32 $0xFFFFF000  }
0x178: {  	[tilespmem:s8], [sflag:$0x2] =	stream.indirect.gather [hbm4b:s3+s7], $0x8, s14, s7, $0xb8;
	[tilespmem:$0x83C0] =	vst v63  }
0x179: {  	_ =	swait.ge [sflag:s11], $0x1000  }
0x17a: {  	[sflag:s11] =	ssyncset.done $0x0  }
0x17b: {  	[sflag:s11] =	ssyncadd.s32 $0xFFFFF000  }
0x17c: {  	[spmem:s2] =	stream.indirect.scatter.add.f32 [tilespmem:s9], [sflag:$0x3], $0x8, s13, s7, $0xb8;
	[tilespmem:$0x83C0] =	vst v63  }
0x17d: {  	_ =	swait.ge [sflag:s6], $0x1000  }
0x17e: {  	[sflag:s6] =	ssyncset.done $0x0  }
0x17f: {  	[sflag:s6] =	ssyncadd.s32 $0xFFFFF000  }
0x180: {  	_ =	swait.ge [sflag:s10], $0x1000  }
0x181: {  	[sflag:s10] =	ssyncset.done $0x0  }
0x182: {  	[sflag:s10] =	ssyncadd.s32 $0xFFFFF000  }
0x183: {  	[spmem:s2] =	stream.indirect.scatter.add.f32 [tilespmem:s8], [sflag:$0x3], $0x8, s12, s7, $0xb8;
	[tilespmem:$0x83C0] =	vst v63  }
0x184: {  	_ =	swait.ge [sflag:s6], $0x1000  }
0x185: {  	[sflag:s6] =	ssyncset.done $0x0  }
0x186: {  	p1 =	sne.s32 s1, $0x1;
	[sflag:s6] =	ssyncadd.s32 $0xFFFFF000  }
.Ltmp2:
0x187: {  	[bflag:$0x0] =	sbarrier.arrive $0xFFFF;
	(pc) =	sbr.rel @p1 .LBB2_2-.Ltmp2, $4  }
0x188: {  	s0 =	rddreg [dreg:$0x7]  }
0x189: {  	[hbm:s0], [sflag:s4] =	dma.local [spmem:s5], $0x278  }
0x18a: {  	_ =	swait.ge [sflag:s6], $0x278  }
0x18b: {  	s1 =	sadd.s32 $0xFFFFFFFF, s1;
	s0 =	rddreg [dreg:$0x4];
	[sflag:s6] =	ssyncset.done $0x0  }
.LBB2_3:
0x18c: {  	[sflag:s6] =	ssyncadd.s32 @p0 $0xFFFFFD88  }
0x18d: {  	[spmem:s5], [sflag:s4] =	dma.local [hbm:s0], $0x278  }
0x18e: {  	_ =	swait.ge [sflag:s6], $0x278  }
0x18f: {  	[sflag:s6] =	ssyncset.done $0x0  }
0x190: {  	s1 =	rddreg [dreg:$0x5];
	[sflag:s6] =	ssyncadd.s32 $0xFFFFFD88  }
0x191: {  	[tilespmem:s30], [sflag:$0x3] =	stream.linear.gather [hbm4b:s1+s30], $0x2800, $0x38;
	[tilespmem:$0x83C0] =	vst v63  }
0x192: {  	_ =	swait.ge [sflag:s6], $0x2800  }
0x193: {  	[sflag:s6] =	ssyncset.done $0x0  }
0x194: {  	s1 =	rddreg [dreg:$0x6];
	[sflag:s6] =	ssyncadd.s32 $0xFFFFD800  }
0x195: {  	[tilespmem:s31], [sflag:$0x3] =	stream.linear.gather [hbm4b:s1+s30], $0x2800, $0x38;
	[tilespmem:$0x83C0] =	vst v63  }
0x196: {  	_ =	swait.ge [sflag:s6], $0x2800  }
0x197: {  	[sflag:s6] =	ssyncset.done $0x0  }
0x198: {  	[sflag:s6] =	ssyncadd.s32 $0xFFFFD800  }
0x199: {  	[bflag:$0x0] =	sbarrier.arrive $0xFFFF  }
0x19a: {  	[tilespmem:s9], [sflag:$0x1] =	stream.indirect.gather [hbm4b:s3+s7], $0x8, s30, s7, $0xb8;
	[tilespmem:$0x83C0] =	vst v63  }
0x19b: {  	_ = 	snop  }
0x19c: {  	[tilespmem:s8], [sflag:$0x2] =	stream.indirect.gather [hbm4b:s3+s7], $0x8, s7, s7, $0xb8;
	[tilespmem:$0x83C0] =	vst v63  }
0x19d: {  	_ =	swait.ge [sflag:s11], $0x1000  }
0x19e: {  	[sflag:s11] =	ssyncset.done $0x0  }
0x19f: {  	[sflag:s11] =	ssyncadd.s32 $0xFFFFF000  }
0x1a0: {  	[spmem:s2] =	stream.indirect.scatter.add.f32 [tilespmem:s9], [sflag:$0x3], $0x8, s31, s7, $0xb8;
	[tilespmem:$0x83C0] =	vst v63  }
0x1a1: {  	_ =	swait.ge [sflag:s6], $0x1000  }
0x1a2: {  	[sflag:s6] =	ssyncset.done $0x0  }
0x1a3: {  	s31 =	rddreg [dreg:$0x8];
	[sflag:s6] =	ssyncadd.s32 $0xFFFFF000  }
0x1a4: {  	[tilespmem:s9], [sflag:$0x1] =	stream.indirect.gather [hbm4b:s3+s7], $0x8, s31, s7, $0xb8;
	[tilespmem:$0x83C0] =	vst v63  }
0x1a5: {  	_ =	swait.ge [sflag:s10], $0x1000  }
0x1a6: {  	[sflag:s10] =	ssyncset.done $0x0  }
0x1a7: {  	s1 =	rddreg [dreg:$0x9];
	[sflag:s10] =	ssyncadd.s32 $0xFFFFF000  }
0x1a8: {  	[spmem:s2] =	stream.indirect.scatter.add.f32 [tilespmem:s8], [sflag:$0x3], $0x8, s1, s7, $0xb8;
	[tilespmem:$0x83C0] =	vst v63  }
0x1a9: {  	_ =	swait.ge [sflag:s6], $0x1000  }
0x1aa: {  	[sflag:s6] =	ssyncset.done $0x0  }
0x1ab: {  	s30 =	rddreg [dreg:$0xa];
	[sflag:s6] =	ssyncadd.s32 $0xFFFFF000  }
0x1ac: {  	[tilespmem:s8], [sflag:$0x2] =	stream.indirect.gather [hbm4b:s3+s7], $0x8, s30, s7, $0xb8;
	[tilespmem:$0x83C0] =	vst v63  }
0x1ad: {  	_ =	swait.ge [sflag:s11], $0x1000  }
0x1ae: {  	[sflag:s11] =	ssyncset.done $0x0  }
0x1af: {  	s31 =	rddreg [dreg:$0xb];
	[sflag:s11] =	ssyncadd.s32 $0xFFFFF000  }
0x1b0: {  	[spmem:s2] =	stream.indirect.scatter.add.f32 [tilespmem:s9], [sflag:$0x3], $0x8, s31, s7, $0xb8;
	[tilespmem:$0x83C0] =	vst v63  }
0x1b1: {  	_ =	swait.ge [sflag:s6], $0x1000  }
0x1b2: {  	[sflag:s6] =	ssyncset.done $0x0  }
0x1b3: {  	s1 =	rddreg [dreg:$0xc];
	[sflag:s6] =	ssyncadd.s32 $0xFFFFF000  }
0x1b4: {  	[tilespmem:s9], [sflag:$0x1] =	stream.indirect.gather [hbm4b:s3+s7], $0x8, s1, s7, $0xb8;
	[tilespmem:$0x83C0] =	vst v63  }
0x1b5: {  	_ =	swait.ge [sflag:s10], $0x1000  }
0x1b6: {  	[sflag:s10] =	ssyncset.done $0x0  }
0x1b7: {  	s30 =	rddreg [dreg:$0xd];
	[sflag:s10] =	ssyncadd.s32 $0xFFFFF000  }
0x1b8: {  	[spmem:s2] =	stream.indirect.scatter.add.f32 [tilespmem:s8], [sflag:$0x3], $0x8, s30, s7, $0xb8;
	[tilespmem:$0x83C0] =	vst v63  }
0x1b9: {  	_ =	swait.ge [sflag:s6], $0x1000  }
0x1ba: {  	[sflag:s6] =	ssyncset.done $0x0  }
0x1bb: {  	s31 =	rddreg [dreg:$0xe];
	[sflag:s6] =	ssyncadd.s32 $0xFFFFF000  }
0x1bc: {  	[tilespmem:s8], [sflag:$0x2] =	stream.indirect.gather [hbm4b:s3+s7], $0x8, s31, s7, $0xb8;
	[tilespmem:$0x83C0] =	vst v63  }
0x1bd: {  	_ =	swait.ge [sflag:s11], $0x1000  }
0x1be: {  	[sflag:s11] =	ssyncset.done $0x0  }
0x1bf: {  	s1 =	rddreg [dreg:$0xf];
	[sflag:s11] =	ssyncadd.s32 $0xFFFFF000  }
0x1c0: {  	[spmem:s2] =	stream.indirect.scatter.add.f32 [tilespmem:s9], [sflag:$0x3], $0x8, s1, s7, $0xb8;
	[tilespmem:$0x83C0] =	vst v63  }
0x1c1: {  	_ =	swait.ge [sflag:s6], $0x1000  }
0x1c2: {  	[sflag:s6] =	ssyncset.done $0x0  }
0x1c3: {  	s30 =	rddreg [dreg:$0x10];
	[sflag:s6] =	ssyncadd.s32 $0xFFFFF000  }
0x1c4: {  	[tilespmem:s9], [sflag:$0x1] =	stream.indirect.gather [hbm4b:s3+s7], $0x8, s30, s7, $0xb8;
	[tilespmem:$0x83C0] =	vst v63  }
0x1c5: {  	_ =	swait.ge [sflag:s10], $0x1000  }
0x1c6: {  	[sflag:s10] =	ssyncset.done $0x0  }
0x1c7: {  	s31 =	rddreg [dreg:$0x11];
	[sflag:s10] =	ssyncadd.s32 $0xFFFFF000  }
0x1c8: {  	[spmem:s2] =	stream.indirect.scatter.add.f32 [tilespmem:s8], [sflag:$0x3], $0x8, s31, s7, $0xb8;
	[tilespmem:$0x83C0] =	vst v63  }
0x1c9: {  	_ =	swait.ge [sflag:s6], $0x1000  }
0x1ca: {  	[sflag:s6] =	ssyncset.done $0x0  }
0x1cb: {  	s1 =	rddreg [dreg:$0x12];
	[sflag:s6] =	ssyncadd.s32 $0xFFFFF000  }
0x1cc: {  	[tilespmem:s8], [sflag:$0x2] =	stream.indirect.gather [hbm4b:s3+s7], $0x8, s1, s7, $0xb8;
	[tilespmem:$0x83C0] =	vst v63  }
0x1cd: {  	_ =	swait.ge [sflag:s11], $0x1000  }
0x1ce: {  	[sflag:s11] =	ssyncset.done $0x0  }
0x1cf: {  	s30 =	rddreg [dreg:$0x13];
	[sflag:s11] =	ssyncadd.s32 $0xFFFFF000  }
0x1d0: {  	[spmem:s2] =	stream.indirect.scatter.add.f32 [tilespmem:s9], [sflag:$0x3], $0x8, s30, s7, $0xb8;
	[tilespmem:$0x83C0] =	vst v63  }
0x1d1: {  	_ =	swait.ge [sflag:s6], $0x1000  }
0x1d2: {  	[sflag:s6] =	ssyncset.done $0x0  }
0x1d3: {  	s31 =	rddreg [dreg:$0x14];
	[sflag:s6] =	ssyncadd.s32 $0xFFFFF000  }
0x1d4: {  	[tilespmem:s9], [sflag:$0x1] =	stream.indirect.gather [hbm4b:s3+s7], $0x8, s31, s7, $0xb8;
	[tilespmem:$0x83C0] =	vst v63  }
0x1d5: {  	_ =	swait.ge [sflag:s10], $0x1000  }
0x1d6: {  	[sflag:s10] =	ssyncset.done $0x0  }
0x1d7: {  	s1 =	rddreg [dreg:$0x15];
	[sflag:s10] =	ssyncadd.s32 $0xFFFFF000  }
0x1d8: {  	[spmem:s2] =	stream.indirect.scatter.add.f32 [tilespmem:s8], [sflag:$0x3], $0x8, s1, s7, $0xb8;
	[tilespmem:$0x83C0] =	vst v63  }
0x1d9: {  	_ =	swait.ge [sflag:s6], $0x1000  }
0x1da: {  	[sflag:s6] =	ssyncset.done $0x0  }
0x1db: {  	s30 =	rddreg [dreg:$0x16];
	[sflag:s6] =	ssyncadd.s32 $0xFFFFF000  }
0x1dc: {  	[tilespmem:s8], [sflag:$0x2] =	stream.indirect.gather [hbm4b:s3+s7], $0x8, s30, s7, $0xb8;
	[tilespmem:$0x83C0] =	vst v63  }
0x1dd: {  	_ =	swait.ge [sflag:s11], $0x1000  }
0x1de: {  	[sflag:s11] =	ssyncset.done $0x0  }
0x1df: {  	s31 =	rddreg [dreg:$0x17];
	[sflag:s11] =	ssyncadd.s32 $0xFFFFF000  }
0x1e0: {  	[spmem:s2] =	stream.indirect.scatter.add.f32 [tilespmem:s9], [sflag:$0x3], $0x8, s31, s7, $0xb8;
	[tilespmem:$0x83C0] =	vst v63  }
0x1e1: {  	_ =	swait.ge [sflag:s6], $0x1000  }
0x1e2: {  	[sflag:s6] =	ssyncset.done $0x0  }
0x1e3: {  	s1 =	rddreg [dreg:$0x18];
	[sflag:s6] =	ssyncadd.s32 $0xFFFFF000  }
0x1e4: {  	[tilespmem:s9], [sflag:$0x1] =	stream.indirect.gather [hbm4b:s3+s7], $0x8, s1, s7, $0xb8;
	[tilespmem:$0x83C0] =	vst v63  }
0x1e5: {  	_ =	swait.ge [sflag:s10], $0x1000  }
0x1e6: {  	[sflag:s10] =	ssyncset.done $0x0  }
0x1e7: {  	s30 =	rddreg [dreg:$0x19];
	[sflag:s10] =	ssyncadd.s32 $0xFFFFF000  }
0x1e8: {  	[spmem:s2] =	stream.indirect.scatter.add.f32 [tilespmem:s8], [sflag:$0x3], $0x8, s30, s7, $0xb8;
	[tilespmem:$0x83C0] =	vst v63  }
0x1e9: {  	_ =	swait.ge [sflag:s6], $0x1000  }
0x1ea: {  	[sflag:s6] =	ssyncset.done $0x0  }
0x1eb: {  	s31 =	rddreg [dreg:$0x1a];
	[sflag:s6] =	ssyncadd.s32 $0xFFFFF000  }
0x1ec: {  	[tilespmem:s8], [sflag:$0x2] =	stream.indirect.gather [hbm4b:s3+s7], $0x8, s31, s7, $0xb8;
	[tilespmem:$0x83C0] =	vst v63  }
0x1ed: {  	_ =	swait.ge [sflag:s11], $0x1000  }
0x1ee: {  	[sflag:s11] =	ssyncset.done $0x0  }
0x1ef: {  	s1 =	rddreg [dreg:$0x1b];
	[sflag:s11] =	ssyncadd.s32 $0xFFFFF000  }
0x1f0: {  	[spmem:s2] =	stream.indirect.scatter.add.f32 [tilespmem:s9], [sflag:$0x3], $0x8, s1, s7, $0xb8;
	[tilespmem:$0x83C0] =	vst v63  }
0x1f1: {  	_ =	swait.ge [sflag:s6], $0x1000  }
0x1f2: {  	[sflag:s6] =	ssyncset.done $0x0  }
0x1f3: {  	[sflag:s6] =	ssyncadd.s32 $0xFFFFF000  }
0x1f4: {  	[tilespmem:s9], [sflag:$0x1] =	stream.indirect.gather [hbm4b:s3+s7], $0x8, s29, s7, $0xb8;
	[tilespmem:$0x83C0] =	vst v63  }
0x1f5: {  	_ =	swait.ge [sflag:s10], $0x1000  }
0x1f6: {  	[sflag:s10] =	ssyncset.done $0x0  }
0x1f7: {  	[sflag:s10] =	ssyncadd.s32 $0xFFFFF000  }
0x1f8: {  	[spmem:s2] =	stream.indirect.scatter.add.f32 [tilespmem:s8], [sflag:$0x3], $0x8, s28, s7, $0xb8;
	[tilespmem:$0x83C0] =	vst v63  }
0x1f9: {  	_ =	swait.ge [sflag:s6], $0x1000  }
0x1fa: {  	[sflag:s6] =	ssyncset.done $0x0  }
0x1fb: {  	[sflag:s6] =	ssyncadd.s32 $0xFFFFF000  }
0x1fc: {  	[tilespmem:s8], [sflag:$0x2] =	stream.indirect.gather [hbm4b:s3+s7], $0x8, s26, s7, $0xb8;
	[tilespmem:$0x83C0] =	vst v63  }
0x1fd: {  	_ =	swait.ge [sflag:s11], $0x1000  }
0x1fe: {  	[sflag:s11] =	ssyncset.done $0x0  }
0x1ff: {  	[sflag:s11] =	ssyncadd.s32 $0xFFFFF000  }
0x200: {  	[spmem:s2] =	stream.indirect.scatter.add.f32 [tilespmem:s9], [sflag:$0x3], $0x8, s25, s7, $0xb8;
	[tilespmem:$0x83C0] =	vst v63  }
0x201: {  	_ =	swait.ge [sflag:s6], $0x1000  }
0x202: {  	[sflag:s6] =	ssyncset.done $0x0  }
0x203: {  	[sflag:s6] =	ssyncadd.s32 $0xFFFFF000  }
0x204: {  	[tilespmem:s9], [sflag:$0x1] =	stream.indirect.gather [hbm4b:s3+s7], $0x8, s24, s7, $0xb8;
	[tilespmem:$0x83C0] =	vst v63  }
0x205: {  	_ =	swait.ge [sflag:s10], $0x1000  }
0x206: {  	[sflag:s10] =	ssyncset.done $0x0  }
0x207: {  	[sflag:s10] =	ssyncadd.s32 $0xFFFFF000  }
0x208: {  	[spmem:s2] =	stream.indirect.scatter.add.f32 [tilespmem:s8], [sflag:$0x3], $0x8, s23, s7, $0xb8;
	[tilespmem:$0x83C0] =	vst v63  }
0x209: {  	_ =	swait.ge [sflag:s6], $0x1000  }
0x20a: {  	[sflag:s6] =	ssyncset.done $0x0  }
0x20b: {  	[sflag:s6] =	ssyncadd.s32 $0xFFFFF000  }
0x20c: {  	[tilespmem:s8], [sflag:$0x2] =	stream.indirect.gather [hbm4b:s3+s7], $0x8, s22, s7, $0xb8;
	[tilespmem:$0x83C0] =	vst v63  }
0x20d: {  	_ =	swait.ge [sflag:s11], $0x1000  }
0x20e: {  	[sflag:s11] =	ssyncset.done $0x0  }
0x20f: {  	[sflag:s11] =	ssyncadd.s32 $0xFFFFF000  }
0x210: {  	[spmem:s2] =	stream.indirect.scatter.add.f32 [tilespmem:s9], [sflag:$0x3], $0x8, s21, s7, $0xb8;
	[tilespmem:$0x83C0] =	vst v63  }
0x211: {  	_ =	swait.ge [sflag:s6], $0x1000  }
0x212: {  	[sflag:s6] =	ssyncset.done $0x0  }
0x213: {  	[sflag:s6] =	ssyncadd.s32 $0xFFFFF000  }
0x214: {  	[tilespmem:s9], [sflag:$0x1] =	stream.indirect.gather [hbm4b:s3+s7], $0x8, s20, s7, $0xb8;
	[tilespmem:$0x83C0] =	vst v63  }
0x215: {  	_ =	swait.ge [sflag:s10], $0x1000  }
0x216: {  	[sflag:s10] =	ssyncset.done $0x0  }
0x217: {  	[sflag:s10] =	ssyncadd.s32 $0xFFFFF000  }
0x218: {  	[spmem:s2] =	stream.indirect.scatter.add.f32 [tilespmem:s8], [sflag:$0x3], $0x8, s19, s7, $0xb8;
	[tilespmem:$0x83C0] =	vst v63  }
0x219: {  	_ =	swait.ge [sflag:s6], $0x1000  }
0x21a: {  	[sflag:s6] =	ssyncset.done $0x0  }
0x21b: {  	[sflag:s6] =	ssyncadd.s32 $0xFFFFF000  }
0x21c: {  	[tilespmem:s8], [sflag:$0x2] =	stream.indirect.gather [hbm4b:s3+s7], $0x8, s17, s7, $0xb8;
	[tilespmem:$0x83C0] =	vst v63  }
0x21d: {  	_ =	swait.ge [sflag:s11], $0x1000  }
0x21e: {  	[sflag:s11] =	ssyncset.done $0x0  }
0x21f: {  	[sflag:s11] =	ssyncadd.s32 $0xFFFFF000  }
0x220: {  	[spmem:s2] =	stream.indirect.scatter.add.f32 [tilespmem:s9], [sflag:$0x3], $0x8, s18, s7, $0xb8;
	[tilespmem:$0x83C0] =	vst v63  }
0x221: {  	_ =	swait.ge [sflag:s6], $0x1000  }
0x222: {  	[sflag:s6] =	ssyncset.done $0x0  }
0x223: {  	[sflag:s6] =	ssyncadd.s32 $0xFFFFF000  }
0x224: {  	[tilespmem:s9], [sflag:$0x1] =	stream.indirect.gather [hbm4b:s3+s7], $0x8, s16, s7, $0xb8;
	[tilespmem:$0x83C0] =	vst v63  }
0x225: {  	_ =	swait.ge [sflag:s10], $0x1000  }
0x226: {  	[sflag:s10] =	ssyncset.done $0x0  }
0x227: {  	[sflag:s10] =	ssyncadd.s32 $0xFFFFF000  }
0x228: {  	[spmem:s2] =	stream.indirect.scatter.add.f32 [tilespmem:s8], [sflag:$0x3], $0x8, s15, s7, $0xb8;
	[tilespmem:$0x83C0] =	vst v63  }
0x229: {  	_ =	swait.ge [sflag:s6], $0x1000  }
0x22a: {  	[sflag:s6] =	ssyncset.done $0x0  }
0x22b: {  	[sflag:s6] =	ssyncadd.s32 $0xFFFFF000  }
0x22c: {  	[tilespmem:s8], [sflag:$0x2] =	stream.indirect.gather [hbm4b:s3+s7], $0x8, s14, s7, $0xb8;
	[tilespmem:$0x83C0] =	vst v63  }
0x22d: {  	_ =	swait.ge [sflag:s11], $0x1000  }
0x22e: {  	[sflag:s11] =	ssyncset.done $0x0  }
0x22f: {  	[sflag:s11] =	ssyncadd.s32 $0xFFFFF000  }
0x230: {  	[spmem:s2] =	stream.indirect.scatter.add.f32 [tilespmem:s9], [sflag:$0x3], $0x8, s13, s7, $0xb8;
	[tilespmem:$0x83C0] =	vst v63  }
0x231: {  	_ =	swait.ge [sflag:s6], $0x1000  }
0x232: {  	[sflag:s6] =	ssyncset.done $0x0  }
0x233: {  	[sflag:s6] =	ssyncadd.s32 $0xFFFFF000  }
0x234: {  	_ =	swait.ge [sflag:s10], $0x1000  }
0x235: {  	[sflag:s10] =	ssyncset.done $0x0  }
0x236: {  	[sflag:s10] =	ssyncadd.s32 $0xFFFFF000  }
0x237: {  	[spmem:s2] =	stream.indirect.scatter.add.f32 [tilespmem:s8], [sflag:$0x3], $0x8, s12, s7, $0xb8;
	[tilespmem:$0x83C0] =	vst v63  }
0x238: {  	_ =	swait.ge [sflag:s6], $0x1000  }
0x239: {  	[sflag:s6] =	ssyncset.done $0x0  }
0x23a: {  	[sflag:s6] =	ssyncadd.s32 $0xFFFFF000  }
0x23b: {  	[bflag:$0x0] =	sbarrier.arrive $0xFFFF  }
0x23c: {  	s30 =	rddreg [dreg:$0x7]  }
0x23d: {  	[hbm:s30], [sflag:s4] =	dma.local [spmem:s5], $0x278  }
0x23e: {  	_ =	swait.ge [sflag:s6], $0x278  }
0x23f: {  	[sflag:s6] =	ssyncset.done $0x0  }
0x240: {  	[sflag:s6] =	ssyncadd.s32 $0xFFFFFD88  }
0x241: {  	_ =	sfence.sel $0x180000  }
0x242: {  	[bflag:$0x0] =	sbarrier.arrive $0xFFFF  }
0x243: {  	_ =	strace $0x90000050  }
0x244: {  	s31 =	stileid.u32;
	[bflag:$0x2] =	sbarrier.arrive $0xFFFF  }
0x245: {  	p0 =	sne.s32 s31, $0x0;
	s0 =	rddreg [dreg:$0x3]  }
0x246: {  	s0 =	sadd.s32 @!p0 $0x100000, s0  }
0x247: {  	[sflag:s0] =	ssyncadd.tile.s32 @!p0 $0x1;
	_ =	shalt  }
.Lfunc_end2:
_tile_overlayer_lowered:
.L_overlay_start_2:
0x248: {  	(tag) =	ssettag $0x2  }
0x249: {  	s0 =	rddreg [dreg:$0x0];
	s2 =	stileid.u32  }
0x24a: {  	s1 =	rddreg [dreg:$0x1];
	p0 =	sne.s32 s2, $0x0  }
0x24b: {  	s3 =	rddreg [dreg:$0x2];
	[bflag:$0x3] =	sbarrier.arrive $0xFFFF;
	s2 =	simm.s32 @!p0 $0x1C03  }
0x24c: {  	[timem:s3], [sflag:s2] =	dma.local @!p0 [hbm:s0], s1  }
0x24d: {  	s0 =	simm.s32 @!p0 $0x3  }
0x24e: {  	_ =	swait.ge @!p0 [sflag:s0], s1  }
0x24f: {  	s1 =	ssub.s32 @!p0 $0x0, s1;
	[sflag:s0] =	ssyncset.done @!p0 $0x0  }
0x250: {  	[sflag:s0] =	ssyncadd.s32 @!p0 s1  }
0x251: {  	[bflag:$0x3] =	sbarrier.arrive $0xFFFF  }
0x252: {  	_ =	shalt  }

</sc_bundles>
